<compile_context>
chip_gen: v7x
topology: tpu7x:2x2x1
jax: 0.10.2.dev20260603
libtpu: 0.0.44.dev20260713+nightly
codegen_flags: <defaults>
</compile_context>

<pallas_src>
import functools

import jax
import jax.numpy as jnp
from jax import lax
from jax.experimental import pallas as pl
from jax.experimental.pallas import tpu as pltpu
from jax.experimental.pallas import tpu_sc as plsc

N = 10000
E = 320000
IN_DIM = 128
H1 = 8
F1 = 16
HID = H1 * F1
NCLS = 64

NC = 2
NS = 16
NW = NC * NS
EPW = E // NW
CH = 80
NCHUNK = EPW // CH
NPAD = 8
RSTRIDE = 624
RSIZE = 640

_f32 = jnp.float32



def _proj1_body(x_ref, w_ref, s_ref, d_ref, hap_ref, adp_ref):
    h = jnp.dot(x_ref[...], w_ref[...], preferred_element_type=_f32)
    asp = jnp.dot(h, s_ref[...], preferred_element_type=_f32)
    hap_ref[...] = jnp.concatenate([h, asp], axis=1)
    adp_ref[...] = jnp.dot(h, d_ref[...], preferred_element_type=_f32)


def _mid_body(ad_ref, w_ref, s_ref, d_ref, e16_ref, hap_ref, adp_ref):
    a = ad_ref[0, :, :HID] + ad_ref[1, :, :HID]
    d = ad_ref[0, :, HID:] + ad_ref[1, :, HID:]
    r = 1.0 / (d + 1e-16)
    out1 = a * jnp.dot(r, e16_ref[...], preferred_element_type=_f32)
    h1e = jnp.where(out1 > 0, out1, jnp.exp(out1) - 1.0)
    h2 = jnp.dot(h1e, w_ref[...], preferred_element_type=_f32)
    asp = jnp.dot(h2, s_ref[...], preferred_element_type=_f32)
    hap_ref[...] = jnp.concatenate([h2, jnp.zeros_like(h2), asp], axis=1)
    adp_ref[...] = jnp.dot(h2, d_ref[...], preferred_element_type=_f32)


def _final_body(ad_ref, e2_ref, out_ref):
    a = ad_ref[0, :, :NCLS] + ad_ref[1, :, :NCLS]
    d = ad_ref[0, :, HID:] + ad_ref[1, :, HID:]
    r = 1.0 / (d + 1e-16)
    z = a * jnp.dot(r, e2_ref[...], preferred_element_type=_f32)
    m = jnp.max(z, axis=1, keepdims=True)
    ez = jnp.exp(z - m)
    out_ref[...] = (z - m) - jnp.log(jnp.sum(ez, axis=1, keepdims=True))



def _edge_pass_body(eidx_hbm, hap_hbm, adp_hbm, zf_hbm, ad_out,
                    idxr, gd2, hbuf2,
                    esemA, esemB, gsemA, gsemB, ssemA, ssemB, ad_sh):
    cid = lax.axis_index("c")
    sid = lax.axis_index("s")
    wid = sid * NC + cid
    r0 = sid * RSTRIDE
    esem = (esemA, esemB)
    gsem = (gsemA, gsemB)
    ssem = (ssemA, ssemB)
    crow0 = wid * NCHUNK

    pltpu.sync_copy(zf_hbm.at[pl.ds(r0, RSIZE)], ad_sh.at[pl.ds(r0, RSIZE)])
    plsc.subcore_barrier()

    def issue_idx(cc, par):
        pltpu.async_copy(eidx_hbm.at[crow0 + cc], idxr.at[cc % 4], esem[par])

    def wait_idx(par):
        pltpu.make_async_copy(eidx_hbm.at[0], idxr.at[0], esem[par]).wait()

    def issue_gathers(cc, b):
        s = idxr.at[cc % 4, 0]
        d = idxr.at[cc % 4, 1]
        pltpu.async_copy(hap_hbm.at[s], hbuf2[b], gsem[b])
        pltpu.async_copy(adp_hbm.at[d], gd2[b], gsem[b])

    def wait_gathers(b):
        pltpu.make_async_copy(hap_hbm.at[pl.ds(0, CH)], hbuf2[b],
                              gsem[b]).wait()
        pltpu.make_async_copy(adp_hbm.at[pl.ds(0, CH)], gd2[b],
                              gsem[b]).wait()

    def compute_scatter(cc, b):
        gd, hbuf = gd2[b], hbuf2[b]

        @plsc.parallel_loop(0, CH, 1, unroll=4)
        def erow(e):
            a = hbuf[e, pl.ds(HID, 16)] + gd[e]
            a = jnp.where(a > 0, a, 0.2 * a)
            ev = jnp.exp(a)
            for j in range(HID // 16):
                msg = hbuf[e, pl.ds(16 * j, 16)] * ev[j]
                hbuf[e, pl.ds(16 * j, 16)] = msg
            hbuf[e, pl.ds(HID, 16)] = ev
        pltpu.async_copy(hbuf, ad_sh.at[idxr.at[cc % 4, 1]], ssem[b],
                         add=True)

    def wait_scatters(b):
        pltpu.make_async_copy(zf_hbm.at[pl.ds(0, CH)], hbuf2[b],
                              ssem[b]).wait()

    issue_idx(0, 0)
    issue_idx(1, 1)
    wait_idx(0)
    issue_gathers(0, 0)
    issue_idx(2, 0)
    wait_gathers(0)
    wait_idx(1)
    issue_gathers(1, 1)
    issue_idx(3, 1)
    compute_scatter(0, 0)
    wait_gathers(1)
    wait_scatters(0)
    wait_idx(0)
    issue_gathers(2, 0)
    compute_scatter(1, 1)

    def body(g, carry):
        c0 = 2 * g
        wait_gathers(0)
        wait_scatters(1)
        wait_idx(1)
        issue_gathers(c0 + 1, 1)
        issue_idx(c0 + 2, 0)
        compute_scatter(c0, 0)
        wait_gathers(1)
        wait_scatters(0)
        wait_idx(0)
        issue_gathers(c0 + 2, 0)
        issue_idx(c0 + 3, 1)
        compute_scatter(c0 + 1, 1)
        return carry
    lax.fori_loop(1, (NCHUNK - 1) // 2, body, 0)

    wait_gathers(0)
    wait_scatters(1)
    compute_scatter(NCHUNK - 1, 0)
    wait_idx(1)
    wait_scatters(0)

    plsc.subcore_barrier()
    pltpu.sync_copy(ad_sh.at[pl.ds(r0, RSIZE)],
                    ad_out.at[cid, pl.ds(r0, RSIZE)])


WF = HID + 16


@functools.lru_cache(maxsize=None)
def _make_edge_pass():
    mesh = plsc.VectorSubcoreMesh(
        core_axis_name="c", subcore_axis_name="s",
        num_cores=NC, num_subcores=NS)
    return pl.kernel(
        _edge_pass_body,
        out_type=jax.ShapeDtypeStruct((NC, N, WF), _f32),
        mesh=mesh,
        compiler_params=pltpu.CompilerParams(use_tc_tiling_on_sc=False),
        scratch_types=[
            pltpu.VMEM((4, 2, CH), jnp.int32),
            (pltpu.VMEM((CH, 16), _f32), pltpu.VMEM((CH, 16), _f32)),
            (pltpu.VMEM((CH, WF), _f32), pltpu.VMEM((CH, WF), _f32)),
            pltpu.SemaphoreType.DMA,
            pltpu.SemaphoreType.DMA,
            pltpu.SemaphoreType.DMA,
            pltpu.SemaphoreType.DMA,
            pltpu.SemaphoreType.DMA,
            pltpu.SemaphoreType.DMA,
            pltpu.VMEM_SHARED((N, WF), _f32),
        ],
    )



def kernel(x, edge_index, W1, att_src1, att_dst1, W2, att_src2, att_dst2):
    ei = edge_index.astype(jnp.int32)
    eidx4 = ei.reshape(2, NW, NCHUNK, CH).transpose(1, 2, 0, 3)
    eidx4 = eidx4.reshape(NW * NCHUNK, 2, CH)
    eidx4 = jnp.concatenate(
        [eidx4, jnp.zeros((NPAD, 2, CH), jnp.int32)], axis=0)

    ar = jnp.arange(HID)
    S1 = jnp.zeros((HID, 16), _f32).at[ar, ar // F1].set(att_src1.reshape(-1))
    D1 = jnp.zeros((HID, 16), _f32).at[ar, ar // F1].set(att_dst1.reshape(-1))
    S2 = jnp.broadcast_to(att_src2.reshape(NCLS, 1), (NCLS, 16)).astype(_f32)
    D2 = jnp.broadcast_to(att_dst2.reshape(NCLS, 1), (NCLS, 16)).astype(_f32)
    E16 = jnp.zeros((16, HID), _f32).at[ar // F1, ar].set(1.0)
    E2 = jnp.zeros((16, NCLS), _f32).at[0, :].set(1.0)
    zwf = jnp.zeros((N, WF), _f32)

    R = 1000
    grid = (N // R,)

    hap1, adp1 = pl.pallas_call(
        _proj1_body,
        grid=grid,
        in_specs=[
            pl.BlockSpec((R, IN_DIM), lambda i: (i, 0)),
            pl.BlockSpec((IN_DIM, HID), lambda i: (0, 0)),
            pl.BlockSpec((HID, 16), lambda i: (0, 0)),
            pl.BlockSpec((HID, 16), lambda i: (0, 0)),
        ],
        out_specs=[
            pl.BlockSpec((R, WF), lambda i: (i, 0)),
            pl.BlockSpec((R, 16), lambda i: (i, 0)),
        ],
        out_shape=[
            jax.ShapeDtypeStruct((N, WF), _f32),
            jax.ShapeDtypeStruct((N, 16), _f32),
        ],
    )(x, W1, S1, D1)

    ad1 = _make_edge_pass()(eidx4, hap1, adp1, zwf)

    hap2, adp2 = pl.pallas_call(
        _mid_body,
        grid=grid,
        in_specs=[
            pl.BlockSpec((NC, R, WF), lambda i: (0, i, 0)),
            pl.BlockSpec((HID, NCLS), lambda i: (0, 0)),
            pl.BlockSpec((NCLS, 16), lambda i: (0, 0)),
            pl.BlockSpec((NCLS, 16), lambda i: (0, 0)),
            pl.BlockSpec((16, HID), lambda i: (0, 0)),
        ],
        out_specs=[
            pl.BlockSpec((R, WF), lambda i: (i, 0)),
            pl.BlockSpec((R, 16), lambda i: (i, 0)),
        ],
        out_shape=[
            jax.ShapeDtypeStruct((N, WF), _f32),
            jax.ShapeDtypeStruct((N, 16), _f32),
        ],
    )(ad1, W2, S2, D2, E16)

    ad2 = _make_edge_pass()(eidx4, hap2, adp2, zwf)

    out = pl.pallas_call(
        _final_body,
        grid=grid,
        in_specs=[
            pl.BlockSpec((NC, R, WF), lambda i: (0, i, 0)),
            pl.BlockSpec((16, NCLS), lambda i: (0, 0)),
        ],
        out_specs=pl.BlockSpec((R, NCLS), lambda i: (i, 0)),
        out_shape=jax.ShapeDtypeStruct((N, NCLS), _f32),
    )(ad2, E2)

    return out

# --- scband reference (transcript-rebuilt; emitter-appended) ---
"""Pipeline reference for scband-gat-29540785062518 (READ-ONLY COPY).

The authoritative reference and input builder live on the scoring server;
editing this copy changes nothing except your own understanding.
"""

import jax, jax.numpy as jnp
import numpy as np

N_NODES = 10000
N_EDGES = 320000
IN_DIM = 128
HEADS1 = 8
F1 = 16
NUM_CLASSES = 64


def gat_conv(x, edge_index, W, att_src, att_dst, heads, out_ch, num_nodes):
    # Linear transform (no bias), reshape to [N, H, F]
    h = (x @ W).reshape(num_nodes, heads, out_ch)
    # Per-node attention logits
    alpha_src = (h * att_src[None, :, :]).sum(-1)  # [N, H]
    alpha_dst = (h * att_dst[None, :, :]).sum(-1)  # [N, H]
    src = edge_index[0]
    dst = edge_index[1]
    alpha = alpha_src[src] + alpha_dst[dst]        # [E, H]
    alpha = jax.nn.leaky_relu(alpha, negative_slope=0.2)
    # Segment softmax over incoming edges per destination node
    amax = jax.ops.segment_max(alpha, dst, num_segments=num_nodes)
    amax = jnp.where(jnp.isfinite(amax), amax, 0.0)
    ex = jnp.exp(alpha - amax[dst])
    denom = jax.ops.segment_sum(ex, dst, num_segments=num_nodes)
    attn = ex / (denom[dst] + 1e-16)               # [E, H]
    msg = h[src] * attn[..., None]                 # [E, H, F]
    out = jax.ops.segment_sum(msg, dst, num_segments=num_nodes)  # [N, H, F]
    return out.reshape(num_nodes, heads * out_ch)


def setup_inputs(seed: int = 0) -> dict:
    key = jax.random.key(seed)
    k = jax.random.split(key, 8)
    x = jax.random.normal(k[0], (N_NODES, IN_DIM), dtype=jnp.float32)
    edge_index = jax.random.randint(k[1], (2, N_EDGES), 0, N_NODES, dtype=jnp.int64)
    s1 = 1.0 / np.sqrt(IN_DIM)
    W1 = jax.random.normal(k[2], (IN_DIM, HEADS1 * F1), dtype=jnp.float32) * s1
    att_src1 = jax.random.normal(k[3], (HEADS1, F1), dtype=jnp.float32) * (1.0 / np.sqrt(F1))
    att_dst1 = jax.random.normal(k[4], (HEADS1, F1), dtype=jnp.float32) * (1.0 / np.sqrt(F1))
    hid = HEADS1 * F1
    s2 = 1.0 / np.sqrt(hid)
    W2 = jax.random.normal(k[5], (hid, NUM_CLASSES), dtype=jnp.float32) * s2
    att_src2 = jax.random.normal(k[6], (1, NUM_CLASSES), dtype=jnp.float32) * (1.0 / np.sqrt(NUM_CLASSES))
    att_dst2 = jax.random.normal(k[7], (1, NUM_CLASSES), dtype=jnp.float32) * (1.0 / np.sqrt(NUM_CLASSES))
    return {"x": x, "edge_index": edge_index, "W1": W1, "att_src1": att_src1,
            "att_dst1": att_dst1, "W2": W2, "att_src2": att_src2, "att_dst2": att_dst2}


def reference(x, edge_index, W1, att_src1, att_dst1, W2, att_src2, att_dst2):
    h = gat_conv(x, edge_index, W1, att_src1, att_dst1, HEADS1, F1, N_NODES)
    h = jax.nn.elu(h)
    h = gat_conv(h, edge_index, W2, att_src2, att_dst2, 1, NUM_CLASSES, N_NODES)
    return jax.nn.log_softmax(h, axis=1)

if __name__ == "__main__":
    import jax
    _d = setup_inputs()
    print(jax.jit(kernel)(*tuple(_d.values())))

</pallas_src>

<mosaic_0001>
#map = affine_map<(d0, d1) -> (0, 0, 0)>
#map1 = affine_map<(d0, d1) -> (0, 0)>
module attributes {stable_mosaic.version = 14 : i64} {
  func.func @_edge_pass_body(%arg0: i32, %arg1: i32, %arg2: memref<4008x2x80xi32, #tpu.memory_space<hbm>>, %arg3: memref<10000x144xf32, #tpu.memory_space<hbm>>, %arg4: memref<10000x16xf32, #tpu.memory_space<hbm>>, %arg5: memref<10000x144xf32, #tpu.memory_space<hbm>>, %arg6: memref<2x10000x144xf32, #tpu.memory_space<hbm>>, %arg7: memref<4x2x80xi32, #tpu.memory_space<vmem>>, %arg8: memref<80x16xf32, #tpu.memory_space<vmem>>, %arg9: memref<80x16xf32, #tpu.memory_space<vmem>>, %arg10: memref<80x144xf32, #tpu.memory_space<vmem>>, %arg11: memref<80x144xf32, #tpu.memory_space<vmem>>, %arg12: memref<!tpu.dma_semaphore, #tpu.memory_space<semaphore_mem>>, %arg13: memref<!tpu.dma_semaphore, #tpu.memory_space<semaphore_mem>>, %arg14: memref<!tpu.dma_semaphore, #tpu.memory_space<semaphore_mem>>, %arg15: memref<!tpu.dma_semaphore, #tpu.memory_space<semaphore_mem>>, %arg16: memref<!tpu.dma_semaphore, #tpu.memory_space<semaphore_mem>>, %arg17: memref<!tpu.dma_semaphore, #tpu.memory_space<semaphore_mem>>, %arg18: memref<10000x144xf32, #tpu.memory_space<vmem_shared>>) attributes {dimension_semantics = [#tpu.dimension_semantics<core_parallel>, #tpu.dimension_semantics<subcore_parallel>], iteration_bounds = array<i64: 2, 16>, scalar_prefetch = 0 : i64, scratch_operands = 12 : i64, tpu.core_type = #tpu.core_type<sc_vector_subcore>, window_params = [{transform_indices = #map}, {transform_indices = #map1}, {transform_indices = #map1}, {transform_indices = #map1}, {transform_indices = #map}]} {
    %mul3A = arith.constant 2 : i32
    %mul3A_0 = arith.muli %arg1, %mul3A : i32
    %add3A = arith.addi %mul3A_0, %arg0 : i32
    %mul3A_1 = arith.constant 624 : i32
    %mul3A_2 = arith.muli %arg1, %mul3A_1 : i32
    %mul3A_3 = arith.constant 125 : i32
    %mul3A_4 = arith.muli %add3A, %mul3A_3 : i32
    "tpu.region"() ({
      %run_scoped3A = tpu.sem_alloc : memref<!tpu.dma_semaphore, #tpu.memory_space<semaphore_mem>>
      %dma_start3A_291 = arith.constant 0 : i32
      %dma_start3A_292 = tpu.memref_slice %arg18[%mul3A_2, %dma_start3A_291] : memref<10000x144xf32, #tpu.memory_space<vmem_shared>> -> memref<640x144xf32, #tpu.memory_space<vmem_shared>>
      %dma_start3A_293 = arith.constant 0 : i32
      %dma_start3A_294 = tpu.memref_slice %arg5[%mul3A_2, %dma_start3A_293] : memref<10000x144xf32, #tpu.memory_space<hbm>> -> memref<640x144xf32, #tpu.memory_space<hbm>>
      tpu.enqueue_dma source(%dma_start3A_294 : memref<640x144xf32, #tpu.memory_space<hbm>>) target(%dma_start3A_292 : memref<640x144xf32, #tpu.memory_space<vmem_shared>>) target_semaphore(%run_scoped3A : memref<!tpu.dma_semaphore, #tpu.memory_space<semaphore_mem>>)
      %dma_wait3A_295 = arith.constant 0 : i32
      %dma_wait3A_296 = tpu.memref_slice %arg18[%mul3A_2, %dma_wait3A_295] : memref<10000x144xf32, #tpu.memory_space<vmem_shared>> -> memref<640x144xf32, #tpu.memory_space<vmem_shared>>
      %dma_wait3A_297 = arith.constant 0 : i32
      %dma_wait3A_298 = tpu.memref_slice %arg5[%mul3A_2, %dma_wait3A_297] : memref<10000x144xf32, #tpu.memory_space<hbm>> -> memref<640x144xf32, #tpu.memory_space<hbm>>
      tpu.wait_dma2 semaphore(%run_scoped3A : memref<!tpu.dma_semaphore, #tpu.memory_space<semaphore_mem>>) src(%dma_wait3A_298 : memref<640x144xf32, #tpu.memory_space<hbm>>) dst(%dma_wait3A_296 : memref<640x144xf32, #tpu.memory_space<vmem_shared>>)
      tpu.yield
    }) : () -> ()
    %barrier3A = arith.constant 0 : index
    tpu.barrier barrier_id(%barrier3A)
    %add3A_5 = arith.constant 0 : i32
    %add3A_6 = arith.addi %mul3A_4, %add3A_5 : i32
    %dma_start3A = arith.constant 0 : i32
    %dma_start3A_7 = arith.constant 0 : i32
    %dma_start3A_8 = arith.constant 0 : i32
    %dma_start3A_9 = tpu.memref_slice %arg7[%dma_start3A, %dma_start3A_7, %dma_start3A_8] : memref<4x2x80xi32, #tpu.memory_space<vmem>> -> memref<1x2x80xi32, #tpu.memory_space<vmem>>
    %dma_start3A_10 = tpu.memref_squeeze %dma_start3A_9 : memref<1x2x80xi32, #tpu.memory_space<vmem>> -> memref<2x80xi32, #tpu.memory_space<vmem>>
    %dma_start3A_11 = arith.constant 0 : i32
    %dma_start3A_12 = arith.constant 0 : i32
    %dma_start3A_13 = tpu.memref_slice %arg2[%add3A_6, %dma_start3A_11, %dma_start3A_12] : memref<4008x2x80xi32, #tpu.memory_space<hbm>> -> memref<1x2x80xi32, #tpu.memory_space<hbm>>
    %dma_start3A_14 = tpu.memref_squeeze %dma_start3A_13 : memref<1x2x80xi32, #tpu.memory_space<hbm>> -> memref<2x80xi32, #tpu.memory_space<hbm>>
    %dma_start3A_15 = arith.constant 0 : i32
    %dma_start3A_16 = arith.constant 0 : i32
    %dma_start3A_17 = tpu.memref_slice %arg7[%dma_start3A, %dma_start3A_15, %dma_start3A_16] : memref<4x2x80xi32, #tpu.memory_space<vmem>> -> memref<1x2x80xi32, #tpu.memory_space<vmem>>
    %dma_start3A_18 = tpu.memref_squeeze %dma_start3A_17 : memref<1x2x80xi32, #tpu.memory_space<vmem>> -> memref<2x80xi32, #tpu.memory_space<vmem>>
    %dma_start3A_19 = arith.constant 0 : i32
    %dma_start3A_20 = arith.constant 0 : i32
    %dma_start3A_21 = tpu.memref_slice %arg2[%add3A_6, %dma_start3A_19, %dma_start3A_20] : memref<4008x2x80xi32, #tpu.memory_space<hbm>> -> memref<1x2x80xi32, #tpu.memory_space<hbm>>
    %dma_start3A_22 = tpu.memref_squeeze %dma_start3A_21 : memref<1x2x80xi32, #tpu.memory_space<hbm>> -> memref<2x80xi32, #tpu.memory_space<hbm>>
    tpu.enqueue_dma source(%dma_start3A_22 : memref<2x80xi32, #tpu.memory_space<hbm>>) target(%dma_start3A_18 : memref<2x80xi32, #tpu.memory_space<vmem>>) target_semaphore(%arg12 : memref<!tpu.dma_semaphore, #tpu.memory_space<semaphore_mem>>)
    %add3A_23 = arith.constant 1 : i32
    %add3A_24 = arith.addi %mul3A_4, %add3A_23 : i32
    %dma_start3A_25 = arith.constant 1 : i32
    %dma_start3A_26 = arith.constant 0 : i32
    %dma_start3A_27 = arith.constant 0 : i32
    %dma_start3A_28 = tpu.memref_slice %arg7[%dma_start3A_25, %dma_start3A_26, %dma_start3A_27] : memref<4x2x80xi32, #tpu.memory_space<vmem>> -> memref<1x2x80xi32, #tpu.memory_space<vmem>>
    %dma_start3A_29 = tpu.memref_squeeze %dma_start3A_28 : memref<1x2x80xi32, #tpu.memory_space<vmem>> -> memref<2x80xi32, #tpu.memory_space<vmem>>
    %dma_start3A_30 = arith.constant 0 : i32
    %dma_start3A_31 = arith.constant 0 : i32
    %dma_start3A_32 = tpu.memref_slice %arg2[%add3A_24, %dma_start3A_30, %dma_start3A_31] : memref<4008x2x80xi32, #tpu.memory_space<hbm>> -> memref<1x2x80xi32, #tpu.memory_space<hbm>>
    %dma_start3A_33 = tpu.memref_squeeze %dma_start3A_32 : memref<1x2x80xi32, #tpu.memory_space<hbm>> -> memref<2x80xi32, #tpu.memory_space<hbm>>
    %dma_start3A_34 = arith.constant 0 : i32
    %dma_start3A_35 = arith.constant 0 : i32
    %dma_start3A_36 = tpu.memref_slice %arg7[%dma_start3A_25, %dma_start3A_34, %dma_start3A_35] : memref<4x2x80xi32, #tpu.memory_space<vmem>> -> memref<1x2x80xi32, #tpu.memory_space<vmem>>
    %dma_start3A_37 = tpu.memref_squeeze %dma_start3A_36 : memref<1x2x80xi32, #tpu.memory_space<vmem>> -> memref<2x80xi32, #tpu.memory_space<vmem>>
    %dma_start3A_38 = arith.constant 0 : i32
    %dma_start3A_39 = arith.constant 0 : i32
    %dma_start3A_40 = tpu.memref_slice %arg2[%add3A_24, %dma_start3A_38, %dma_start3A_39] : memref<4008x2x80xi32, #tpu.memory_space<hbm>> -> memref<1x2x80xi32, #tpu.memory_space<hbm>>
    %dma_start3A_41 = tpu.memref_squeeze %dma_start3A_40 : memref<1x2x80xi32, #tpu.memory_space<hbm>> -> memref<2x80xi32, #tpu.memory_space<hbm>>
    tpu.enqueue_dma source(%dma_start3A_41 : memref<2x80xi32, #tpu.memory_space<hbm>>) target(%dma_start3A_37 : memref<2x80xi32, #tpu.memory_space<vmem>>) target_semaphore(%arg13 : memref<!tpu.dma_semaphore, #tpu.memory_space<semaphore_mem>>)
    %dma_wait3A = arith.constant 0 : i32
    %dma_wait3A_42 = arith.constant 0 : i32
    %dma_wait3A_43 = arith.constant 0 : i32
    %dma_wait3A_44 = arith.constant 0 : i32
    %dma_wait3A_45 = tpu.memref_slice %arg7[%dma_wait3A_42, %dma_wait3A_43, %dma_wait3A_44] : memref<4x2x80xi32, #tpu.memory_space<vmem>> -> memref<1x2x80xi32, #tpu.memory_space<vmem>>
    %dma_wait3A_46 = tpu.memref_squeeze %dma_wait3A_45 : memref<1x2x80xi32, #tpu.memory_space<vmem>> -> memref<2x80xi32, #tpu.memory_space<vmem>>
    %dma_wait3A_47 = arith.constant 0 : i32
    %dma_wait3A_48 = arith.constant 0 : i32
    %dma_wait3A_49 = tpu.memref_slice %arg2[%dma_wait3A, %dma_wait3A_47, %dma_wait3A_48] : memref<4008x2x80xi32, #tpu.memory_space<hbm>> -> memref<1x2x80xi32, #tpu.memory_space<hbm>>
    %dma_wait3A_50 = tpu.memref_squeeze %dma_wait3A_49 : memref<1x2x80xi32, #tpu.memory_space<hbm>> -> memref<2x80xi32, #tpu.memory_space<hbm>>
    %dma_wait3A_51 = arith.constant 0 : i32
    %dma_wait3A_52 = arith.constant 0 : i32
    %dma_wait3A_53 = tpu.memref_slice %arg7[%dma_wait3A_42, %dma_wait3A_51, %dma_wait3A_52] : memref<4x2x80xi32, #tpu.memory_space<vmem>> -> memref<1x2x80xi32, #tpu.memory_space<vmem>>
    %dma_wait3A_54 = tpu.memref_squeeze %dma_wait3A_53 : memref<1x2x80xi32, #tpu.memory_space<vmem>> -> memref<2x80xi32, #tpu.memory_space<vmem>>
    %dma_wait3A_55 = arith.constant 0 : i32
    %dma_wait3A_56 = arith.constant 0 : i32
    %dma_wait3A_57 = tpu.memref_slice %arg2[%dma_wait3A, %dma_wait3A_55, %dma_wait3A_56] : memref<4008x2x80xi32, #tpu.memory_space<hbm>> -> memref<1x2x80xi32, #tpu.memory_space<hbm>>
    %dma_wait3A_58 = tpu.memref_squeeze %dma_wait3A_57 : memref<1x2x80xi32, #tpu.memory_space<hbm>> -> memref<2x80xi32, #tpu.memory_space<hbm>>
    tpu.wait_dma2 semaphore(%arg12 : memref<!tpu.dma_semaphore, #tpu.memory_space<semaphore_mem>>) src(%dma_wait3A_58 : memref<2x80xi32, #tpu.memory_space<hbm>>) dst(%dma_wait3A_54 : memref<2x80xi32, #tpu.memory_space<vmem>>)
    %dma_start3A_59 = arith.constant 0 : i32
    %dma_start3A_60 = arith.constant 0 : i32
    %dma_start3A_61 = arith.constant 0 : i32
    %dma_start3A_62 = tpu.memref_slice %arg7[%dma_start3A_59, %dma_start3A_60, %dma_start3A_61] : memref<4x2x80xi32, #tpu.memory_space<vmem>> -> memref<1x1x80xi32, #tpu.memory_space<vmem>>
    %dma_start3A_63 = tpu.memref_squeeze %dma_start3A_62 : memref<1x1x80xi32, #tpu.memory_space<vmem>> -> memref<80xi32, #tpu.memory_space<vmem>>
    %dma_start3A_64 = arith.constant 0 : i32
    %dma_start3A_65 = arith.constant 0 : i32
    %dma_start3A_66 = tpu.memref_slice %arg3[%dma_start3A_64, %dma_start3A_65] : memref<10000x144xf32, #tpu.memory_space<hbm>> -> memref<10000x144xf32, #tpu.memory_space<hbm>>
    tpu.enqueue_indirect_dma source(%dma_start3A_66 : memref<10000x144xf32, #tpu.memory_space<hbm>>) target(%arg10 : memref<80x144xf32, #tpu.memory_space<vmem>>) offsets(%dma_start3A_63 : memref<80xi32, #tpu.memory_space<vmem>>) semaphore(%arg14 : memref<!tpu.dma_semaphore, #tpu.memory_space<semaphore_mem>>)
    %dma_start3A_67 = arith.constant 0 : i32
    %dma_start3A_68 = arith.constant 1 : i32
    %dma_start3A_69 = arith.constant 0 : i32
    %dma_start3A_70 = tpu.memref_slice %arg7[%dma_start3A_67, %dma_start3A_68, %dma_start3A_69] : memref<4x2x80xi32, #tpu.memory_space<vmem>> -> memref<1x1x80xi32, #tpu.memory_space<vmem>>
    %dma_start3A_71 = tpu.memref_squeeze %dma_start3A_70 : memref<1x1x80xi32, #tpu.memory_space<vmem>> -> memref<80xi32, #tpu.memory_space<vmem>>
    %dma_start3A_72 = arith.constant 0 : i32
    %dma_start3A_73 = arith.constant 0 : i32
    %dma_start3A_74 = tpu.memref_slice %arg4[%dma_start3A_72, %dma_start3A_73] : memref<10000x16xf32, #tpu.memory_space<hbm>> -> memref<10000x16xf32, #tpu.memory_space<hbm>>
    tpu.enqueue_indirect_dma source(%dma_start3A_74 : memref<10000x16xf32, #tpu.memory_space<hbm>>) target(%arg8 : memref<80x16xf32, #tpu.memory_space<vmem>>) offsets(%dma_start3A_71 : memref<80xi32, #tpu.memory_space<vmem>>) semaphore(%arg14 : memref<!tpu.dma_semaphore, #tpu.memory_space<semaphore_mem>>)
    %add3A_75 = arith.constant 2 : i32
    %add3A_76 = arith.addi %mul3A_4, %add3A_75 : i32
    %dma_start3A_77 = arith.constant 2 : i32
    %dma_start3A_78 = arith.constant 0 : i32
    %dma_start3A_79 = arith.constant 0 : i32
    %dma_start3A_80 = tpu.memref_slice %arg7[%dma_start3A_77, %dma_start3A_78, %dma_start3A_79] : memref<4x2x80xi32, #tpu.memory_space<vmem>> -> memref<1x2x80xi32, #tpu.memory_space<vmem>>
    %dma_start3A_81 = tpu.memref_squeeze %dma_start3A_80 : memref<1x2x80xi32, #tpu.memory_space<vmem>> -> memref<2x80xi32, #tpu.memory_space<vmem>>
    %dma_start3A_82 = arith.constant 0 : i32
    %dma_start3A_83 = arith.constant 0 : i32
    %dma_start3A_84 = tpu.memref_slice %arg2[%add3A_76, %dma_start3A_82, %dma_start3A_83] : memref<4008x2x80xi32, #tpu.memory_space<hbm>> -> memref<1x2x80xi32, #tpu.memory_space<hbm>>
    %dma_start3A_85 = tpu.memref_squeeze %dma_start3A_84 : memref<1x2x80xi32, #tpu.memory_space<hbm>> -> memref<2x80xi32, #tpu.memory_space<hbm>>
    %dma_start3A_86 = arith.constant 0 : i32
    %dma_start3A_87 = arith.constant 0 : i32
    %dma_start3A_88 = tpu.memref_slice %arg7[%dma_start3A_77, %dma_start3A_86, %dma_start3A_87] : memref<4x2x80xi32, #tpu.memory_space<vmem>> -> memref<1x2x80xi32, #tpu.memory_space<vmem>>
    %dma_start3A_89 = tpu.memref_squeeze %dma_start3A_88 : memref<1x2x80xi32, #tpu.memory_space<vmem>> -> memref<2x80xi32, #tpu.memory_space<vmem>>
    %dma_start3A_90 = arith.constant 0 : i32
    %dma_start3A_91 = arith.constant 0 : i32
    %dma_start3A_92 = tpu.memref_slice %arg2[%add3A_76, %dma_start3A_90, %dma_start3A_91] : memref<4008x2x80xi32, #tpu.memory_space<hbm>> -> memref<1x2x80xi32, #tpu.memory_space<hbm>>
    %dma_start3A_93 = tpu.memref_squeeze %dma_start3A_92 : memref<1x2x80xi32, #tpu.memory_space<hbm>> -> memref<2x80xi32, #tpu.memory_space<hbm>>
    tpu.enqueue_dma source(%dma_start3A_93 : memref<2x80xi32, #tpu.memory_space<hbm>>) target(%dma_start3A_89 : memref<2x80xi32, #tpu.memory_space<vmem>>) target_semaphore(%arg12 : memref<!tpu.dma_semaphore, #tpu.memory_space<semaphore_mem>>)
    %dma_wait3A_94 = arith.constant 0 : i32
    %dma_wait3A_95 = arith.constant 0 : i32
    %dma_wait3A_96 = tpu.memref_slice %arg3[%dma_wait3A_94, %dma_wait3A_95] : memref<10000x144xf32, #tpu.memory_space<hbm>> -> memref<80x144xf32, #tpu.memory_space<hbm>>
    %dma_wait3A_97 = arith.constant 0 : i32
    %dma_wait3A_98 = arith.constant 0 : i32
    %dma_wait3A_99 = tpu.memref_slice %arg3[%dma_wait3A_97, %dma_wait3A_98] : memref<10000x144xf32, #tpu.memory_space<hbm>> -> memref<80x144xf32, #tpu.memory_space<hbm>>
    tpu.wait_dma2 semaphore(%arg14 : memref<!tpu.dma_semaphore, #tpu.memory_space<semaphore_mem>>) src(%dma_wait3A_99 : memref<80x144xf32, #tpu.memory_space<hbm>>) dst(%arg10 : memref<80x144xf32, #tpu.memory_space<vmem>>)
    %dma_wait3A_100 = arith.constant 0 : i32
    %dma_wait3A_101 = arith.constant 0 : i32
    %dma_wait3A_102 = tpu.memref_slice %arg4[%dma_wait3A_100, %dma_wait3A_101] : memref<10000x16xf32, #tpu.memory_space<hbm>> -> memref<80x16xf32, #tpu.memory_space<hbm>>
    %dma_wait3A_103 = arith.constant 0 : i32
    %dma_wait3A_104 = arith.constant 0 : i32
    %dma_wait3A_105 = tpu.memref_slice %arg4[%dma_wait3A_103, %dma_wait3A_104] : memref<10000x16xf32, #tpu.memory_space<hbm>> -> memref<80x16xf32, #tpu.memory_space<hbm>>
    tpu.wait_dma2 semaphore(%arg14 : memref<!tpu.dma_semaphore, #tpu.memory_space<semaphore_mem>>) src(%dma_wait3A_105 : memref<80x16xf32, #tpu.memory_space<hbm>>) dst(%arg8 : memref<80x16xf32, #tpu.memory_space<vmem>>)
    %dma_wait3A_106 = arith.constant 0 : i32
    %dma_wait3A_107 = arith.constant 0 : i32
    %dma_wait3A_108 = arith.constant 0 : i32
    %dma_wait3A_109 = arith.constant 0 : i32
    %dma_wait3A_110 = tpu.memref_slice %arg7[%dma_wait3A_107, %dma_wait3A_108, %dma_wait3A_109] : memref<4x2x80xi32, #tpu.memory_space<vmem>> -> memref<1x2x80xi32, #tpu.memory_space<vmem>>
    %dma_wait3A_111 = tpu.memref_squeeze %dma_wait3A_110 : memref<1x2x80xi32, #tpu.memory_space<vmem>> -> memref<2x80xi32, #tpu.memory_space<vmem>>
    %dma_wait3A_112 = arith.constant 0 : i32
    %dma_wait3A_113 = arith.constant 0 : i32
    %dma_wait3A_114 = tpu.memref_slice %arg2[%dma_wait3A_106, %dma_wait3A_112, %dma_wait3A_113] : memref<4008x2x80xi32, #tpu.memory_space<hbm>> -> memref<1x2x80xi32, #tpu.memory_space<hbm>>
    %dma_wait3A_115 = tpu.memref_squeeze %dma_wait3A_114 : memref<1x2x80xi32, #tpu.memory_space<hbm>> -> memref<2x80xi32, #tpu.memory_space<hbm>>
    %dma_wait3A_116 = arith.constant 0 : i32
    %dma_wait3A_117 = arith.constant 0 : i32
    %dma_wait3A_118 = tpu.memref_slice %arg7[%dma_wait3A_107, %dma_wait3A_116, %dma_wait3A_117] : memref<4x2x80xi32, #tpu.memory_space<vmem>> -> memref<1x2x80xi32, #tpu.memory_space<vmem>>
    %dma_wait3A_119 = tpu.memref_squeeze %dma_wait3A_118 : memref<1x2x80xi32, #tpu.memory_space<vmem>> -> memref<2x80xi32, #tpu.memory_space<vmem>>
    %dma_wait3A_120 = arith.constant 0 : i32
    %dma_wait3A_121 = arith.constant 0 : i32
    %dma_wait3A_122 = tpu.memref_slice %arg2[%dma_wait3A_106, %dma_wait3A_120, %dma_wait3A_121] : memref<4008x2x80xi32, #tpu.memory_space<hbm>> -> memref<1x2x80xi32, #tpu.memory_space<hbm>>
    %dma_wait3A_123 = tpu.memref_squeeze %dma_wait3A_122 : memref<1x2x80xi32, #tpu.memory_space<hbm>> -> memref<2x80xi32, #tpu.memory_space<hbm>>
    tpu.wait_dma2 semaphore(%arg13 : memref<!tpu.dma_semaphore, #tpu.memory_space<semaphore_mem>>) src(%dma_wait3A_123 : memref<2x80xi32, #tpu.memory_space<hbm>>) dst(%dma_wait3A_119 : memref<2x80xi32, #tpu.memory_space<vmem>>)
    %dma_start3A_124 = arith.constant 1 : i32
    %dma_start3A_125 = arith.constant 0 : i32
    %dma_start3A_126 = arith.constant 0 : i32
    %dma_start3A_127 = tpu.memref_slice %arg7[%dma_start3A_124, %dma_start3A_125, %dma_start3A_126] : memref<4x2x80xi32, #tpu.memory_space<vmem>> -> memref<1x1x80xi32, #tpu.memory_space<vmem>>
    %dma_start3A_128 = tpu.memref_squeeze %dma_start3A_127 : memref<1x1x80xi32, #tpu.memory_space<vmem>> -> memref<80xi32, #tpu.memory_space<vmem>>
    %dma_start3A_129 = arith.constant 0 : i32
    %dma_start3A_130 = arith.constant 0 : i32
    %dma_start3A_131 = tpu.memref_slice %arg3[%dma_start3A_129, %dma_start3A_130] : memref<10000x144xf32, #tpu.memory_space<hbm>> -> memref<10000x144xf32, #tpu.memory_space<hbm>>
    tpu.enqueue_indirect_dma source(%dma_start3A_131 : memref<10000x144xf32, #tpu.memory_space<hbm>>) target(%arg11 : memref<80x144xf32, #tpu.memory_space<vmem>>) offsets(%dma_start3A_128 : memref<80xi32, #tpu.memory_space<vmem>>) semaphore(%arg15 : memref<!tpu.dma_semaphore, #tpu.memory_space<semaphore_mem>>)
    %dma_start3A_132 = arith.constant 1 : i32
    %dma_start3A_133 = arith.constant 1 : i32
    %dma_start3A_134 = arith.constant 0 : i32
    %dma_start3A_135 = tpu.memref_slice %arg7[%dma_start3A_132, %dma_start3A_133, %dma_start3A_134] : memref<4x2x80xi32, #tpu.memory_space<vmem>> -> memref<1x1x80xi32, #tpu.memory_space<vmem>>
    %dma_start3A_136 = tpu.memref_squeeze %dma_start3A_135 : memref<1x1x80xi32, #tpu.memory_space<vmem>> -> memref<80xi32, #tpu.memory_space<vmem>>
    %dma_start3A_137 = arith.constant 0 : i32
    %dma_start3A_138 = arith.constant 0 : i32
    %dma_start3A_139 = tpu.memref_slice %arg4[%dma_start3A_137, %dma_start3A_138] : memref<10000x16xf32, #tpu.memory_space<hbm>> -> memref<10000x16xf32, #tpu.memory_space<hbm>>
    tpu.enqueue_indirect_dma source(%dma_start3A_139 : memref<10000x16xf32, #tpu.memory_space<hbm>>) target(%arg9 : memref<80x16xf32, #tpu.memory_space<vmem>>) offsets(%dma_start3A_136 : memref<80xi32, #tpu.memory_space<vmem>>) semaphore(%arg15 : memref<!tpu.dma_semaphore, #tpu.memory_space<semaphore_mem>>)
    %add3A_140 = arith.constant 3 : i32
    %add3A_141 = arith.addi %mul3A_4, %add3A_140 : i32
    %dma_start3A_142 = arith.constant 3 : i32
    %dma_start3A_143 = arith.constant 0 : i32
    %dma_start3A_144 = arith.constant 0 : i32
    %dma_start3A_145 = tpu.memref_slice %arg7[%dma_start3A_142, %dma_start3A_143, %dma_start3A_144] : memref<4x2x80xi32, #tpu.memory_space<vmem>> -> memref<1x2x80xi32, #tpu.memory_space<vmem>>
    %dma_start3A_146 = tpu.memref_squeeze %dma_start3A_145 : memref<1x2x80xi32, #tpu.memory_space<vmem>> -> memref<2x80xi32, #tpu.memory_space<vmem>>
    %dma_start3A_147 = arith.constant 0 : i32
    %dma_start3A_148 = arith.constant 0 : i32
    %dma_start3A_149 = tpu.memref_slice %arg2[%add3A_141, %dma_start3A_147, %dma_start3A_148] : memref<4008x2x80xi32, #tpu.memory_space<hbm>> -> memref<1x2x80xi32, #tpu.memory_space<hbm>>
    %dma_start3A_150 = tpu.memref_squeeze %dma_start3A_149 : memref<1x2x80xi32, #tpu.memory_space<hbm>> -> memref<2x80xi32, #tpu.memory_space<hbm>>
    %dma_start3A_151 = arith.constant 0 : i32
    %dma_start3A_152 = arith.constant 0 : i32
    %dma_start3A_153 = tpu.memref_slice %arg7[%dma_start3A_142, %dma_start3A_151, %dma_start3A_152] : memref<4x2x80xi32, #tpu.memory_space<vmem>> -> memref<1x2x80xi32, #tpu.memory_space<vmem>>
    %dma_start3A_154 = tpu.memref_squeeze %dma_start3A_153 : memref<1x2x80xi32, #tpu.memory_space<vmem>> -> memref<2x80xi32, #tpu.memory_space<vmem>>
    %dma_start3A_155 = arith.constant 0 : i32
    %dma_start3A_156 = arith.constant 0 : i32
    %dma_start3A_157 = tpu.memref_slice %arg2[%add3A_141, %dma_start3A_155, %dma_start3A_156] : memref<4008x2x80xi32, #tpu.memory_space<hbm>> -> memref<1x2x80xi32, #tpu.memory_space<hbm>>
    %dma_start3A_158 = tpu.memref_squeeze %dma_start3A_157 : memref<1x2x80xi32, #tpu.memory_space<hbm>> -> memref<2x80xi32, #tpu.memory_space<hbm>>
    tpu.enqueue_dma source(%dma_start3A_158 : memref<2x80xi32, #tpu.memory_space<hbm>>) target(%dma_start3A_154 : memref<2x80xi32, #tpu.memory_space<vmem>>) target_semaphore(%arg13 : memref<!tpu.dma_semaphore, #tpu.memory_space<semaphore_mem>>)
    %parallel_loop3A = arith.constant 0 : i32
    %parallel_loop3A_159 = arith.constant 80 : i32
    %parallel_loop3A_160 = arith.constant 1 : i32
    scf.for %parallel_loop3A_291 = %parallel_loop3A to %parallel_loop3A_159 step %parallel_loop3A_160  : i32 {
      %parallel_loop3A_292 = arith.index_cast %parallel_loop3A_291 : i32 to index
      %parallel_loop3A_293 = arith.constant 128 : index
      %parallel_loop3A_294 = tpu.vector_load %arg10[%parallel_loop3A_292, %parallel_loop3A_293] {strides = array<i32>} : memref<80x144xf32, #tpu.memory_space<vmem>>, vector<1x16xf32>,
      %parallel_loop3A_295 = vector.shape_cast %parallel_loop3A_294 : vector<1x16xf32> to vector<16xf32>
      %parallel_loop3A_296 = arith.index_cast %parallel_loop3A_291 : i32 to index
      %parallel_loop3A_297 = arith.constant 0 : index
      %parallel_loop3A_298 = tpu.vector_load %arg8[%parallel_loop3A_296, %parallel_loop3A_297] {strides = array<i32>} : memref<80x16xf32, #tpu.memory_space<vmem>>, vector<1x16xf32>,
      %parallel_loop3A_299 = vector.shape_cast %parallel_loop3A_298 : vector<1x16xf32> to vector<16xf32>
      %parallel_loop3A_300 = arith.addf %parallel_loop3A_295, %parallel_loop3A_299 : vector<16xf32>
      %parallel_loop3A_301 = arith.constant 0.000000e+00 : f32
      %parallel_loop3A_302 = vector.broadcast %parallel_loop3A_301 : f32 to vector<16xf32>
      %parallel_loop3A_303 = arith.cmpf ogt, %parallel_loop3A_300, %parallel_loop3A_302 : vector<16xf32>
      %parallel_loop3A_304 = arith.constant 2.000000e-01 : f32
      %parallel_loop3A_305 = vector.broadcast %parallel_loop3A_304 : f32 to vector<16xf32>
      %parallel_loop3A_306 = arith.mulf %parallel_loop3A_305, %parallel_loop3A_300 : vector<16xf32>
      %parallel_loop3A_307 = arith.select %parallel_loop3A_303, %parallel_loop3A_300, %parallel_loop3A_306 : vector<16xi1>, vector<16xf32>
      %parallel_loop3A_308 = math.exp %parallel_loop3A_307 : vector<16xf32>
      %parallel_loop3A_309 = arith.index_cast %parallel_loop3A_291 : i32 to index
      %parallel_loop3A_310 = arith.constant 0 : index
      %parallel_loop3A_311 = tpu.vector_load %arg10[%parallel_loop3A_309, %parallel_loop3A_310] {strides = array<i32>} : memref<80x144xf32, #tpu.memory_space<vmem>>, vector<1x16xf32>,
      %parallel_loop3A_312 = vector.shape_cast %parallel_loop3A_311 : vector<1x16xf32> to vector<16xf32>
      %parallel_loop3A_313 = vector.extract_strided_slice %parallel_loop3A_308 {offsets = [0], sizes = [1], strides = [1]} : vector<16xf32> to vector<1xf32>
      %parallel_loop3A_314 = vector.extract %parallel_loop3A_313[0] : f32 from vector<1xf32>
      %parallel_loop3A_315 = vector.broadcast %parallel_loop3A_314 : f32 to vector<16xf32>
      %parallel_loop3A_316 = arith.mulf %parallel_loop3A_312, %parallel_loop3A_315 : vector<16xf32>
      %parallel_loop3A_317 = arith.index_cast %parallel_loop3A_291 : i32 to index
      %parallel_loop3A_318 = arith.constant 0 : index
      %parallel_loop3A_319 = tpu.vector_load %arg10[%parallel_loop3A_317, %parallel_loop3A_318] {strides = array<i32>} : memref<80x144xf32, #tpu.memory_space<vmem>>, vector<1x16xf32>,
      %parallel_loop3A_320 = vector.shape_cast %parallel_loop3A_319 : vector<1x16xf32> to vector<16xf32>
      %parallel_loop3A_321 = vector.shape_cast %parallel_loop3A_316 : vector<16xf32> to vector<1x16xf32>
      tpu.vector_store %arg10[%parallel_loop3A_317, %parallel_loop3A_318], %parallel_loop3A_321 {strides = array<i32>} : memref<80x144xf32, #tpu.memory_space<vmem>>, vector<1x16xf32>,
      %parallel_loop3A_322 = arith.index_cast %parallel_loop3A_291 : i32 to index
      %parallel_loop3A_323 = arith.constant 16 : index
      %parallel_loop3A_324 = tpu.vector_load %arg10[%parallel_loop3A_322, %parallel_loop3A_323] {strides = array<i32>} : memref<80x144xf32, #tpu.memory_space<vmem>>, vector<1x16xf32>,
      %parallel_loop3A_325 = vector.shape_cast %parallel_loop3A_324 : vector<1x16xf32> to vector<16xf32>
      %parallel_loop3A_326 = vector.extract_strided_slice %parallel_loop3A_308 {offsets = [1], sizes = [1], strides = [1]} : vector<16xf32> to vector<1xf32>
      %parallel_loop3A_327 = vector.extract %parallel_loop3A_326[0] : f32 from vector<1xf32>
      %parallel_loop3A_328 = vector.broadcast %parallel_loop3A_327 : f32 to vector<16xf32>
      %parallel_loop3A_329 = arith.mulf %parallel_loop3A_325, %parallel_loop3A_328 : vector<16xf32>
      %parallel_loop3A_330 = arith.index_cast %parallel_loop3A_291 : i32 to index
      %parallel_loop3A_331 = arith.constant 16 : index
      %parallel_loop3A_332 = tpu.vector_load %arg10[%parallel_loop3A_330, %parallel_loop3A_331] {strides = array<i32>} : memref<80x144xf32, #tpu.memory_space<vmem>>, vector<1x16xf32>,
      %parallel_loop3A_333 = vector.shape_cast %parallel_loop3A_332 : vector<1x16xf32> to vector<16xf32>
      %parallel_loop3A_334 = vector.shape_cast %parallel_loop3A_329 : vector<16xf32> to vector<1x16xf32>
      tpu.vector_store %arg10[%parallel_loop3A_330, %parallel_loop3A_331], %parallel_loop3A_334 {strides = array<i32>} : memref<80x144xf32, #tpu.memory_space<vmem>>, vector<1x16xf32>,
      %parallel_loop3A_335 = arith.index_cast %parallel_loop3A_291 : i32 to index
      %parallel_loop3A_336 = arith.constant 32 : index
      %parallel_loop3A_337 = tpu.vector_load %arg10[%parallel_loop3A_335, %parallel_loop3A_336] {strides = array<i32>} : memref<80x144xf32, #tpu.memory_space<vmem>>, vector<1x16xf32>,
      %parallel_loop3A_338 = vector.shape_cast %parallel_loop3A_337 : vector<1x16xf32> to vector<16xf32>
      %parallel_loop3A_339 = vector.extract_strided_slice %parallel_loop3A_308 {offsets = [2], sizes = [1], strides = [1]} : vector<16xf32> to vector<1xf32>
      %parallel_loop3A_340 = vector.extract %parallel_loop3A_339[0] : f32 from vector<1xf32>
      %parallel_loop3A_341 = vector.broadcast %parallel_loop3A_340 : f32 to vector<16xf32>
      %parallel_loop3A_342 = arith.mulf %parallel_loop3A_338, %parallel_loop3A_341 : vector<16xf32>
      %parallel_loop3A_343 = arith.index_cast %parallel_loop3A_291 : i32 to index
      %parallel_loop3A_344 = arith.constant 32 : index
      %parallel_loop3A_345 = tpu.vector_load %arg10[%parallel_loop3A_343, %parallel_loop3A_344] {strides = array<i32>} : memref<80x144xf32, #tpu.memory_space<vmem>>, vector<1x16xf32>,
      %parallel_loop3A_346 = vector.shape_cast %parallel_loop3A_345 : vector<1x16xf32> to vector<16xf32>
      %parallel_loop3A_347 = vector.shape_cast %parallel_loop3A_342 : vector<16xf32> to vector<1x16xf32>
      tpu.vector_store %arg10[%parallel_loop3A_343, %parallel_loop3A_344], %parallel_loop3A_347 {strides = array<i32>} : memref<80x144xf32, #tpu.memory_space<vmem>>, vector<1x16xf32>,
      %parallel_loop3A_348 = arith.index_cast %parallel_loop3A_291 : i32 to index
      %parallel_loop3A_349 = arith.constant 48 : index
      %parallel_loop3A_350 = tpu.vector_load %arg10[%parallel_loop3A_348, %parallel_loop3A_349] {strides = array<i32>} : memref<80x144xf32, #tpu.memory_space<vmem>>, vector<1x16xf32>,
      %parallel_loop3A_351 = vector.shape_cast %parallel_loop3A_350 : vector<1x16xf32> to vector<16xf32>
      %parallel_loop3A_352 = vector.extract_strided_slice %parallel_loop3A_308 {offsets = [3], sizes = [1], strides = [1]} : vector<16xf32> to vector<1xf32>
      %parallel_loop3A_353 = vector.extract %parallel_loop3A_352[0] : f32 from vector<1xf32>
      %parallel_loop3A_354 = vector.broadcast %parallel_loop3A_353 : f32 to vector<16xf32>
      %parallel_loop3A_355 = arith.mulf %parallel_loop3A_351, %parallel_loop3A_354 : vector<16xf32>
      %parallel_loop3A_356 = arith.index_cast %parallel_loop3A_291 : i32 to index
      %parallel_loop3A_357 = arith.constant 48 : index
      %parallel_loop3A_358 = tpu.vector_load %arg10[%parallel_loop3A_356, %parallel_loop3A_357] {strides = array<i32>} : memref<80x144xf32, #tpu.memory_space<vmem>>, vector<1x16xf32>,
      %parallel_loop3A_359 = vector.shape_cast %parallel_loop3A_358 : vector<1x16xf32> to vector<16xf32>
      %parallel_loop3A_360 = vector.shape_cast %parallel_loop3A_355 : vector<16xf32> to vector<1x16xf32>
      tpu.vector_store %arg10[%parallel_loop3A_356, %parallel_loop3A_357], %parallel_loop3A_360 {strides = array<i32>} : memref<80x144xf32, #tpu.memory_space<vmem>>, vector<1x16xf32>,
      %parallel_loop3A_361 = arith.index_cast %parallel_loop3A_291 : i32 to index
      %parallel_loop3A_362 = arith.constant 64 : index
      %parallel_loop3A_363 = tpu.vector_load %arg10[%parallel_loop3A_361, %parallel_loop3A_362] {strides = array<i32>} : memref<80x144xf32, #tpu.memory_space<vmem>>, vector<1x16xf32>,
      %parallel_loop3A_364 = vector.shape_cast %parallel_loop3A_363 : vector<1x16xf32> to vector<16xf32>
      %parallel_loop3A_365 = vector.extract_strided_slice %parallel_loop3A_308 {offsets = [4], sizes = [1], strides = [1]} : vector<16xf32> to vector<1xf32>
      %parallel_loop3A_366 = vector.extract %parallel_loop3A_365[0] : f32 from vector<1xf32>
      %parallel_loop3A_367 = vector.broadcast %parallel_loop3A_366 : f32 to vector<16xf32>
      %parallel_loop3A_368 = arith.mulf %parallel_loop3A_364, %parallel_loop3A_367 : vector<16xf32>
      %parallel_loop3A_369 = arith.index_cast %parallel_loop3A_291 : i32 to index
      %parallel_loop3A_370 = arith.constant 64 : index
      %parallel_loop3A_371 = tpu.vector_load %arg10[%parallel_loop3A_369, %parallel_loop3A_370] {strides = array<i32>} : memref<80x144xf32, #tpu.memory_space<vmem>>, vector<1x16xf32>,
      %parallel_loop3A_372 = vector.shape_cast %parallel_loop3A_371 : vector<1x16xf32> to vector<16xf32>
      %parallel_loop3A_373 = vector.shape_cast %parallel_loop3A_368 : vector<16xf32> to vector<1x16xf32>
      tpu.vector_store %arg10[%parallel_loop3A_369, %parallel_loop3A_370], %parallel_loop3A_373 {strides = array<i32>} : memref<80x144xf32, #tpu.memory_space<vmem>>, vector<1x16xf32>,
      %parallel_loop3A_374 = arith.index_cast %parallel_loop3A_291 : i32 to index
      %parallel_loop3A_375 = arith.constant 80 : index
      %parallel_loop3A_376 = tpu.vector_load %arg10[%parallel_loop3A_374, %parallel_loop3A_375] {strides = array<i32>} : memref<80x144xf32, #tpu.memory_space<vmem>>, vector<1x16xf32>,
      %parallel_loop3A_377 = vector.shape_cast %parallel_loop3A_376 : vector<1x16xf32> to vector<16xf32>
      %parallel_loop3A_378 = vector.extract_strided_slice %parallel_loop3A_308 {offsets = [5], sizes = [1], strides = [1]} : vector<16xf32> to vector<1xf32>
      %parallel_loop3A_379 = vector.extract %parallel_loop3A_378[0] : f32 from vector<1xf32>
      %parallel_loop3A_380 = vector.broadcast %parallel_loop3A_379 : f32 to vector<16xf32>
      %parallel_loop3A_381 = arith.mulf %parallel_loop3A_377, %parallel_loop3A_380 : vector<16xf32>
      %parallel_loop3A_382 = arith.index_cast %parallel_loop3A_291 : i32 to index
      %parallel_loop3A_383 = arith.constant 80 : index
      %parallel_loop3A_384 = tpu.vector_load %arg10[%parallel_loop3A_382, %parallel_loop3A_383] {strides = array<i32>} : memref<80x144xf32, #tpu.memory_space<vmem>>, vector<1x16xf32>,
      %parallel_loop3A_385 = vector.shape_cast %parallel_loop3A_384 : vector<1x16xf32> to vector<16xf32>
      %parallel_loop3A_386 = vector.shape_cast %parallel_loop3A_381 : vector<16xf32> to vector<1x16xf32>
      tpu.vector_store %arg10[%parallel_loop3A_382, %parallel_loop3A_383], %parallel_loop3A_386 {strides = array<i32>} : memref<80x144xf32, #tpu.memory_space<vmem>>, vector<1x16xf32>,
      %parallel_loop3A_387 = arith.index_cast %parallel_loop3A_291 : i32 to index
      %parallel_loop3A_388 = arith.constant 96 : index
      %parallel_loop3A_389 = tpu.vector_load %arg10[%parallel_loop3A_387, %parallel_loop3A_388] {strides = array<i32>} : memref<80x144xf32, #tpu.memory_space<vmem>>, vector<1x16xf32>,
      %parallel_loop3A_390 = vector.shape_cast %parallel_loop3A_389 : vector<1x16xf32> to vector<16xf32>
      %parallel_loop3A_391 = vector.extract_strided_slice %parallel_loop3A_308 {offsets = [6], sizes = [1], strides = [1]} : vector<16xf32> to vector<1xf32>
      %parallel_loop3A_392 = vector.extract %parallel_loop3A_391[0] : f32 from vector<1xf32>
      %parallel_loop3A_393 = vector.broadcast %parallel_loop3A_392 : f32 to vector<16xf32>
      %parallel_loop3A_394 = arith.mulf %parallel_loop3A_390, %parallel_loop3A_393 : vector<16xf32>
      %parallel_loop3A_395 = arith.index_cast %parallel_loop3A_291 : i32 to index
      %parallel_loop3A_396 = arith.constant 96 : index
      %parallel_loop3A_397 = tpu.vector_load %arg10[%parallel_loop3A_395, %parallel_loop3A_396] {strides = array<i32>} : memref<80x144xf32, #tpu.memory_space<vmem>>, vector<1x16xf32>,
      %parallel_loop3A_398 = vector.shape_cast %parallel_loop3A_397 : vector<1x16xf32> to vector<16xf32>
      %parallel_loop3A_399 = vector.shape_cast %parallel_loop3A_394 : vector<16xf32> to vector<1x16xf32>
      tpu.vector_store %arg10[%parallel_loop3A_395, %parallel_loop3A_396], %parallel_loop3A_399 {strides = array<i32>} : memref<80x144xf32, #tpu.memory_space<vmem>>, vector<1x16xf32>,
      %parallel_loop3A_400 = arith.index_cast %parallel_loop3A_291 : i32 to index
      %parallel_loop3A_401 = arith.constant 112 : index
      %parallel_loop3A_402 = tpu.vector_load %arg10[%parallel_loop3A_400, %parallel_loop3A_401] {strides = array<i32>} : memref<80x144xf32, #tpu.memory_space<vmem>>, vector<1x16xf32>,
      %parallel_loop3A_403 = vector.shape_cast %parallel_loop3A_402 : vector<1x16xf32> to vector<16xf32>
      %parallel_loop3A_404 = vector.extract_strided_slice %parallel_loop3A_308 {offsets = [7], sizes = [1], strides = [1]} : vector<16xf32> to vector<1xf32>
      %parallel_loop3A_405 = vector.extract %parallel_loop3A_404[0] : f32 from vector<1xf32>
      %parallel_loop3A_406 = vector.broadcast %parallel_loop3A_405 : f32 to vector<16xf32>
      %parallel_loop3A_407 = arith.mulf %parallel_loop3A_403, %parallel_loop3A_406 : vector<16xf32>
      %parallel_loop3A_408 = arith.index_cast %parallel_loop3A_291 : i32 to index
      %parallel_loop3A_409 = arith.constant 112 : index
      %parallel_loop3A_410 = tpu.vector_load %arg10[%parallel_loop3A_408, %parallel_loop3A_409] {strides = array<i32>} : memref<80x144xf32, #tpu.memory_space<vmem>>, vector<1x16xf32>,
      %parallel_loop3A_411 = vector.shape_cast %parallel_loop3A_410 : vector<1x16xf32> to vector<16xf32>
      %parallel_loop3A_412 = vector.shape_cast %parallel_loop3A_407 : vector<16xf32> to vector<1x16xf32>
      tpu.vector_store %arg10[%parallel_loop3A_408, %parallel_loop3A_409], %parallel_loop3A_412 {strides = array<i32>} : memref<80x144xf32, #tpu.memory_space<vmem>>, vector<1x16xf32>,
      %parallel_loop3A_413 = arith.index_cast %parallel_loop3A_291 : i32 to index
      %parallel_loop3A_414 = arith.constant 128 : index
      %parallel_loop3A_415 = tpu.vector_load %arg10[%parallel_loop3A_413, %parallel_loop3A_414] {strides = array<i32>} : memref<80x144xf32, #tpu.memory_space<vmem>>, vector<1x16xf32>,
      %parallel_loop3A_416 = vector.shape_cast %parallel_loop3A_415 : vector<1x16xf32> to vector<16xf32>
      %parallel_loop3A_417 = vector.shape_cast %parallel_loop3A_308 : vector<16xf32> to vector<1x16xf32>
      tpu.vector_store %arg10[%parallel_loop3A_413, %parallel_loop3A_414], %parallel_loop3A_417 {strides = array<i32>} : memref<80x144xf32, #tpu.memory_space<vmem>>, vector<1x16xf32>,
    } {sc.loop_unroll_factor = 4 : i64, sc.parallel_access}
    %dma_start3A_161 = arith.constant 0 : i32
    %dma_start3A_162 = arith.constant 1 : i32
    %dma_start3A_163 = arith.constant 0 : i32
    %dma_start3A_164 = tpu.memref_slice %arg7[%dma_start3A_161, %dma_start3A_162, %dma_start3A_163] : memref<4x2x80xi32, #tpu.memory_space<vmem>> -> memref<1x1x80xi32, #tpu.memory_space<vmem>>
    %dma_start3A_165 = tpu.memref_squeeze %dma_start3A_164 : memref<1x1x80xi32, #tpu.memory_space<vmem>> -> memref<80xi32, #tpu.memory_space<vmem>>
    %dma_start3A_166 = arith.constant 0 : i32
    %dma_start3A_167 = arith.constant 0 : i32
    %dma_start3A_168 = tpu.memref_slice %arg18[%dma_start3A_166, %dma_start3A_167] : memref<10000x144xf32, #tpu.memory_space<vmem_shared>> -> memref<10000x144xf32, #tpu.memory_space<vmem_shared>>
    tpu.enqueue_indirect_dma source(%arg10 : memref<80x144xf32, #tpu.memory_space<vmem>>) target(%dma_start3A_168 : memref<10000x144xf32, #tpu.memory_space<vmem_shared>>) offsets(%dma_start3A_165 : memref<80xi32, #tpu.memory_space<vmem>>) semaphore(%arg16 : memref<!tpu.dma_semaphore, #tpu.memory_space<semaphore_mem>>) {add = true}
    %dma_wait3A_169 = arith.constant 0 : i32
    %dma_wait3A_170 = arith.constant 0 : i32
    %dma_wait3A_171 = tpu.memref_slice %arg3[%dma_wait3A_169, %dma_wait3A_170] : memref<10000x144xf32, #tpu.memory_space<hbm>> -> memref<80x144xf32, #tpu.memory_space<hbm>>
    %dma_wait3A_172 = arith.constant 0 : i32
    %dma_wait3A_173 = arith.constant 0 : i32
    %dma_wait3A_174 = tpu.memref_slice %arg3[%dma_wait3A_172, %dma_wait3A_173] : memref<10000x144xf32, #tpu.memory_space<hbm>> -> memref<80x144xf32, #tpu.memory_space<hbm>>
    tpu.wait_dma2 semaphore(%arg15 : memref<!tpu.dma_semaphore, #tpu.memory_space<semaphore_mem>>) src(%dma_wait3A_174 : memref<80x144xf32, #tpu.memory_space<hbm>>) dst(%arg11 : memref<80x144xf32, #tpu.memory_space<vmem>>)
    %dma_wait3A_175 = arith.constant 0 : i32
    %dma_wait3A_176 = arith.constant 0 : i32
    %dma_wait3A_177 = tpu.memref_slice %arg4[%dma_wait3A_175, %dma_wait3A_176] : memref<10000x16xf32, #tpu.memory_space<hbm>> -> memref<80x16xf32, #tpu.memory_space<hbm>>
    %dma_wait3A_178 = arith.constant 0 : i32
    %dma_wait3A_179 = arith.constant 0 : i32
    %dma_wait3A_180 = tpu.memref_slice %arg4[%dma_wait3A_178, %dma_wait3A_179] : memref<10000x16xf32, #tpu.memory_space<hbm>> -> memref<80x16xf32, #tpu.memory_space<hbm>>
    tpu.wait_dma2 semaphore(%arg15 : memref<!tpu.dma_semaphore, #tpu.memory_space<semaphore_mem>>) src(%dma_wait3A_180 : memref<80x16xf32, #tpu.memory_space<hbm>>) dst(%arg9 : memref<80x16xf32, #tpu.memory_space<vmem>>)
    %dma_wait3A_181 = arith.constant 0 : i32
    %dma_wait3A_182 = arith.constant 0 : i32
    %dma_wait3A_183 = tpu.memref_slice %arg5[%dma_wait3A_181, %dma_wait3A_182] : memref<10000x144xf32, #tpu.memory_space<hbm>> -> memref<80x144xf32, #tpu.memory_space<hbm>>
    %dma_wait3A_184 = arith.constant 0 : i32
    %dma_wait3A_185 = arith.constant 0 : i32
    %dma_wait3A_186 = tpu.memref_slice %arg5[%dma_wait3A_184, %dma_wait3A_185] : memref<10000x144xf32, #tpu.memory_space<hbm>> -> memref<80x144xf32, #tpu.memory_space<hbm>>
    tpu.wait_dma2 semaphore(%arg16 : memref<!tpu.dma_semaphore, #tpu.memory_space<semaphore_mem>>) src(%dma_wait3A_186 : memref<80x144xf32, #tpu.memory_space<hbm>>) dst(%arg10 : memref<80x144xf32, #tpu.memory_space<vmem>>)
    %dma_wait3A_187 = arith.constant 0 : i32
    %dma_wait3A_188 = arith.constant 0 : i32
    %dma_wait3A_189 = arith.constant 0 : i32
    %dma_wait3A_190 = arith.constant 0 : i32
    %dma_wait3A_191 = tpu.memref_slice %arg7[%dma_wait3A_188, %dma_wait3A_189, %dma_wait3A_190] : memref<4x2x80xi32, #tpu.memory_space<vmem>> -> memref<1x2x80xi32, #tpu.memory_space<vmem>>
    %dma_wait3A_192 = tpu.memref_squeeze %dma_wait3A_191 : memref<1x2x80xi32, #tpu.memory_space<vmem>> -> memref<2x80xi32, #tpu.memory_space<vmem>>
    %dma_wait3A_193 = arith.constant 0 : i32
    %dma_wait3A_194 = arith.constant 0 : i32
    %dma_wait3A_195 = tpu.memref_slice %arg2[%dma_wait3A_187, %dma_wait3A_193, %dma_wait3A_194] : memref<4008x2x80xi32, #tpu.memory_space<hbm>> -> memref<1x2x80xi32, #tpu.memory_space<hbm>>
    %dma_wait3A_196 = tpu.memref_squeeze %dma_wait3A_195 : memref<1x2x80xi32, #tpu.memory_space<hbm>> -> memref<2x80xi32, #tpu.memory_space<hbm>>
    %dma_wait3A_197 = arith.constant 0 : i32
    %dma_wait3A_198 = arith.constant 0 : i32
    %dma_wait3A_199 = tpu.memref_slice %arg7[%dma_wait3A_188, %dma_wait3A_197, %dma_wait3A_198] : memref<4x2x80xi32, #tpu.memory_space<vmem>> -> memref<1x2x80xi32, #tpu.memory_space<vmem>>
    %dma_wait3A_200 = tpu.memref_squeeze %dma_wait3A_199 : memref<1x2x80xi32, #tpu.memory_space<vmem>> -> memref<2x80xi32, #tpu.memory_space<vmem>>
    %dma_wait3A_201 = arith.constant 0 : i32
    %dma_wait3A_202 = arith.constant 0 : i32
    %dma_wait3A_203 = tpu.memref_slice %arg2[%dma_wait3A_187, %dma_wait3A_201, %dma_wait3A_202] : memref<4008x2x80xi32, #tpu.memory_space<hbm>> -> memref<1x2x80xi32, #tpu.memory_space<hbm>>
    %dma_wait3A_204 = tpu.memref_squeeze %dma_wait3A_203 : memref<1x2x80xi32, #tpu.memory_space<hbm>> -> memref<2x80xi32, #tpu.memory_space<hbm>>
    tpu.wait_dma2 semaphore(%arg12 : memref<!tpu.dma_semaphore, #tpu.memory_space<semaphore_mem>>) src(%dma_wait3A_204 : memref<2x80xi32, #tpu.memory_space<hbm>>) dst(%dma_wait3A_200 : memref<2x80xi32, #tpu.memory_space<vmem>>)
    %dma_start3A_205 = arith.constant 2 : i32
    %dma_start3A_206 = arith.constant 0 : i32
    %dma_start3A_207 = arith.constant 0 : i32
    %dma_start3A_208 = tpu.memref_slice %arg7[%dma_start3A_205, %dma_start3A_206, %dma_start3A_207] : memref<4x2x80xi32, #tpu.memory_space<vmem>> -> memref<1x1x80xi32, #tpu.memory_space<vmem>>
    %dma_start3A_209 = tpu.memref_squeeze %dma_start3A_208 : memref<1x1x80xi32, #tpu.memory_space<vmem>> -> memref<80xi32, #tpu.memory_space<vmem>>
    %dma_start3A_210 = arith.constant 0 : i32
    %dma_start3A_211 = arith.constant 0 : i32
    %dma_start3A_212 = tpu.memref_slice %arg3[%dma_start3A_210, %dma_start3A_211] : memref<10000x144xf32, #tpu.memory_space<hbm>> -> memref<10000x144xf32, #tpu.memory_space<hbm>>
    tpu.enqueue_indirect_dma source(%dma_start3A_212 : memref<10000x144xf32, #tpu.memory_space<hbm>>) target(%arg10 : memref<80x144xf32, #tpu.memory_space<vmem>>) offsets(%dma_start3A_209 : memref<80xi32, #tpu.memory_space<vmem>>) semaphore(%arg14 : memref<!tpu.dma_semaphore, #tpu.memory_space<semaphore_mem>>)
    %dma_start3A_213 = arith.constant 2 : i32
    %dma_start3A_214 = arith.constant 1 : i32
    %dma_start3A_215 = arith.constant 0 : i32
    %dma_start3A_216 = tpu.memref_slice %arg7[%dma_start3A_213, %dma_start3A_214, %dma_start3A_215] : memref<4x2x80xi32, #tpu.memory_space<vmem>> -> memref<1x1x80xi32, #tpu.memory_space<vmem>>
    %dma_start3A_217 = tpu.memref_squeeze %dma_start3A_216 : memref<1x1x80xi32, #tpu.memory_space<vmem>> -> memref<80xi32, #tpu.memory_space<vmem>>
    %dma_start3A_218 = arith.constant 0 : i32
    %dma_start3A_219 = arith.constant 0 : i32
    %dma_start3A_220 = tpu.memref_slice %arg4[%dma_start3A_218, %dma_start3A_219] : memref<10000x16xf32, #tpu.memory_space<hbm>> -> memref<10000x16xf32, #tpu.memory_space<hbm>>
    tpu.enqueue_indirect_dma source(%dma_start3A_220 : memref<10000x16xf32, #tpu.memory_space<hbm>>) target(%arg8 : memref<80x16xf32, #tpu.memory_space<vmem>>) offsets(%dma_start3A_217 : memref<80xi32, #tpu.memory_space<vmem>>) semaphore(%arg14 : memref<!tpu.dma_semaphore, #tpu.memory_space<semaphore_mem>>)
    %parallel_loop3A_221 = arith.constant 0 : i32
    %parallel_loop3A_222 = arith.constant 80 : i32
    %parallel_loop3A_223 = arith.constant 1 : i32
    scf.for %parallel_loop3A_291 = %parallel_loop3A_221 to %parallel_loop3A_222 step %parallel_loop3A_223  : i32 {
      %parallel_loop3A_292 = arith.index_cast %parallel_loop3A_291 : i32 to index
      %parallel_loop3A_293 = arith.constant 128 : index
      %parallel_loop3A_294 = tpu.vector_load %arg11[%parallel_loop3A_292, %parallel_loop3A_293] {strides = array<i32>} : memref<80x144xf32, #tpu.memory_space<vmem>>, vector<1x16xf32>,
      %parallel_loop3A_295 = vector.shape_cast %parallel_loop3A_294 : vector<1x16xf32> to vector<16xf32>
      %parallel_loop3A_296 = arith.index_cast %parallel_loop3A_291 : i32 to index
      %parallel_loop3A_297 = arith.constant 0 : index
      %parallel_loop3A_298 = tpu.vector_load %arg9[%parallel_loop3A_296, %parallel_loop3A_297] {strides = array<i32>} : memref<80x16xf32, #tpu.memory_space<vmem>>, vector<1x16xf32>,
      %parallel_loop3A_299 = vector.shape_cast %parallel_loop3A_298 : vector<1x16xf32> to vector<16xf32>
      %parallel_loop3A_300 = arith.addf %parallel_loop3A_295, %parallel_loop3A_299 : vector<16xf32>
      %parallel_loop3A_301 = arith.constant 0.000000e+00 : f32
      %parallel_loop3A_302 = vector.broadcast %parallel_loop3A_301 : f32 to vector<16xf32>
      %parallel_loop3A_303 = arith.cmpf ogt, %parallel_loop3A_300, %parallel_loop3A_302 : vector<16xf32>
      %parallel_loop3A_304 = arith.constant 2.000000e-01 : f32
      %parallel_loop3A_305 = vector.broadcast %parallel_loop3A_304 : f32 to vector<16xf32>
      %parallel_loop3A_306 = arith.mulf %parallel_loop3A_305, %parallel_loop3A_300 : vector<16xf32>
      %parallel_loop3A_307 = arith.select %parallel_loop3A_303, %parallel_loop3A_300, %parallel_loop3A_306 : vector<16xi1>, vector<16xf32>
      %parallel_loop3A_308 = math.exp %parallel_loop3A_307 : vector<16xf32>
      %parallel_loop3A_309 = arith.index_cast %parallel_loop3A_291 : i32 to index
      %parallel_loop3A_310 = arith.constant 0 : index
      %parallel_loop3A_311 = tpu.vector_load %arg11[%parallel_loop3A_309, %parallel_loop3A_310] {strides = array<i32>} : memref<80x144xf32, #tpu.memory_space<vmem>>, vector<1x16xf32>,
      %parallel_loop3A_312 = vector.shape_cast %parallel_loop3A_311 : vector<1x16xf32> to vector<16xf32>
      %parallel_loop3A_313 = vector.extract_strided_slice %parallel_loop3A_308 {offsets = [0], sizes = [1], strides = [1]} : vector<16xf32> to vector<1xf32>
      %parallel_loop3A_314 = vector.extract %parallel_loop3A_313[0] : f32 from vector<1xf32>
      %parallel_loop3A_315 = vector.broadcast %parallel_loop3A_314 : f32 to vector<16xf32>
      %parallel_loop3A_316 = arith.mulf %parallel_loop3A_312, %parallel_loop3A_315 : vector<16xf32>
      %parallel_loop3A_317 = arith.index_cast %parallel_loop3A_291 : i32 to index
      %parallel_loop3A_318 = arith.constant 0 : index
      %parallel_loop3A_319 = tpu.vector_load %arg11[%parallel_loop3A_317, %parallel_loop3A_318] {strides = array<i32>} : memref<80x144xf32, #tpu.memory_space<vmem>>, vector<1x16xf32>,
      %parallel_loop3A_320 = vector.shape_cast %parallel_loop3A_319 : vector<1x16xf32> to vector<16xf32>
      %parallel_loop3A_321 = vector.shape_cast %parallel_loop3A_316 : vector<16xf32> to vector<1x16xf32>
      tpu.vector_store %arg11[%parallel_loop3A_317, %parallel_loop3A_318], %parallel_loop3A_321 {strides = array<i32>} : memref<80x144xf32, #tpu.memory_space<vmem>>, vector<1x16xf32>,
      %parallel_loop3A_322 = arith.index_cast %parallel_loop3A_291 : i32 to index
      %parallel_loop3A_323 = arith.constant 16 : index
      %parallel_loop3A_324 = tpu.vector_load %arg11[%parallel_loop3A_322, %parallel_loop3A_323] {strides = array<i32>} : memref<80x144xf32, #tpu.memory_space<vmem>>, vector<1x16xf32>,
      %parallel_loop3A_325 = vector.shape_cast %parallel_loop3A_324 : vector<1x16xf32> to vector<16xf32>
      %parallel_loop3A_326 = vector.extract_strided_slice %parallel_loop3A_308 {offsets = [1], sizes = [1], strides = [1]} : vector<16xf32> to vector<1xf32>
      %parallel_loop3A_327 = vector.extract %parallel_loop3A_326[0] : f32 from vector<1xf32>
      %parallel_loop3A_328 = vector.broadcast %parallel_loop3A_327 : f32 to vector<16xf32>
      %parallel_loop3A_329 = arith.mulf %parallel_loop3A_325, %parallel_loop3A_328 : vector<16xf32>
      %parallel_loop3A_330 = arith.index_cast %parallel_loop3A_291 : i32 to index
      %parallel_loop3A_331 = arith.constant 16 : index
      %parallel_loop3A_332 = tpu.vector_load %arg11[%parallel_loop3A_330, %parallel_loop3A_331] {strides = array<i32>} : memref<80x144xf32, #tpu.memory_space<vmem>>, vector<1x16xf32>,
      %parallel_loop3A_333 = vector.shape_cast %parallel_loop3A_332 : vector<1x16xf32> to vector<16xf32>
      %parallel_loop3A_334 = vector.shape_cast %parallel_loop3A_329 : vector<16xf32> to vector<1x16xf32>
      tpu.vector_store %arg11[%parallel_loop3A_330, %parallel_loop3A_331], %parallel_loop3A_334 {strides = array<i32>} : memref<80x144xf32, #tpu.memory_space<vmem>>, vector<1x16xf32>,
      %parallel_loop3A_335 = arith.index_cast %parallel_loop3A_291 : i32 to index
      %parallel_loop3A_336 = arith.constant 32 : index
      %parallel_loop3A_337 = tpu.vector_load %arg11[%parallel_loop3A_335, %parallel_loop3A_336] {strides = array<i32>} : memref<80x144xf32, #tpu.memory_space<vmem>>, vector<1x16xf32>,
      %parallel_loop3A_338 = vector.shape_cast %parallel_loop3A_337 : vector<1x16xf32> to vector<16xf32>
      %parallel_loop3A_339 = vector.extract_strided_slice %parallel_loop3A_308 {offsets = [2], sizes = [1], strides = [1]} : vector<16xf32> to vector<1xf32>
      %parallel_loop3A_340 = vector.extract %parallel_loop3A_339[0] : f32 from vector<1xf32>
      %parallel_loop3A_341 = vector.broadcast %parallel_loop3A_340 : f32 to vector<16xf32>
      %parallel_loop3A_342 = arith.mulf %parallel_loop3A_338, %parallel_loop3A_341 : vector<16xf32>
      %parallel_loop3A_343 = arith.index_cast %parallel_loop3A_291 : i32 to index
      %parallel_loop3A_344 = arith.constant 32 : index
      %parallel_loop3A_345 = tpu.vector_load %arg11[%parallel_loop3A_343, %parallel_loop3A_344] {strides = array<i32>} : memref<80x144xf32, #tpu.memory_space<vmem>>, vector<1x16xf32>,
      %parallel_loop3A_346 = vector.shape_cast %parallel_loop3A_345 : vector<1x16xf32> to vector<16xf32>
      %parallel_loop3A_347 = vector.shape_cast %parallel_loop3A_342 : vector<16xf32> to vector<1x16xf32>
      tpu.vector_store %arg11[%parallel_loop3A_343, %parallel_loop3A_344], %parallel_loop3A_347 {strides = array<i32>} : memref<80x144xf32, #tpu.memory_space<vmem>>, vector<1x16xf32>,
      %parallel_loop3A_348 = arith.index_cast %parallel_loop3A_291 : i32 to index
      %parallel_loop3A_349 = arith.constant 48 : index
      %parallel_loop3A_350 = tpu.vector_load %arg11[%parallel_loop3A_348, %parallel_loop3A_349] {strides = array<i32>} : memref<80x144xf32, #tpu.memory_space<vmem>>, vector<1x16xf32>,
      %parallel_loop3A_351 = vector.shape_cast %parallel_loop3A_350 : vector<1x16xf32> to vector<16xf32>
      %parallel_loop3A_352 = vector.extract_strided_slice %parallel_loop3A_308 {offsets = [3], sizes = [1], strides = [1]} : vector<16xf32> to vector<1xf32>
      %parallel_loop3A_353 = vector.extract %parallel_loop3A_352[0] : f32 from vector<1xf32>
      %parallel_loop3A_354 = vector.broadcast %parallel_loop3A_353 : f32 to vector<16xf32>
      %parallel_loop3A_355 = arith.mulf %parallel_loop3A_351, %parallel_loop3A_354 : vector<16xf32>
      %parallel_loop3A_356 = arith.index_cast %parallel_loop3A_291 : i32 to index
      %parallel_loop3A_357 = arith.constant 48 : index
      %parallel_loop3A_358 = tpu.vector_load %arg11[%parallel_loop3A_356, %parallel_loop3A_357] {strides = array<i32>} : memref<80x144xf32, #tpu.memory_space<vmem>>, vector<1x16xf32>,
      %parallel_loop3A_359 = vector.shape_cast %parallel_loop3A_358 : vector<1x16xf32> to vector<16xf32>
      %parallel_loop3A_360 = vector.shape_cast %parallel_loop3A_355 : vector<16xf32> to vector<1x16xf32>
      tpu.vector_store %arg11[%parallel_loop3A_356, %parallel_loop3A_357], %parallel_loop3A_360 {strides = array<i32>} : memref<80x144xf32, #tpu.memory_space<vmem>>, vector<1x16xf32>,
      %parallel_loop3A_361 = arith.index_cast %parallel_loop3A_291 : i32 to index
      %parallel_loop3A_362 = arith.constant 64 : index
      %parallel_loop3A_363 = tpu.vector_load %arg11[%parallel_loop3A_361, %parallel_loop3A_362] {strides = array<i32>} : memref<80x144xf32, #tpu.memory_space<vmem>>, vector<1x16xf32>,
      %parallel_loop3A_364 = vector.shape_cast %parallel_loop3A_363 : vector<1x16xf32> to vector<16xf32>
      %parallel_loop3A_365 = vector.extract_strided_slice %parallel_loop3A_308 {offsets = [4], sizes = [1], strides = [1]} : vector<16xf32> to vector<1xf32>
      %parallel_loop3A_366 = vector.extract %parallel_loop3A_365[0] : f32 from vector<1xf32>
      %parallel_loop3A_367 = vector.broadcast %parallel_loop3A_366 : f32 to vector<16xf32>
      %parallel_loop3A_368 = arith.mulf %parallel_loop3A_364, %parallel_loop3A_367 : vector<16xf32>
      %parallel_loop3A_369 = arith.index_cast %parallel_loop3A_291 : i32 to index
      %parallel_loop3A_370 = arith.constant 64 : index
      %parallel_loop3A_371 = tpu.vector_load %arg11[%parallel_loop3A_369, %parallel_loop3A_370] {strides = array<i32>} : memref<80x144xf32, #tpu.memory_space<vmem>>, vector<1x16xf32>,
      %parallel_loop3A_372 = vector.shape_cast %parallel_loop3A_371 : vector<1x16xf32> to vector<16xf32>
      %parallel_loop3A_373 = vector.shape_cast %parallel_loop3A_368 : vector<16xf32> to vector<1x16xf32>
      tpu.vector_store %arg11[%parallel_loop3A_369, %parallel_loop3A_370], %parallel_loop3A_373 {strides = array<i32>} : memref<80x144xf32, #tpu.memory_space<vmem>>, vector<1x16xf32>,
      %parallel_loop3A_374 = arith.index_cast %parallel_loop3A_291 : i32 to index
      %parallel_loop3A_375 = arith.constant 80 : index
      %parallel_loop3A_376 = tpu.vector_load %arg11[%parallel_loop3A_374, %parallel_loop3A_375] {strides = array<i32>} : memref<80x144xf32, #tpu.memory_space<vmem>>, vector<1x16xf32>,
      %parallel_loop3A_377 = vector.shape_cast %parallel_loop3A_376 : vector<1x16xf32> to vector<16xf32>
      %parallel_loop3A_378 = vector.extract_strided_slice %parallel_loop3A_308 {offsets = [5], sizes = [1], strides = [1]} : vector<16xf32> to vector<1xf32>
      %parallel_loop3A_379 = vector.extract %parallel_loop3A_378[0] : f32 from vector<1xf32>
      %parallel_loop3A_380 = vector.broadcast %parallel_loop3A_379 : f32 to vector<16xf32>
      %parallel_loop3A_381 = arith.mulf %parallel_loop3A_377, %parallel_loop3A_380 : vector<16xf32>
      %parallel_loop3A_382 = arith.index_cast %parallel_loop3A_291 : i32 to index
      %parallel_loop3A_383 = arith.constant 80 : index
      %parallel_loop3A_384 = tpu.vector_load %arg11[%parallel_loop3A_382, %parallel_loop3A_383] {strides = array<i32>} : memref<80x144xf32, #tpu.memory_space<vmem>>, vector<1x16xf32>,
      %parallel_loop3A_385 = vector.shape_cast %parallel_loop3A_384 : vector<1x16xf32> to vector<16xf32>
      %parallel_loop3A_386 = vector.shape_cast %parallel_loop3A_381 : vector<16xf32> to vector<1x16xf32>
      tpu.vector_store %arg11[%parallel_loop3A_382, %parallel_loop3A_383], %parallel_loop3A_386 {strides = array<i32>} : memref<80x144xf32, #tpu.memory_space<vmem>>, vector<1x16xf32>,
      %parallel_loop3A_387 = arith.index_cast %parallel_loop3A_291 : i32 to index
      %parallel_loop3A_388 = arith.constant 96 : index
      %parallel_loop3A_389 = tpu.vector_load %arg11[%parallel_loop3A_387, %parallel_loop3A_388] {strides = array<i32>} : memref<80x144xf32, #tpu.memory_space<vmem>>, vector<1x16xf32>,
      %parallel_loop3A_390 = vector.shape_cast %parallel_loop3A_389 : vector<1x16xf32> to vector<16xf32>
      %parallel_loop3A_391 = vector.extract_strided_slice %parallel_loop3A_308 {offsets = [6], sizes = [1], strides = [1]} : vector<16xf32> to vector<1xf32>
      %parallel_loop3A_392 = vector.extract %parallel_loop3A_391[0] : f32 from vector<1xf32>
      %parallel_loop3A_393 = vector.broadcast %parallel_loop3A_392 : f32 to vector<16xf32>
      %parallel_loop3A_394 = arith.mulf %parallel_loop3A_390, %parallel_loop3A_393 : vector<16xf32>
      %parallel_loop3A_395 = arith.index_cast %parallel_loop3A_291 : i32 to index
      %parallel_loop3A_396 = arith.constant 96 : index
      %parallel_loop3A_397 = tpu.vector_load %arg11[%parallel_loop3A_395, %parallel_loop3A_396] {strides = array<i32>} : memref<80x144xf32, #tpu.memory_space<vmem>>, vector<1x16xf32>,
      %parallel_loop3A_398 = vector.shape_cast %parallel_loop3A_397 : vector<1x16xf32> to vector<16xf32>
      %parallel_loop3A_399 = vector.shape_cast %parallel_loop3A_394 : vector<16xf32> to vector<1x16xf32>
      tpu.vector_store %arg11[%parallel_loop3A_395, %parallel_loop3A_396], %parallel_loop3A_399 {strides = array<i32>} : memref<80x144xf32, #tpu.memory_space<vmem>>, vector<1x16xf32>,
      %parallel_loop3A_400 = arith.index_cast %parallel_loop3A_291 : i32 to index
      %parallel_loop3A_401 = arith.constant 112 : index
      %parallel_loop3A_402 = tpu.vector_load %arg11[%parallel_loop3A_400, %parallel_loop3A_401] {strides = array<i32>} : memref<80x144xf32, #tpu.memory_space<vmem>>, vector<1x16xf32>,
      %parallel_loop3A_403 = vector.shape_cast %parallel_loop3A_402 : vector<1x16xf32> to vector<16xf32>
      %parallel_loop3A_404 = vector.extract_strided_slice %parallel_loop3A_308 {offsets = [7], sizes = [1], strides = [1]} : vector<16xf32> to vector<1xf32>
      %parallel_loop3A_405 = vector.extract %parallel_loop3A_404[0] : f32 from vector<1xf32>
      %parallel_loop3A_406 = vector.broadcast %parallel_loop3A_405 : f32 to vector<16xf32>
      %parallel_loop3A_407 = arith.mulf %parallel_loop3A_403, %parallel_loop3A_406 : vector<16xf32>
      %parallel_loop3A_408 = arith.index_cast %parallel_loop3A_291 : i32 to index
      %parallel_loop3A_409 = arith.constant 112 : index
      %parallel_loop3A_410 = tpu.vector_load %arg11[%parallel_loop3A_408, %parallel_loop3A_409] {strides = array<i32>} : memref<80x144xf32, #tpu.memory_space<vmem>>, vector<1x16xf32>,
      %parallel_loop3A_411 = vector.shape_cast %parallel_loop3A_410 : vector<1x16xf32> to vector<16xf32>
      %parallel_loop3A_412 = vector.shape_cast %parallel_loop3A_407 : vector<16xf32> to vector<1x16xf32>
      tpu.vector_store %arg11[%parallel_loop3A_408, %parallel_loop3A_409], %parallel_loop3A_412 {strides = array<i32>} : memref<80x144xf32, #tpu.memory_space<vmem>>, vector<1x16xf32>,
      %parallel_loop3A_413 = arith.index_cast %parallel_loop3A_291 : i32 to index
      %parallel_loop3A_414 = arith.constant 128 : index
      %parallel_loop3A_415 = tpu.vector_load %arg11[%parallel_loop3A_413, %parallel_loop3A_414] {strides = array<i32>} : memref<80x144xf32, #tpu.memory_space<vmem>>, vector<1x16xf32>,
      %parallel_loop3A_416 = vector.shape_cast %parallel_loop3A_415 : vector<1x16xf32> to vector<16xf32>
      %parallel_loop3A_417 = vector.shape_cast %parallel_loop3A_308 : vector<16xf32> to vector<1x16xf32>
      tpu.vector_store %arg11[%parallel_loop3A_413, %parallel_loop3A_414], %parallel_loop3A_417 {strides = array<i32>} : memref<80x144xf32, #tpu.memory_space<vmem>>, vector<1x16xf32>,
    } {sc.loop_unroll_factor = 4 : i64, sc.parallel_access}
    %dma_start3A_224 = arith.constant 1 : i32
    %dma_start3A_225 = arith.constant 1 : i32
    %dma_start3A_226 = arith.constant 0 : i32
    %dma_start3A_227 = tpu.memref_slice %arg7[%dma_start3A_224, %dma_start3A_225, %dma_start3A_226] : memref<4x2x80xi32, #tpu.memory_space<vmem>> -> memref<1x1x80xi32, #tpu.memory_space<vmem>>
    %dma_start3A_228 = tpu.memref_squeeze %dma_start3A_227 : memref<1x1x80xi32, #tpu.memory_space<vmem>> -> memref<80xi32, #tpu.memory_space<vmem>>
    %dma_start3A_229 = arith.constant 0 : i32
    %dma_start3A_230 = arith.constant 0 : i32
    %dma_start3A_231 = tpu.memref_slice %arg18[%dma_start3A_229, %dma_start3A_230] : memref<10000x144xf32, #tpu.memory_space<vmem_shared>> -> memref<10000x144xf32, #tpu.memory_space<vmem_shared>>
    tpu.enqueue_indirect_dma source(%arg11 : memref<80x144xf32, #tpu.memory_space<vmem>>) target(%dma_start3A_231 : memref<10000x144xf32, #tpu.memory_space<vmem_shared>>) offsets(%dma_start3A_228 : memref<80xi32, #tpu.memory_space<vmem>>) semaphore(%arg17 : memref<!tpu.dma_semaphore, #tpu.memory_space<semaphore_mem>>) {add = true}
    %scan3A = arith.constant 0 : i32
    %scan3A_232 = arith.constant 1 : i32
    %scan3A_233 = arith.constant 61 : i32
    %scan3A_234 = arith.addi %scan3A_232, %scan3A_233 : i32
    %scan3A_235 = arith.constant 1 : i32
    scf.for %scan3A_291 = %scan3A_232 to %scan3A_234 step %scan3A_235  : i32 {
      %mul3A_292 = arith.constant 2 : i32
      %mul3A_293 = arith.muli %mul3A_292, %scan3A_291 : i32
      %dma_wait3A_294 = arith.constant 0 : i32
      %dma_wait3A_295 = arith.constant 0 : i32
      %dma_wait3A_296 = tpu.memref_slice %arg3[%dma_wait3A_294, %dma_wait3A_295] : memref<10000x144xf32, #tpu.memory_space<hbm>> -> memref<80x144xf32, #tpu.memory_space<hbm>>
      %dma_wait3A_297 = arith.constant 0 : i32
      %dma_wait3A_298 = arith.constant 0 : i32
      %dma_wait3A_299 = tpu.memref_slice %arg3[%dma_wait3A_297, %dma_wait3A_298] : memref<10000x144xf32, #tpu.memory_space<hbm>> -> memref<80x144xf32, #tpu.memory_space<hbm>>
      tpu.wait_dma2 semaphore(%arg14 : memref<!tpu.dma_semaphore, #tpu.memory_space<semaphore_mem>>) src(%dma_wait3A_299 : memref<80x144xf32, #tpu.memory_space<hbm>>) dst(%arg10 : memref<80x144xf32, #tpu.memory_space<vmem>>)
      %dma_wait3A_300 = arith.constant 0 : i32
      %dma_wait3A_301 = arith.constant 0 : i32
      %dma_wait3A_302 = tpu.memref_slice %arg4[%dma_wait3A_300, %dma_wait3A_301] : memref<10000x16xf32, #tpu.memory_space<hbm>> -> memref<80x16xf32, #tpu.memory_space<hbm>>
      %dma_wait3A_303 = arith.constant 0 : i32
      %dma_wait3A_304 = arith.constant 0 : i32
      %dma_wait3A_305 = tpu.memref_slice %arg4[%dma_wait3A_303, %dma_wait3A_304] : memref<10000x16xf32, #tpu.memory_space<hbm>> -> memref<80x16xf32, #tpu.memory_space<hbm>>
      tpu.wait_dma2 semaphore(%arg14 : memref<!tpu.dma_semaphore, #tpu.memory_space<semaphore_mem>>) src(%dma_wait3A_305 : memref<80x16xf32, #tpu.memory_space<hbm>>) dst(%arg8 : memref<80x16xf32, #tpu.memory_space<vmem>>)
      %dma_wait3A_306 = arith.constant 0 : i32
      %dma_wait3A_307 = arith.constant 0 : i32
      %dma_wait3A_308 = tpu.memref_slice %arg5[%dma_wait3A_306, %dma_wait3A_307] : memref<10000x144xf32, #tpu.memory_space<hbm>> -> memref<80x144xf32, #tpu.memory_space<hbm>>
      %dma_wait3A_309 = arith.constant 0 : i32
      %dma_wait3A_310 = arith.constant 0 : i32
      %dma_wait3A_311 = tpu.memref_slice %arg5[%dma_wait3A_309, %dma_wait3A_310] : memref<10000x144xf32, #tpu.memory_space<hbm>> -> memref<80x144xf32, #tpu.memory_space<hbm>>
      tpu.wait_dma2 semaphore(%arg17 : memref<!tpu.dma_semaphore, #tpu.memory_space<semaphore_mem>>) src(%dma_wait3A_311 : memref<80x144xf32, #tpu.memory_space<hbm>>) dst(%arg11 : memref<80x144xf32, #tpu.memory_space<vmem>>)
      %dma_wait3A_312 = arith.constant 0 : i32
      %dma_wait3A_313 = arith.constant 0 : i32
      %dma_wait3A_314 = arith.constant 0 : i32
      %dma_wait3A_315 = arith.constant 0 : i32
      %dma_wait3A_316 = tpu.memref_slice %arg7[%dma_wait3A_313, %dma_wait3A_314, %dma_wait3A_315] : memref<4x2x80xi32, #tpu.memory_space<vmem>> -> memref<1x2x80xi32, #tpu.memory_space<vmem>>
      %dma_wait3A_317 = tpu.memref_squeeze %dma_wait3A_316 : memref<1x2x80xi32, #tpu.memory_space<vmem>> -> memref<2x80xi32, #tpu.memory_space<vmem>>
      %dma_wait3A_318 = arith.constant 0 : i32
      %dma_wait3A_319 = arith.constant 0 : i32
      %dma_wait3A_320 = tpu.memref_slice %arg2[%dma_wait3A_312, %dma_wait3A_318, %dma_wait3A_319] : memref<4008x2x80xi32, #tpu.memory_space<hbm>> -> memref<1x2x80xi32, #tpu.memory_space<hbm>>
      %dma_wait3A_321 = tpu.memref_squeeze %dma_wait3A_320 : memref<1x2x80xi32, #tpu.memory_space<hbm>> -> memref<2x80xi32, #tpu.memory_space<hbm>>
      %dma_wait3A_322 = arith.constant 0 : i32
      %dma_wait3A_323 = arith.constant 0 : i32
      %dma_wait3A_324 = tpu.memref_slice %arg7[%dma_wait3A_313, %dma_wait3A_322, %dma_wait3A_323] : memref<4x2x80xi32, #tpu.memory_space<vmem>> -> memref<1x2x80xi32, #tpu.memory_space<vmem>>
      %dma_wait3A_325 = tpu.memref_squeeze %dma_wait3A_324 : memref<1x2x80xi32, #tpu.memory_space<vmem>> -> memref<2x80xi32, #tpu.memory_space<vmem>>
      %dma_wait3A_326 = arith.constant 0 : i32
      %dma_wait3A_327 = arith.constant 0 : i32
      %dma_wait3A_328 = tpu.memref_slice %arg2[%dma_wait3A_312, %dma_wait3A_326, %dma_wait3A_327] : memref<4008x2x80xi32, #tpu.memory_space<hbm>> -> memref<1x2x80xi32, #tpu.memory_space<hbm>>
      %dma_wait3A_329 = tpu.memref_squeeze %dma_wait3A_328 : memref<1x2x80xi32, #tpu.memory_space<hbm>> -> memref<2x80xi32, #tpu.memory_space<hbm>>
      tpu.wait_dma2 semaphore(%arg13 : memref<!tpu.dma_semaphore, #tpu.memory_space<semaphore_mem>>) src(%dma_wait3A_329 : memref<2x80xi32, #tpu.memory_space<hbm>>) dst(%dma_wait3A_325 : memref<2x80xi32, #tpu.memory_space<vmem>>)
      %add3A_330 = arith.constant 1 : i32
      %add3A_331 = arith.addi %mul3A_293, %add3A_330 : i32
      %jit3A = arith.constant 4 : i32
      %eq3A = arith.constant 0 : i32
      %eq3A_332 = arith.cmpi eq, %jit3A, %eq3A : i32
      %jit3A_333 = arith.constant 1 : i32
      %select_n3A = arith.select %eq3A_332, %jit3A_333, %jit3A : i32
      %rem3A = arith.remsi %add3A_331, %select_n3A : i32
      %ne3A = arith.constant 0 : i32
      %ne3A_334 = arith.cmpi ne, %rem3A, %ne3A : i32
      %lt3A = arith.constant 0 : i32
      %lt3A_335 = arith.cmpi slt, %rem3A, %lt3A : i32
      %lt3A_336 = arith.constant 0 : i32
      %lt3A_337 = arith.cmpi slt, %select_n3A, %lt3A_336 : i32
      %ne3A_338 = arith.xori %lt3A_335, %lt3A_337 : i1
      %and3A = arith.andi %ne3A_338, %ne3A_334 : i1
      %add3A_339 = arith.addi %rem3A, %select_n3A : i32
      %select_n3A_340 = arith.select %and3A, %add3A_339, %rem3A : i32
      %jit3A_341 = arith.constant 4 : i32
      %eq3A_342 = arith.constant 0 : i32
      %eq3A_343 = arith.cmpi eq, %jit3A_341, %eq3A_342 : i32
      %jit3A_344 = arith.constant 1 : i32
      %select_n3A_345 = arith.select %eq3A_343, %jit3A_344, %jit3A_341 : i32
      %rem3A_346 = arith.remsi %add3A_331, %select_n3A_345 : i32
      %ne3A_347 = arith.constant 0 : i32
      %ne3A_348 = arith.cmpi ne, %rem3A_346, %ne3A_347 : i32
      %lt3A_349 = arith.constant 0 : i32
      %lt3A_350 = arith.cmpi slt, %rem3A_346, %lt3A_349 : i32
      %lt3A_351 = arith.constant 0 : i32
      %lt3A_352 = arith.cmpi slt, %select_n3A_345, %lt3A_351 : i32
      %ne3A_353 = arith.xori %lt3A_350, %lt3A_352 : i1
      %and3A_354 = arith.andi %ne3A_353, %ne3A_348 : i1
      %add3A_355 = arith.addi %rem3A_346, %select_n3A_345 : i32
      %select_n3A_356 = arith.select %and3A_354, %add3A_355, %rem3A_346 : i32
      %dma_start3A_357 = arith.constant 0 : i32
      %dma_start3A_358 = arith.constant 0 : i32
      %dma_start3A_359 = tpu.memref_slice %arg7[%select_n3A_340, %dma_start3A_357, %dma_start3A_358] : memref<4x2x80xi32, #tpu.memory_space<vmem>> -> memref<1x1x80xi32, #tpu.memory_space<vmem>>
      %dma_start3A_360 = tpu.memref_squeeze %dma_start3A_359 : memref<1x1x80xi32, #tpu.memory_space<vmem>> -> memref<80xi32, #tpu.memory_space<vmem>>
      %dma_start3A_361 = arith.constant 0 : i32
      %dma_start3A_362 = arith.constant 0 : i32
      %dma_start3A_363 = tpu.memref_slice %arg3[%dma_start3A_361, %dma_start3A_362] : memref<10000x144xf32, #tpu.memory_space<hbm>> -> memref<10000x144xf32, #tpu.memory_space<hbm>>
      tpu.enqueue_indirect_dma source(%dma_start3A_363 : memref<10000x144xf32, #tpu.memory_space<hbm>>) target(%arg11 : memref<80x144xf32, #tpu.memory_space<vmem>>) offsets(%dma_start3A_360 : memref<80xi32, #tpu.memory_space<vmem>>) semaphore(%arg15 : memref<!tpu.dma_semaphore, #tpu.memory_space<semaphore_mem>>)
      %dma_start3A_364 = arith.constant 1 : i32
      %dma_start3A_365 = arith.constant 0 : i32
      %dma_start3A_366 = tpu.memref_slice %arg7[%select_n3A_356, %dma_start3A_364, %dma_start3A_365] : memref<4x2x80xi32, #tpu.memory_space<vmem>> -> memref<1x1x80xi32, #tpu.memory_space<vmem>>
      %dma_start3A_367 = tpu.memref_squeeze %dma_start3A_366 : memref<1x1x80xi32, #tpu.memory_space<vmem>> -> memref<80xi32, #tpu.memory_space<vmem>>
      %dma_start3A_368 = arith.constant 0 : i32
      %dma_start3A_369 = arith.constant 0 : i32
      %dma_start3A_370 = tpu.memref_slice %arg4[%dma_start3A_368, %dma_start3A_369] : memref<10000x16xf32, #tpu.memory_space<hbm>> -> memref<10000x16xf32, #tpu.memory_space<hbm>>
      tpu.enqueue_indirect_dma source(%dma_start3A_370 : memref<10000x16xf32, #tpu.memory_space<hbm>>) target(%arg9 : memref<80x16xf32, #tpu.memory_space<vmem>>) offsets(%dma_start3A_367 : memref<80xi32, #tpu.memory_space<vmem>>) semaphore(%arg15 : memref<!tpu.dma_semaphore, #tpu.memory_space<semaphore_mem>>)
      %add3A_371 = arith.constant 2 : i32
      %add3A_372 = arith.addi %mul3A_293, %add3A_371 : i32
      %add3A_373 = arith.addi %mul3A_4, %add3A_372 : i32
      %jit3A_374 = arith.constant 4 : i32
      %eq3A_375 = arith.constant 0 : i32
      %eq3A_376 = arith.cmpi eq, %jit3A_374, %eq3A_375 : i32
      %jit3A_377 = arith.constant 1 : i32
      %select_n3A_378 = arith.select %eq3A_376, %jit3A_377, %jit3A_374 : i32
      %rem3A_379 = arith.remsi %add3A_372, %select_n3A_378 : i32
      %ne3A_380 = arith.constant 0 : i32
      %ne3A_381 = arith.cmpi ne, %rem3A_379, %ne3A_380 : i32
      %lt3A_382 = arith.constant 0 : i32
      %lt3A_383 = arith.cmpi slt, %rem3A_379, %lt3A_382 : i32
      %lt3A_384 = arith.constant 0 : i32
      %lt3A_385 = arith.cmpi slt, %select_n3A_378, %lt3A_384 : i32
      %ne3A_386 = arith.xori %lt3A_383, %lt3A_385 : i1
      %and3A_387 = arith.andi %ne3A_386, %ne3A_381 : i1
      %add3A_388 = arith.addi %rem3A_379, %select_n3A_378 : i32
      %select_n3A_389 = arith.select %and3A_387, %add3A_388, %rem3A_379 : i32
      %dma_start3A_390 = arith.constant 0 : i32
      %dma_start3A_391 = arith.constant 0 : i32
      %dma_start3A_392 = tpu.memref_slice %arg7[%select_n3A_389, %dma_start3A_390, %dma_start3A_391] : memref<4x2x80xi32, #tpu.memory_space<vmem>> -> memref<1x2x80xi32, #tpu.memory_space<vmem>>
      %dma_start3A_393 = tpu.memref_squeeze %dma_start3A_392 : memref<1x2x80xi32, #tpu.memory_space<vmem>> -> memref<2x80xi32, #tpu.memory_space<vmem>>
      %dma_start3A_394 = arith.constant 0 : i32
      %dma_start3A_395 = arith.constant 0 : i32
      %dma_start3A_396 = tpu.memref_slice %arg2[%add3A_373, %dma_start3A_394, %dma_start3A_395] : memref<4008x2x80xi32, #tpu.memory_space<hbm>> -> memref<1x2x80xi32, #tpu.memory_space<hbm>>
      %dma_start3A_397 = tpu.memref_squeeze %dma_start3A_396 : memref<1x2x80xi32, #tpu.memory_space<hbm>> -> memref<2x80xi32, #tpu.memory_space<hbm>>
      %dma_start3A_398 = arith.constant 0 : i32
      %dma_start3A_399 = arith.constant 0 : i32
      %dma_start3A_400 = tpu.memref_slice %arg7[%select_n3A_389, %dma_start3A_398, %dma_start3A_399] : memref<4x2x80xi32, #tpu.memory_space<vmem>> -> memref<1x2x80xi32, #tpu.memory_space<vmem>>
      %dma_start3A_401 = tpu.memref_squeeze %dma_start3A_400 : memref<1x2x80xi32, #tpu.memory_space<vmem>> -> memref<2x80xi32, #tpu.memory_space<vmem>>
      %dma_start3A_402 = arith.constant 0 : i32
      %dma_start3A_403 = arith.constant 0 : i32
      %dma_start3A_404 = tpu.memref_slice %arg2[%add3A_373, %dma_start3A_402, %dma_start3A_403] : memref<4008x2x80xi32, #tpu.memory_space<hbm>> -> memref<1x2x80xi32, #tpu.memory_space<hbm>>
      %dma_start3A_405 = tpu.memref_squeeze %dma_start3A_404 : memref<1x2x80xi32, #tpu.memory_space<hbm>> -> memref<2x80xi32, #tpu.memory_space<hbm>>
      tpu.enqueue_dma source(%dma_start3A_405 : memref<2x80xi32, #tpu.memory_space<hbm>>) target(%dma_start3A_401 : memref<2x80xi32, #tpu.memory_space<vmem>>) target_semaphore(%arg12 : memref<!tpu.dma_semaphore, #tpu.memory_space<semaphore_mem>>)
      %parallel_loop3A_406 = arith.constant 0 : i32
      %parallel_loop3A_407 = arith.constant 80 : i32
      %parallel_loop3A_408 = arith.constant 1 : i32
      scf.for %parallel_loop3A_579 = %parallel_loop3A_406 to %parallel_loop3A_407 step %parallel_loop3A_408  : i32 {
        %parallel_loop3A_580 = arith.index_cast %parallel_loop3A_579 : i32 to index
        %parallel_loop3A_581 = arith.constant 128 : index
        %parallel_loop3A_582 = tpu.vector_load %arg10[%parallel_loop3A_580, %parallel_loop3A_581] {strides = array<i32>} : memref<80x144xf32, #tpu.memory_space<vmem>>, vector<1x16xf32>,
        %parallel_loop3A_583 = vector.shape_cast %parallel_loop3A_582 : vector<1x16xf32> to vector<16xf32>
        %parallel_loop3A_584 = arith.index_cast %parallel_loop3A_579 : i32 to index
        %parallel_loop3A_585 = arith.constant 0 : index
        %parallel_loop3A_586 = tpu.vector_load %arg8[%parallel_loop3A_584, %parallel_loop3A_585] {strides = array<i32>} : memref<80x16xf32, #tpu.memory_space<vmem>>, vector<1x16xf32>,
        %parallel_loop3A_587 = vector.shape_cast %parallel_loop3A_586 : vector<1x16xf32> to vector<16xf32>
        %parallel_loop3A_588 = arith.addf %parallel_loop3A_583, %parallel_loop3A_587 : vector<16xf32>
        %parallel_loop3A_589 = arith.constant 0.000000e+00 : f32
        %parallel_loop3A_590 = vector.broadcast %parallel_loop3A_589 : f32 to vector<16xf32>
        %parallel_loop3A_591 = arith.cmpf ogt, %parallel_loop3A_588, %parallel_loop3A_590 : vector<16xf32>
        %parallel_loop3A_592 = arith.constant 2.000000e-01 : f32
        %parallel_loop3A_593 = vector.broadcast %parallel_loop3A_592 : f32 to vector<16xf32>
        %parallel_loop3A_594 = arith.mulf %parallel_loop3A_593, %parallel_loop3A_588 : vector<16xf32>
        %parallel_loop3A_595 = arith.select %parallel_loop3A_591, %parallel_loop3A_588, %parallel_loop3A_594 : vector<16xi1>, vector<16xf32>
        %parallel_loop3A_596 = math.exp %parallel_loop3A_595 : vector<16xf32>
        %parallel_loop3A_597 = arith.index_cast %parallel_loop3A_579 : i32 to index
        %parallel_loop3A_598 = arith.constant 0 : index
        %parallel_loop3A_599 = tpu.vector_load %arg10[%parallel_loop3A_597, %parallel_loop3A_598] {strides = array<i32>} : memref<80x144xf32, #tpu.memory_space<vmem>>, vector<1x16xf32>,
        %parallel_loop3A_600 = vector.shape_cast %parallel_loop3A_599 : vector<1x16xf32> to vector<16xf32>
        %parallel_loop3A_601 = vector.extract_strided_slice %parallel_loop3A_596 {offsets = [0], sizes = [1], strides = [1]} : vector<16xf32> to vector<1xf32>
        %parallel_loop3A_602 = vector.extract %parallel_loop3A_601[0] : f32 from vector<1xf32>
        %parallel_loop3A_603 = vector.broadcast %parallel_loop3A_602 : f32 to vector<16xf32>
        %parallel_loop3A_604 = arith.mulf %parallel_loop3A_600, %parallel_loop3A_603 : vector<16xf32>
        %parallel_loop3A_605 = arith.index_cast %parallel_loop3A_579 : i32 to index
        %parallel_loop3A_606 = arith.constant 0 : index
        %parallel_loop3A_607 = tpu.vector_load %arg10[%parallel_loop3A_605, %parallel_loop3A_606] {strides = array<i32>} : memref<80x144xf32, #tpu.memory_space<vmem>>, vector<1x16xf32>,
        %parallel_loop3A_608 = vector.shape_cast %parallel_loop3A_607 : vector<1x16xf32> to vector<16xf32>
        %parallel_loop3A_609 = vector.shape_cast %parallel_loop3A_604 : vector<16xf32> to vector<1x16xf32>
        tpu.vector_store %arg10[%parallel_loop3A_605, %parallel_loop3A_606], %parallel_loop3A_609 {strides = array<i32>} : memref<80x144xf32, #tpu.memory_space<vmem>>, vector<1x16xf32>,
        %parallel_loop3A_610 = arith.index_cast %parallel_loop3A_579 : i32 to index
        %parallel_loop3A_611 = arith.constant 16 : index
        %parallel_loop3A_612 = tpu.vector_load %arg10[%parallel_loop3A_610, %parallel_loop3A_611] {strides = array<i32>} : memref<80x144xf32, #tpu.memory_space<vmem>>, vector<1x16xf32>,
        %parallel_loop3A_613 = vector.shape_cast %parallel_loop3A_612 : vector<1x16xf32> to vector<16xf32>
        %parallel_loop3A_614 = vector.extract_strided_slice %parallel_loop3A_596 {offsets = [1], sizes = [1], strides = [1]} : vector<16xf32> to vector<1xf32>
        %parallel_loop3A_615 = vector.extract %parallel_loop3A_614[0] : f32 from vector<1xf32>
        %parallel_loop3A_616 = vector.broadcast %parallel_loop3A_615 : f32 to vector<16xf32>
        %parallel_loop3A_617 = arith.mulf %parallel_loop3A_613, %parallel_loop3A_616 : vector<16xf32>
        %parallel_loop3A_618 = arith.index_cast %parallel_loop3A_579 : i32 to index
        %parallel_loop3A_619 = arith.constant 16 : index
        %parallel_loop3A_620 = tpu.vector_load %arg10[%parallel_loop3A_618, %parallel_loop3A_619] {strides = array<i32>} : memref<80x144xf32, #tpu.memory_space<vmem>>, vector<1x16xf32>,
        %parallel_loop3A_621 = vector.shape_cast %parallel_loop3A_620 : vector<1x16xf32> to vector<16xf32>
        %parallel_loop3A_622 = vector.shape_cast %parallel_loop3A_617 : vector<16xf32> to vector<1x16xf32>
        tpu.vector_store %arg10[%parallel_loop3A_618, %parallel_loop3A_619], %parallel_loop3A_622 {strides = array<i32>} : memref<80x144xf32, #tpu.memory_space<vmem>>, vector<1x16xf32>,
        %parallel_loop3A_623 = arith.index_cast %parallel_loop3A_579 : i32 to index
        %parallel_loop3A_624 = arith.constant 32 : index
        %parallel_loop3A_625 = tpu.vector_load %arg10[%parallel_loop3A_623, %parallel_loop3A_624] {strides = array<i32>} : memref<80x144xf32, #tpu.memory_space<vmem>>, vector<1x16xf32>,
        %parallel_loop3A_626 = vector.shape_cast %parallel_loop3A_625 : vector<1x16xf32> to vector<16xf32>
        %parallel_loop3A_627 = vector.extract_strided_slice %parallel_loop3A_596 {offsets = [2], sizes = [1], strides = [1]} : vector<16xf32> to vector<1xf32>
        %parallel_loop3A_628 = vector.extract %parallel_loop3A_627[0] : f32 from vector<1xf32>
        %parallel_loop3A_629 = vector.broadcast %parallel_loop3A_628 : f32 to vector<16xf32>
        %parallel_loop3A_630 = arith.mulf %parallel_loop3A_626, %parallel_loop3A_629 : vector<16xf32>
        %parallel_loop3A_631 = arith.index_cast %parallel_loop3A_579 : i32 to index
        %parallel_loop3A_632 = arith.constant 32 : index
        %parallel_loop3A_633 = tpu.vector_load %arg10[%parallel_loop3A_631, %parallel_loop3A_632] {strides = array<i32>} : memref<80x144xf32, #tpu.memory_space<vmem>>, vector<1x16xf32>,
        %parallel_loop3A_634 = vector.shape_cast %parallel_loop3A_633 : vector<1x16xf32> to vector<16xf32>
        %parallel_loop3A_635 = vector.shape_cast %parallel_loop3A_630 : vector<16xf32> to vector<1x16xf32>
        tpu.vector_store %arg10[%parallel_loop3A_631, %parallel_loop3A_632], %parallel_loop3A_635 {strides = array<i32>} : memref<80x144xf32, #tpu.memory_space<vmem>>, vector<1x16xf32>,
        %parallel_loop3A_636 = arith.index_cast %parallel_loop3A_579 : i32 to index
        %parallel_loop3A_637 = arith.constant 48 : index
        %parallel_loop3A_638 = tpu.vector_load %arg10[%parallel_loop3A_636, %parallel_loop3A_637] {strides = array<i32>} : memref<80x144xf32, #tpu.memory_space<vmem>>, vector<1x16xf32>,
        %parallel_loop3A_639 = vector.shape_cast %parallel_loop3A_638 : vector<1x16xf32> to vector<16xf32>
        %parallel_loop3A_640 = vector.extract_strided_slice %parallel_loop3A_596 {offsets = [3], sizes = [1], strides = [1]} : vector<16xf32> to vector<1xf32>
        %parallel_loop3A_641 = vector.extract %parallel_loop3A_640[0] : f32 from vector<1xf32>
        %parallel_loop3A_642 = vector.broadcast %parallel_loop3A_641 : f32 to vector<16xf32>
        %parallel_loop3A_643 = arith.mulf %parallel_loop3A_639, %parallel_loop3A_642 : vector<16xf32>
        %parallel_loop3A_644 = arith.index_cast %parallel_loop3A_579 : i32 to index
        %parallel_loop3A_645 = arith.constant 48 : index
        %parallel_loop3A_646 = tpu.vector_load %arg10[%parallel_loop3A_644, %parallel_loop3A_645] {strides = array<i32>} : memref<80x144xf32, #tpu.memory_space<vmem>>, vector<1x16xf32>,
        %parallel_loop3A_647 = vector.shape_cast %parallel_loop3A_646 : vector<1x16xf32> to vector<16xf32>
        %parallel_loop3A_648 = vector.shape_cast %parallel_loop3A_643 : vector<16xf32> to vector<1x16xf32>
        tpu.vector_store %arg10[%parallel_loop3A_644, %parallel_loop3A_645], %parallel_loop3A_648 {strides = array<i32>} : memref<80x144xf32, #tpu.memory_space<vmem>>, vector<1x16xf32>,
        %parallel_loop3A_649 = arith.index_cast %parallel_loop3A_579 : i32 to index
        %parallel_loop3A_650 = arith.constant 64 : index
        %parallel_loop3A_651 = tpu.vector_load %arg10[%parallel_loop3A_649, %parallel_loop3A_650] {strides = array<i32>} : memref<80x144xf32, #tpu.memory_space<vmem>>, vector<1x16xf32>,
        %parallel_loop3A_652 = vector.shape_cast %parallel_loop3A_651 : vector<1x16xf32> to vector<16xf32>
        %parallel_loop3A_653 = vector.extract_strided_slice %parallel_loop3A_596 {offsets = [4], sizes = [1], strides = [1]} : vector<16xf32> to vector<1xf32>
        %parallel_loop3A_654 = vector.extract %parallel_loop3A_653[0] : f32 from vector<1xf32>
        %parallel_loop3A_655 = vector.broadcast %parallel_loop3A_654 : f32 to vector<16xf32>
        %parallel_loop3A_656 = arith.mulf %parallel_loop3A_652, %parallel_loop3A_655 : vector<16xf32>
        %parallel_loop3A_657 = arith.index_cast %parallel_loop3A_579 : i32 to index
        %parallel_loop3A_658 = arith.constant 64 : index
        %parallel_loop3A_659 = tpu.vector_load %arg10[%parallel_loop3A_657, %parallel_loop3A_658] {strides = array<i32>} : memref<80x144xf32, #tpu.memory_space<vmem>>, vector<1x16xf32>,
        %parallel_loop3A_660 = vector.shape_cast %parallel_loop3A_659 : vector<1x16xf32> to vector<16xf32>
        %parallel_loop3A_661 = vector.shape_cast %parallel_loop3A_656 : vector<16xf32> to vector<1x16xf32>
        tpu.vector_store %arg10[%parallel_loop3A_657, %parallel_loop3A_658], %parallel_loop3A_661 {strides = array<i32>} : memref<80x144xf32, #tpu.memory_space<vmem>>, vector<1x16xf32>,
        %parallel_loop3A_662 = arith.index_cast %parallel_loop3A_579 : i32 to index
        %parallel_loop3A_663 = arith.constant 80 : index
        %parallel_loop3A_664 = tpu.vector_load %arg10[%parallel_loop3A_662, %parallel_loop3A_663] {strides = array<i32>} : memref<80x144xf32, #tpu.memory_space<vmem>>, vector<1x16xf32>,
        %parallel_loop3A_665 = vector.shape_cast %parallel_loop3A_664 : vector<1x16xf32> to vector<16xf32>
        %parallel_loop3A_666 = vector.extract_strided_slice %parallel_loop3A_596 {offsets = [5], sizes = [1], strides = [1]} : vector<16xf32> to vector<1xf32>
        %parallel_loop3A_667 = vector.extract %parallel_loop3A_666[0] : f32 from vector<1xf32>
        %parallel_loop3A_668 = vector.broadcast %parallel_loop3A_667 : f32 to vector<16xf32>
        %parallel_loop3A_669 = arith.mulf %parallel_loop3A_665, %parallel_loop3A_668 : vector<16xf32>
        %parallel_loop3A_670 = arith.index_cast %parallel_loop3A_579 : i32 to index
        %parallel_loop3A_671 = arith.constant 80 : index
        %parallel_loop3A_672 = tpu.vector_load %arg10[%parallel_loop3A_670, %parallel_loop3A_671] {strides = array<i32>} : memref<80x144xf32, #tpu.memory_space<vmem>>, vector<1x16xf32>,
        %parallel_loop3A_673 = vector.shape_cast %parallel_loop3A_672 : vector<1x16xf32> to vector<16xf32>
        %parallel_loop3A_674 = vector.shape_cast %parallel_loop3A_669 : vector<16xf32> to vector<1x16xf32>
        tpu.vector_store %arg10[%parallel_loop3A_670, %parallel_loop3A_671], %parallel_loop3A_674 {strides = array<i32>} : memref<80x144xf32, #tpu.memory_space<vmem>>, vector<1x16xf32>,
        %parallel_loop3A_675 = arith.index_cast %parallel_loop3A_579 : i32 to index
        %parallel_loop3A_676 = arith.constant 96 : index
        %parallel_loop3A_677 = tpu.vector_load %arg10[%parallel_loop3A_675, %parallel_loop3A_676] {strides = array<i32>} : memref<80x144xf32, #tpu.memory_space<vmem>>, vector<1x16xf32>,
        %parallel_loop3A_678 = vector.shape_cast %parallel_loop3A_677 : vector<1x16xf32> to vector<16xf32>
        %parallel_loop3A_679 = vector.extract_strided_slice %parallel_loop3A_596 {offsets = [6], sizes = [1], strides = [1]} : vector<16xf32> to vector<1xf32>
        %parallel_loop3A_680 = vector.extract %parallel_loop3A_679[0] : f32 from vector<1xf32>
        %parallel_loop3A_681 = vector.broadcast %parallel_loop3A_680 : f32 to vector<16xf32>
        %parallel_loop3A_682 = arith.mulf %parallel_loop3A_678, %parallel_loop3A_681 : vector<16xf32>
        %parallel_loop3A_683 = arith.index_cast %parallel_loop3A_579 : i32 to index
        %parallel_loop3A_684 = arith.constant 96 : index
        %parallel_loop3A_685 = tpu.vector_load %arg10[%parallel_loop3A_683, %parallel_loop3A_684] {strides = array<i32>} : memref<80x144xf32, #tpu.memory_space<vmem>>, vector<1x16xf32>,
        %parallel_loop3A_686 = vector.shape_cast %parallel_loop3A_685 : vector<1x16xf32> to vector<16xf32>
        %parallel_loop3A_687 = vector.shape_cast %parallel_loop3A_682 : vector<16xf32> to vector<1x16xf32>
        tpu.vector_store %arg10[%parallel_loop3A_683, %parallel_loop3A_684], %parallel_loop3A_687 {strides = array<i32>} : memref<80x144xf32, #tpu.memory_space<vmem>>, vector<1x16xf32>,
        %parallel_loop3A_688 = arith.index_cast %parallel_loop3A_579 : i32 to index
        %parallel_loop3A_689 = arith.constant 112 : index
        %parallel_loop3A_690 = tpu.vector_load %arg10[%parallel_loop3A_688, %parallel_loop3A_689] {strides = array<i32>} : memref<80x144xf32, #tpu.memory_space<vmem>>, vector<1x16xf32>,
        %parallel_loop3A_691 = vector.shape_cast %parallel_loop3A_690 : vector<1x16xf32> to vector<16xf32>
        %parallel_loop3A_692 = vector.extract_strided_slice %parallel_loop3A_596 {offsets = [7], sizes = [1], strides = [1]} : vector<16xf32> to vector<1xf32>
        %parallel_loop3A_693 = vector.extract %parallel_loop3A_692[0] : f32 from vector<1xf32>
        %parallel_loop3A_694 = vector.broadcast %parallel_loop3A_693 : f32 to vector<16xf32>
        %parallel_loop3A_695 = arith.mulf %parallel_loop3A_691, %parallel_loop3A_694 : vector<16xf32>
        %parallel_loop3A_696 = arith.index_cast %parallel_loop3A_579 : i32 to index
        %parallel_loop3A_697 = arith.constant 112 : index
        %parallel_loop3A_698 = tpu.vector_load %arg10[%parallel_loop3A_696, %parallel_loop3A_697] {strides = array<i32>} : memref<80x144xf32, #tpu.memory_space<vmem>>, vector<1x16xf32>,
        %parallel_loop3A_699 = vector.shape_cast %parallel_loop3A_698 : vector<1x16xf32> to vector<16xf32>
        %parallel_loop3A_700 = vector.shape_cast %parallel_loop3A_695 : vector<16xf32> to vector<1x16xf32>
        tpu.vector_store %arg10[%parallel_loop3A_696, %parallel_loop3A_697], %parallel_loop3A_700 {strides = array<i32>} : memref<80x144xf32, #tpu.memory_space<vmem>>, vector<1x16xf32>,
        %parallel_loop3A_701 = arith.index_cast %parallel_loop3A_579 : i32 to index
        %parallel_loop3A_702 = arith.constant 128 : index
        %parallel_loop3A_703 = tpu.vector_load %arg10[%parallel_loop3A_701, %parallel_loop3A_702] {strides = array<i32>} : memref<80x144xf32, #tpu.memory_space<vmem>>, vector<1x16xf32>,
        %parallel_loop3A_704 = vector.shape_cast %parallel_loop3A_703 : vector<1x16xf32> to vector<16xf32>
        %parallel_loop3A_705 = vector.shape_cast %parallel_loop3A_596 : vector<16xf32> to vector<1x16xf32>
        tpu.vector_store %arg10[%parallel_loop3A_701, %parallel_loop3A_702], %parallel_loop3A_705 {strides = array<i32>} : memref<80x144xf32, #tpu.memory_space<vmem>>, vector<1x16xf32>,
      } {sc.loop_unroll_factor = 4 : i64, sc.parallel_access}
      %jit3A_409 = arith.constant 4 : i32
      %eq3A_410 = arith.constant 0 : i32
      %eq3A_411 = arith.cmpi eq, %jit3A_409, %eq3A_410 : i32
      %jit3A_412 = arith.constant 1 : i32
      %select_n3A_413 = arith.select %eq3A_411, %jit3A_412, %jit3A_409 : i32
      %rem3A_414 = arith.remsi %mul3A_293, %select_n3A_413 : i32
      %ne3A_415 = arith.constant 0 : i32
      %ne3A_416 = arith.cmpi ne, %rem3A_414, %ne3A_415 : i32
      %lt3A_417 = arith.constant 0 : i32
      %lt3A_418 = arith.cmpi slt, %rem3A_414, %lt3A_417 : i32
      %lt3A_419 = arith.constant 0 : i32
      %lt3A_420 = arith.cmpi slt, %select_n3A_413, %lt3A_419 : i32
      %ne3A_421 = arith.xori %lt3A_418, %lt3A_420 : i1
      %and3A_422 = arith.andi %ne3A_421, %ne3A_416 : i1
      %add3A_423 = arith.addi %rem3A_414, %select_n3A_413 : i32
      %select_n3A_424 = arith.select %and3A_422, %add3A_423, %rem3A_414 : i32
      %dma_start3A_425 = arith.constant 1 : i32
      %dma_start3A_426 = arith.constant 0 : i32
      %dma_start3A_427 = tpu.memref_slice %arg7[%select_n3A_424, %dma_start3A_425, %dma_start3A_426] : memref<4x2x80xi32, #tpu.memory_space<vmem>> -> memref<1x1x80xi32, #tpu.memory_space<vmem>>
      %dma_start3A_428 = tpu.memref_squeeze %dma_start3A_427 : memref<1x1x80xi32, #tpu.memory_space<vmem>> -> memref<80xi32, #tpu.memory_space<vmem>>
      %dma_start3A_429 = arith.constant 0 : i32
      %dma_start3A_430 = arith.constant 0 : i32
      %dma_start3A_431 = tpu.memref_slice %arg18[%dma_start3A_429, %dma_start3A_430] : memref<10000x144xf32, #tpu.memory_space<vmem_shared>> -> memref<10000x144xf32, #tpu.memory_space<vmem_shared>>
      tpu.enqueue_indirect_dma source(%arg10 : memref<80x144xf32, #tpu.memory_space<vmem>>) target(%dma_start3A_431 : memref<10000x144xf32, #tpu.memory_space<vmem_shared>>) offsets(%dma_start3A_428 : memref<80xi32, #tpu.memory_space<vmem>>) semaphore(%arg16 : memref<!tpu.dma_semaphore, #tpu.memory_space<semaphore_mem>>) {add = true}
      %dma_wait3A_432 = arith.constant 0 : i32
      %dma_wait3A_433 = arith.constant 0 : i32
      %dma_wait3A_434 = tpu.memref_slice %arg3[%dma_wait3A_432, %dma_wait3A_433] : memref<10000x144xf32, #tpu.memory_space<hbm>> -> memref<80x144xf32, #tpu.memory_space<hbm>>
      %dma_wait3A_435 = arith.constant 0 : i32
      %dma_wait3A_436 = arith.constant 0 : i32
      %dma_wait3A_437 = tpu.memref_slice %arg3[%dma_wait3A_435, %dma_wait3A_436] : memref<10000x144xf32, #tpu.memory_space<hbm>> -> memref<80x144xf32, #tpu.memory_space<hbm>>
      tpu.wait_dma2 semaphore(%arg15 : memref<!tpu.dma_semaphore, #tpu.memory_space<semaphore_mem>>) src(%dma_wait3A_437 : memref<80x144xf32, #tpu.memory_space<hbm>>) dst(%arg11 : memref<80x144xf32, #tpu.memory_space<vmem>>)
      %dma_wait3A_438 = arith.constant 0 : i32
      %dma_wait3A_439 = arith.constant 0 : i32
      %dma_wait3A_440 = tpu.memref_slice %arg4[%dma_wait3A_438, %dma_wait3A_439] : memref<10000x16xf32, #tpu.memory_space<hbm>> -> memref<80x16xf32, #tpu.memory_space<hbm>>
      %dma_wait3A_441 = arith.constant 0 : i32
      %dma_wait3A_442 = arith.constant 0 : i32
      %dma_wait3A_443 = tpu.memref_slice %arg4[%dma_wait3A_441, %dma_wait3A_442] : memref<10000x16xf32, #tpu.memory_space<hbm>> -> memref<80x16xf32, #tpu.memory_space<hbm>>
      tpu.wait_dma2 semaphore(%arg15 : memref<!tpu.dma_semaphore, #tpu.memory_space<semaphore_mem>>) src(%dma_wait3A_443 : memref<80x16xf32, #tpu.memory_space<hbm>>) dst(%arg9 : memref<80x16xf32, #tpu.memory_space<vmem>>)
      %dma_wait3A_444 = arith.constant 0 : i32
      %dma_wait3A_445 = arith.constant 0 : i32
      %dma_wait3A_446 = tpu.memref_slice %arg5[%dma_wait3A_444, %dma_wait3A_445] : memref<10000x144xf32, #tpu.memory_space<hbm>> -> memref<80x144xf32, #tpu.memory_space<hbm>>
      %dma_wait3A_447 = arith.constant 0 : i32
      %dma_wait3A_448 = arith.constant 0 : i32
      %dma_wait3A_449 = tpu.memref_slice %arg5[%dma_wait3A_447, %dma_wait3A_448] : memref<10000x144xf32, #tpu.memory_space<hbm>> -> memref<80x144xf32, #tpu.memory_space<hbm>>
      tpu.wait_dma2 semaphore(%arg16 : memref<!tpu.dma_semaphore, #tpu.memory_space<semaphore_mem>>) src(%dma_wait3A_449 : memref<80x144xf32, #tpu.memory_space<hbm>>) dst(%arg10 : memref<80x144xf32, #tpu.memory_space<vmem>>)
      %dma_wait3A_450 = arith.constant 0 : i32
      %dma_wait3A_451 = arith.constant 0 : i32
      %dma_wait3A_452 = arith.constant 0 : i32
      %dma_wait3A_453 = arith.constant 0 : i32
      %dma_wait3A_454 = tpu.memref_slice %arg7[%dma_wait3A_451, %dma_wait3A_452, %dma_wait3A_453] : memref<4x2x80xi32, #tpu.memory_space<vmem>> -> memref<1x2x80xi32, #tpu.memory_space<vmem>>
      %dma_wait3A_455 = tpu.memref_squeeze %dma_wait3A_454 : memref<1x2x80xi32, #tpu.memory_space<vmem>> -> memref<2x80xi32, #tpu.memory_space<vmem>>
      %dma_wait3A_456 = arith.constant 0 : i32
      %dma_wait3A_457 = arith.constant 0 : i32
      %dma_wait3A_458 = tpu.memref_slice %arg2[%dma_wait3A_450, %dma_wait3A_456, %dma_wait3A_457] : memref<4008x2x80xi32, #tpu.memory_space<hbm>> -> memref<1x2x80xi32, #tpu.memory_space<hbm>>
      %dma_wait3A_459 = tpu.memref_squeeze %dma_wait3A_458 : memref<1x2x80xi32, #tpu.memory_space<hbm>> -> memref<2x80xi32, #tpu.memory_space<hbm>>
      %dma_wait3A_460 = arith.constant 0 : i32
      %dma_wait3A_461 = arith.constant 0 : i32
      %dma_wait3A_462 = tpu.memref_slice %arg7[%dma_wait3A_451, %dma_wait3A_460, %dma_wait3A_461] : memref<4x2x80xi32, #tpu.memory_space<vmem>> -> memref<1x2x80xi32, #tpu.memory_space<vmem>>
      %dma_wait3A_463 = tpu.memref_squeeze %dma_wait3A_462 : memref<1x2x80xi32, #tpu.memory_space<vmem>> -> memref<2x80xi32, #tpu.memory_space<vmem>>
      %dma_wait3A_464 = arith.constant 0 : i32
      %dma_wait3A_465 = arith.constant 0 : i32
      %dma_wait3A_466 = tpu.memref_slice %arg2[%dma_wait3A_450, %dma_wait3A_464, %dma_wait3A_465] : memref<4008x2x80xi32, #tpu.memory_space<hbm>> -> memref<1x2x80xi32, #tpu.memory_space<hbm>>
      %dma_wait3A_467 = tpu.memref_squeeze %dma_wait3A_466 : memref<1x2x80xi32, #tpu.memory_space<hbm>> -> memref<2x80xi32, #tpu.memory_space<hbm>>
      tpu.wait_dma2 semaphore(%arg12 : memref<!tpu.dma_semaphore, #tpu.memory_space<semaphore_mem>>) src(%dma_wait3A_467 : memref<2x80xi32, #tpu.memory_space<hbm>>) dst(%dma_wait3A_463 : memref<2x80xi32, #tpu.memory_space<vmem>>)
      %add3A_468 = arith.constant 2 : i32
      %add3A_469 = arith.addi %mul3A_293, %add3A_468 : i32
      %jit3A_470 = arith.constant 4 : i32
      %eq3A_471 = arith.constant 0 : i32
      %eq3A_472 = arith.cmpi eq, %jit3A_470, %eq3A_471 : i32
      %jit3A_473 = arith.constant 1 : i32
      %select_n3A_474 = arith.select %eq3A_472, %jit3A_473, %jit3A_470 : i32
      %rem3A_475 = arith.remsi %add3A_469, %select_n3A_474 : i32
      %ne3A_476 = arith.constant 0 : i32
      %ne3A_477 = arith.cmpi ne, %rem3A_475, %ne3A_476 : i32
      %lt3A_478 = arith.constant 0 : i32
      %lt3A_479 = arith.cmpi slt, %rem3A_475, %lt3A_478 : i32
      %lt3A_480 = arith.constant 0 : i32
      %lt3A_481 = arith.cmpi slt, %select_n3A_474, %lt3A_480 : i32
      %ne3A_482 = arith.xori %lt3A_479, %lt3A_481 : i1
      %and3A_483 = arith.andi %ne3A_482, %ne3A_477 : i1
      %add3A_484 = arith.addi %rem3A_475, %select_n3A_474 : i32
      %select_n3A_485 = arith.select %and3A_483, %add3A_484, %rem3A_475 : i32
      %jit3A_486 = arith.constant 4 : i32
      %eq3A_487 = arith.constant 0 : i32
      %eq3A_488 = arith.cmpi eq, %jit3A_486, %eq3A_487 : i32
      %jit3A_489 = arith.constant 1 : i32
      %select_n3A_490 = arith.select %eq3A_488, %jit3A_489, %jit3A_486 : i32
      %rem3A_491 = arith.remsi %add3A_469, %select_n3A_490 : i32
      %ne3A_492 = arith.constant 0 : i32
      %ne3A_493 = arith.cmpi ne, %rem3A_491, %ne3A_492 : i32
      %lt3A_494 = arith.constant 0 : i32
      %lt3A_495 = arith.cmpi slt, %rem3A_491, %lt3A_494 : i32
      %lt3A_496 = arith.constant 0 : i32
      %lt3A_497 = arith.cmpi slt, %select_n3A_490, %lt3A_496 : i32
      %ne3A_498 = arith.xori %lt3A_495, %lt3A_497 : i1
      %and3A_499 = arith.andi %ne3A_498, %ne3A_493 : i1
      %add3A_500 = arith.addi %rem3A_491, %select_n3A_490 : i32
      %select_n3A_501 = arith.select %and3A_499, %add3A_500, %rem3A_491 : i32
      %dma_start3A_502 = arith.constant 0 : i32
      %dma_start3A_503 = arith.constant 0 : i32
      %dma_start3A_504 = tpu.memref_slice %arg7[%select_n3A_485, %dma_start3A_502, %dma_start3A_503] : memref<4x2x80xi32, #tpu.memory_space<vmem>> -> memref<1x1x80xi32, #tpu.memory_space<vmem>>
      %dma_start3A_505 = tpu.memref_squeeze %dma_start3A_504 : memref<1x1x80xi32, #tpu.memory_space<vmem>> -> memref<80xi32, #tpu.memory_space<vmem>>
      %dma_start3A_506 = arith.constant 0 : i32
      %dma_start3A_507 = arith.constant 0 : i32
      %dma_start3A_508 = tpu.memref_slice %arg3[%dma_start3A_506, %dma_start3A_507] : memref<10000x144xf32, #tpu.memory_space<hbm>> -> memref<10000x144xf32, #tpu.memory_space<hbm>>
      tpu.enqueue_indirect_dma source(%dma_start3A_508 : memref<10000x144xf32, #tpu.memory_space<hbm>>) target(%arg10 : memref<80x144xf32, #tpu.memory_space<vmem>>) offsets(%dma_start3A_505 : memref<80xi32, #tpu.memory_space<vmem>>) semaphore(%arg14 : memref<!tpu.dma_semaphore, #tpu.memory_space<semaphore_mem>>)
      %dma_start3A_509 = arith.constant 1 : i32
      %dma_start3A_510 = arith.constant 0 : i32
      %dma_start3A_511 = tpu.memref_slice %arg7[%select_n3A_501, %dma_start3A_509, %dma_start3A_510] : memref<4x2x80xi32, #tpu.memory_space<vmem>> -> memref<1x1x80xi32, #tpu.memory_space<vmem>>
      %dma_start3A_512 = tpu.memref_squeeze %dma_start3A_511 : memref<1x1x80xi32, #tpu.memory_space<vmem>> -> memref<80xi32, #tpu.memory_space<vmem>>
      %dma_start3A_513 = arith.constant 0 : i32
      %dma_start3A_514 = arith.constant 0 : i32
      %dma_start3A_515 = tpu.memref_slice %arg4[%dma_start3A_513, %dma_start3A_514] : memref<10000x16xf32, #tpu.memory_space<hbm>> -> memref<10000x16xf32, #tpu.memory_space<hbm>>
      tpu.enqueue_indirect_dma source(%dma_start3A_515 : memref<10000x16xf32, #tpu.memory_space<hbm>>) target(%arg8 : memref<80x16xf32, #tpu.memory_space<vmem>>) offsets(%dma_start3A_512 : memref<80xi32, #tpu.memory_space<vmem>>) semaphore(%arg14 : memref<!tpu.dma_semaphore, #tpu.memory_space<semaphore_mem>>)
      %add3A_516 = arith.constant 3 : i32
      %add3A_517 = arith.addi %mul3A_293, %add3A_516 : i32
      %add3A_518 = arith.addi %mul3A_4, %add3A_517 : i32
      %jit3A_519 = arith.constant 4 : i32
      %eq3A_520 = arith.constant 0 : i32
      %eq3A_521 = arith.cmpi eq, %jit3A_519, %eq3A_520 : i32
      %jit3A_522 = arith.constant 1 : i32
      %select_n3A_523 = arith.select %eq3A_521, %jit3A_522, %jit3A_519 : i32
      %rem3A_524 = arith.remsi %add3A_517, %select_n3A_523 : i32
      %ne3A_525 = arith.constant 0 : i32
      %ne3A_526 = arith.cmpi ne, %rem3A_524, %ne3A_525 : i32
      %lt3A_527 = arith.constant 0 : i32
      %lt3A_528 = arith.cmpi slt, %rem3A_524, %lt3A_527 : i32
      %lt3A_529 = arith.constant 0 : i32
      %lt3A_530 = arith.cmpi slt, %select_n3A_523, %lt3A_529 : i32
      %ne3A_531 = arith.xori %lt3A_528, %lt3A_530 : i1
      %and3A_532 = arith.andi %ne3A_531, %ne3A_526 : i1
      %add3A_533 = arith.addi %rem3A_524, %select_n3A_523 : i32
      %select_n3A_534 = arith.select %and3A_532, %add3A_533, %rem3A_524 : i32
      %dma_start3A_535 = arith.constant 0 : i32
      %dma_start3A_536 = arith.constant 0 : i32
      %dma_start3A_537 = tpu.memref_slice %arg7[%select_n3A_534, %dma_start3A_535, %dma_start3A_536] : memref<4x2x80xi32, #tpu.memory_space<vmem>> -> memref<1x2x80xi32, #tpu.memory_space<vmem>>
      %dma_start3A_538 = tpu.memref_squeeze %dma_start3A_537 : memref<1x2x80xi32, #tpu.memory_space<vmem>> -> memref<2x80xi32, #tpu.memory_space<vmem>>
      %dma_start3A_539 = arith.constant 0 : i32
      %dma_start3A_540 = arith.constant 0 : i32
      %dma_start3A_541 = tpu.memref_slice %arg2[%add3A_518, %dma_start3A_539, %dma_start3A_540] : memref<4008x2x80xi32, #tpu.memory_space<hbm>> -> memref<1x2x80xi32, #tpu.memory_space<hbm>>
      %dma_start3A_542 = tpu.memref_squeeze %dma_start3A_541 : memref<1x2x80xi32, #tpu.memory_space<hbm>> -> memref<2x80xi32, #tpu.memory_space<hbm>>
      %dma_start3A_543 = arith.constant 0 : i32
      %dma_start3A_544 = arith.constant 0 : i32
      %dma_start3A_545 = tpu.memref_slice %arg7[%select_n3A_534, %dma_start3A_543, %dma_start3A_544] : memref<4x2x80xi32, #tpu.memory_space<vmem>> -> memref<1x2x80xi32, #tpu.memory_space<vmem>>
      %dma_start3A_546 = tpu.memref_squeeze %dma_start3A_545 : memref<1x2x80xi32, #tpu.memory_space<vmem>> -> memref<2x80xi32, #tpu.memory_space<vmem>>
      %dma_start3A_547 = arith.constant 0 : i32
      %dma_start3A_548 = arith.constant 0 : i32
      %dma_start3A_549 = tpu.memref_slice %arg2[%add3A_518, %dma_start3A_547, %dma_start3A_548] : memref<4008x2x80xi32, #tpu.memory_space<hbm>> -> memref<1x2x80xi32, #tpu.memory_space<hbm>>
      %dma_start3A_550 = tpu.memref_squeeze %dma_start3A_549 : memref<1x2x80xi32, #tpu.memory_space<hbm>> -> memref<2x80xi32, #tpu.memory_space<hbm>>
      tpu.enqueue_dma source(%dma_start3A_550 : memref<2x80xi32, #tpu.memory_space<hbm>>) target(%dma_start3A_546 : memref<2x80xi32, #tpu.memory_space<vmem>>) target_semaphore(%arg13 : memref<!tpu.dma_semaphore, #tpu.memory_space<semaphore_mem>>)
      %add3A_551 = arith.constant 1 : i32
      %add3A_552 = arith.addi %mul3A_293, %add3A_551 : i32
      %parallel_loop3A_553 = arith.constant 0 : i32
      %parallel_loop3A_554 = arith.constant 80 : i32
      %parallel_loop3A_555 = arith.constant 1 : i32
      scf.for %parallel_loop3A_579 = %parallel_loop3A_553 to %parallel_loop3A_554 step %parallel_loop3A_555  : i32 {
        %parallel_loop3A_580 = arith.index_cast %parallel_loop3A_579 : i32 to index
        %parallel_loop3A_581 = arith.constant 128 : index
        %parallel_loop3A_582 = tpu.vector_load %arg11[%parallel_loop3A_580, %parallel_loop3A_581] {strides = array<i32>} : memref<80x144xf32, #tpu.memory_space<vmem>>, vector<1x16xf32>,
        %parallel_loop3A_583 = vector.shape_cast %parallel_loop3A_582 : vector<1x16xf32> to vector<16xf32>
        %parallel_loop3A_584 = arith.index_cast %parallel_loop3A_579 : i32 to index
        %parallel_loop3A_585 = arith.constant 0 : index
        %parallel_loop3A_586 = tpu.vector_load %arg9[%parallel_loop3A_584, %parallel_loop3A_585] {strides = array<i32>} : memref<80x16xf32, #tpu.memory_space<vmem>>, vector<1x16xf32>,
        %parallel_loop3A_587 = vector.shape_cast %parallel_loop3A_586 : vector<1x16xf32> to vector<16xf32>
        %parallel_loop3A_588 = arith.addf %parallel_loop3A_583, %parallel_loop3A_587 : vector<16xf32>
        %parallel_loop3A_589 = arith.constant 0.000000e+00 : f32
        %parallel_loop3A_590 = vector.broadcast %parallel_loop3A_589 : f32 to vector<16xf32>
        %parallel_loop3A_591 = arith.cmpf ogt, %parallel_loop3A_588, %parallel_loop3A_590 : vector<16xf32>
        %parallel_loop3A_592 = arith.constant 2.000000e-01 : f32
        %parallel_loop3A_593 = vector.broadcast %parallel_loop3A_592 : f32 to vector<16xf32>
        %parallel_loop3A_594 = arith.mulf %parallel_loop3A_593, %parallel_loop3A_588 : vector<16xf32>
        %parallel_loop3A_595 = arith.select %parallel_loop3A_591, %parallel_loop3A_588, %parallel_loop3A_594 : vector<16xi1>, vector<16xf32>
        %parallel_loop3A_596 = math.exp %parallel_loop3A_595 : vector<16xf32>
        %parallel_loop3A_597 = arith.index_cast %parallel_loop3A_579 : i32 to index
        %parallel_loop3A_598 = arith.constant 0 : index
        %parallel_loop3A_599 = tpu.vector_load %arg11[%parallel_loop3A_597, %parallel_loop3A_598] {strides = array<i32>} : memref<80x144xf32, #tpu.memory_space<vmem>>, vector<1x16xf32>,
        %parallel_loop3A_600 = vector.shape_cast %parallel_loop3A_599 : vector<1x16xf32> to vector<16xf32>
        %parallel_loop3A_601 = vector.extract_strided_slice %parallel_loop3A_596 {offsets = [0], sizes = [1], strides = [1]} : vector<16xf32> to vector<1xf32>
        %parallel_loop3A_602 = vector.extract %parallel_loop3A_601[0] : f32 from vector<1xf32>
        %parallel_loop3A_603 = vector.broadcast %parallel_loop3A_602 : f32 to vector<16xf32>
        %parallel_loop3A_604 = arith.mulf %parallel_loop3A_600, %parallel_loop3A_603 : vector<16xf32>
        %parallel_loop3A_605 = arith.index_cast %parallel_loop3A_579 : i32 to index
        %parallel_loop3A_606 = arith.constant 0 : index
        %parallel_loop3A_607 = tpu.vector_load %arg11[%parallel_loop3A_605, %parallel_loop3A_606] {strides = array<i32>} : memref<80x144xf32, #tpu.memory_space<vmem>>, vector<1x16xf32>,
        %parallel_loop3A_608 = vector.shape_cast %parallel_loop3A_607 : vector<1x16xf32> to vector<16xf32>
        %parallel_loop3A_609 = vector.shape_cast %parallel_loop3A_604 : vector<16xf32> to vector<1x16xf32>
        tpu.vector_store %arg11[%parallel_loop3A_605, %parallel_loop3A_606], %parallel_loop3A_609 {strides = array<i32>} : memref<80x144xf32, #tpu.memory_space<vmem>>, vector<1x16xf32>,
        %parallel_loop3A_610 = arith.index_cast %parallel_loop3A_579 : i32 to index
        %parallel_loop3A_611 = arith.constant 16 : index
        %parallel_loop3A_612 = tpu.vector_load %arg11[%parallel_loop3A_610, %parallel_loop3A_611] {strides = array<i32>} : memref<80x144xf32, #tpu.memory_space<vmem>>, vector<1x16xf32>,
        %parallel_loop3A_613 = vector.shape_cast %parallel_loop3A_612 : vector<1x16xf32> to vector<16xf32>
        %parallel_loop3A_614 = vector.extract_strided_slice %parallel_loop3A_596 {offsets = [1], sizes = [1], strides = [1]} : vector<16xf32> to vector<1xf32>
        %parallel_loop3A_615 = vector.extract %parallel_loop3A_614[0] : f32 from vector<1xf32>
        %parallel_loop3A_616 = vector.broadcast %parallel_loop3A_615 : f32 to vector<16xf32>
        %parallel_loop3A_617 = arith.mulf %parallel_loop3A_613, %parallel_loop3A_616 : vector<16xf32>
        %parallel_loop3A_618 = arith.index_cast %parallel_loop3A_579 : i32 to index
        %parallel_loop3A_619 = arith.constant 16 : index
        %parallel_loop3A_620 = tpu.vector_load %arg11[%parallel_loop3A_618, %parallel_loop3A_619] {strides = array<i32>} : memref<80x144xf32, #tpu.memory_space<vmem>>, vector<1x16xf32>,
        %parallel_loop3A_621 = vector.shape_cast %parallel_loop3A_620 : vector<1x16xf32> to vector<16xf32>
        %parallel_loop3A_622 = vector.shape_cast %parallel_loop3A_617 : vector<16xf32> to vector<1x16xf32>
        tpu.vector_store %arg11[%parallel_loop3A_618, %parallel_loop3A_619], %parallel_loop3A_622 {strides = array<i32>} : memref<80x144xf32, #tpu.memory_space<vmem>>, vector<1x16xf32>,
        %parallel_loop3A_623 = arith.index_cast %parallel_loop3A_579 : i32 to index
        %parallel_loop3A_624 = arith.constant 32 : index
        %parallel_loop3A_625 = tpu.vector_load %arg11[%parallel_loop3A_623, %parallel_loop3A_624] {strides = array<i32>} : memref<80x144xf32, #tpu.memory_space<vmem>>, vector<1x16xf32>,
        %parallel_loop3A_626 = vector.shape_cast %parallel_loop3A_625 : vector<1x16xf32> to vector<16xf32>
        %parallel_loop3A_627 = vector.extract_strided_slice %parallel_loop3A_596 {offsets = [2], sizes = [1], strides = [1]} : vector<16xf32> to vector<1xf32>
        %parallel_loop3A_628 = vector.extract %parallel_loop3A_627[0] : f32 from vector<1xf32>
        %parallel_loop3A_629 = vector.broadcast %parallel_loop3A_628 : f32 to vector<16xf32>
        %parallel_loop3A_630 = arith.mulf %parallel_loop3A_626, %parallel_loop3A_629 : vector<16xf32>
        %parallel_loop3A_631 = arith.index_cast %parallel_loop3A_579 : i32 to index
        %parallel_loop3A_632 = arith.constant 32 : index
        %parallel_loop3A_633 = tpu.vector_load %arg11[%parallel_loop3A_631, %parallel_loop3A_632] {strides = array<i32>} : memref<80x144xf32, #tpu.memory_space<vmem>>, vector<1x16xf32>,
        %parallel_loop3A_634 = vector.shape_cast %parallel_loop3A_633 : vector<1x16xf32> to vector<16xf32>
        %parallel_loop3A_635 = vector.shape_cast %parallel_loop3A_630 : vector<16xf32> to vector<1x16xf32>
        tpu.vector_store %arg11[%parallel_loop3A_631, %parallel_loop3A_632], %parallel_loop3A_635 {strides = array<i32>} : memref<80x144xf32, #tpu.memory_space<vmem>>, vector<1x16xf32>,
        %parallel_loop3A_636 = arith.index_cast %parallel_loop3A_579 : i32 to index
        %parallel_loop3A_637 = arith.constant 48 : index
        %parallel_loop3A_638 = tpu.vector_load %arg11[%parallel_loop3A_636, %parallel_loop3A_637] {strides = array<i32>} : memref<80x144xf32, #tpu.memory_space<vmem>>, vector<1x16xf32>,
        %parallel_loop3A_639 = vector.shape_cast %parallel_loop3A_638 : vector<1x16xf32> to vector<16xf32>
        %parallel_loop3A_640 = vector.extract_strided_slice %parallel_loop3A_596 {offsets = [3], sizes = [1], strides = [1]} : vector<16xf32> to vector<1xf32>
        %parallel_loop3A_641 = vector.extract %parallel_loop3A_640[0] : f32 from vector<1xf32>
        %parallel_loop3A_642 = vector.broadcast %parallel_loop3A_641 : f32 to vector<16xf32>
        %parallel_loop3A_643 = arith.mulf %parallel_loop3A_639, %parallel_loop3A_642 : vector<16xf32>
        %parallel_loop3A_644 = arith.index_cast %parallel_loop3A_579 : i32 to index
        %parallel_loop3A_645 = arith.constant 48 : index
        %parallel_loop3A_646 = tpu.vector_load %arg11[%parallel_loop3A_644, %parallel_loop3A_645] {strides = array<i32>} : memref<80x144xf32, #tpu.memory_space<vmem>>, vector<1x16xf32>,
        %parallel_loop3A_647 = vector.shape_cast %parallel_loop3A_646 : vector<1x16xf32> to vector<16xf32>
        %parallel_loop3A_648 = vector.shape_cast %parallel_loop3A_643 : vector<16xf32> to vector<1x16xf32>
        tpu.vector_store %arg11[%parallel_loop3A_644, %parallel_loop3A_645], %parallel_loop3A_648 {strides = array<i32>} : memref<80x144xf32, #tpu.memory_space<vmem>>, vector<1x16xf32>,
        %parallel_loop3A_649 = arith.index_cast %parallel_loop3A_579 : i32 to index
        %parallel_loop3A_650 = arith.constant 64 : index
        %parallel_loop3A_651 = tpu.vector_load %arg11[%parallel_loop3A_649, %parallel_loop3A_650] {strides = array<i32>} : memref<80x144xf32, #tpu.memory_space<vmem>>, vector<1x16xf32>,
        %parallel_loop3A_652 = vector.shape_cast %parallel_loop3A_651 : vector<1x16xf32> to vector<16xf32>
        %parallel_loop3A_653 = vector.extract_strided_slice %parallel_loop3A_596 {offsets = [4], sizes = [1], strides = [1]} : vector<16xf32> to vector<1xf32>
        %parallel_loop3A_654 = vector.extract %parallel_loop3A_653[0] : f32 from vector<1xf32>
        %parallel_loop3A_655 = vector.broadcast %parallel_loop3A_654 : f32 to vector<16xf32>
        %parallel_loop3A_656 = arith.mulf %parallel_loop3A_652, %parallel_loop3A_655 : vector<16xf32>
        %parallel_loop3A_657 = arith.index_cast %parallel_loop3A_579 : i32 to index
        %parallel_loop3A_658 = arith.constant 64 : index
        %parallel_loop3A_659 = tpu.vector_load %arg11[%parallel_loop3A_657, %parallel_loop3A_658] {strides = array<i32>} : memref<80x144xf32, #tpu.memory_space<vmem>>, vector<1x16xf32>,
        %parallel_loop3A_660 = vector.shape_cast %parallel_loop3A_659 : vector<1x16xf32> to vector<16xf32>
        %parallel_loop3A_661 = vector.shape_cast %parallel_loop3A_656 : vector<16xf32> to vector<1x16xf32>
        tpu.vector_store %arg11[%parallel_loop3A_657, %parallel_loop3A_658], %parallel_loop3A_661 {strides = array<i32>} : memref<80x144xf32, #tpu.memory_space<vmem>>, vector<1x16xf32>,
        %parallel_loop3A_662 = arith.index_cast %parallel_loop3A_579 : i32 to index
        %parallel_loop3A_663 = arith.constant 80 : index
        %parallel_loop3A_664 = tpu.vector_load %arg11[%parallel_loop3A_662, %parallel_loop3A_663] {strides = array<i32>} : memref<80x144xf32, #tpu.memory_space<vmem>>, vector<1x16xf32>,
        %parallel_loop3A_665 = vector.shape_cast %parallel_loop3A_664 : vector<1x16xf32> to vector<16xf32>
        %parallel_loop3A_666 = vector.extract_strided_slice %parallel_loop3A_596 {offsets = [5], sizes = [1], strides = [1]} : vector<16xf32> to vector<1xf32>
        %parallel_loop3A_667 = vector.extract %parallel_loop3A_666[0] : f32 from vector<1xf32>
        %parallel_loop3A_668 = vector.broadcast %parallel_loop3A_667 : f32 to vector<16xf32>
        %parallel_loop3A_669 = arith.mulf %parallel_loop3A_665, %parallel_loop3A_668 : vector<16xf32>
        %parallel_loop3A_670 = arith.index_cast %parallel_loop3A_579 : i32 to index
        %parallel_loop3A_671 = arith.constant 80 : index
        %parallel_loop3A_672 = tpu.vector_load %arg11[%parallel_loop3A_670, %parallel_loop3A_671] {strides = array<i32>} : memref<80x144xf32, #tpu.memory_space<vmem>>, vector<1x16xf32>,
        %parallel_loop3A_673 = vector.shape_cast %parallel_loop3A_672 : vector<1x16xf32> to vector<16xf32>
        %parallel_loop3A_674 = vector.shape_cast %parallel_loop3A_669 : vector<16xf32> to vector<1x16xf32>
        tpu.vector_store %arg11[%parallel_loop3A_670, %parallel_loop3A_671], %parallel_loop3A_674 {strides = array<i32>} : memref<80x144xf32, #tpu.memory_space<vmem>>, vector<1x16xf32>,
        %parallel_loop3A_675 = arith.index_cast %parallel_loop3A_579 : i32 to index
        %parallel_loop3A_676 = arith.constant 96 : index
        %parallel_loop3A_677 = tpu.vector_load %arg11[%parallel_loop3A_675, %parallel_loop3A_676] {strides = array<i32>} : memref<80x144xf32, #tpu.memory_space<vmem>>, vector<1x16xf32>,
        %parallel_loop3A_678 = vector.shape_cast %parallel_loop3A_677 : vector<1x16xf32> to vector<16xf32>
        %parallel_loop3A_679 = vector.extract_strided_slice %parallel_loop3A_596 {offsets = [6], sizes = [1], strides = [1]} : vector<16xf32> to vector<1xf32>
        %parallel_loop3A_680 = vector.extract %parallel_loop3A_679[0] : f32 from vector<1xf32>
        %parallel_loop3A_681 = vector.broadcast %parallel_loop3A_680 : f32 to vector<16xf32>
        %parallel_loop3A_682 = arith.mulf %parallel_loop3A_678, %parallel_loop3A_681 : vector<16xf32>
        %parallel_loop3A_683 = arith.index_cast %parallel_loop3A_579 : i32 to index
        %parallel_loop3A_684 = arith.constant 96 : index
        %parallel_loop3A_685 = tpu.vector_load %arg11[%parallel_loop3A_683, %parallel_loop3A_684] {strides = array<i32>} : memref<80x144xf32, #tpu.memory_space<vmem>>, vector<1x16xf32>,
        %parallel_loop3A_686 = vector.shape_cast %parallel_loop3A_685 : vector<1x16xf32> to vector<16xf32>
        %parallel_loop3A_687 = vector.shape_cast %parallel_loop3A_682 : vector<16xf32> to vector<1x16xf32>
        tpu.vector_store %arg11[%parallel_loop3A_683, %parallel_loop3A_684], %parallel_loop3A_687 {strides = array<i32>} : memref<80x144xf32, #tpu.memory_space<vmem>>, vector<1x16xf32>,
        %parallel_loop3A_688 = arith.index_cast %parallel_loop3A_579 : i32 to index
        %parallel_loop3A_689 = arith.constant 112 : index
        %parallel_loop3A_690 = tpu.vector_load %arg11[%parallel_loop3A_688, %parallel_loop3A_689] {strides = array<i32>} : memref<80x144xf32, #tpu.memory_space<vmem>>, vector<1x16xf32>,
        %parallel_loop3A_691 = vector.shape_cast %parallel_loop3A_690 : vector<1x16xf32> to vector<16xf32>
        %parallel_loop3A_692 = vector.extract_strided_slice %parallel_loop3A_596 {offsets = [7], sizes = [1], strides = [1]} : vector<16xf32> to vector<1xf32>
        %parallel_loop3A_693 = vector.extract %parallel_loop3A_692[0] : f32 from vector<1xf32>
        %parallel_loop3A_694 = vector.broadcast %parallel_loop3A_693 : f32 to vector<16xf32>
        %parallel_loop3A_695 = arith.mulf %parallel_loop3A_691, %parallel_loop3A_694 : vector<16xf32>
        %parallel_loop3A_696 = arith.index_cast %parallel_loop3A_579 : i32 to index
        %parallel_loop3A_697 = arith.constant 112 : index
        %parallel_loop3A_698 = tpu.vector_load %arg11[%parallel_loop3A_696, %parallel_loop3A_697] {strides = array<i32>} : memref<80x144xf32, #tpu.memory_space<vmem>>, vector<1x16xf32>,
        %parallel_loop3A_699 = vector.shape_cast %parallel_loop3A_698 : vector<1x16xf32> to vector<16xf32>
        %parallel_loop3A_700 = vector.shape_cast %parallel_loop3A_695 : vector<16xf32> to vector<1x16xf32>
        tpu.vector_store %arg11[%parallel_loop3A_696, %parallel_loop3A_697], %parallel_loop3A_700 {strides = array<i32>} : memref<80x144xf32, #tpu.memory_space<vmem>>, vector<1x16xf32>,
        %parallel_loop3A_701 = arith.index_cast %parallel_loop3A_579 : i32 to index
        %parallel_loop3A_702 = arith.constant 128 : index
        %parallel_loop3A_703 = tpu.vector_load %arg11[%parallel_loop3A_701, %parallel_loop3A_702] {strides = array<i32>} : memref<80x144xf32, #tpu.memory_space<vmem>>, vector<1x16xf32>,
        %parallel_loop3A_704 = vector.shape_cast %parallel_loop3A_703 : vector<1x16xf32> to vector<16xf32>
        %parallel_loop3A_705 = vector.shape_cast %parallel_loop3A_596 : vector<16xf32> to vector<1x16xf32>
        tpu.vector_store %arg11[%parallel_loop3A_701, %parallel_loop3A_702], %parallel_loop3A_705 {strides = array<i32>} : memref<80x144xf32, #tpu.memory_space<vmem>>, vector<1x16xf32>,
      } {sc.loop_unroll_factor = 4 : i64, sc.parallel_access}
      %jit3A_556 = arith.constant 4 : i32
      %eq3A_557 = arith.constant 0 : i32
      %eq3A_558 = arith.cmpi eq, %jit3A_556, %eq3A_557 : i32
      %jit3A_559 = arith.constant 1 : i32
      %select_n3A_560 = arith.select %eq3A_558, %jit3A_559, %jit3A_556 : i32
      %rem3A_561 = arith.remsi %add3A_552, %select_n3A_560 : i32
      %ne3A_562 = arith.constant 0 : i32
      %ne3A_563 = arith.cmpi ne, %rem3A_561, %ne3A_562 : i32
      %lt3A_564 = arith.constant 0 : i32
      %lt3A_565 = arith.cmpi slt, %rem3A_561, %lt3A_564 : i32
      %lt3A_566 = arith.constant 0 : i32
      %lt3A_567 = arith.cmpi slt, %select_n3A_560, %lt3A_566 : i32
      %ne3A_568 = arith.xori %lt3A_565, %lt3A_567 : i1
      %and3A_569 = arith.andi %ne3A_568, %ne3A_563 : i1
      %add3A_570 = arith.addi %rem3A_561, %select_n3A_560 : i32
      %select_n3A_571 = arith.select %and3A_569, %add3A_570, %rem3A_561 : i32
      %dma_start3A_572 = arith.constant 1 : i32
      %dma_start3A_573 = arith.constant 0 : i32
      %dma_start3A_574 = tpu.memref_slice %arg7[%select_n3A_571, %dma_start3A_572, %dma_start3A_573] : memref<4x2x80xi32, #tpu.memory_space<vmem>> -> memref<1x1x80xi32, #tpu.memory_space<vmem>>
      %dma_start3A_575 = tpu.memref_squeeze %dma_start3A_574 : memref<1x1x80xi32, #tpu.memory_space<vmem>> -> memref<80xi32, #tpu.memory_space<vmem>>
      %dma_start3A_576 = arith.constant 0 : i32
      %dma_start3A_577 = arith.constant 0 : i32
      %dma_start3A_578 = tpu.memref_slice %arg18[%dma_start3A_576, %dma_start3A_577] : memref<10000x144xf32, #tpu.memory_space<vmem_shared>> -> memref<10000x144xf32, #tpu.memory_space<vmem_shared>>
      tpu.enqueue_indirect_dma source(%arg11 : memref<80x144xf32, #tpu.memory_space<vmem>>) target(%dma_start3A_578 : memref<10000x144xf32, #tpu.memory_space<vmem_shared>>) offsets(%dma_start3A_575 : memref<80xi32, #tpu.memory_space<vmem>>) semaphore(%arg17 : memref<!tpu.dma_semaphore, #tpu.memory_space<semaphore_mem>>) {add = true}
    }
    %scan3A_236 = arith.constant 61 : i32
    %dma_wait3A_237 = arith.constant 0 : i32
    %dma_wait3A_238 = arith.constant 0 : i32
    %dma_wait3A_239 = tpu.memref_slice %arg3[%dma_wait3A_237, %dma_wait3A_238] : memref<10000x144xf32, #tpu.memory_space<hbm>> -> memref<80x144xf32, #tpu.memory_space<hbm>>
    %dma_wait3A_240 = arith.constant 0 : i32
    %dma_wait3A_241 = arith.constant 0 : i32
    %dma_wait3A_242 = tpu.memref_slice %arg3[%dma_wait3A_240, %dma_wait3A_241] : memref<10000x144xf32, #tpu.memory_space<hbm>> -> memref<80x144xf32, #tpu.memory_space<hbm>>
    tpu.wait_dma2 semaphore(%arg14 : memref<!tpu.dma_semaphore, #tpu.memory_space<semaphore_mem>>) src(%dma_wait3A_242 : memref<80x144xf32, #tpu.memory_space<hbm>>) dst(%arg10 : memref<80x144xf32, #tpu.memory_space<vmem>>)
    %dma_wait3A_243 = arith.constant 0 : i32
    %dma_wait3A_244 = arith.constant 0 : i32
    %dma_wait3A_245 = tpu.memref_slice %arg4[%dma_wait3A_243, %dma_wait3A_244] : memref<10000x16xf32, #tpu.memory_space<hbm>> -> memref<80x16xf32, #tpu.memory_space<hbm>>
    %dma_wait3A_246 = arith.constant 0 : i32
    %dma_wait3A_247 = arith.constant 0 : i32
    %dma_wait3A_248 = tpu.memref_slice %arg4[%dma_wait3A_246, %dma_wait3A_247] : memref<10000x16xf32, #tpu.memory_space<hbm>> -> memref<80x16xf32, #tpu.memory_space<hbm>>
    tpu.wait_dma2 semaphore(%arg14 : memref<!tpu.dma_semaphore, #tpu.memory_space<semaphore_mem>>) src(%dma_wait3A_248 : memref<80x16xf32, #tpu.memory_space<hbm>>) dst(%arg8 : memref<80x16xf32, #tpu.memory_space<vmem>>)
    %dma_wait3A_249 = arith.constant 0 : i32
    %dma_wait3A_250 = arith.constant 0 : i32
    %dma_wait3A_251 = tpu.memref_slice %arg5[%dma_wait3A_249, %dma_wait3A_250] : memref<10000x144xf32, #tpu.memory_space<hbm>> -> memref<80x144xf32, #tpu.memory_space<hbm>>
    %dma_wait3A_252 = arith.constant 0 : i32
    %dma_wait3A_253 = arith.constant 0 : i32
    %dma_wait3A_254 = tpu.memref_slice %arg5[%dma_wait3A_252, %dma_wait3A_253] : memref<10000x144xf32, #tpu.memory_space<hbm>> -> memref<80x144xf32, #tpu.memory_space<hbm>>
    tpu.wait_dma2 semaphore(%arg17 : memref<!tpu.dma_semaphore, #tpu.memory_space<semaphore_mem>>) src(%dma_wait3A_254 : memref<80x144xf32, #tpu.memory_space<hbm>>) dst(%arg11 : memref<80x144xf32, #tpu.memory_space<vmem>>)
    %parallel_loop3A_255 = arith.constant 0 : i32
    %parallel_loop3A_256 = arith.constant 80 : i32
    %parallel_loop3A_257 = arith.constant 1 : i32
    scf.for %parallel_loop3A_291 = %parallel_loop3A_255 to %parallel_loop3A_256 step %parallel_loop3A_257  : i32 {
      %parallel_loop3A_292 = arith.index_cast %parallel_loop3A_291 : i32 to index
      %parallel_loop3A_293 = arith.constant 128 : index
      %parallel_loop3A_294 = tpu.vector_load %arg10[%parallel_loop3A_292, %parallel_loop3A_293] {strides = array<i32>} : memref<80x144xf32, #tpu.memory_space<vmem>>, vector<1x16xf32>,
      %parallel_loop3A_295 = vector.shape_cast %parallel_loop3A_294 : vector<1x16xf32> to vector<16xf32>
      %parallel_loop3A_296 = arith.index_cast %parallel_loop3A_291 : i32 to index
      %parallel_loop3A_297 = arith.constant 0 : index
      %parallel_loop3A_298 = tpu.vector_load %arg8[%parallel_loop3A_296, %parallel_loop3A_297] {strides = array<i32>} : memref<80x16xf32, #tpu.memory_space<vmem>>, vector<1x16xf32>,
      %parallel_loop3A_299 = vector.shape_cast %parallel_loop3A_298 : vector<1x16xf32> to vector<16xf32>
      %parallel_loop3A_300 = arith.addf %parallel_loop3A_295, %parallel_loop3A_299 : vector<16xf32>
      %parallel_loop3A_301 = arith.constant 0.000000e+00 : f32
      %parallel_loop3A_302 = vector.broadcast %parallel_loop3A_301 : f32 to vector<16xf32>
      %parallel_loop3A_303 = arith.cmpf ogt, %parallel_loop3A_300, %parallel_loop3A_302 : vector<16xf32>
      %parallel_loop3A_304 = arith.constant 2.000000e-01 : f32
      %parallel_loop3A_305 = vector.broadcast %parallel_loop3A_304 : f32 to vector<16xf32>
      %parallel_loop3A_306 = arith.mulf %parallel_loop3A_305, %parallel_loop3A_300 : vector<16xf32>
      %parallel_loop3A_307 = arith.select %parallel_loop3A_303, %parallel_loop3A_300, %parallel_loop3A_306 : vector<16xi1>, vector<16xf32>
      %parallel_loop3A_308 = math.exp %parallel_loop3A_307 : vector<16xf32>
      %parallel_loop3A_309 = arith.index_cast %parallel_loop3A_291 : i32 to index
      %parallel_loop3A_310 = arith.constant 0 : index
      %parallel_loop3A_311 = tpu.vector_load %arg10[%parallel_loop3A_309, %parallel_loop3A_310] {strides = array<i32>} : memref<80x144xf32, #tpu.memory_space<vmem>>, vector<1x16xf32>,
      %parallel_loop3A_312 = vector.shape_cast %parallel_loop3A_311 : vector<1x16xf32> to vector<16xf32>
      %parallel_loop3A_313 = vector.extract_strided_slice %parallel_loop3A_308 {offsets = [0], sizes = [1], strides = [1]} : vector<16xf32> to vector<1xf32>
      %parallel_loop3A_314 = vector.extract %parallel_loop3A_313[0] : f32 from vector<1xf32>
      %parallel_loop3A_315 = vector.broadcast %parallel_loop3A_314 : f32 to vector<16xf32>
      %parallel_loop3A_316 = arith.mulf %parallel_loop3A_312, %parallel_loop3A_315 : vector<16xf32>
      %parallel_loop3A_317 = arith.index_cast %parallel_loop3A_291 : i32 to index
      %parallel_loop3A_318 = arith.constant 0 : index
      %parallel_loop3A_319 = tpu.vector_load %arg10[%parallel_loop3A_317, %parallel_loop3A_318] {strides = array<i32>} : memref<80x144xf32, #tpu.memory_space<vmem>>, vector<1x16xf32>,
      %parallel_loop3A_320 = vector.shape_cast %parallel_loop3A_319 : vector<1x16xf32> to vector<16xf32>
      %parallel_loop3A_321 = vector.shape_cast %parallel_loop3A_316 : vector<16xf32> to vector<1x16xf32>
      tpu.vector_store %arg10[%parallel_loop3A_317, %parallel_loop3A_318], %parallel_loop3A_321 {strides = array<i32>} : memref<80x144xf32, #tpu.memory_space<vmem>>, vector<1x16xf32>,
      %parallel_loop3A_322 = arith.index_cast %parallel_loop3A_291 : i32 to index
      %parallel_loop3A_323 = arith.constant 16 : index
      %parallel_loop3A_324 = tpu.vector_load %arg10[%parallel_loop3A_322, %parallel_loop3A_323] {strides = array<i32>} : memref<80x144xf32, #tpu.memory_space<vmem>>, vector<1x16xf32>,
      %parallel_loop3A_325 = vector.shape_cast %parallel_loop3A_324 : vector<1x16xf32> to vector<16xf32>
      %parallel_loop3A_326 = vector.extract_strided_slice %parallel_loop3A_308 {offsets = [1], sizes = [1], strides = [1]} : vector<16xf32> to vector<1xf32>
      %parallel_loop3A_327 = vector.extract %parallel_loop3A_326[0] : f32 from vector<1xf32>
      %parallel_loop3A_328 = vector.broadcast %parallel_loop3A_327 : f32 to vector<16xf32>
      %parallel_loop3A_329 = arith.mulf %parallel_loop3A_325, %parallel_loop3A_328 : vector<16xf32>
      %parallel_loop3A_330 = arith.index_cast %parallel_loop3A_291 : i32 to index
      %parallel_loop3A_331 = arith.constant 16 : index
      %parallel_loop3A_332 = tpu.vector_load %arg10[%parallel_loop3A_330, %parallel_loop3A_331] {strides = array<i32>} : memref<80x144xf32, #tpu.memory_space<vmem>>, vector<1x16xf32>,
      %parallel_loop3A_333 = vector.shape_cast %parallel_loop3A_332 : vector<1x16xf32> to vector<16xf32>
      %parallel_loop3A_334 = vector.shape_cast %parallel_loop3A_329 : vector<16xf32> to vector<1x16xf32>
      tpu.vector_store %arg10[%parallel_loop3A_330, %parallel_loop3A_331], %parallel_loop3A_334 {strides = array<i32>} : memref<80x144xf32, #tpu.memory_space<vmem>>, vector<1x16xf32>,
      %parallel_loop3A_335 = arith.index_cast %parallel_loop3A_291 : i32 to index
      %parallel_loop3A_336 = arith.constant 32 : index
      %parallel_loop3A_337 = tpu.vector_load %arg10[%parallel_loop3A_335, %parallel_loop3A_336] {strides = array<i32>} : memref<80x144xf32, #tpu.memory_space<vmem>>, vector<1x16xf32>,
      %parallel_loop3A_338 = vector.shape_cast %parallel_loop3A_337 : vector<1x16xf32> to vector<16xf32>
      %parallel_loop3A_339 = vector.extract_strided_slice %parallel_loop3A_308 {offsets = [2], sizes = [1], strides = [1]} : vector<16xf32> to vector<1xf32>
      %parallel_loop3A_340 = vector.extract %parallel_loop3A_339[0] : f32 from vector<1xf32>
      %parallel_loop3A_341 = vector.broadcast %parallel_loop3A_340 : f32 to vector<16xf32>
      %parallel_loop3A_342 = arith.mulf %parallel_loop3A_338, %parallel_loop3A_341 : vector<16xf32>
      %parallel_loop3A_343 = arith.index_cast %parallel_loop3A_291 : i32 to index
      %parallel_loop3A_344 = arith.constant 32 : index
      %parallel_loop3A_345 = tpu.vector_load %arg10[%parallel_loop3A_343, %parallel_loop3A_344] {strides = array<i32>} : memref<80x144xf32, #tpu.memory_space<vmem>>, vector<1x16xf32>,
      %parallel_loop3A_346 = vector.shape_cast %parallel_loop3A_345 : vector<1x16xf32> to vector<16xf32>
      %parallel_loop3A_347 = vector.shape_cast %parallel_loop3A_342 : vector<16xf32> to vector<1x16xf32>
      tpu.vector_store %arg10[%parallel_loop3A_343, %parallel_loop3A_344], %parallel_loop3A_347 {strides = array<i32>} : memref<80x144xf32, #tpu.memory_space<vmem>>, vector<1x16xf32>,
      %parallel_loop3A_348 = arith.index_cast %parallel_loop3A_291 : i32 to index
      %parallel_loop3A_349 = arith.constant 48 : index
      %parallel_loop3A_350 = tpu.vector_load %arg10[%parallel_loop3A_348, %parallel_loop3A_349] {strides = array<i32>} : memref<80x144xf32, #tpu.memory_space<vmem>>, vector<1x16xf32>,
      %parallel_loop3A_351 = vector.shape_cast %parallel_loop3A_350 : vector<1x16xf32> to vector<16xf32>
      %parallel_loop3A_352 = vector.extract_strided_slice %parallel_loop3A_308 {offsets = [3], sizes = [1], strides = [1]} : vector<16xf32> to vector<1xf32>
      %parallel_loop3A_353 = vector.extract %parallel_loop3A_352[0] : f32 from vector<1xf32>
      %parallel_loop3A_354 = vector.broadcast %parallel_loop3A_353 : f32 to vector<16xf32>
      %parallel_loop3A_355 = arith.mulf %parallel_loop3A_351, %parallel_loop3A_354 : vector<16xf32>
      %parallel_loop3A_356 = arith.index_cast %parallel_loop3A_291 : i32 to index
      %parallel_loop3A_357 = arith.constant 48 : index
      %parallel_loop3A_358 = tpu.vector_load %arg10[%parallel_loop3A_356, %parallel_loop3A_357] {strides = array<i32>} : memref<80x144xf32, #tpu.memory_space<vmem>>, vector<1x16xf32>,
      %parallel_loop3A_359 = vector.shape_cast %parallel_loop3A_358 : vector<1x16xf32> to vector<16xf32>
      %parallel_loop3A_360 = vector.shape_cast %parallel_loop3A_355 : vector<16xf32> to vector<1x16xf32>
      tpu.vector_store %arg10[%parallel_loop3A_356, %parallel_loop3A_357], %parallel_loop3A_360 {strides = array<i32>} : memref<80x144xf32, #tpu.memory_space<vmem>>, vector<1x16xf32>,
      %parallel_loop3A_361 = arith.index_cast %parallel_loop3A_291 : i32 to index
      %parallel_loop3A_362 = arith.constant 64 : index
      %parallel_loop3A_363 = tpu.vector_load %arg10[%parallel_loop3A_361, %parallel_loop3A_362] {strides = array<i32>} : memref<80x144xf32, #tpu.memory_space<vmem>>, vector<1x16xf32>,
      %parallel_loop3A_364 = vector.shape_cast %parallel_loop3A_363 : vector<1x16xf32> to vector<16xf32>
      %parallel_loop3A_365 = vector.extract_strided_slice %parallel_loop3A_308 {offsets = [4], sizes = [1], strides = [1]} : vector<16xf32> to vector<1xf32>
      %parallel_loop3A_366 = vector.extract %parallel_loop3A_365[0] : f32 from vector<1xf32>
      %parallel_loop3A_367 = vector.broadcast %parallel_loop3A_366 : f32 to vector<16xf32>
      %parallel_loop3A_368 = arith.mulf %parallel_loop3A_364, %parallel_loop3A_367 : vector<16xf32>
      %parallel_loop3A_369 = arith.index_cast %parallel_loop3A_291 : i32 to index
      %parallel_loop3A_370 = arith.constant 64 : index
      %parallel_loop3A_371 = tpu.vector_load %arg10[%parallel_loop3A_369, %parallel_loop3A_370] {strides = array<i32>} : memref<80x144xf32, #tpu.memory_space<vmem>>, vector<1x16xf32>,
      %parallel_loop3A_372 = vector.shape_cast %parallel_loop3A_371 : vector<1x16xf32> to vector<16xf32>
      %parallel_loop3A_373 = vector.shape_cast %parallel_loop3A_368 : vector<16xf32> to vector<1x16xf32>
      tpu.vector_store %arg10[%parallel_loop3A_369, %parallel_loop3A_370], %parallel_loop3A_373 {strides = array<i32>} : memref<80x144xf32, #tpu.memory_space<vmem>>, vector<1x16xf32>,
      %parallel_loop3A_374 = arith.index_cast %parallel_loop3A_291 : i32 to index
      %parallel_loop3A_375 = arith.constant 80 : index
      %parallel_loop3A_376 = tpu.vector_load %arg10[%parallel_loop3A_374, %parallel_loop3A_375] {strides = array<i32>} : memref<80x144xf32, #tpu.memory_space<vmem>>, vector<1x16xf32>,
      %parallel_loop3A_377 = vector.shape_cast %parallel_loop3A_376 : vector<1x16xf32> to vector<16xf32>
      %parallel_loop3A_378 = vector.extract_strided_slice %parallel_loop3A_308 {offsets = [5], sizes = [1], strides = [1]} : vector<16xf32> to vector<1xf32>
      %parallel_loop3A_379 = vector.extract %parallel_loop3A_378[0] : f32 from vector<1xf32>
      %parallel_loop3A_380 = vector.broadcast %parallel_loop3A_379 : f32 to vector<16xf32>
      %parallel_loop3A_381 = arith.mulf %parallel_loop3A_377, %parallel_loop3A_380 : vector<16xf32>
      %parallel_loop3A_382 = arith.index_cast %parallel_loop3A_291 : i32 to index
      %parallel_loop3A_383 = arith.constant 80 : index
      %parallel_loop3A_384 = tpu.vector_load %arg10[%parallel_loop3A_382, %parallel_loop3A_383] {strides = array<i32>} : memref<80x144xf32, #tpu.memory_space<vmem>>, vector<1x16xf32>,
      %parallel_loop3A_385 = vector.shape_cast %parallel_loop3A_384 : vector<1x16xf32> to vector<16xf32>
      %parallel_loop3A_386 = vector.shape_cast %parallel_loop3A_381 : vector<16xf32> to vector<1x16xf32>
      tpu.vector_store %arg10[%parallel_loop3A_382, %parallel_loop3A_383], %parallel_loop3A_386 {strides = array<i32>} : memref<80x144xf32, #tpu.memory_space<vmem>>, vector<1x16xf32>,
      %parallel_loop3A_387 = arith.index_cast %parallel_loop3A_291 : i32 to index
      %parallel_loop3A_388 = arith.constant 96 : index
      %parallel_loop3A_389 = tpu.vector_load %arg10[%parallel_loop3A_387, %parallel_loop3A_388] {strides = array<i32>} : memref<80x144xf32, #tpu.memory_space<vmem>>, vector<1x16xf32>,
      %parallel_loop3A_390 = vector.shape_cast %parallel_loop3A_389 : vector<1x16xf32> to vector<16xf32>
      %parallel_loop3A_391 = vector.extract_strided_slice %parallel_loop3A_308 {offsets = [6], sizes = [1], strides = [1]} : vector<16xf32> to vector<1xf32>
      %parallel_loop3A_392 = vector.extract %parallel_loop3A_391[0] : f32 from vector<1xf32>
      %parallel_loop3A_393 = vector.broadcast %parallel_loop3A_392 : f32 to vector<16xf32>
      %parallel_loop3A_394 = arith.mulf %parallel_loop3A_390, %parallel_loop3A_393 : vector<16xf32>
      %parallel_loop3A_395 = arith.index_cast %parallel_loop3A_291 : i32 to index
      %parallel_loop3A_396 = arith.constant 96 : index
      %parallel_loop3A_397 = tpu.vector_load %arg10[%parallel_loop3A_395, %parallel_loop3A_396] {strides = array<i32>} : memref<80x144xf32, #tpu.memory_space<vmem>>, vector<1x16xf32>,
      %parallel_loop3A_398 = vector.shape_cast %parallel_loop3A_397 : vector<1x16xf32> to vector<16xf32>
      %parallel_loop3A_399 = vector.shape_cast %parallel_loop3A_394 : vector<16xf32> to vector<1x16xf32>
      tpu.vector_store %arg10[%parallel_loop3A_395, %parallel_loop3A_396], %parallel_loop3A_399 {strides = array<i32>} : memref<80x144xf32, #tpu.memory_space<vmem>>, vector<1x16xf32>,
      %parallel_loop3A_400 = arith.index_cast %parallel_loop3A_291 : i32 to index
      %parallel_loop3A_401 = arith.constant 112 : index
      %parallel_loop3A_402 = tpu.vector_load %arg10[%parallel_loop3A_400, %parallel_loop3A_401] {strides = array<i32>} : memref<80x144xf32, #tpu.memory_space<vmem>>, vector<1x16xf32>,
      %parallel_loop3A_403 = vector.shape_cast %parallel_loop3A_402 : vector<1x16xf32> to vector<16xf32>
      %parallel_loop3A_404 = vector.extract_strided_slice %parallel_loop3A_308 {offsets = [7], sizes = [1], strides = [1]} : vector<16xf32> to vector<1xf32>
      %parallel_loop3A_405 = vector.extract %parallel_loop3A_404[0] : f32 from vector<1xf32>
      %parallel_loop3A_406 = vector.broadcast %parallel_loop3A_405 : f32 to vector<16xf32>
      %parallel_loop3A_407 = arith.mulf %parallel_loop3A_403, %parallel_loop3A_406 : vector<16xf32>
      %parallel_loop3A_408 = arith.index_cast %parallel_loop3A_291 : i32 to index
      %parallel_loop3A_409 = arith.constant 112 : index
      %parallel_loop3A_410 = tpu.vector_load %arg10[%parallel_loop3A_408, %parallel_loop3A_409] {strides = array<i32>} : memref<80x144xf32, #tpu.memory_space<vmem>>, vector<1x16xf32>,
      %parallel_loop3A_411 = vector.shape_cast %parallel_loop3A_410 : vector<1x16xf32> to vector<16xf32>
      %parallel_loop3A_412 = vector.shape_cast %parallel_loop3A_407 : vector<16xf32> to vector<1x16xf32>
      tpu.vector_store %arg10[%parallel_loop3A_408, %parallel_loop3A_409], %parallel_loop3A_412 {strides = array<i32>} : memref<80x144xf32, #tpu.memory_space<vmem>>, vector<1x16xf32>,
      %parallel_loop3A_413 = arith.index_cast %parallel_loop3A_291 : i32 to index
      %parallel_loop3A_414 = arith.constant 128 : index
      %parallel_loop3A_415 = tpu.vector_load %arg10[%parallel_loop3A_413, %parallel_loop3A_414] {strides = array<i32>} : memref<80x144xf32, #tpu.memory_space<vmem>>, vector<1x16xf32>,
      %parallel_loop3A_416 = vector.shape_cast %parallel_loop3A_415 : vector<1x16xf32> to vector<16xf32>
      %parallel_loop3A_417 = vector.shape_cast %parallel_loop3A_308 : vector<16xf32> to vector<1x16xf32>
      tpu.vector_store %arg10[%parallel_loop3A_413, %parallel_loop3A_414], %parallel_loop3A_417 {strides = array<i32>} : memref<80x144xf32, #tpu.memory_space<vmem>>, vector<1x16xf32>,
    } {sc.loop_unroll_factor = 4 : i64, sc.parallel_access}
    %dma_start3A_258 = arith.constant 0 : i32
    %dma_start3A_259 = arith.constant 1 : i32
    %dma_start3A_260 = arith.constant 0 : i32
    %dma_start3A_261 = tpu.memref_slice %arg7[%dma_start3A_258, %dma_start3A_259, %dma_start3A_260] : memref<4x2x80xi32, #tpu.memory_space<vmem>> -> memref<1x1x80xi32, #tpu.memory_space<vmem>>
    %dma_start3A_262 = tpu.memref_squeeze %dma_start3A_261 : memref<1x1x80xi32, #tpu.memory_space<vmem>> -> memref<80xi32, #tpu.memory_space<vmem>>
    %dma_start3A_263 = arith.constant 0 : i32
    %dma_start3A_264 = arith.constant 0 : i32
    %dma_start3A_265 = tpu.memref_slice %arg18[%dma_start3A_263, %dma_start3A_264] : memref<10000x144xf32, #tpu.memory_space<vmem_shared>> -> memref<10000x144xf32, #tpu.memory_space<vmem_shared>>
    tpu.enqueue_indirect_dma source(%arg10 : memref<80x144xf32, #tpu.memory_space<vmem>>) target(%dma_start3A_265 : memref<10000x144xf32, #tpu.memory_space<vmem_shared>>) offsets(%dma_start3A_262 : memref<80xi32, #tpu.memory_space<vmem>>) semaphore(%arg16 : memref<!tpu.dma_semaphore, #tpu.memory_space<semaphore_mem>>) {add = true}
    %dma_wait3A_266 = arith.constant 0 : i32
    %dma_wait3A_267 = arith.constant 0 : i32
    %dma_wait3A_268 = arith.constant 0 : i32
    %dma_wait3A_269 = arith.constant 0 : i32
    %dma_wait3A_270 = tpu.memref_slice %arg7[%dma_wait3A_267, %dma_wait3A_268, %dma_wait3A_269] : memref<4x2x80xi32, #tpu.memory_space<vmem>> -> memref<1x2x80xi32, #tpu.memory_space<vmem>>
    %dma_wait3A_271 = tpu.memref_squeeze %dma_wait3A_270 : memref<1x2x80xi32, #tpu.memory_space<vmem>> -> memref<2x80xi32, #tpu.memory_space<vmem>>
    %dma_wait3A_272 = arith.constant 0 : i32
    %dma_wait3A_273 = arith.constant 0 : i32
    %dma_wait3A_274 = tpu.memref_slice %arg2[%dma_wait3A_266, %dma_wait3A_272, %dma_wait3A_273] : memref<4008x2x80xi32, #tpu.memory_space<hbm>> -> memref<1x2x80xi32, #tpu.memory_space<hbm>>
    %dma_wait3A_275 = tpu.memref_squeeze %dma_wait3A_274 : memref<1x2x80xi32, #tpu.memory_space<hbm>> -> memref<2x80xi32, #tpu.memory_space<hbm>>
    %dma_wait3A_276 = arith.constant 0 : i32
    %dma_wait3A_277 = arith.constant 0 : i32
    %dma_wait3A_278 = tpu.memref_slice %arg7[%dma_wait3A_267, %dma_wait3A_276, %dma_wait3A_277] : memref<4x2x80xi32, #tpu.memory_space<vmem>> -> memref<1x2x80xi32, #tpu.memory_space<vmem>>
    %dma_wait3A_279 = tpu.memref_squeeze %dma_wait3A_278 : memref<1x2x80xi32, #tpu.memory_space<vmem>> -> memref<2x80xi32, #tpu.memory_space<vmem>>
    %dma_wait3A_280 = arith.constant 0 : i32
    %dma_wait3A_281 = arith.constant 0 : i32
    %dma_wait3A_282 = tpu.memref_slice %arg2[%dma_wait3A_266, %dma_wait3A_280, %dma_wait3A_281] : memref<4008x2x80xi32, #tpu.memory_space<hbm>> -> memref<1x2x80xi32, #tpu.memory_space<hbm>>
    %dma_wait3A_283 = tpu.memref_squeeze %dma_wait3A_282 : memref<1x2x80xi32, #tpu.memory_space<hbm>> -> memref<2x80xi32, #tpu.memory_space<hbm>>
    tpu.wait_dma2 semaphore(%arg13 : memref<!tpu.dma_semaphore, #tpu.memory_space<semaphore_mem>>) src(%dma_wait3A_283 : memref<2x80xi32, #tpu.memory_space<hbm>>) dst(%dma_wait3A_279 : memref<2x80xi32, #tpu.memory_space<vmem>>)
    %dma_wait3A_284 = arith.constant 0 : i32
    %dma_wait3A_285 = arith.constant 0 : i32
    %dma_wait3A_286 = tpu.memref_slice %arg5[%dma_wait3A_284, %dma_wait3A_285] : memref<10000x144xf32, #tpu.memory_space<hbm>> -> memref<80x144xf32, #tpu.memory_space<hbm>>
    %dma_wait3A_287 = arith.constant 0 : i32
    %dma_wait3A_288 = arith.constant 0 : i32
    %dma_wait3A_289 = tpu.memref_slice %arg5[%dma_wait3A_287, %dma_wait3A_288] : memref<10000x144xf32, #tpu.memory_space<hbm>> -> memref<80x144xf32, #tpu.memory_space<hbm>>
    tpu.wait_dma2 semaphore(%arg16 : memref<!tpu.dma_semaphore, #tpu.memory_space<semaphore_mem>>) src(%dma_wait3A_289 : memref<80x144xf32, #tpu.memory_space<hbm>>) dst(%arg10 : memref<80x144xf32, #tpu.memory_space<vmem>>)
    %barrier3A_290 = arith.constant 0 : index
    tpu.barrier barrier_id(%barrier3A_290)
    "tpu.region"() ({
      %run_scoped3A = tpu.sem_alloc : memref<!tpu.dma_semaphore, #tpu.memory_space<semaphore_mem>>
      %dma_start3A_291 = arith.constant 0 : i32
      %dma_start3A_292 = tpu.memref_slice %arg6[%arg0, %mul3A_2, %dma_start3A_291] : memref<2x10000x144xf32, #tpu.memory_space<hbm>> -> memref<1x640x144xf32, #tpu.memory_space<hbm>>
      %dma_start3A_293 = tpu.memref_squeeze %dma_start3A_292 : memref<1x640x144xf32, #tpu.memory_space<hbm>> -> memref<640x144xf32, #tpu.memory_space<hbm>>
      %dma_start3A_294 = arith.constant 0 : i32
      %dma_start3A_295 = tpu.memref_slice %arg18[%mul3A_2, %dma_start3A_294] : memref<10000x144xf32, #tpu.memory_space<vmem_shared>> -> memref<640x144xf32, #tpu.memory_space<vmem_shared>>
      tpu.enqueue_dma source(%dma_start3A_295 : memref<640x144xf32, #tpu.memory_space<vmem_shared>>) target(%dma_start3A_293 : memref<640x144xf32, #tpu.memory_space<hbm>>) target_semaphore(%run_scoped3A : memref<!tpu.dma_semaphore, #tpu.memory_space<semaphore_mem>>)
      %dma_wait3A_296 = arith.constant 0 : i32
      %dma_wait3A_297 = tpu.memref_slice %arg6[%arg0, %mul3A_2, %dma_wait3A_296] : memref<2x10000x144xf32, #tpu.memory_space<hbm>> -> memref<1x640x144xf32, #tpu.memory_space<hbm>>
      %dma_wait3A_298 = tpu.memref_squeeze %dma_wait3A_297 : memref<1x640x144xf32, #tpu.memory_space<hbm>> -> memref<640x144xf32, #tpu.memory_space<hbm>>
      %dma_wait3A_299 = arith.constant 0 : i32
      %dma_wait3A_300 = tpu.memref_slice %arg18[%mul3A_2, %dma_wait3A_299] : memref<10000x144xf32, #tpu.memory_space<vmem_shared>> -> memref<640x144xf32, #tpu.memory_space<vmem_shared>>
      tpu.wait_dma2 semaphore(%run_scoped3A : memref<!tpu.dma_semaphore, #tpu.memory_space<semaphore_mem>>) src(%dma_wait3A_300 : memref<640x144xf32, #tpu.memory_space<vmem_shared>>) dst(%dma_wait3A_298 : memref<640x144xf32, #tpu.memory_space<hbm>>)
      tpu.yield
    }) : () -> ()
    return
  }
}

#map = affine_map<(d0, d1) -> (0, 0, 0)>
#map1 = affine_map<(d0, d1) -> (0, 0)>
module attributes {stable_mosaic.version = 14 : i64} {
  func.func @_edge_pass_body(%arg0: i32, %arg1: i32, %arg2: memref<4008x2x80xi32, #tpu.memory_space<hbm>>, %arg3: memref<10000x144xf32, #tpu.memory_space<hbm>>, %arg4: memref<10000x16xf32, #tpu.memory_space<hbm>>, %arg5: memref<10000x144xf32, #tpu.memory_space<hbm>>, %arg6: memref<2x10000x144xf32, #tpu.memory_space<hbm>>, %arg7: memref<4x2x80xi32, #tpu.memory_space<vmem>>, %arg8: memref<80x16xf32, #tpu.memory_space<vmem>>, %arg9: memref<80x16xf32, #tpu.memory_space<vmem>>, %arg10: memref<80x144xf32, #tpu.memory_space<vmem>>, %arg11: memref<80x144xf32, #tpu.memory_space<vmem>>, %arg12: memref<!tpu.dma_semaphore, #tpu.memory_space<semaphore_mem>>, %arg13: memref<!tpu.dma_semaphore, #tpu.memory_space<semaphore_mem>>, %arg14: memref<!tpu.dma_semaphore, #tpu.memory_space<semaphore_mem>>, %arg15: memref<!tpu.dma_semaphore, #tpu.memory_space<semaphore_mem>>, %arg16: memref<!tpu.dma_semaphore, #tpu.memory_space<semaphore_mem>>, %arg17: memref<!tpu.dma_semaphore, #tpu.memory_space<semaphore_mem>>, %arg18: memref<10000x144xf32, #tpu.memory_space<vmem_shared>>) attributes {dimension_semantics = [#tpu.dimension_semantics<core_parallel>, #tpu.dimension_semantics<subcore_parallel>], iteration_bounds = array<i64: 2, 16>, scalar_prefetch = 0 : i64, scratch_operands = 12 : i64, tpu.core_type = #tpu.core_type<sc_vector_subcore>, window_params = [{transform_indices = #map}, {transform_indices = #map1}, {transform_indices = #map1}, {transform_indices = #map1}, {transform_indices = #map}]} {
    %mul3A = arith.constant 2 : i32
    %mul3A_0 = arith.muli %arg1, %mul3A : i32
    %add3A = arith.addi %mul3A_0, %arg0 : i32
    %mul3A_1 = arith.constant 624 : i32
    %mul3A_2 = arith.muli %arg1, %mul3A_1 : i32
    %mul3A_3 = arith.constant 125 : i32
    %mul3A_4 = arith.muli %add3A, %mul3A_3 : i32
    "tpu.region"() ({
      %run_scoped3A = tpu.sem_alloc : memref<!tpu.dma_semaphore, #tpu.memory_space<semaphore_mem>>
      %dma_start3A_291 = arith.constant 0 : i32
      %dma_start3A_292 = tpu.memref_slice %arg18[%mul3A_2, %dma_start3A_291] : memref<10000x144xf32, #tpu.memory_space<vmem_shared>> -> memref<640x144xf32, #tpu.memory_space<vmem_shared>>
      %dma_start3A_293 = arith.constant 0 : i32
      %dma_start3A_294 = tpu.memref_slice %arg5[%mul3A_2, %dma_start3A_293] : memref<10000x144xf32, #tpu.memory_space<hbm>> -> memref<640x144xf32, #tpu.memory_space<hbm>>
      tpu.enqueue_dma source(%dma_start3A_294 : memref<640x144xf32, #tpu.memory_space<hbm>>) target(%dma_start3A_292 : memref<640x144xf32, #tpu.memory_space<vmem_shared>>) target_semaphore(%run_scoped3A : memref<!tpu.dma_semaphore, #tpu.memory_space<semaphore_mem>>)
      %dma_wait3A_295 = arith.constant 0 : i32
      %dma_wait3A_296 = tpu.memref_slice %arg18[%mul3A_2, %dma_wait3A_295] : memref<10000x144xf32, #tpu.memory_space<vmem_shared>> -> memref<640x144xf32, #tpu.memory_space<vmem_shared>>
      %dma_wait3A_297 = arith.constant 0 : i32
      %dma_wait3A_298 = tpu.memref_slice %arg5[%mul3A_2, %dma_wait3A_297] : memref<10000x144xf32, #tpu.memory_space<hbm>> -> memref<640x144xf32, #tpu.memory_space<hbm>>
      tpu.wait_dma2 semaphore(%run_scoped3A : memref<!tpu.dma_semaphore, #tpu.memory_space<semaphore_mem>>) src(%dma_wait3A_298 : memref<640x144xf32, #tpu.memory_space<hbm>>) dst(%dma_wait3A_296 : memref<640x144xf32, #tpu.memory_space<vmem_shared>>)
      tpu.yield
    }) : () -> ()
    %barrier3A = arith.constant 0 : index
    tpu.barrier barrier_id(%barrier3A)
    %add3A_5 = arith.constant 0 : i32
    %add3A_6 = arith.addi %mul3A_4, %add3A_5 : i32
    %dma_start3A = arith.constant 0 : i32
    %dma_start3A_7 = arith.constant 0 : i32
    %dma_start3A_8 = arith.constant 0 : i32
    %dma_start3A_9 = tpu.memref_slice %arg7[%dma_start3A, %dma_start3A_7, %dma_start3A_8] : memref<4x2x80xi32, #tpu.memory_space<vmem>> -> memref<1x2x80xi32, #tpu.memory_space<vmem>>
    %dma_start3A_10 = tpu.memref_squeeze %dma_start3A_9 : memref<1x2x80xi32, #tpu.memory_space<vmem>> -> memref<2x80xi32, #tpu.memory_space<vmem>>
    %dma_start3A_11 = arith.constant 0 : i32
    %dma_start3A_12 = arith.constant 0 : i32
    %dma_start3A_13 = tpu.memref_slice %arg2[%add3A_6, %dma_start3A_11, %dma_start3A_12] : memref<4008x2x80xi32, #tpu.memory_space<hbm>> -> memref<1x2x80xi32, #tpu.memory_space<hbm>>
    %dma_start3A_14 = tpu.memref_squeeze %dma_start3A_13 : memref<1x2x80xi32, #tpu.memory_space<hbm>> -> memref<2x80xi32, #tpu.memory_space<hbm>>
    %dma_start3A_15 = arith.constant 0 : i32
    %dma_start3A_16 = arith.constant 0 : i32
    %dma_start3A_17 = tpu.memref_slice %arg7[%dma_start3A, %dma_start3A_15, %dma_start3A_16] : memref<4x2x80xi32, #tpu.memory_space<vmem>> -> memref<1x2x80xi32, #tpu.memory_space<vmem>>
    %dma_start3A_18 = tpu.memref_squeeze %dma_start3A_17 : memref<1x2x80xi32, #tpu.memory_space<vmem>> -> memref<2x80xi32, #tpu.memory_space<vmem>>
    %dma_start3A_19 = arith.constant 0 : i32
    %dma_start3A_20 = arith.constant 0 : i32
    %dma_start3A_21 = tpu.memref_slice %arg2[%add3A_6, %dma_start3A_19, %dma_start3A_20] : memref<4008x2x80xi32, #tpu.memory_space<hbm>> -> memref<1x2x80xi32, #tpu.memory_space<hbm>>
    %dma_start3A_22 = tpu.memref_squeeze %dma_start3A_21 : memref<1x2x80xi32, #tpu.memory_space<hbm>> -> memref<2x80xi32, #tpu.memory_space<hbm>>
    tpu.enqueue_dma source(%dma_start3A_22 : memref<2x80xi32, #tpu.memory_space<hbm>>) target(%dma_start3A_18 : memref<2x80xi32, #tpu.memory_space<vmem>>) target_semaphore(%arg12 : memref<!tpu.dma_semaphore, #tpu.memory_space<semaphore_mem>>)
    %add3A_23 = arith.constant 1 : i32
    %add3A_24 = arith.addi %mul3A_4, %add3A_23 : i32
    %dma_start3A_25 = arith.constant 1 : i32
    %dma_start3A_26 = arith.constant 0 : i32
    %dma_start3A_27 = arith.constant 0 : i32
    %dma_start3A_28 = tpu.memref_slice %arg7[%dma_start3A_25, %dma_start3A_26, %dma_start3A_27] : memref<4x2x80xi32, #tpu.memory_space<vmem>> -> memref<1x2x80xi32, #tpu.memory_space<vmem>>
    %dma_start3A_29 = tpu.memref_squeeze %dma_start3A_28 : memref<1x2x80xi32, #tpu.memory_space<vmem>> -> memref<2x80xi32, #tpu.memory_space<vmem>>
    %dma_start3A_30 = arith.constant 0 : i32
    %dma_start3A_31 = arith.constant 0 : i32
    %dma_start3A_32 = tpu.memref_slice %arg2[%add3A_24, %dma_start3A_30, %dma_start3A_31] : memref<4008x2x80xi32, #tpu.memory_space<hbm>> -> memref<1x2x80xi32, #tpu.memory_space<hbm>>
    %dma_start3A_33 = tpu.memref_squeeze %dma_start3A_32 : memref<1x2x80xi32, #tpu.memory_space<hbm>> -> memref<2x80xi32, #tpu.memory_space<hbm>>
    %dma_start3A_34 = arith.constant 0 : i32
    %dma_start3A_35 = arith.constant 0 : i32
    %dma_start3A_36 = tpu.memref_slice %arg7[%dma_start3A_25, %dma_start3A_34, %dma_start3A_35] : memref<4x2x80xi32, #tpu.memory_space<vmem>> -> memref<1x2x80xi32, #tpu.memory_space<vmem>>
    %dma_start3A_37 = tpu.memref_squeeze %dma_start3A_36 : memref<1x2x80xi32, #tpu.memory_space<vmem>> -> memref<2x80xi32, #tpu.memory_space<vmem>>
    %dma_start3A_38 = arith.constant 0 : i32
    %dma_start3A_39 = arith.constant 0 : i32
    %dma_start3A_40 = tpu.memref_slice %arg2[%add3A_24, %dma_start3A_38, %dma_start3A_39] : memref<4008x2x80xi32, #tpu.memory_space<hbm>> -> memref<1x2x80xi32, #tpu.memory_space<hbm>>
    %dma_start3A_41 = tpu.memref_squeeze %dma_start3A_40 : memref<1x2x80xi32, #tpu.memory_space<hbm>> -> memref<2x80xi32, #tpu.memory_space<hbm>>
    tpu.enqueue_dma source(%dma_start3A_41 : memref<2x80xi32, #tpu.memory_space<hbm>>) target(%dma_start3A_37 : memref<2x80xi32, #tpu.memory_space<vmem>>) target_semaphore(%arg13 : memref<!tpu.dma_semaphore, #tpu.memory_space<semaphore_mem>>)
    %dma_wait3A = arith.constant 0 : i32
    %dma_wait3A_42 = arith.constant 0 : i32
    %dma_wait3A_43 = arith.constant 0 : i32
    %dma_wait3A_44 = arith.constant 0 : i32
    %dma_wait3A_45 = tpu.memref_slice %arg7[%dma_wait3A_42, %dma_wait3A_43, %dma_wait3A_44] : memref<4x2x80xi32, #tpu.memory_space<vmem>> -> memref<1x2x80xi32, #tpu.memory_space<vmem>>
    %dma_wait3A_46 = tpu.memref_squeeze %dma_wait3A_45 : memref<1x2x80xi32, #tpu.memory_space<vmem>> -> memref<2x80xi32, #tpu.memory_space<vmem>>
    %dma_wait3A_47 = arith.constant 0 : i32
    %dma_wait3A_48 = arith.constant 0 : i32
    %dma_wait3A_49 = tpu.memref_slice %arg2[%dma_wait3A, %dma_wait3A_47, %dma_wait3A_48] : memref<4008x2x80xi32, #tpu.memory_space<hbm>> -> memref<1x2x80xi32, #tpu.memory_space<hbm>>
    %dma_wait3A_50 = tpu.memref_squeeze %dma_wait3A_49 : memref<1x2x80xi32, #tpu.memory_space<hbm>> -> memref<2x80xi32, #tpu.memory_space<hbm>>
    %dma_wait3A_51 = arith.constant 0 : i32
    %dma_wait3A_52 = arith.constant 0 : i32
    %dma_wait3A_53 = tpu.memref_slice %arg7[%dma_wait3A_42, %dma_wait3A_51, %dma_wait3A_52] : memref<4x2x80xi32, #tpu.memory_space<vmem>> -> memref<1x2x80xi32, #tpu.memory_space<vmem>>
    %dma_wait3A_54 = tpu.memref_squeeze %dma_wait3A_53 : memref<1x2x80xi32, #tpu.memory_space<vmem>> -> memref<2x80xi32, #tpu.memory_space<vmem>>
    %dma_wait3A_55 = arith.constant 0 : i32
    %dma_wait3A_56 = arith.constant 0 : i32
    %dma_wait3A_57 = tpu.memref_slice %arg2[%dma_wait3A, %dma_wait3A_55, %dma_wait3A_56] : memref<4008x2x80xi32, #tpu.memory_space<hbm>> -> memref<1x2x80xi32, #tpu.memory_space<hbm>>
    %dma_wait3A_58 = tpu.memref_squeeze %dma_wait3A_57 : memref<1x2x80xi32, #tpu.memory_space<hbm>> -> memref<2x80xi32, #tpu.memory_space<hbm>>
    tpu.wait_dma2 semaphore(%arg12 : memref<!tpu.dma_semaphore, #tpu.memory_space<semaphore_mem>>) src(%dma_wait3A_58 : memref<2x80xi32, #tpu.memory_space<hbm>>) dst(%dma_wait3A_54 : memref<2x80xi32, #tpu.memory_space<vmem>>)
    %dma_start3A_59 = arith.constant 0 : i32
    %dma_start3A_60 = arith.constant 0 : i32
    %dma_start3A_61 = arith.constant 0 : i32
    %dma_start3A_62 = tpu.memref_slice %arg7[%dma_start3A_59, %dma_start3A_60, %dma_start3A_61] : memref<4x2x80xi32, #tpu.memory_space<vmem>> -> memref<1x1x80xi32, #tpu.memory_space<vmem>>
    %dma_start3A_63 = tpu.memref_squeeze %dma_start3A_62 : memref<1x1x80xi32, #tpu.memory_space<vmem>> -> memref<80xi32, #tpu.memory_space<vmem>>
    %dma_start3A_64 = arith.constant 0 : i32
    %dma_start3A_65 = arith.constant 0 : i32
    %dma_start3A_66 = tpu.memref_slice %arg3[%dma_start3A_64, %dma_start3A_65] : memref<10000x144xf32, #tpu.memory_space<hbm>> -> memref<10000x144xf32, #tpu.memory_space<hbm>>
    tpu.enqueue_indirect_dma source(%dma_start3A_66 : memref<10000x144xf32, #tpu.memory_space<hbm>>) target(%arg10 : memref<80x144xf32, #tpu.memory_space<vmem>>) offsets(%dma_start3A_63 : memref<80xi32, #tpu.memory_space<vmem>>) semaphore(%arg14 : memref<!tpu.dma_semaphore, #tpu.memory_space<semaphore_mem>>)
    %dma_start3A_67 = arith.constant 0 : i32
    %dma_start3A_68 = arith.constant 1 : i32
    %dma_start3A_69 = arith.constant 0 : i32
    %dma_start3A_70 = tpu.memref_slice %arg7[%dma_start3A_67, %dma_start3A_68, %dma_start3A_69] : memref<4x2x80xi32, #tpu.memory_space<vmem>> -> memref<1x1x80xi32, #tpu.memory_space<vmem>>
    %dma_start3A_71 = tpu.memref_squeeze %dma_start3A_70 : memref<1x1x80xi32, #tpu.memory_space<vmem>> -> memref<80xi32, #tpu.memory_space<vmem>>
    %dma_start3A_72 = arith.constant 0 : i32
    %dma_start3A_73 = arith.constant 0 : i32
    %dma_start3A_74 = tpu.memref_slice %arg4[%dma_start3A_72, %dma_start3A_73] : memref<10000x16xf32, #tpu.memory_space<hbm>> -> memref<10000x16xf32, #tpu.memory_space<hbm>>
    tpu.enqueue_indirect_dma source(%dma_start3A_74 : memref<10000x16xf32, #tpu.memory_space<hbm>>) target(%arg8 : memref<80x16xf32, #tpu.memory_space<vmem>>) offsets(%dma_start3A_71 : memref<80xi32, #tpu.memory_space<vmem>>) semaphore(%arg14 : memref<!tpu.dma_semaphore, #tpu.memory_space<semaphore_mem>>)
    %add3A_75 = arith.constant 2 : i32
    %add3A_76 = arith.addi %mul3A_4, %add3A_75 : i32
    %dma_start3A_77 = arith.constant 2 : i32
    %dma_start3A_78 = arith.constant 0 : i32
    %dma_start3A_79 = arith.constant 0 : i32
    %dma_start3A_80 = tpu.memref_slice %arg7[%dma_start3A_77, %dma_start3A_78, %dma_start3A_79] : memref<4x2x80xi32, #tpu.memory_space<vmem>> -> memref<1x2x80xi32, #tpu.memory_space<vmem>>
    %dma_start3A_81 = tpu.memref_squeeze %dma_start3A_80 : memref<1x2x80xi32, #tpu.memory_space<vmem>> -> memref<2x80xi32, #tpu.memory_space<vmem>>
    %dma_start3A_82 = arith.constant 0 : i32
    %dma_start3A_83 = arith.constant 0 : i32
    %dma_start3A_84 = tpu.memref_slice %arg2[%add3A_76, %dma_start3A_82, %dma_start3A_83] : memref<4008x2x80xi32, #tpu.memory_space<hbm>> -> memref<1x2x80xi32, #tpu.memory_space<hbm>>
    %dma_start3A_85 = tpu.memref_squeeze %dma_start3A_84 : memref<1x2x80xi32, #tpu.memory_space<hbm>> -> memref<2x80xi32, #tpu.memory_space<hbm>>
    %dma_start3A_86 = arith.constant 0 : i32
    %dma_start3A_87 = arith.constant 0 : i32
    %dma_start3A_88 = tpu.memref_slice %arg7[%dma_start3A_77, %dma_start3A_86, %dma_start3A_87] : memref<4x2x80xi32, #tpu.memory_space<vmem>> -> memref<1x2x80xi32, #tpu.memory_space<vmem>>
    %dma_start3A_89 = tpu.memref_squeeze %dma_start3A_88 : memref<1x2x80xi32, #tpu.memory_space<vmem>> -> memref<2x80xi32, #tpu.memory_space<vmem>>
    %dma_start3A_90 = arith.constant 0 : i32
    %dma_start3A_91 = arith.constant 0 : i32
    %dma_start3A_92 = tpu.memref_slice %arg2[%add3A_76, %dma_start3A_90, %dma_start3A_91] : memref<4008x2x80xi32, #tpu.memory_space<hbm>> -> memref<1x2x80xi32, #tpu.memory_space<hbm>>
    %dma_start3A_93 = tpu.memref_squeeze %dma_start3A_92 : memref<1x2x80xi32, #tpu.memory_space<hbm>> -> memref<2x80xi32, #tpu.memory_space<hbm>>
    tpu.enqueue_dma source(%dma_start3A_93 : memref<2x80xi32, #tpu.memory_space<hbm>>) target(%dma_start3A_89 : memref<2x80xi32, #tpu.memory_space<vmem>>) target_semaphore(%arg12 : memref<!tpu.dma_semaphore, #tpu.memory_space<semaphore_mem>>)
    %dma_wait3A_94 = arith.constant 0 : i32
    %dma_wait3A_95 = arith.constant 0 : i32
    %dma_wait3A_96 = tpu.memref_slice %arg3[%dma_wait3A_94, %dma_wait3A_95] : memref<10000x144xf32, #tpu.memory_space<hbm>> -> memref<80x144xf32, #tpu.memory_space<hbm>>
    %dma_wait3A_97 = arith.constant 0 : i32
    %dma_wait3A_98 = arith.constant 0 : i32
    %dma_wait3A_99 = tpu.memref_slice %arg3[%dma_wait3A_97, %dma_wait3A_98] : memref<10000x144xf32, #tpu.memory_space<hbm>> -> memref<80x144xf32, #tpu.memory_space<hbm>>
    tpu.wait_dma2 semaphore(%arg14 : memref<!tpu.dma_semaphore, #tpu.memory_space<semaphore_mem>>) src(%dma_wait3A_99 : memref<80x144xf32, #tpu.memory_space<hbm>>) dst(%arg10 : memref<80x144xf32, #tpu.memory_space<vmem>>)
    %dma_wait3A_100 = arith.constant 0 : i32
    %dma_wait3A_101 = arith.constant 0 : i32
    %dma_wait3A_102 = tpu.memref_slice %arg4[%dma_wait3A_100, %dma_wait3A_101] : memref<10000x16xf32, #tpu.memory_space<hbm>> -> memref<80x16xf32, #tpu.memory_space<hbm>>
    %dma_wait3A_103 = arith.constant 0 : i32
    %dma_wait3A_104 = arith.constant 0 : i32
    %dma_wait3A_105 = tpu.memref_slice %arg4[%dma_wait3A_103, %dma_wait3A_104] : memref<10000x16xf32, #tpu.memory_space<hbm>> -> memref<80x16xf32, #tpu.memory_space<hbm>>
    tpu.wait_dma2 semaphore(%arg14 : memref<!tpu.dma_semaphore, #tpu.memory_space<semaphore_mem>>) src(%dma_wait3A_105 : memref<80x16xf32, #tpu.memory_space<hbm>>) dst(%arg8 : memref<80x16xf32, #tpu.memory_space<vmem>>)
    %dma_wait3A_106 = arith.constant 0 : i32
    %dma_wait3A_107 = arith.constant 0 : i32
    %dma_wait3A_108 = arith.constant 0 : i32
    %dma_wait3A_109 = arith.constant 0 : i32
    %dma_wait3A_110 = tpu.memref_slice %arg7[%dma_wait3A_107, %dma_wait3A_108, %dma_wait3A_109] : memref<4x2x80xi32, #tpu.memory_space<vmem>> -> memref<1x2x80xi32, #tpu.memory_space<vmem>>
    %dma_wait3A_111 = tpu.memref_squeeze %dma_wait3A_110 : memref<1x2x80xi32, #tpu.memory_space<vmem>> -> memref<2x80xi32, #tpu.memory_space<vmem>>
    %dma_wait3A_112 = arith.constant 0 : i32
    %dma_wait3A_113 = arith.constant 0 : i32
    %dma_wait3A_114 = tpu.memref_slice %arg2[%dma_wait3A_106, %dma_wait3A_112, %dma_wait3A_113] : memref<4008x2x80xi32, #tpu.memory_space<hbm>> -> memref<1x2x80xi32, #tpu.memory_space<hbm>>
    %dma_wait3A_115 = tpu.memref_squeeze %dma_wait3A_114 : memref<1x2x80xi32, #tpu.memory_space<hbm>> -> memref<2x80xi32, #tpu.memory_space<hbm>>
    %dma_wait3A_116 = arith.constant 0 : i32
    %dma_wait3A_117 = arith.constant 0 : i32
    %dma_wait3A_118 = tpu.memref_slice %arg7[%dma_wait3A_107, %dma_wait3A_116, %dma_wait3A_117] : memref<4x2x80xi32, #tpu.memory_space<vmem>> -> memref<1x2x80xi32, #tpu.memory_space<vmem>>
    %dma_wait3A_119 = tpu.memref_squeeze %dma_wait3A_118 : memref<1x2x80xi32, #tpu.memory_space<vmem>> -> memref<2x80xi32, #tpu.memory_space<vmem>>
    %dma_wait3A_120 = arith.constant 0 : i32
    %dma_wait3A_121 = arith.constant 0 : i32
    %dma_wait3A_122 = tpu.memref_slice %arg2[%dma_wait3A_106, %dma_wait3A_120, %dma_wait3A_121] : memref<4008x2x80xi32, #tpu.memory_space<hbm>> -> memref<1x2x80xi32, #tpu.memory_space<hbm>>
    %dma_wait3A_123 = tpu.memref_squeeze %dma_wait3A_122 : memref<1x2x80xi32, #tpu.memory_space<hbm>> -> memref<2x80xi32, #tpu.memory_space<hbm>>
    tpu.wait_dma2 semaphore(%arg13 : memref<!tpu.dma_semaphore, #tpu.memory_space<semaphore_mem>>) src(%dma_wait3A_123 : memref<2x80xi32, #tpu.memory_space<hbm>>) dst(%dma_wait3A_119 : memref<2x80xi32, #tpu.memory_space<vmem>>)
    %dma_start3A_124 = arith.constant 1 : i32
    %dma_start3A_125 = arith.constant 0 : i32
    %dma_start3A_126 = arith.constant 0 : i32
    %dma_start3A_127 = tpu.memref_slice %arg7[%dma_start3A_124, %dma_start3A_125, %dma_start3A_126] : memref<4x2x80xi32, #tpu.memory_space<vmem>> -> memref<1x1x80xi32, #tpu.memory_space<vmem>>
    %dma_start3A_128 = tpu.memref_squeeze %dma_start3A_127 : memref<1x1x80xi32, #tpu.memory_space<vmem>> -> memref<80xi32, #tpu.memory_space<vmem>>
    %dma_start3A_129 = arith.constant 0 : i32
    %dma_start3A_130 = arith.constant 0 : i32
    %dma_start3A_131 = tpu.memref_slice %arg3[%dma_start3A_129, %dma_start3A_130] : memref<10000x144xf32, #tpu.memory_space<hbm>> -> memref<10000x144xf32, #tpu.memory_space<hbm>>
    tpu.enqueue_indirect_dma source(%dma_start3A_131 : memref<10000x144xf32, #tpu.memory_space<hbm>>) target(%arg11 : memref<80x144xf32, #tpu.memory_space<vmem>>) offsets(%dma_start3A_128 : memref<80xi32, #tpu.memory_space<vmem>>) semaphore(%arg15 : memref<!tpu.dma_semaphore, #tpu.memory_space<semaphore_mem>>)
    %dma_start3A_132 = arith.constant 1 : i32
    %dma_start3A_133 = arith.constant 1 : i32
    %dma_start3A_134 = arith.constant 0 : i32
    %dma_start3A_135 = tpu.memref_slice %arg7[%dma_start3A_132, %dma_start3A_133, %dma_start3A_134] : memref<4x2x80xi32, #tpu.memory_space<vmem>> -> memref<1x1x80xi32, #tpu.memory_space<vmem>>
    %dma_start3A_136 = tpu.memref_squeeze %dma_start3A_135 : memref<1x1x80xi32, #tpu.memory_space<vmem>> -> memref<80xi32, #tpu.memory_space<vmem>>
    %dma_start3A_137 = arith.constant 0 : i32
    %dma_start3A_138 = arith.constant 0 : i32
    %dma_start3A_139 = tpu.memref_slice %arg4[%dma_start3A_137, %dma_start3A_138] : memref<10000x16xf32, #tpu.memory_space<hbm>> -> memref<10000x16xf32, #tpu.memory_space<hbm>>
    tpu.enqueue_indirect_dma source(%dma_start3A_139 : memref<10000x16xf32, #tpu.memory_space<hbm>>) target(%arg9 : memref<80x16xf32, #tpu.memory_space<vmem>>) offsets(%dma_start3A_136 : memref<80xi32, #tpu.memory_space<vmem>>) semaphore(%arg15 : memref<!tpu.dma_semaphore, #tpu.memory_space<semaphore_mem>>)
    %add3A_140 = arith.constant 3 : i32
    %add3A_141 = arith.addi %mul3A_4, %add3A_140 : i32
    %dma_start3A_142 = arith.constant 3 : i32
    %dma_start3A_143 = arith.constant 0 : i32
    %dma_start3A_144 = arith.constant 0 : i32
    %dma_start3A_145 = tpu.memref_slice %arg7[%dma_start3A_142, %dma_start3A_143, %dma_start3A_144] : memref<4x2x80xi32, #tpu.memory_space<vmem>> -> memref<1x2x80xi32, #tpu.memory_space<vmem>>
    %dma_start3A_146 = tpu.memref_squeeze %dma_start3A_145 : memref<1x2x80xi32, #tpu.memory_space<vmem>> -> memref<2x80xi32, #tpu.memory_space<vmem>>
    %dma_start3A_147 = arith.constant 0 : i32
    %dma_start3A_148 = arith.constant 0 : i32
    %dma_start3A_149 = tpu.memref_slice %arg2[%add3A_141, %dma_start3A_147, %dma_start3A_148] : memref<4008x2x80xi32, #tpu.memory_space<hbm>> -> memref<1x2x80xi32, #tpu.memory_space<hbm>>
    %dma_start3A_150 = tpu.memref_squeeze %dma_start3A_149 : memref<1x2x80xi32, #tpu.memory_space<hbm>> -> memref<2x80xi32, #tpu.memory_space<hbm>>
    %dma_start3A_151 = arith.constant 0 : i32
    %dma_start3A_152 = arith.constant 0 : i32
    %dma_start3A_153 = tpu.memref_slice %arg7[%dma_start3A_142, %dma_start3A_151, %dma_start3A_152] : memref<4x2x80xi32, #tpu.memory_space<vmem>> -> memref<1x2x80xi32, #tpu.memory_space<vmem>>
    %dma_start3A_154 = tpu.memref_squeeze %dma_start3A_153 : memref<1x2x80xi32, #tpu.memory_space<vmem>> -> memref<2x80xi32, #tpu.memory_space<vmem>>
    %dma_start3A_155 = arith.constant 0 : i32
    %dma_start3A_156 = arith.constant 0 : i32
    %dma_start3A_157 = tpu.memref_slice %arg2[%add3A_141, %dma_start3A_155, %dma_start3A_156] : memref<4008x2x80xi32, #tpu.memory_space<hbm>> -> memref<1x2x80xi32, #tpu.memory_space<hbm>>
    %dma_start3A_158 = tpu.memref_squeeze %dma_start3A_157 : memref<1x2x80xi32, #tpu.memory_space<hbm>> -> memref<2x80xi32, #tpu.memory_space<hbm>>
    tpu.enqueue_dma source(%dma_start3A_158 : memref<2x80xi32, #tpu.memory_space<hbm>>) target(%dma_start3A_154 : memref<2x80xi32, #tpu.memory_space<vmem>>) target_semaphore(%arg13 : memref<!tpu.dma_semaphore, #tpu.memory_space<semaphore_mem>>)
    %parallel_loop3A = arith.constant 0 : i32
    %parallel_loop3A_159 = arith.constant 80 : i32
    %parallel_loop3A_160 = arith.constant 1 : i32
    scf.for %parallel_loop3A_291 = %parallel_loop3A to %parallel_loop3A_159 step %parallel_loop3A_160  : i32 {
      %parallel_loop3A_292 = arith.index_cast %parallel_loop3A_291 : i32 to index
      %parallel_loop3A_293 = arith.constant 128 : index
      %parallel_loop3A_294 = tpu.vector_load %arg10[%parallel_loop3A_292, %parallel_loop3A_293] {strides = array<i32>} : memref<80x144xf32, #tpu.memory_space<vmem>>, vector<1x16xf32>,
      %parallel_loop3A_295 = vector.shape_cast %parallel_loop3A_294 : vector<1x16xf32> to vector<16xf32>
      %parallel_loop3A_296 = arith.index_cast %parallel_loop3A_291 : i32 to index
      %parallel_loop3A_297 = arith.constant 0 : index
      %parallel_loop3A_298 = tpu.vector_load %arg8[%parallel_loop3A_296, %parallel_loop3A_297] {strides = array<i32>} : memref<80x16xf32, #tpu.memory_space<vmem>>, vector<1x16xf32>,
      %parallel_loop3A_299 = vector.shape_cast %parallel_loop3A_298 : vector<1x16xf32> to vector<16xf32>
      %parallel_loop3A_300 = arith.addf %parallel_loop3A_295, %parallel_loop3A_299 : vector<16xf32>
      %parallel_loop3A_301 = arith.constant 0.000000e+00 : f32
      %parallel_loop3A_302 = vector.broadcast %parallel_loop3A_301 : f32 to vector<16xf32>
      %parallel_loop3A_303 = arith.cmpf ogt, %parallel_loop3A_300, %parallel_loop3A_302 : vector<16xf32>
      %parallel_loop3A_304 = arith.constant 2.000000e-01 : f32
      %parallel_loop3A_305 = vector.broadcast %parallel_loop3A_304 : f32 to vector<16xf32>
      %parallel_loop3A_306 = arith.mulf %parallel_loop3A_305, %parallel_loop3A_300 : vector<16xf32>
      %parallel_loop3A_307 = arith.select %parallel_loop3A_303, %parallel_loop3A_300, %parallel_loop3A_306 : vector<16xi1>, vector<16xf32>
      %parallel_loop3A_308 = math.exp %parallel_loop3A_307 : vector<16xf32>
      %parallel_loop3A_309 = arith.index_cast %parallel_loop3A_291 : i32 to index
      %parallel_loop3A_310 = arith.constant 0 : index
      %parallel_loop3A_311 = tpu.vector_load %arg10[%parallel_loop3A_309, %parallel_loop3A_310] {strides = array<i32>} : memref<80x144xf32, #tpu.memory_space<vmem>>, vector<1x16xf32>,
      %parallel_loop3A_312 = vector.shape_cast %parallel_loop3A_311 : vector<1x16xf32> to vector<16xf32>
      %parallel_loop3A_313 = vector.extract_strided_slice %parallel_loop3A_308 {offsets = [0], sizes = [1], strides = [1]} : vector<16xf32> to vector<1xf32>
      %parallel_loop3A_314 = vector.extract %parallel_loop3A_313[0] : f32 from vector<1xf32>
      %parallel_loop3A_315 = vector.broadcast %parallel_loop3A_314 : f32 to vector<16xf32>
      %parallel_loop3A_316 = arith.mulf %parallel_loop3A_312, %parallel_loop3A_315 : vector<16xf32>
      %parallel_loop3A_317 = arith.index_cast %parallel_loop3A_291 : i32 to index
      %parallel_loop3A_318 = arith.constant 0 : index
      %parallel_loop3A_319 = tpu.vector_load %arg10[%parallel_loop3A_317, %parallel_loop3A_318] {strides = array<i32>} : memref<80x144xf32, #tpu.memory_space<vmem>>, vector<1x16xf32>,
      %parallel_loop3A_320 = vector.shape_cast %parallel_loop3A_319 : vector<1x16xf32> to vector<16xf32>
      %parallel_loop3A_321 = vector.shape_cast %parallel_loop3A_316 : vector<16xf32> to vector<1x16xf32>
      tpu.vector_store %arg10[%parallel_loop3A_317, %parallel_loop3A_318], %parallel_loop3A_321 {strides = array<i32>} : memref<80x144xf32, #tpu.memory_space<vmem>>, vector<1x16xf32>,
      %parallel_loop3A_322 = arith.index_cast %parallel_loop3A_291 : i32 to index
      %parallel_loop3A_323 = arith.constant 16 : index
      %parallel_loop3A_324 = tpu.vector_load %arg10[%parallel_loop3A_322, %parallel_loop3A_323] {strides = array<i32>} : memref<80x144xf32, #tpu.memory_space<vmem>>, vector<1x16xf32>,
      %parallel_loop3A_325 = vector.shape_cast %parallel_loop3A_324 : vector<1x16xf32> to vector<16xf32>
      %parallel_loop3A_326 = vector.extract_strided_slice %parallel_loop3A_308 {offsets = [1], sizes = [1], strides = [1]} : vector<16xf32> to vector<1xf32>
      %parallel_loop3A_327 = vector.extract %parallel_loop3A_326[0] : f32 from vector<1xf32>
      %parallel_loop3A_328 = vector.broadcast %parallel_loop3A_327 : f32 to vector<16xf32>
      %parallel_loop3A_329 = arith.mulf %parallel_loop3A_325, %parallel_loop3A_328 : vector<16xf32>
      %parallel_loop3A_330 = arith.index_cast %parallel_loop3A_291 : i32 to index
      %parallel_loop3A_331 = arith.constant 16 : index
      %parallel_loop3A_332 = tpu.vector_load %arg10[%parallel_loop3A_330, %parallel_loop3A_331] {strides = array<i32>} : memref<80x144xf32, #tpu.memory_space<vmem>>, vector<1x16xf32>,
      %parallel_loop3A_333 = vector.shape_cast %parallel_loop3A_332 : vector<1x16xf32> to vector<16xf32>
      %parallel_loop3A_334 = vector.shape_cast %parallel_loop3A_329 : vector<16xf32> to vector<1x16xf32>
      tpu.vector_store %arg10[%parallel_loop3A_330, %parallel_loop3A_331], %parallel_loop3A_334 {strides = array<i32>} : memref<80x144xf32, #tpu.memory_space<vmem>>, vector<1x16xf32>,
      %parallel_loop3A_335 = arith.index_cast %parallel_loop3A_291 : i32 to index
      %parallel_loop3A_336 = arith.constant 32 : index
      %parallel_loop3A_337 = tpu.vector_load %arg10[%parallel_loop3A_335, %parallel_loop3A_336] {strides = array<i32>} : memref<80x144xf32, #tpu.memory_space<vmem>>, vector<1x16xf32>,
      %parallel_loop3A_338 = vector.shape_cast %parallel_loop3A_337 : vector<1x16xf32> to vector<16xf32>
      %parallel_loop3A_339 = vector.extract_strided_slice %parallel_loop3A_308 {offsets = [2], sizes = [1], strides = [1]} : vector<16xf32> to vector<1xf32>
      %parallel_loop3A_340 = vector.extract %parallel_loop3A_339[0] : f32 from vector<1xf32>
      %parallel_loop3A_341 = vector.broadcast %parallel_loop3A_340 : f32 to vector<16xf32>
      %parallel_loop3A_342 = arith.mulf %parallel_loop3A_338, %parallel_loop3A_341 : vector<16xf32>
      %parallel_loop3A_343 = arith.index_cast %parallel_loop3A_291 : i32 to index
      %parallel_loop3A_344 = arith.constant 32 : index
      %parallel_loop3A_345 = tpu.vector_load %arg10[%parallel_loop3A_343, %parallel_loop3A_344] {strides = array<i32>} : memref<80x144xf32, #tpu.memory_space<vmem>>, vector<1x16xf32>,
      %parallel_loop3A_346 = vector.shape_cast %parallel_loop3A_345 : vector<1x16xf32> to vector<16xf32>
      %parallel_loop3A_347 = vector.shape_cast %parallel_loop3A_342 : vector<16xf32> to vector<1x16xf32>
      tpu.vector_store %arg10[%parallel_loop3A_343, %parallel_loop3A_344], %parallel_loop3A_347 {strides = array<i32>} : memref<80x144xf32, #tpu.memory_space<vmem>>, vector<1x16xf32>,
      %parallel_loop3A_348 = arith.index_cast %parallel_loop3A_291 : i32 to index
      %parallel_loop3A_349 = arith.constant 48 : index
      %parallel_loop3A_350 = tpu.vector_load %arg10[%parallel_loop3A_348, %parallel_loop3A_349] {strides = array<i32>} : memref<80x144xf32, #tpu.memory_space<vmem>>, vector<1x16xf32>,
      %parallel_loop3A_351 = vector.shape_cast %parallel_loop3A_350 : vector<1x16xf32> to vector<16xf32>
      %parallel_loop3A_352 = vector.extract_strided_slice %parallel_loop3A_308 {offsets = [3], sizes = [1], strides = [1]} : vector<16xf32> to vector<1xf32>
      %parallel_loop3A_353 = vector.extract %parallel_loop3A_352[0] : f32 from vector<1xf32>
      %parallel_loop3A_354 = vector.broadcast %parallel_loop3A_353 : f32 to vector<16xf32>
      %parallel_loop3A_355 = arith.mulf %parallel_loop3A_351, %parallel_loop3A_354 : vector<16xf32>
      %parallel_loop3A_356 = arith.index_cast %parallel_loop3A_291 : i32 to index
      %parallel_loop3A_357 = arith.constant 48 : index
      %parallel_loop3A_358 = tpu.vector_load %arg10[%parallel_loop3A_356, %parallel_loop3A_357] {strides = array<i32>} : memref<80x144xf32, #tpu.memory_space<vmem>>, vector<1x16xf32>,
      %parallel_loop3A_359 = vector.shape_cast %parallel_loop3A_358 : vector<1x16xf32> to vector<16xf32>
      %parallel_loop3A_360 = vector.shape_cast %parallel_loop3A_355 : vector<16xf32> to vector<1x16xf32>
      tpu.vector_store %arg10[%parallel_loop3A_356, %parallel_loop3A_357], %parallel_loop3A_360 {strides = array<i32>} : memref<80x144xf32, #tpu.memory_space<vmem>>, vector<1x16xf32>,
      %parallel_loop3A_361 = arith.index_cast %parallel_loop3A_291 : i32 to index
      %parallel_loop3A_362 = arith.constant 64 : index
      %parallel_loop3A_363 = tpu.vector_load %arg10[%parallel_loop3A_361, %parallel_loop3A_362] {strides = array<i32>} : memref<80x144xf32, #tpu.memory_space<vmem>>, vector<1x16xf32>,
      %parallel_loop3A_364 = vector.shape_cast %parallel_loop3A_363 : vector<1x16xf32> to vector<16xf32>
      %parallel_loop3A_365 = vector.extract_strided_slice %parallel_loop3A_308 {offsets = [4], sizes = [1], strides = [1]} : vector<16xf32> to vector<1xf32>
      %parallel_loop3A_366 = vector.extract %parallel_loop3A_365[0] : f32 from vector<1xf32>
      %parallel_loop3A_367 = vector.broadcast %parallel_loop3A_366 : f32 to vector<16xf32>
      %parallel_loop3A_368 = arith.mulf %parallel_loop3A_364, %parallel_loop3A_367 : vector<16xf32>
      %parallel_loop3A_369 = arith.index_cast %parallel_loop3A_291 : i32 to index
      %parallel_loop3A_370 = arith.constant 64 : index
      %parallel_loop3A_371 = tpu.vector_load %arg10[%parallel_loop3A_369, %parallel_loop3A_370] {strides = array<i32>} : memref<80x144xf32, #tpu.memory_space<vmem>>, vector<1x16xf32>,
      %parallel_loop3A_372 = vector.shape_cast %parallel_loop3A_371 : vector<1x16xf32> to vector<16xf32>
      %parallel_loop3A_373 = vector.shape_cast %parallel_loop3A_368 : vector<16xf32> to vector<1x16xf32>
      tpu.vector_store %arg10[%parallel_loop3A_369, %parallel_loop3A_370], %parallel_loop3A_373 {strides = array<i32>} : memref<80x144xf32, #tpu.memory_space<vmem>>, vector<1x16xf32>,
      %parallel_loop3A_374 = arith.index_cast %parallel_loop3A_291 : i32 to index
      %parallel_loop3A_375 = arith.constant 80 : index
      %parallel_loop3A_376 = tpu.vector_load %arg10[%parallel_loop3A_374, %parallel_loop3A_375] {strides = array<i32>} : memref<80x144xf32, #tpu.memory_space<vmem>>, vector<1x16xf32>,
      %parallel_loop3A_377 = vector.shape_cast %parallel_loop3A_376 : vector<1x16xf32> to vector<16xf32>
      %parallel_loop3A_378 = vector.extract_strided_slice %parallel_loop3A_308 {offsets = [5], sizes = [1], strides = [1]} : vector<16xf32> to vector<1xf32>
      %parallel_loop3A_379 = vector.extract %parallel_loop3A_378[0] : f32 from vector<1xf32>
      %parallel_loop3A_380 = vector.broadcast %parallel_loop3A_379 : f32 to vector<16xf32>
      %parallel_loop3A_381 = arith.mulf %parallel_loop3A_377, %parallel_loop3A_380 : vector<16xf32>
      %parallel_loop3A_382 = arith.index_cast %parallel_loop3A_291 : i32 to index
      %parallel_loop3A_383 = arith.constant 80 : index
      %parallel_loop3A_384 = tpu.vector_load %arg10[%parallel_loop3A_382, %parallel_loop3A_383] {strides = array<i32>} : memref<80x144xf32, #tpu.memory_space<vmem>>, vector<1x16xf32>,
      %parallel_loop3A_385 = vector.shape_cast %parallel_loop3A_384 : vector<1x16xf32> to vector<16xf32>
      %parallel_loop3A_386 = vector.shape_cast %parallel_loop3A_381 : vector<16xf32> to vector<1x16xf32>
      tpu.vector_store %arg10[%parallel_loop3A_382, %parallel_loop3A_383], %parallel_loop3A_386 {strides = array<i32>} : memref<80x144xf32, #tpu.memory_space<vmem>>, vector<1x16xf32>,
      %parallel_loop3A_387 = arith.index_cast %parallel_loop3A_291 : i32 to index
      %parallel_loop3A_388 = arith.constant 96 : index
      %parallel_loop3A_389 = tpu.vector_load %arg10[%parallel_loop3A_387, %parallel_loop3A_388] {strides = array<i32>} : memref<80x144xf32, #tpu.memory_space<vmem>>, vector<1x16xf32>,
      %parallel_loop3A_390 = vector.shape_cast %parallel_loop3A_389 : vector<1x16xf32> to vector<16xf32>
      %parallel_loop3A_391 = vector.extract_strided_slice %parallel_loop3A_308 {offsets = [6], sizes = [1], strides = [1]} : vector<16xf32> to vector<1xf32>
      %parallel_loop3A_392 = vector.extract %parallel_loop3A_391[0] : f32 from vector<1xf32>
      %parallel_loop3A_393 = vector.broadcast %parallel_loop3A_392 : f32 to vector<16xf32>
      %parallel_loop3A_394 = arith.mulf %parallel_loop3A_390, %parallel_loop3A_393 : vector<16xf32>
      %parallel_loop3A_395 = arith.index_cast %parallel_loop3A_291 : i32 to index
      %parallel_loop3A_396 = arith.constant 96 : index
      %parallel_loop3A_397 = tpu.vector_load %arg10[%parallel_loop3A_395, %parallel_loop3A_396] {strides = array<i32>} : memref<80x144xf32, #tpu.memory_space<vmem>>, vector<1x16xf32>,
      %parallel_loop3A_398 = vector.shape_cast %parallel_loop3A_397 : vector<1x16xf32> to vector<16xf32>
      %parallel_loop3A_399 = vector.shape_cast %parallel_loop3A_394 : vector<16xf32> to vector<1x16xf32>
      tpu.vector_store %arg10[%parallel_loop3A_395, %parallel_loop3A_396], %parallel_loop3A_399 {strides = array<i32>} : memref<80x144xf32, #tpu.memory_space<vmem>>, vector<1x16xf32>,
      %parallel_loop3A_400 = arith.index_cast %parallel_loop3A_291 : i32 to index
      %parallel_loop3A_401 = arith.constant 112 : index
      %parallel_loop3A_402 = tpu.vector_load %arg10[%parallel_loop3A_400, %parallel_loop3A_401] {strides = array<i32>} : memref<80x144xf32, #tpu.memory_space<vmem>>, vector<1x16xf32>,
      %parallel_loop3A_403 = vector.shape_cast %parallel_loop3A_402 : vector<1x16xf32> to vector<16xf32>
      %parallel_loop3A_404 = vector.extract_strided_slice %parallel_loop3A_308 {offsets = [7], sizes = [1], strides = [1]} : vector<16xf32> to vector<1xf32>
      %parallel_loop3A_405 = vector.extract %parallel_loop3A_404[0] : f32 from vector<1xf32>
      %parallel_loop3A_406 = vector.broadcast %parallel_loop3A_405 : f32 to vector<16xf32>
      %parallel_loop3A_407 = arith.mulf %parallel_loop3A_403, %parallel_loop3A_406 : vector<16xf32>
      %parallel_loop3A_408 = arith.index_cast %parallel_loop3A_291 : i32 to index
      %parallel_loop3A_409 = arith.constant 112 : index
      %parallel_loop3A_410 = tpu.vector_load %arg10[%parallel_loop3A_408, %parallel_loop3A_409] {strides = array<i32>} : memref<80x144xf32, #tpu.memory_space<vmem>>, vector<1x16xf32>,
      %parallel_loop3A_411 = vector.shape_cast %parallel_loop3A_410 : vector<1x16xf32> to vector<16xf32>
      %parallel_loop3A_412 = vector.shape_cast %parallel_loop3A_407 : vector<16xf32> to vector<1x16xf32>
      tpu.vector_store %arg10[%parallel_loop3A_408, %parallel_loop3A_409], %parallel_loop3A_412 {strides = array<i32>} : memref<80x144xf32, #tpu.memory_space<vmem>>, vector<1x16xf32>,
      %parallel_loop3A_413 = arith.index_cast %parallel_loop3A_291 : i32 to index
      %parallel_loop3A_414 = arith.constant 128 : index
      %parallel_loop3A_415 = tpu.vector_load %arg10[%parallel_loop3A_413, %parallel_loop3A_414] {strides = array<i32>} : memref<80x144xf32, #tpu.memory_space<vmem>>, vector<1x16xf32>,
      %parallel_loop3A_416 = vector.shape_cast %parallel_loop3A_415 : vector<1x16xf32> to vector<16xf32>
      %parallel_loop3A_417 = vector.shape_cast %parallel_loop3A_308 : vector<16xf32> to vector<1x16xf32>
      tpu.vector_store %arg10[%parallel_loop3A_413, %parallel_loop3A_414], %parallel_loop3A_417 {strides = array<i32>} : memref<80x144xf32, #tpu.memory_space<vmem>>, vector<1x16xf32>,
    } {sc.loop_unroll_factor = 4 : i64, sc.parallel_access}
    %dma_start3A_161 = arith.constant 0 : i32
    %dma_start3A_162 = arith.constant 1 : i32
    %dma_start3A_163 = arith.constant 0 : i32
    %dma_start3A_164 = tpu.memref_slice %arg7[%dma_start3A_161, %dma_start3A_162, %dma_start3A_163] : memref<4x2x80xi32, #tpu.memory_space<vmem>> -> memref<1x1x80xi32, #tpu.memory_space<vmem>>
    %dma_start3A_165 = tpu.memref_squeeze %dma_start3A_164 : memref<1x1x80xi32, #tpu.memory_space<vmem>> -> memref<80xi32, #tpu.memory_space<vmem>>
    %dma_start3A_166 = arith.constant 0 : i32
    %dma_start3A_167 = arith.constant 0 : i32
    %dma_start3A_168 = tpu.memref_slice %arg18[%dma_start3A_166, %dma_start3A_167] : memref<10000x144xf32, #tpu.memory_space<vmem_shared>> -> memref<10000x144xf32, #tpu.memory_space<vmem_shared>>
    tpu.enqueue_indirect_dma source(%arg10 : memref<80x144xf32, #tpu.memory_space<vmem>>) target(%dma_start3A_168 : memref<10000x144xf32, #tpu.memory_space<vmem_shared>>) offsets(%dma_start3A_165 : memref<80xi32, #tpu.memory_space<vmem>>) semaphore(%arg16 : memref<!tpu.dma_semaphore, #tpu.memory_space<semaphore_mem>>) {add = true}
    %dma_wait3A_169 = arith.constant 0 : i32
    %dma_wait3A_170 = arith.constant 0 : i32
    %dma_wait3A_171 = tpu.memref_slice %arg3[%dma_wait3A_169, %dma_wait3A_170] : memref<10000x144xf32, #tpu.memory_space<hbm>> -> memref<80x144xf32, #tpu.memory_space<hbm>>
    %dma_wait3A_172 = arith.constant 0 : i32
    %dma_wait3A_173 = arith.constant 0 : i32
    %dma_wait3A_174 = tpu.memref_slice %arg3[%dma_wait3A_172, %dma_wait3A_173] : memref<10000x144xf32, #tpu.memory_space<hbm>> -> memref<80x144xf32, #tpu.memory_space<hbm>>
    tpu.wait_dma2 semaphore(%arg15 : memref<!tpu.dma_semaphore, #tpu.memory_space<semaphore_mem>>) src(%dma_wait3A_174 : memref<80x144xf32, #tpu.memory_space<hbm>>) dst(%arg11 : memref<80x144xf32, #tpu.memory_space<vmem>>)
    %dma_wait3A_175 = arith.constant 0 : i32
    %dma_wait3A_176 = arith.constant 0 : i32
    %dma_wait3A_177 = tpu.memref_slice %arg4[%dma_wait3A_175, %dma_wait3A_176] : memref<10000x16xf32, #tpu.memory_space<hbm>> -> memref<80x16xf32, #tpu.memory_space<hbm>>
    %dma_wait3A_178 = arith.constant 0 : i32
    %dma_wait3A_179 = arith.constant 0 : i32
    %dma_wait3A_180 = tpu.memref_slice %arg4[%dma_wait3A_178, %dma_wait3A_179] : memref<10000x16xf32, #tpu.memory_space<hbm>> -> memref<80x16xf32, #tpu.memory_space<hbm>>
    tpu.wait_dma2 semaphore(%arg15 : memref<!tpu.dma_semaphore, #tpu.memory_space<semaphore_mem>>) src(%dma_wait3A_180 : memref<80x16xf32, #tpu.memory_space<hbm>>) dst(%arg9 : memref<80x16xf32, #tpu.memory_space<vmem>>)
    %dma_wait3A_181 = arith.constant 0 : i32
    %dma_wait3A_182 = arith.constant 0 : i32
    %dma_wait3A_183 = tpu.memref_slice %arg5[%dma_wait3A_181, %dma_wait3A_182] : memref<10000x144xf32, #tpu.memory_space<hbm>> -> memref<80x144xf32, #tpu.memory_space<hbm>>
    %dma_wait3A_184 = arith.constant 0 : i32
    %dma_wait3A_185 = arith.constant 0 : i32
    %dma_wait3A_186 = tpu.memref_slice %arg5[%dma_wait3A_184, %dma_wait3A_185] : memref<10000x144xf32, #tpu.memory_space<hbm>> -> memref<80x144xf32, #tpu.memory_space<hbm>>
    tpu.wait_dma2 semaphore(%arg16 : memref<!tpu.dma_semaphore, #tpu.memory_space<semaphore_mem>>) src(%dma_wait3A_186 : memref<80x144xf32, #tpu.memory_space<hbm>>) dst(%arg10 : memref<80x144xf32, #tpu.memory_space<vmem>>)
    %dma_wait3A_187 = arith.constant 0 : i32
    %dma_wait3A_188 = arith.constant 0 : i32
    %dma_wait3A_189 = arith.constant 0 : i32
    %dma_wait3A_190 = arith.constant 0 : i32
    %dma_wait3A_191 = tpu.memref_slice %arg7[%dma_wait3A_188, %dma_wait3A_189, %dma_wait3A_190] : memref<4x2x80xi32, #tpu.memory_space<vmem>> -> memref<1x2x80xi32, #tpu.memory_space<vmem>>
    %dma_wait3A_192 = tpu.memref_squeeze %dma_wait3A_191 : memref<1x2x80xi32, #tpu.memory_space<vmem>> -> memref<2x80xi32, #tpu.memory_space<vmem>>
    %dma_wait3A_193 = arith.constant 0 : i32
    %dma_wait3A_194 = arith.constant 0 : i32
    %dma_wait3A_195 = tpu.memref_slice %arg2[%dma_wait3A_187, %dma_wait3A_193, %dma_wait3A_194] : memref<4008x2x80xi32, #tpu.memory_space<hbm>> -> memref<1x2x80xi32, #tpu.memory_space<hbm>>
    %dma_wait3A_196 = tpu.memref_squeeze %dma_wait3A_195 : memref<1x2x80xi32, #tpu.memory_space<hbm>> -> memref<2x80xi32, #tpu.memory_space<hbm>>
    %dma_wait3A_197 = arith.constant 0 : i32
    %dma_wait3A_198 = arith.constant 0 : i32
    %dma_wait3A_199 = tpu.memref_slice %arg7[%dma_wait3A_188, %dma_wait3A_197, %dma_wait3A_198] : memref<4x2x80xi32, #tpu.memory_space<vmem>> -> memref<1x2x80xi32, #tpu.memory_space<vmem>>
    %dma_wait3A_200 = tpu.memref_squeeze %dma_wait3A_199 : memref<1x2x80xi32, #tpu.memory_space<vmem>> -> memref<2x80xi32, #tpu.memory_space<vmem>>
    %dma_wait3A_201 = arith.constant 0 : i32
    %dma_wait3A_202 = arith.constant 0 : i32
    %dma_wait3A_203 = tpu.memref_slice %arg2[%dma_wait3A_187, %dma_wait3A_201, %dma_wait3A_202] : memref<4008x2x80xi32, #tpu.memory_space<hbm>> -> memref<1x2x80xi32, #tpu.memory_space<hbm>>
    %dma_wait3A_204 = tpu.memref_squeeze %dma_wait3A_203 : memref<1x2x80xi32, #tpu.memory_space<hbm>> -> memref<2x80xi32, #tpu.memory_space<hbm>>
    tpu.wait_dma2 semaphore(%arg12 : memref<!tpu.dma_semaphore, #tpu.memory_space<semaphore_mem>>) src(%dma_wait3A_204 : memref<2x80xi32, #tpu.memory_space<hbm>>) dst(%dma_wait3A_200 : memref<2x80xi32, #tpu.memory_space<vmem>>)
    %dma_start3A_205 = arith.constant 2 : i32
    %dma_start3A_206 = arith.constant 0 : i32
    %dma_start3A_207 = arith.constant 0 : i32
    %dma_start3A_208 = tpu.memref_slice %arg7[%dma_start3A_205, %dma_start3A_206, %dma_start3A_207] : memref<4x2x80xi32, #tpu.memory_space<vmem>> -> memref<1x1x80xi32, #tpu.memory_space<vmem>>
    %dma_start3A_209 = tpu.memref_squeeze %dma_start3A_208 : memref<1x1x80xi32, #tpu.memory_space<vmem>> -> memref<80xi32, #tpu.memory_space<vmem>>
    %dma_start3A_210 = arith.constant 0 : i32
    %dma_start3A_211 = arith.constant 0 : i32
    %dma_start3A_212 = tpu.memref_slice %arg3[%dma_start3A_210, %dma_start3A_211] : memref<10000x144xf32, #tpu.memory_space<hbm>> -> memref<10000x144xf32, #tpu.memory_space<hbm>>
    tpu.enqueue_indirect_dma source(%dma_start3A_212 : memref<10000x144xf32, #tpu.memory_space<hbm>>) target(%arg10 : memref<80x144xf32, #tpu.memory_space<vmem>>) offsets(%dma_start3A_209 : memref<80xi32, #tpu.memory_space<vmem>>) semaphore(%arg14 : memref<!tpu.dma_semaphore, #tpu.memory_space<semaphore_mem>>)
    %dma_start3A_213 = arith.constant 2 : i32
    %dma_start3A_214 = arith.constant 1 : i32
    %dma_start3A_215 = arith.constant 0 : i32
    %dma_start3A_216 = tpu.memref_slice %arg7[%dma_start3A_213, %dma_start3A_214, %dma_start3A_215] : memref<4x2x80xi32, #tpu.memory_space<vmem>> -> memref<1x1x80xi32, #tpu.memory_space<vmem>>
    %dma_start3A_217 = tpu.memref_squeeze %dma_start3A_216 : memref<1x1x80xi32, #tpu.memory_space<vmem>> -> memref<80xi32, #tpu.memory_space<vmem>>
    %dma_start3A_218 = arith.constant 0 : i32
    %dma_start3A_219 = arith.constant 0 : i32
    %dma_start3A_220 = tpu.memref_slice %arg4[%dma_start3A_218, %dma_start3A_219] : memref<10000x16xf32, #tpu.memory_space<hbm>> -> memref<10000x16xf32, #tpu.memory_space<hbm>>
    tpu.enqueue_indirect_dma source(%dma_start3A_220 : memref<10000x16xf32, #tpu.memory_space<hbm>>) target(%arg8 : memref<80x16xf32, #tpu.memory_space<vmem>>) offsets(%dma_start3A_217 : memref<80xi32, #tpu.memory_space<vmem>>) semaphore(%arg14 : memref<!tpu.dma_semaphore, #tpu.memory_space<semaphore_mem>>)
    %parallel_loop3A_221 = arith.constant 0 : i32
    %parallel_loop3A_222 = arith.constant 80 : i32
    %parallel_loop3A_223 = arith.constant 1 : i32
    scf.for %parallel_loop3A_291 = %parallel_loop3A_221 to %parallel_loop3A_222 step %parallel_loop3A_223  : i32 {
      %parallel_loop3A_292 = arith.index_cast %parallel_loop3A_291 : i32 to index
      %parallel_loop3A_293 = arith.constant 128 : index
      %parallel_loop3A_294 = tpu.vector_load %arg11[%parallel_loop3A_292, %parallel_loop3A_293] {strides = array<i32>} : memref<80x144xf32, #tpu.memory_space<vmem>>, vector<1x16xf32>,
      %parallel_loop3A_295 = vector.shape_cast %parallel_loop3A_294 : vector<1x16xf32> to vector<16xf32>
      %parallel_loop3A_296 = arith.index_cast %parallel_loop3A_291 : i32 to index
      %parallel_loop3A_297 = arith.constant 0 : index
      %parallel_loop3A_298 = tpu.vector_load %arg9[%parallel_loop3A_296, %parallel_loop3A_297] {strides = array<i32>} : memref<80x16xf32, #tpu.memory_space<vmem>>, vector<1x16xf32>,
      %parallel_loop3A_299 = vector.shape_cast %parallel_loop3A_298 : vector<1x16xf32> to vector<16xf32>
      %parallel_loop3A_300 = arith.addf %parallel_loop3A_295, %parallel_loop3A_299 : vector<16xf32>
      %parallel_loop3A_301 = arith.constant 0.000000e+00 : f32
      %parallel_loop3A_302 = vector.broadcast %parallel_loop3A_301 : f32 to vector<16xf32>
      %parallel_loop3A_303 = arith.cmpf ogt, %parallel_loop3A_300, %parallel_loop3A_302 : vector<16xf32>
      %parallel_loop3A_304 = arith.constant 2.000000e-01 : f32
      %parallel_loop3A_305 = vector.broadcast %parallel_loop3A_304 : f32 to vector<16xf32>
      %parallel_loop3A_306 = arith.mulf %parallel_loop3A_305, %parallel_loop3A_300 : vector<16xf32>
      %parallel_loop3A_307 = arith.select %parallel_loop3A_303, %parallel_loop3A_300, %parallel_loop3A_306 : vector<16xi1>, vector<16xf32>
      %parallel_loop3A_308 = math.exp %parallel_loop3A_307 : vector<16xf32>
      %parallel_loop3A_309 = arith.index_cast %parallel_loop3A_291 : i32 to index
      %parallel_loop3A_310 = arith.constant 0 : index
      %parallel_loop3A_311 = tpu.vector_load %arg11[%parallel_loop3A_309, %parallel_loop3A_310] {strides = array<i32>} : memref<80x144xf32, #tpu.memory_space<vmem>>, vector<1x16xf32>,
      %parallel_loop3A_312 = vector.shape_cast %parallel_loop3A_311 : vector<1x16xf32> to vector<16xf32>
      %parallel_loop3A_313 = vector.extract_strided_slice %parallel_loop3A_308 {offsets = [0], sizes = [1], strides = [1]} : vector<16xf32> to vector<1xf32>
      %parallel_loop3A_314 = vector.extract %parallel_loop3A_313[0] : f32 from vector<1xf32>
      %parallel_loop3A_315 = vector.broadcast %parallel_loop3A_314 : f32 to vector<16xf32>
      %parallel_loop3A_316 = arith.mulf %parallel_loop3A_312, %parallel_loop3A_315 : vector<16xf32>
      %parallel_loop3A_317 = arith.index_cast %parallel_loop3A_291 : i32 to index
      %parallel_loop3A_318 = arith.constant 0 : index
      %parallel_loop3A_319 = tpu.vector_load %arg11[%parallel_loop3A_317, %parallel_loop3A_318] {strides = array<i32>} : memref<80x144xf32, #tpu.memory_space<vmem>>, vector<1x16xf32>,
      %parallel_loop3A_320 = vector.shape_cast %parallel_loop3A_319 : vector<1x16xf32> to vector<16xf32>
      %parallel_loop3A_321 = vector.shape_cast %parallel_loop3A_316 : vector<16xf32> to vector<1x16xf32>
      tpu.vector_store %arg11[%parallel_loop3A_317, %parallel_loop3A_318], %parallel_loop3A_321 {strides = array<i32>} : memref<80x144xf32, #tpu.memory_space<vmem>>, vector<1x16xf32>,
      %parallel_loop3A_322 = arith.index_cast %parallel_loop3A_291 : i32 to index
      %parallel_loop3A_323 = arith.constant 16 : index
      %parallel_loop3A_324 = tpu.vector_load %arg11[%parallel_loop3A_322, %parallel_loop3A_323] {strides = array<i32>} : memref<80x144xf32, #tpu.memory_space<vmem>>, vector<1x16xf32>,
      %parallel_loop3A_325 = vector.shape_cast %parallel_loop3A_324 : vector<1x16xf32> to vector<16xf32>
      %parallel_loop3A_326 = vector.extract_strided_slice %parallel_loop3A_308 {offsets = [1], sizes = [1], strides = [1]} : vector<16xf32> to vector<1xf32>
      %parallel_loop3A_327 = vector.extract %parallel_loop3A_326[0] : f32 from vector<1xf32>
      %parallel_loop3A_328 = vector.broadcast %parallel_loop3A_327 : f32 to vector<16xf32>
      %parallel_loop3A_329 = arith.mulf %parallel_loop3A_325, %parallel_loop3A_328 : vector<16xf32>
      %parallel_loop3A_330 = arith.index_cast %parallel_loop3A_291 : i32 to index
      %parallel_loop3A_331 = arith.constant 16 : index
      %parallel_loop3A_332 = tpu.vector_load %arg11[%parallel_loop3A_330, %parallel_loop3A_331] {strides = array<i32>} : memref<80x144xf32, #tpu.memory_space<vmem>>, vector<1x16xf32>,
      %parallel_loop3A_333 = vector.shape_cast %parallel_loop3A_332 : vector<1x16xf32> to vector<16xf32>
      %parallel_loop3A_334 = vector.shape_cast %parallel_loop3A_329 : vector<16xf32> to vector<1x16xf32>
      tpu.vector_store %arg11[%parallel_loop3A_330, %parallel_loop3A_331], %parallel_loop3A_334 {strides = array<i32>} : memref<80x144xf32, #tpu.memory_space<vmem>>, vector<1x16xf32>,
      %parallel_loop3A_335 = arith.index_cast %parallel_loop3A_291 : i32 to index
      %parallel_loop3A_336 = arith.constant 32 : index
      %parallel_loop3A_337 = tpu.vector_load %arg11[%parallel_loop3A_335, %parallel_loop3A_336] {strides = array<i32>} : memref<80x144xf32, #tpu.memory_space<vmem>>, vector<1x16xf32>,
      %parallel_loop3A_338 = vector.shape_cast %parallel_loop3A_337 : vector<1x16xf32> to vector<16xf32>
      %parallel_loop3A_339 = vector.extract_strided_slice %parallel_loop3A_308 {offsets = [2], sizes = [1], strides = [1]} : vector<16xf32> to vector<1xf32>
      %parallel_loop3A_340 = vector.extract %parallel_loop3A_339[0] : f32 from vector<1xf32>
      %parallel_loop3A_341 = vector.broadcast %parallel_loop3A_340 : f32 to vector<16xf32>
      %parallel_loop3A_342 = arith.mulf %parallel_loop3A_338, %parallel_loop3A_341 : vector<16xf32>
      %parallel_loop3A_343 = arith.index_cast %parallel_loop3A_291 : i32 to index
      %parallel_loop3A_344 = arith.constant 32 : index
      %parallel_loop3A_345 = tpu.vector_load %arg11[%parallel_loop3A_343, %parallel_loop3A_344] {strides = array<i32>} : memref<80x144xf32, #tpu.memory_space<vmem>>, vector<1x16xf32>,
      %parallel_loop3A_346 = vector.shape_cast %parallel_loop3A_345 : vector<1x16xf32> to vector<16xf32>
      %parallel_loop3A_347 = vector.shape_cast %parallel_loop3A_342 : vector<16xf32> to vector<1x16xf32>
      tpu.vector_store %arg11[%parallel_loop3A_343, %parallel_loop3A_344], %parallel_loop3A_347 {strides = array<i32>} : memref<80x144xf32, #tpu.memory_space<vmem>>, vector<1x16xf32>,
      %parallel_loop3A_348 = arith.index_cast %parallel_loop3A_291 : i32 to index
      %parallel_loop3A_349 = arith.constant 48 : index
      %parallel_loop3A_350 = tpu.vector_load %arg11[%parallel_loop3A_348, %parallel_loop3A_349] {strides = array<i32>} : memref<80x144xf32, #tpu.memory_space<vmem>>, vector<1x16xf32>,
      %parallel_loop3A_351 = vector.shape_cast %parallel_loop3A_350 : vector<1x16xf32> to vector<16xf32>
      %parallel_loop3A_352 = vector.extract_strided_slice %parallel_loop3A_308 {offsets = [3], sizes = [1], strides = [1]} : vector<16xf32> to vector<1xf32>
      %parallel_loop3A_353 = vector.extract %parallel_loop3A_352[0] : f32 from vector<1xf32>
      %parallel_loop3A_354 = vector.broadcast %parallel_loop3A_353 : f32 to vector<16xf32>
      %parallel_loop3A_355 = arith.mulf %parallel_loop3A_351, %parallel_loop3A_354 : vector<16xf32>
      %parallel_loop3A_356 = arith.index_cast %parallel_loop3A_291 : i32 to index
      %parallel_loop3A_357 = arith.constant 48 : index
      %parallel_loop3A_358 = tpu.vector_load %arg11[%parallel_loop3A_356, %parallel_loop3A_357] {strides = array<i32>} : memref<80x144xf32, #tpu.memory_space<vmem>>, vector<1x16xf32>,
      %parallel_loop3A_359 = vector.shape_cast %parallel_loop3A_358 : vector<1x16xf32> to vector<16xf32>
      %parallel_loop3A_360 = vector.shape_cast %parallel_loop3A_355 : vector<16xf32> to vector<1x16xf32>
      tpu.vector_store %arg11[%parallel_loop3A_356, %parallel_loop3A_357], %parallel_loop3A_360 {strides = array<i32>} : memref<80x144xf32, #tpu.memory_space<vmem>>, vector<1x16xf32>,
      %parallel_loop3A_361 = arith.index_cast %parallel_loop3A_291 : i32 to index
      %parallel_loop3A_362 = arith.constant 64 : index
      %parallel_loop3A_363 = tpu.vector_load %arg11[%parallel_loop3A_361, %parallel_loop3A_362] {strides = array<i32>} : memref<80x144xf32, #tpu.memory_space<vmem>>, vector<1x16xf32>,
      %parallel_loop3A_364 = vector.shape_cast %parallel_loop3A_363 : vector<1x16xf32> to vector<16xf32>
      %parallel_loop3A_365 = vector.extract_strided_slice %parallel_loop3A_308 {offsets = [4], sizes = [1], strides = [1]} : vector<16xf32> to vector<1xf32>
      %parallel_loop3A_366 = vector.extract %parallel_loop3A_365[0] : f32 from vector<1xf32>
      %parallel_loop3A_367 = vector.broadcast %parallel_loop3A_366 : f32 to vector<16xf32>
      %parallel_loop3A_368 = arith.mulf %parallel_loop3A_364, %parallel_loop3A_367 : vector<16xf32>
      %parallel_loop3A_369 = arith.index_cast %parallel_loop3A_291 : i32 to index
      %parallel_loop3A_370 = arith.constant 64 : index
      %parallel_loop3A_371 = tpu.vector_load %arg11[%parallel_loop3A_369, %parallel_loop3A_370] {strides = array<i32>} : memref<80x144xf32, #tpu.memory_space<vmem>>, vector<1x16xf32>,
      %parallel_loop3A_372 = vector.shape_cast %parallel_loop3A_371 : vector<1x16xf32> to vector<16xf32>
      %parallel_loop3A_373 = vector.shape_cast %parallel_loop3A_368 : vector<16xf32> to vector<1x16xf32>
      tpu.vector_store %arg11[%parallel_loop3A_369, %parallel_loop3A_370], %parallel_loop3A_373 {strides = array<i32>} : memref<80x144xf32, #tpu.memory_space<vmem>>, vector<1x16xf32>,
      %parallel_loop3A_374 = arith.index_cast %parallel_loop3A_291 : i32 to index
      %parallel_loop3A_375 = arith.constant 80 : index
      %parallel_loop3A_376 = tpu.vector_load %arg11[%parallel_loop3A_374, %parallel_loop3A_375] {strides = array<i32>} : memref<80x144xf32, #tpu.memory_space<vmem>>, vector<1x16xf32>,
      %parallel_loop3A_377 = vector.shape_cast %parallel_loop3A_376 : vector<1x16xf32> to vector<16xf32>
      %parallel_loop3A_378 = vector.extract_strided_slice %parallel_loop3A_308 {offsets = [5], sizes = [1], strides = [1]} : vector<16xf32> to vector<1xf32>
      %parallel_loop3A_379 = vector.extract %parallel_loop3A_378[0] : f32 from vector<1xf32>
      %parallel_loop3A_380 = vector.broadcast %parallel_loop3A_379 : f32 to vector<16xf32>
      %parallel_loop3A_381 = arith.mulf %parallel_loop3A_377, %parallel_loop3A_380 : vector<16xf32>
      %parallel_loop3A_382 = arith.index_cast %parallel_loop3A_291 : i32 to index
      %parallel_loop3A_383 = arith.constant 80 : index
      %parallel_loop3A_384 = tpu.vector_load %arg11[%parallel_loop3A_382, %parallel_loop3A_383] {strides = array<i32>} : memref<80x144xf32, #tpu.memory_space<vmem>>, vector<1x16xf32>,
      %parallel_loop3A_385 = vector.shape_cast %parallel_loop3A_384 : vector<1x16xf32> to vector<16xf32>
      %parallel_loop3A_386 = vector.shape_cast %parallel_loop3A_381 : vector<16xf32> to vector<1x16xf32>
      tpu.vector_store %arg11[%parallel_loop3A_382, %parallel_loop3A_383], %parallel_loop3A_386 {strides = array<i32>} : memref<80x144xf32, #tpu.memory_space<vmem>>, vector<1x16xf32>,
      %parallel_loop3A_387 = arith.index_cast %parallel_loop3A_291 : i32 to index
      %parallel_loop3A_388 = arith.constant 96 : index
      %parallel_loop3A_389 = tpu.vector_load %arg11[%parallel_loop3A_387, %parallel_loop3A_388] {strides = array<i32>} : memref<80x144xf32, #tpu.memory_space<vmem>>, vector<1x16xf32>,
      %parallel_loop3A_390 = vector.shape_cast %parallel_loop3A_389 : vector<1x16xf32> to vector<16xf32>
      %parallel_loop3A_391 = vector.extract_strided_slice %parallel_loop3A_308 {offsets = [6], sizes = [1], strides = [1]} : vector<16xf32> to vector<1xf32>
      %parallel_loop3A_392 = vector.extract %parallel_loop3A_391[0] : f32 from vector<1xf32>
      %parallel_loop3A_393 = vector.broadcast %parallel_loop3A_392 : f32 to vector<16xf32>
      %parallel_loop3A_394 = arith.mulf %parallel_loop3A_390, %parallel_loop3A_393 : vector<16xf32>
      %parallel_loop3A_395 = arith.index_cast %parallel_loop3A_291 : i32 to index
      %parallel_loop3A_396 = arith.constant 96 : index
      %parallel_loop3A_397 = tpu.vector_load %arg11[%parallel_loop3A_395, %parallel_loop3A_396] {strides = array<i32>} : memref<80x144xf32, #tpu.memory_space<vmem>>, vector<1x16xf32>,
      %parallel_loop3A_398 = vector.shape_cast %parallel_loop3A_397 : vector<1x16xf32> to vector<16xf32>
      %parallel_loop3A_399 = vector.shape_cast %parallel_loop3A_394 : vector<16xf32> to vector<1x16xf32>
      tpu.vector_store %arg11[%parallel_loop3A_395, %parallel_loop3A_396], %parallel_loop3A_399 {strides = array<i32>} : memref<80x144xf32, #tpu.memory_space<vmem>>, vector<1x16xf32>,
      %parallel_loop3A_400 = arith.index_cast %parallel_loop3A_291 : i32 to index
      %parallel_loop3A_401 = arith.constant 112 : index
      %parallel_loop3A_402 = tpu.vector_load %arg11[%parallel_loop3A_400, %parallel_loop3A_401] {strides = array<i32>} : memref<80x144xf32, #tpu.memory_space<vmem>>, vector<1x16xf32>,
      %parallel_loop3A_403 = vector.shape_cast %parallel_loop3A_402 : vector<1x16xf32> to vector<16xf32>
      %parallel_loop3A_404 = vector.extract_strided_slice %parallel_loop3A_308 {offsets = [7], sizes = [1], strides = [1]} : vector<16xf32> to vector<1xf32>
      %parallel_loop3A_405 = vector.extract %parallel_loop3A_404[0] : f32 from vector<1xf32>
      %parallel_loop3A_406 = vector.broadcast %parallel_loop3A_405 : f32 to vector<16xf32>
      %parallel_loop3A_407 = arith.mulf %parallel_loop3A_403, %parallel_loop3A_406 : vector<16xf32>
      %parallel_loop3A_408 = arith.index_cast %parallel_loop3A_291 : i32 to index
      %parallel_loop3A_409 = arith.constant 112 : index
      %parallel_loop3A_410 = tpu.vector_load %arg11[%parallel_loop3A_408, %parallel_loop3A_409] {strides = array<i32>} : memref<80x144xf32, #tpu.memory_space<vmem>>, vector<1x16xf32>,
      %parallel_loop3A_411 = vector.shape_cast %parallel_loop3A_410 : vector<1x16xf32> to vector<16xf32>
      %parallel_loop3A_412 = vector.shape_cast %parallel_loop3A_407 : vector<16xf32> to vector<1x16xf32>
      tpu.vector_store %arg11[%parallel_loop3A_408, %parallel_loop3A_409], %parallel_loop3A_412 {strides = array<i32>} : memref<80x144xf32, #tpu.memory_space<vmem>>, vector<1x16xf32>,
      %parallel_loop3A_413 = arith.index_cast %parallel_loop3A_291 : i32 to index
      %parallel_loop3A_414 = arith.constant 128 : index
      %parallel_loop3A_415 = tpu.vector_load %arg11[%parallel_loop3A_413, %parallel_loop3A_414] {strides = array<i32>} : memref<80x144xf32, #tpu.memory_space<vmem>>, vector<1x16xf32>,
      %parallel_loop3A_416 = vector.shape_cast %parallel_loop3A_415 : vector<1x16xf32> to vector<16xf32>
      %parallel_loop3A_417 = vector.shape_cast %parallel_loop3A_308 : vector<16xf32> to vector<1x16xf32>
      tpu.vector_store %arg11[%parallel_loop3A_413, %parallel_loop3A_414], %parallel_loop3A_417 {strides = array<i32>} : memref<80x144xf32, #tpu.memory_space<vmem>>, vector<1x16xf32>,
    } {sc.loop_unroll_factor = 4 : i64, sc.parallel_access}
    %dma_start3A_224 = arith.constant 1 : i32
    %dma_start3A_225 = arith.constant 1 : i32
    %dma_start3A_226 = arith.constant 0 : i32
    %dma_start3A_227 = tpu.memref_slice %arg7[%dma_start3A_224, %dma_start3A_225, %dma_start3A_226] : memref<4x2x80xi32, #tpu.memory_space<vmem>> -> memref<1x1x80xi32, #tpu.memory_space<vmem>>
    %dma_start3A_228 = tpu.memref_squeeze %dma_start3A_227 : memref<1x1x80xi32, #tpu.memory_space<vmem>> -> memref<80xi32, #tpu.memory_space<vmem>>
    %dma_start3A_229 = arith.constant 0 : i32
    %dma_start3A_230 = arith.constant 0 : i32
    %dma_start3A_231 = tpu.memref_slice %arg18[%dma_start3A_229, %dma_start3A_230] : memref<10000x144xf32, #tpu.memory_space<vmem_shared>> -> memref<10000x144xf32, #tpu.memory_space<vmem_shared>>
    tpu.enqueue_indirect_dma source(%arg11 : memref<80x144xf32, #tpu.memory_space<vmem>>) target(%dma_start3A_231 : memref<10000x144xf32, #tpu.memory_space<vmem_shared>>) offsets(%dma_start3A_228 : memref<80xi32, #tpu.memory_space<vmem>>) semaphore(%arg17 : memref<!tpu.dma_semaphore, #tpu.memory_space<semaphore_mem>>) {add = true}
    %scan3A = arith.constant 0 : i32
    %scan3A_232 = arith.constant 1 : i32
    %scan3A_233 = arith.constant 61 : i32
    %scan3A_234 = arith.addi %scan3A_232, %scan3A_233 : i32
    %scan3A_235 = arith.constant 1 : i32
    scf.for %scan3A_291 = %scan3A_232 to %scan3A_234 step %scan3A_235  : i32 {
      %mul3A_292 = arith.constant 2 : i32
      %mul3A_293 = arith.muli %mul3A_292, %scan3A_291 : i32
      %dma_wait3A_294 = arith.constant 0 : i32
      %dma_wait3A_295 = arith.constant 0 : i32
      %dma_wait3A_296 = tpu.memref_slice %arg3[%dma_wait3A_294, %dma_wait3A_295] : memref<10000x144xf32, #tpu.memory_space<hbm>> -> memref<80x144xf32, #tpu.memory_space<hbm>>
      %dma_wait3A_297 = arith.constant 0 : i32
      %dma_wait3A_298 = arith.constant 0 : i32
      %dma_wait3A_299 = tpu.memref_slice %arg3[%dma_wait3A_297, %dma_wait3A_298] : memref<10000x144xf32, #tpu.memory_space<hbm>> -> memref<80x144xf32, #tpu.memory_space<hbm>>
      tpu.wait_dma2 semaphore(%arg14 : memref<!tpu.dma_semaphore, #tpu.memory_space<semaphore_mem>>) src(%dma_wait3A_299 : memref<80x144xf32, #tpu.memory_space<hbm>>) dst(%arg10 : memref<80x144xf32, #tpu.memory_space<vmem>>)
      %dma_wait3A_300 = arith.constant 0 : i32
      %dma_wait3A_301 = arith.constant 0 : i32
      %dma_wait3A_302 = tpu.memref_slice %arg4[%dma_wait3A_300, %dma_wait3A_301] : memref<10000x16xf32, #tpu.memory_space<hbm>> -> memref<80x16xf32, #tpu.memory_space<hbm>>
      %dma_wait3A_303 = arith.constant 0 : i32
      %dma_wait3A_304 = arith.constant 0 : i32
      %dma_wait3A_305 = tpu.memref_slice %arg4[%dma_wait3A_303, %dma_wait3A_304] : memref<10000x16xf32, #tpu.memory_space<hbm>> -> memref<80x16xf32, #tpu.memory_space<hbm>>
      tpu.wait_dma2 semaphore(%arg14 : memref<!tpu.dma_semaphore, #tpu.memory_space<semaphore_mem>>) src(%dma_wait3A_305 : memref<80x16xf32, #tpu.memory_space<hbm>>) dst(%arg8 : memref<80x16xf32, #tpu.memory_space<vmem>>)
      %dma_wait3A_306 = arith.constant 0 : i32
      %dma_wait3A_307 = arith.constant 0 : i32
      %dma_wait3A_308 = tpu.memref_slice %arg5[%dma_wait3A_306, %dma_wait3A_307] : memref<10000x144xf32, #tpu.memory_space<hbm>> -> memref<80x144xf32, #tpu.memory_space<hbm>>
      %dma_wait3A_309 = arith.constant 0 : i32
      %dma_wait3A_310 = arith.constant 0 : i32
      %dma_wait3A_311 = tpu.memref_slice %arg5[%dma_wait3A_309, %dma_wait3A_310] : memref<10000x144xf32, #tpu.memory_space<hbm>> -> memref<80x144xf32, #tpu.memory_space<hbm>>
      tpu.wait_dma2 semaphore(%arg17 : memref<!tpu.dma_semaphore, #tpu.memory_space<semaphore_mem>>) src(%dma_wait3A_311 : memref<80x144xf32, #tpu.memory_space<hbm>>) dst(%arg11 : memref<80x144xf32, #tpu.memory_space<vmem>>)
      %dma_wait3A_312 = arith.constant 0 : i32
      %dma_wait3A_313 = arith.constant 0 : i32
      %dma_wait3A_314 = arith.constant 0 : i32
      %dma_wait3A_315 = arith.constant 0 : i32
      %dma_wait3A_316 = tpu.memref_slice %arg7[%dma_wait3A_313, %dma_wait3A_314, %dma_wait3A_315] : memref<4x2x80xi32, #tpu.memory_space<vmem>> -> memref<1x2x80xi32, #tpu.memory_space<vmem>>
      %dma_wait3A_317 = tpu.memref_squeeze %dma_wait3A_316 : memref<1x2x80xi32, #tpu.memory_space<vmem>> -> memref<2x80xi32, #tpu.memory_space<vmem>>
      %dma_wait3A_318 = arith.constant 0 : i32
      %dma_wait3A_319 = arith.constant 0 : i32
      %dma_wait3A_320 = tpu.memref_slice %arg2[%dma_wait3A_312, %dma_wait3A_318, %dma_wait3A_319] : memref<4008x2x80xi32, #tpu.memory_space<hbm>> -> memref<1x2x80xi32, #tpu.memory_space<hbm>>
      %dma_wait3A_321 = tpu.memref_squeeze %dma_wait3A_320 : memref<1x2x80xi32, #tpu.memory_space<hbm>> -> memref<2x80xi32, #tpu.memory_space<hbm>>
      %dma_wait3A_322 = arith.constant 0 : i32
      %dma_wait3A_323 = arith.constant 0 : i32
      %dma_wait3A_324 = tpu.memref_slice %arg7[%dma_wait3A_313, %dma_wait3A_322, %dma_wait3A_323] : memref<4x2x80xi32, #tpu.memory_space<vmem>> -> memref<1x2x80xi32, #tpu.memory_space<vmem>>
      %dma_wait3A_325 = tpu.memref_squeeze %dma_wait3A_324 : memref<1x2x80xi32, #tpu.memory_space<vmem>> -> memref<2x80xi32, #tpu.memory_space<vmem>>
      %dma_wait3A_326 = arith.constant 0 : i32
      %dma_wait3A_327 = arith.constant 0 : i32
      %dma_wait3A_328 = tpu.memref_slice %arg2[%dma_wait3A_312, %dma_wait3A_326, %dma_wait3A_327] : memref<4008x2x80xi32, #tpu.memory_space<hbm>> -> memref<1x2x80xi32, #tpu.memory_space<hbm>>
      %dma_wait3A_329 = tpu.memref_squeeze %dma_wait3A_328 : memref<1x2x80xi32, #tpu.memory_space<hbm>> -> memref<2x80xi32, #tpu.memory_space<hbm>>
      tpu.wait_dma2 semaphore(%arg13 : memref<!tpu.dma_semaphore, #tpu.memory_space<semaphore_mem>>) src(%dma_wait3A_329 : memref<2x80xi32, #tpu.memory_space<hbm>>) dst(%dma_wait3A_325 : memref<2x80xi32, #tpu.memory_space<vmem>>)
      %add3A_330 = arith.constant 1 : i32
      %add3A_331 = arith.addi %mul3A_293, %add3A_330 : i32
      %jit3A = arith.constant 4 : i32
      %eq3A = arith.constant 0 : i32
      %eq3A_332 = arith.cmpi eq, %jit3A, %eq3A : i32
      %jit3A_333 = arith.constant 1 : i32
      %select_n3A = arith.select %eq3A_332, %jit3A_333, %jit3A : i32
      %rem3A = arith.remsi %add3A_331, %select_n3A : i32
      %ne3A = arith.constant 0 : i32
      %ne3A_334 = arith.cmpi ne, %rem3A, %ne3A : i32
      %lt3A = arith.constant 0 : i32
      %lt3A_335 = arith.cmpi slt, %rem3A, %lt3A : i32
      %lt3A_336 = arith.constant 0 : i32
      %lt3A_337 = arith.cmpi slt, %select_n3A, %lt3A_336 : i32
      %ne3A_338 = arith.xori %lt3A_335, %lt3A_337 : i1
      %and3A = arith.andi %ne3A_338, %ne3A_334 : i1
      %add3A_339 = arith.addi %rem3A, %select_n3A : i32
      %select_n3A_340 = arith.select %and3A, %add3A_339, %rem3A : i32
      %jit3A_341 = arith.constant 4 : i32
      %eq3A_342 = arith.constant 0 : i32
      %eq3A_343 = arith.cmpi eq, %jit3A_341, %eq3A_342 : i32
      %jit3A_344 = arith.constant 1 : i32
      %select_n3A_345 = arith.select %eq3A_343, %jit3A_344, %jit3A_341 : i32
      %rem3A_346 = arith.remsi %add3A_331, %select_n3A_345 : i32
      %ne3A_347 = arith.constant 0 : i32
      %ne3A_348 = arith.cmpi ne, %rem3A_346, %ne3A_347 : i32
      %lt3A_349 = arith.constant 0 : i32
      %lt3A_350 = arith.cmpi slt, %rem3A_346, %lt3A_349 : i32
      %lt3A_351 = arith.constant 0 : i32
      %lt3A_352 = arith.cmpi slt, %select_n3A_345, %lt3A_351 : i32
      %ne3A_353 = arith.xori %lt3A_350, %lt3A_352 : i1
      %and3A_354 = arith.andi %ne3A_353, %ne3A_348 : i1
      %add3A_355 = arith.addi %rem3A_346, %select_n3A_345 : i32
      %select_n3A_356 = arith.select %and3A_354, %add3A_355, %rem3A_346 : i32
      %dma_start3A_357 = arith.constant 0 : i32
      %dma_start3A_358 = arith.constant 0 : i32
      %dma_start3A_359 = tpu.memref_slice %arg7[%select_n3A_340, %dma_start3A_357, %dma_start3A_358] : memref<4x2x80xi32, #tpu.memory_space<vmem>> -> memref<1x1x80xi32, #tpu.memory_space<vmem>>
      %dma_start3A_360 = tpu.memref_squeeze %dma_start3A_359 : memref<1x1x80xi32, #tpu.memory_space<vmem>> -> memref<80xi32, #tpu.memory_space<vmem>>
      %dma_start3A_361 = arith.constant 0 : i32
      %dma_start3A_362 = arith.constant 0 : i32
      %dma_start3A_363 = tpu.memref_slice %arg3[%dma_start3A_361, %dma_start3A_362] : memref<10000x144xf32, #tpu.memory_space<hbm>> -> memref<10000x144xf32, #tpu.memory_space<hbm>>
      tpu.enqueue_indirect_dma source(%dma_start3A_363 : memref<10000x144xf32, #tpu.memory_space<hbm>>) target(%arg11 : memref<80x144xf32, #tpu.memory_space<vmem>>) offsets(%dma_start3A_360 : memref<80xi32, #tpu.memory_space<vmem>>) semaphore(%arg15 : memref<!tpu.dma_semaphore, #tpu.memory_space<semaphore_mem>>)
      %dma_start3A_364 = arith.constant 1 : i32
      %dma_start3A_365 = arith.constant 0 : i32
      %dma_start3A_366 = tpu.memref_slice %arg7[%select_n3A_356, %dma_start3A_364, %dma_start3A_365] : memref<4x2x80xi32, #tpu.memory_space<vmem>> -> memref<1x1x80xi32, #tpu.memory_space<vmem>>
      %dma_start3A_367 = tpu.memref_squeeze %dma_start3A_366 : memref<1x1x80xi32, #tpu.memory_space<vmem>> -> memref<80xi32, #tpu.memory_space<vmem>>
      %dma_start3A_368 = arith.constant 0 : i32
      %dma_start3A_369 = arith.constant 0 : i32
      %dma_start3A_370 = tpu.memref_slice %arg4[%dma_start3A_368, %dma_start3A_369] : memref<10000x16xf32, #tpu.memory_space<hbm>> -> memref<10000x16xf32, #tpu.memory_space<hbm>>
      tpu.enqueue_indirect_dma source(%dma_start3A_370 : memref<10000x16xf32, #tpu.memory_space<hbm>>) target(%arg9 : memref<80x16xf32, #tpu.memory_space<vmem>>) offsets(%dma_start3A_367 : memref<80xi32, #tpu.memory_space<vmem>>) semaphore(%arg15 : memref<!tpu.dma_semaphore, #tpu.memory_space<semaphore_mem>>)
      %add3A_371 = arith.constant 2 : i32
      %add3A_372 = arith.addi %mul3A_293, %add3A_371 : i32
      %add3A_373 = arith.addi %mul3A_4, %add3A_372 : i32
      %jit3A_374 = arith.constant 4 : i32
      %eq3A_375 = arith.constant 0 : i32
      %eq3A_376 = arith.cmpi eq, %jit3A_374, %eq3A_375 : i32
      %jit3A_377 = arith.constant 1 : i32
      %select_n3A_378 = arith.select %eq3A_376, %jit3A_377, %jit3A_374 : i32
      %rem3A_379 = arith.remsi %add3A_372, %select_n3A_378 : i32
      %ne3A_380 = arith.constant 0 : i32
      %ne3A_381 = arith.cmpi ne, %rem3A_379, %ne3A_380 : i32
      %lt3A_382 = arith.constant 0 : i32
      %lt3A_383 = arith.cmpi slt, %rem3A_379, %lt3A_382 : i32
      %lt3A_384 = arith.constant 0 : i32
      %lt3A_385 = arith.cmpi slt, %select_n3A_378, %lt3A_384 : i32
      %ne3A_386 = arith.xori %lt3A_383, %lt3A_385 : i1
      %and3A_387 = arith.andi %ne3A_386, %ne3A_381 : i1
      %add3A_388 = arith.addi %rem3A_379, %select_n3A_378 : i32
      %select_n3A_389 = arith.select %and3A_387, %add3A_388, %rem3A_379 : i32
      %dma_start3A_390 = arith.constant 0 : i32
      %dma_start3A_391 = arith.constant 0 : i32
      %dma_start3A_392 = tpu.memref_slice %arg7[%select_n3A_389, %dma_start3A_390, %dma_start3A_391] : memref<4x2x80xi32, #tpu.memory_space<vmem>> -> memref<1x2x80xi32, #tpu.memory_space<vmem>>
      %dma_start3A_393 = tpu.memref_squeeze %dma_start3A_392 : memref<1x2x80xi32, #tpu.memory_space<vmem>> -> memref<2x80xi32, #tpu.memory_space<vmem>>
      %dma_start3A_394 = arith.constant 0 : i32
      %dma_start3A_395 = arith.constant 0 : i32
      %dma_start3A_396 = tpu.memref_slice %arg2[%add3A_373, %dma_start3A_394, %dma_start3A_395] : memref<4008x2x80xi32, #tpu.memory_space<hbm>> -> memref<1x2x80xi32, #tpu.memory_space<hbm>>
      %dma_start3A_397 = tpu.memref_squeeze %dma_start3A_396 : memref<1x2x80xi32, #tpu.memory_space<hbm>> -> memref<2x80xi32, #tpu.memory_space<hbm>>
      %dma_start3A_398 = arith.constant 0 : i32
      %dma_start3A_399 = arith.constant 0 : i32
      %dma_start3A_400 = tpu.memref_slice %arg7[%select_n3A_389, %dma_start3A_398, %dma_start3A_399] : memref<4x2x80xi32, #tpu.memory_space<vmem>> -> memref<1x2x80xi32, #tpu.memory_space<vmem>>
      %dma_start3A_401 = tpu.memref_squeeze %dma_start3A_400 : memref<1x2x80xi32, #tpu.memory_space<vmem>> -> memref<2x80xi32, #tpu.memory_space<vmem>>
      %dma_start3A_402 = arith.constant 0 : i32
      %dma_start3A_403 = arith.constant 0 : i32
      %dma_start3A_404 = tpu.memref_slice %arg2[%add3A_373, %dma_start3A_402, %dma_start3A_403] : memref<4008x2x80xi32, #tpu.memory_space<hbm>> -> memref<1x2x80xi32, #tpu.memory_space<hbm>>
      %dma_start3A_405 = tpu.memref_squeeze %dma_start3A_404 : memref<1x2x80xi32, #tpu.memory_space<hbm>> -> memref<2x80xi32, #tpu.memory_space<hbm>>
      tpu.enqueue_dma source(%dma_start3A_405 : memref<2x80xi32, #tpu.memory_space<hbm>>) target(%dma_start3A_401 : memref<2x80xi32, #tpu.memory_space<vmem>>) target_semaphore(%arg12 : memref<!tpu.dma_semaphore, #tpu.memory_space<semaphore_mem>>)
      %parallel_loop3A_406 = arith.constant 0 : i32
      %parallel_loop3A_407 = arith.constant 80 : i32
      %parallel_loop3A_408 = arith.constant 1 : i32
      scf.for %parallel_loop3A_579 = %parallel_loop3A_406 to %parallel_loop3A_407 step %parallel_loop3A_408  : i32 {
        %parallel_loop3A_580 = arith.index_cast %parallel_loop3A_579 : i32 to index
        %parallel_loop3A_581 = arith.constant 128 : index
        %parallel_loop3A_582 = tpu.vector_load %arg10[%parallel_loop3A_580, %parallel_loop3A_581] {strides = array<i32>} : memref<80x144xf32, #tpu.memory_space<vmem>>, vector<1x16xf32>,
        %parallel_loop3A_583 = vector.shape_cast %parallel_loop3A_582 : vector<1x16xf32> to vector<16xf32>
        %parallel_loop3A_584 = arith.index_cast %parallel_loop3A_579 : i32 to index
        %parallel_loop3A_585 = arith.constant 0 : index
        %parallel_loop3A_586 = tpu.vector_load %arg8[%parallel_loop3A_584, %parallel_loop3A_585] {strides = array<i32>} : memref<80x16xf32, #tpu.memory_space<vmem>>, vector<1x16xf32>,
        %parallel_loop3A_587 = vector.shape_cast %parallel_loop3A_586 : vector<1x16xf32> to vector<16xf32>
        %parallel_loop3A_588 = arith.addf %parallel_loop3A_583, %parallel_loop3A_587 : vector<16xf32>
        %parallel_loop3A_589 = arith.constant 0.000000e+00 : f32
        %parallel_loop3A_590 = vector.broadcast %parallel_loop3A_589 : f32 to vector<16xf32>
        %parallel_loop3A_591 = arith.cmpf ogt, %parallel_loop3A_588, %parallel_loop3A_590 : vector<16xf32>
        %parallel_loop3A_592 = arith.constant 2.000000e-01 : f32
        %parallel_loop3A_593 = vector.broadcast %parallel_loop3A_592 : f32 to vector<16xf32>
        %parallel_loop3A_594 = arith.mulf %parallel_loop3A_593, %parallel_loop3A_588 : vector<16xf32>
        %parallel_loop3A_595 = arith.select %parallel_loop3A_591, %parallel_loop3A_588, %parallel_loop3A_594 : vector<16xi1>, vector<16xf32>
        %parallel_loop3A_596 = math.exp %parallel_loop3A_595 : vector<16xf32>
        %parallel_loop3A_597 = arith.index_cast %parallel_loop3A_579 : i32 to index
        %parallel_loop3A_598 = arith.constant 0 : index
        %parallel_loop3A_599 = tpu.vector_load %arg10[%parallel_loop3A_597, %parallel_loop3A_598] {strides = array<i32>} : memref<80x144xf32, #tpu.memory_space<vmem>>, vector<1x16xf32>,
        %parallel_loop3A_600 = vector.shape_cast %parallel_loop3A_599 : vector<1x16xf32> to vector<16xf32>
        %parallel_loop3A_601 = vector.extract_strided_slice %parallel_loop3A_596 {offsets = [0], sizes = [1], strides = [1]} : vector<16xf32> to vector<1xf32>
        %parallel_loop3A_602 = vector.extract %parallel_loop3A_601[0] : f32 from vector<1xf32>
        %parallel_loop3A_603 = vector.broadcast %parallel_loop3A_602 : f32 to vector<16xf32>
        %parallel_loop3A_604 = arith.mulf %parallel_loop3A_600, %parallel_loop3A_603 : vector<16xf32>
        %parallel_loop3A_605 = arith.index_cast %parallel_loop3A_579 : i32 to index
        %parallel_loop3A_606 = arith.constant 0 : index
        %parallel_loop3A_607 = tpu.vector_load %arg10[%parallel_loop3A_605, %parallel_loop3A_606] {strides = array<i32>} : memref<80x144xf32, #tpu.memory_space<vmem>>, vector<1x16xf32>,
        %parallel_loop3A_608 = vector.shape_cast %parallel_loop3A_607 : vector<1x16xf32> to vector<16xf32>
        %parallel_loop3A_609 = vector.shape_cast %parallel_loop3A_604 : vector<16xf32> to vector<1x16xf32>
        tpu.vector_store %arg10[%parallel_loop3A_605, %parallel_loop3A_606], %parallel_loop3A_609 {strides = array<i32>} : memref<80x144xf32, #tpu.memory_space<vmem>>, vector<1x16xf32>,
        %parallel_loop3A_610 = arith.index_cast %parallel_loop3A_579 : i32 to index
        %parallel_loop3A_611 = arith.constant 16 : index
        %parallel_loop3A_612 = tpu.vector_load %arg10[%parallel_loop3A_610, %parallel_loop3A_611] {strides = array<i32>} : memref<80x144xf32, #tpu.memory_space<vmem>>, vector<1x16xf32>,
        %parallel_loop3A_613 = vector.shape_cast %parallel_loop3A_612 : vector<1x16xf32> to vector<16xf32>
        %parallel_loop3A_614 = vector.extract_strided_slice %parallel_loop3A_596 {offsets = [1], sizes = [1], strides = [1]} : vector<16xf32> to vector<1xf32>
        %parallel_loop3A_615 = vector.extract %parallel_loop3A_614[0] : f32 from vector<1xf32>
        %parallel_loop3A_616 = vector.broadcast %parallel_loop3A_615 : f32 to vector<16xf32>
        %parallel_loop3A_617 = arith.mulf %parallel_loop3A_613, %parallel_loop3A_616 : vector<16xf32>
        %parallel_loop3A_618 = arith.index_cast %parallel_loop3A_579 : i32 to index
        %parallel_loop3A_619 = arith.constant 16 : index
        %parallel_loop3A_620 = tpu.vector_load %arg10[%parallel_loop3A_618, %parallel_loop3A_619] {strides = array<i32>} : memref<80x144xf32, #tpu.memory_space<vmem>>, vector<1x16xf32>,
        %parallel_loop3A_621 = vector.shape_cast %parallel_loop3A_620 : vector<1x16xf32> to vector<16xf32>
        %parallel_loop3A_622 = vector.shape_cast %parallel_loop3A_617 : vector<16xf32> to vector<1x16xf32>
        tpu.vector_store %arg10[%parallel_loop3A_618, %parallel_loop3A_619], %parallel_loop3A_622 {strides = array<i32>} : memref<80x144xf32, #tpu.memory_space<vmem>>, vector<1x16xf32>,
        %parallel_loop3A_623 = arith.index_cast %parallel_loop3A_579 : i32 to index
        %parallel_loop3A_624 = arith.constant 32 : index
        %parallel_loop3A_625 = tpu.vector_load %arg10[%parallel_loop3A_623, %parallel_loop3A_624] {strides = array<i32>} : memref<80x144xf32, #tpu.memory_space<vmem>>, vector<1x16xf32>,
        %parallel_loop3A_626 = vector.shape_cast %parallel_loop3A_625 : vector<1x16xf32> to vector<16xf32>
        %parallel_loop3A_627 = vector.extract_strided_slice %parallel_loop3A_596 {offsets = [2], sizes = [1], strides = [1]} : vector<16xf32> to vector<1xf32>
        %parallel_loop3A_628 = vector.extract %parallel_loop3A_627[0] : f32 from vector<1xf32>
        %parallel_loop3A_629 = vector.broadcast %parallel_loop3A_628 : f32 to vector<16xf32>
        %parallel_loop3A_630 = arith.mulf %parallel_loop3A_626, %parallel_loop3A_629 : vector<16xf32>
        %parallel_loop3A_631 = arith.index_cast %parallel_loop3A_579 : i32 to index
        %parallel_loop3A_632 = arith.constant 32 : index
        %parallel_loop3A_633 = tpu.vector_load %arg10[%parallel_loop3A_631, %parallel_loop3A_632] {strides = array<i32>} : memref<80x144xf32, #tpu.memory_space<vmem>>, vector<1x16xf32>,
        %parallel_loop3A_634 = vector.shape_cast %parallel_loop3A_633 : vector<1x16xf32> to vector<16xf32>
        %parallel_loop3A_635 = vector.shape_cast %parallel_loop3A_630 : vector<16xf32> to vector<1x16xf32>
        tpu.vector_store %arg10[%parallel_loop3A_631, %parallel_loop3A_632], %parallel_loop3A_635 {strides = array<i32>} : memref<80x144xf32, #tpu.memory_space<vmem>>, vector<1x16xf32>,
        %parallel_loop3A_636 = arith.index_cast %parallel_loop3A_579 : i32 to index
        %parallel_loop3A_637 = arith.constant 48 : index
        %parallel_loop3A_638 = tpu.vector_load %arg10[%parallel_loop3A_636, %parallel_loop3A_637] {strides = array<i32>} : memref<80x144xf32, #tpu.memory_space<vmem>>, vector<1x16xf32>,
        %parallel_loop3A_639 = vector.shape_cast %parallel_loop3A_638 : vector<1x16xf32> to vector<16xf32>
        %parallel_loop3A_640 = vector.extract_strided_slice %parallel_loop3A_596 {offsets = [3], sizes = [1], strides = [1]} : vector<16xf32> to vector<1xf32>
        %parallel_loop3A_641 = vector.extract %parallel_loop3A_640[0] : f32 from vector<1xf32>
        %parallel_loop3A_642 = vector.broadcast %parallel_loop3A_641 : f32 to vector<16xf32>
        %parallel_loop3A_643 = arith.mulf %parallel_loop3A_639, %parallel_loop3A_642 : vector<16xf32>
        %parallel_loop3A_644 = arith.index_cast %parallel_loop3A_579 : i32 to index
        %parallel_loop3A_645 = arith.constant 48 : index
        %parallel_loop3A_646 = tpu.vector_load %arg10[%parallel_loop3A_644, %parallel_loop3A_645] {strides = array<i32>} : memref<80x144xf32, #tpu.memory_space<vmem>>, vector<1x16xf32>,
        %parallel_loop3A_647 = vector.shape_cast %parallel_loop3A_646 : vector<1x16xf32> to vector<16xf32>
        %parallel_loop3A_648 = vector.shape_cast %parallel_loop3A_643 : vector<16xf32> to vector<1x16xf32>
        tpu.vector_store %arg10[%parallel_loop3A_644, %parallel_loop3A_645], %parallel_loop3A_648 {strides = array<i32>} : memref<80x144xf32, #tpu.memory_space<vmem>>, vector<1x16xf32>,
        %parallel_loop3A_649 = arith.index_cast %parallel_loop3A_579 : i32 to index
        %parallel_loop3A_650 = arith.constant 64 : index
        %parallel_loop3A_651 = tpu.vector_load %arg10[%parallel_loop3A_649, %parallel_loop3A_650] {strides = array<i32>} : memref<80x144xf32, #tpu.memory_space<vmem>>, vector<1x16xf32>,
        %parallel_loop3A_652 = vector.shape_cast %parallel_loop3A_651 : vector<1x16xf32> to vector<16xf32>
        %parallel_loop3A_653 = vector.extract_strided_slice %parallel_loop3A_596 {offsets = [4], sizes = [1], strides = [1]} : vector<16xf32> to vector<1xf32>
        %parallel_loop3A_654 = vector.extract %parallel_loop3A_653[0] : f32 from vector<1xf32>
        %parallel_loop3A_655 = vector.broadcast %parallel_loop3A_654 : f32 to vector<16xf32>
        %parallel_loop3A_656 = arith.mulf %parallel_loop3A_652, %parallel_loop3A_655 : vector<16xf32>
        %parallel_loop3A_657 = arith.index_cast %parallel_loop3A_579 : i32 to index
        %parallel_loop3A_658 = arith.constant 64 : index
        %parallel_loop3A_659 = tpu.vector_load %arg10[%parallel_loop3A_657, %parallel_loop3A_658] {strides = array<i32>} : memref<80x144xf32, #tpu.memory_space<vmem>>, vector<1x16xf32>,
        %parallel_loop3A_660 = vector.shape_cast %parallel_loop3A_659 : vector<1x16xf32> to vector<16xf32>
        %parallel_loop3A_661 = vector.shape_cast %parallel_loop3A_656 : vector<16xf32> to vector<1x16xf32>
        tpu.vector_store %arg10[%parallel_loop3A_657, %parallel_loop3A_658], %parallel_loop3A_661 {strides = array<i32>} : memref<80x144xf32, #tpu.memory_space<vmem>>, vector<1x16xf32>,
        %parallel_loop3A_662 = arith.index_cast %parallel_loop3A_579 : i32 to index
        %parallel_loop3A_663 = arith.constant 80 : index
        %parallel_loop3A_664 = tpu.vector_load %arg10[%parallel_loop3A_662, %parallel_loop3A_663] {strides = array<i32>} : memref<80x144xf32, #tpu.memory_space<vmem>>, vector<1x16xf32>,
        %parallel_loop3A_665 = vector.shape_cast %parallel_loop3A_664 : vector<1x16xf32> to vector<16xf32>
        %parallel_loop3A_666 = vector.extract_strided_slice %parallel_loop3A_596 {offsets = [5], sizes = [1], strides = [1]} : vector<16xf32> to vector<1xf32>
        %parallel_loop3A_667 = vector.extract %parallel_loop3A_666[0] : f32 from vector<1xf32>
        %parallel_loop3A_668 = vector.broadcast %parallel_loop3A_667 : f32 to vector<16xf32>
        %parallel_loop3A_669 = arith.mulf %parallel_loop3A_665, %parallel_loop3A_668 : vector<16xf32>
        %parallel_loop3A_670 = arith.index_cast %parallel_loop3A_579 : i32 to index
        %parallel_loop3A_671 = arith.constant 80 : index
        %parallel_loop3A_672 = tpu.vector_load %arg10[%parallel_loop3A_670, %parallel_loop3A_671] {strides = array<i32>} : memref<80x144xf32, #tpu.memory_space<vmem>>, vector<1x16xf32>,
        %parallel_loop3A_673 = vector.shape_cast %parallel_loop3A_672 : vector<1x16xf32> to vector<16xf32>
        %parallel_loop3A_674 = vector.shape_cast %parallel_loop3A_669 : vector<16xf32> to vector<1x16xf32>
        tpu.vector_store %arg10[%parallel_loop3A_670, %parallel_loop3A_671], %parallel_loop3A_674 {strides = array<i32>} : memref<80x144xf32, #tpu.memory_space<vmem>>, vector<1x16xf32>,
        %parallel_loop3A_675 = arith.index_cast %parallel_loop3A_579 : i32 to index
        %parallel_loop3A_676 = arith.constant 96 : index
        %parallel_loop3A_677 = tpu.vector_load %arg10[%parallel_loop3A_675, %parallel_loop3A_676] {strides = array<i32>} : memref<80x144xf32, #tpu.memory_space<vmem>>, vector<1x16xf32>,
        %parallel_loop3A_678 = vector.shape_cast %parallel_loop3A_677 : vector<1x16xf32> to vector<16xf32>
        %parallel_loop3A_679 = vector.extract_strided_slice %parallel_loop3A_596 {offsets = [6], sizes = [1], strides = [1]} : vector<16xf32> to vector<1xf32>
        %parallel_loop3A_680 = vector.extract %parallel_loop3A_679[0] : f32 from vector<1xf32>
        %parallel_loop3A_681 = vector.broadcast %parallel_loop3A_680 : f32 to vector<16xf32>
        %parallel_loop3A_682 = arith.mulf %parallel_loop3A_678, %parallel_loop3A_681 : vector<16xf32>
        %parallel_loop3A_683 = arith.index_cast %parallel_loop3A_579 : i32 to index
        %parallel_loop3A_684 = arith.constant 96 : index
        %parallel_loop3A_685 = tpu.vector_load %arg10[%parallel_loop3A_683, %parallel_loop3A_684] {strides = array<i32>} : memref<80x144xf32, #tpu.memory_space<vmem>>, vector<1x16xf32>,
        %parallel_loop3A_686 = vector.shape_cast %parallel_loop3A_685 : vector<1x16xf32> to vector<16xf32>
        %parallel_loop3A_687 = vector.shape_cast %parallel_loop3A_682 : vector<16xf32> to vector<1x16xf32>
        tpu.vector_store %arg10[%parallel_loop3A_683, %parallel_loop3A_684], %parallel_loop3A_687 {strides = array<i32>} : memref<80x144xf32, #tpu.memory_space<vmem>>, vector<1x16xf32>,
        %parallel_loop3A_688 = arith.index_cast %parallel_loop3A_579 : i32 to index
        %parallel_loop3A_689 = arith.constant 112 : index
        %parallel_loop3A_690 = tpu.vector_load %arg10[%parallel_loop3A_688, %parallel_loop3A_689] {strides = array<i32>} : memref<80x144xf32, #tpu.memory_space<vmem>>, vector<1x16xf32>,
        %parallel_loop3A_691 = vector.shape_cast %parallel_loop3A_690 : vector<1x16xf32> to vector<16xf32>
        %parallel_loop3A_692 = vector.extract_strided_slice %parallel_loop3A_596 {offsets = [7], sizes = [1], strides = [1]} : vector<16xf32> to vector<1xf32>
        %parallel_loop3A_693 = vector.extract %parallel_loop3A_692[0] : f32 from vector<1xf32>
        %parallel_loop3A_694 = vector.broadcast %parallel_loop3A_693 : f32 to vector<16xf32>
        %parallel_loop3A_695 = arith.mulf %parallel_loop3A_691, %parallel_loop3A_694 : vector<16xf32>
        %parallel_loop3A_696 = arith.index_cast %parallel_loop3A_579 : i32 to index
        %parallel_loop3A_697 = arith.constant 112 : index
        %parallel_loop3A_698 = tpu.vector_load %arg10[%parallel_loop3A_696, %parallel_loop3A_697] {strides = array<i32>} : memref<80x144xf32, #tpu.memory_space<vmem>>, vector<1x16xf32>,
        %parallel_loop3A_699 = vector.shape_cast %parallel_loop3A_698 : vector<1x16xf32> to vector<16xf32>
        %parallel_loop3A_700 = vector.shape_cast %parallel_loop3A_695 : vector<16xf32> to vector<1x16xf32>
        tpu.vector_store %arg10[%parallel_loop3A_696, %parallel_loop3A_697], %parallel_loop3A_700 {strides = array<i32>} : memref<80x144xf32, #tpu.memory_space<vmem>>, vector<1x16xf32>,
        %parallel_loop3A_701 = arith.index_cast %parallel_loop3A_579 : i32 to index
        %parallel_loop3A_702 = arith.constant 128 : index
        %parallel_loop3A_703 = tpu.vector_load %arg10[%parallel_loop3A_701, %parallel_loop3A_702] {strides = array<i32>} : memref<80x144xf32, #tpu.memory_space<vmem>>, vector<1x16xf32>,
        %parallel_loop3A_704 = vector.shape_cast %parallel_loop3A_703 : vector<1x16xf32> to vector<16xf32>
        %parallel_loop3A_705 = vector.shape_cast %parallel_loop3A_596 : vector<16xf32> to vector<1x16xf32>
        tpu.vector_store %arg10[%parallel_loop3A_701, %parallel_loop3A_702], %parallel_loop3A_705 {strides = array<i32>} : memref<80x144xf32, #tpu.memory_space<vmem>>, vector<1x16xf32>,
      } {sc.loop_unroll_factor = 4 : i64, sc.parallel_access}
      %jit3A_409 = arith.constant 4 : i32
      %eq3A_410 = arith.constant 0 : i32
      %eq3A_411 = arith.cmpi eq, %jit3A_409, %eq3A_410 : i32
      %jit3A_412 = arith.constant 1 : i32
      %select_n3A_413 = arith.select %eq3A_411, %jit3A_412, %jit3A_409 : i32
      %rem3A_414 = arith.remsi %mul3A_293, %select_n3A_413 : i32
      %ne3A_415 = arith.constant 0 : i32
      %ne3A_416 = arith.cmpi ne, %rem3A_414, %ne3A_415 : i32
      %lt3A_417 = arith.constant 0 : i32
      %lt3A_418 = arith.cmpi slt, %rem3A_414, %lt3A_417 : i32
      %lt3A_419 = arith.constant 0 : i32
      %lt3A_420 = arith.cmpi slt, %select_n3A_413, %lt3A_419 : i32
      %ne3A_421 = arith.xori %lt3A_418, %lt3A_420 : i1
      %and3A_422 = arith.andi %ne3A_421, %ne3A_416 : i1
      %add3A_423 = arith.addi %rem3A_414, %select_n3A_413 : i32
      %select_n3A_424 = arith.select %and3A_422, %add3A_423, %rem3A_414 : i32
      %dma_start3A_425 = arith.constant 1 : i32
      %dma_start3A_426 = arith.constant 0 : i32
      %dma_start3A_427 = tpu.memref_slice %arg7[%select_n3A_424, %dma_start3A_425, %dma_start3A_426] : memref<4x2x80xi32, #tpu.memory_space<vmem>> -> memref<1x1x80xi32, #tpu.memory_space<vmem>>
      %dma_start3A_428 = tpu.memref_squeeze %dma_start3A_427 : memref<1x1x80xi32, #tpu.memory_space<vmem>> -> memref<80xi32, #tpu.memory_space<vmem>>
      %dma_start3A_429 = arith.constant 0 : i32
      %dma_start3A_430 = arith.constant 0 : i32
      %dma_start3A_431 = tpu.memref_slice %arg18[%dma_start3A_429, %dma_start3A_430] : memref<10000x144xf32, #tpu.memory_space<vmem_shared>> -> memref<10000x144xf32, #tpu.memory_space<vmem_shared>>
      tpu.enqueue_indirect_dma source(%arg10 : memref<80x144xf32, #tpu.memory_space<vmem>>) target(%dma_start3A_431 : memref<10000x144xf32, #tpu.memory_space<vmem_shared>>) offsets(%dma_start3A_428 : memref<80xi32, #tpu.memory_space<vmem>>) semaphore(%arg16 : memref<!tpu.dma_semaphore, #tpu.memory_space<semaphore_mem>>) {add = true}
      %dma_wait3A_432 = arith.constant 0 : i32
      %dma_wait3A_433 = arith.constant 0 : i32
      %dma_wait3A_434 = tpu.memref_slice %arg3[%dma_wait3A_432, %dma_wait3A_433] : memref<10000x144xf32, #tpu.memory_space<hbm>> -> memref<80x144xf32, #tpu.memory_space<hbm>>
      %dma_wait3A_435 = arith.constant 0 : i32
      %dma_wait3A_436 = arith.constant 0 : i32
      %dma_wait3A_437 = tpu.memref_slice %arg3[%dma_wait3A_435, %dma_wait3A_436] : memref<10000x144xf32, #tpu.memory_space<hbm>> -> memref<80x144xf32, #tpu.memory_space<hbm>>
      tpu.wait_dma2 semaphore(%arg15 : memref<!tpu.dma_semaphore, #tpu.memory_space<semaphore_mem>>) src(%dma_wait3A_437 : memref<80x144xf32, #tpu.memory_space<hbm>>) dst(%arg11 : memref<80x144xf32, #tpu.memory_space<vmem>>)
      %dma_wait3A_438 = arith.constant 0 : i32
      %dma_wait3A_439 = arith.constant 0 : i32
      %dma_wait3A_440 = tpu.memref_slice %arg4[%dma_wait3A_438, %dma_wait3A_439] : memref<10000x16xf32, #tpu.memory_space<hbm>> -> memref<80x16xf32, #tpu.memory_space<hbm>>
      %dma_wait3A_441 = arith.constant 0 : i32
      %dma_wait3A_442 = arith.constant 0 : i32
      %dma_wait3A_443 = tpu.memref_slice %arg4[%dma_wait3A_441, %dma_wait3A_442] : memref<10000x16xf32, #tpu.memory_space<hbm>> -> memref<80x16xf32, #tpu.memory_space<hbm>>
      tpu.wait_dma2 semaphore(%arg15 : memref<!tpu.dma_semaphore, #tpu.memory_space<semaphore_mem>>) src(%dma_wait3A_443 : memref<80x16xf32, #tpu.memory_space<hbm>>) dst(%arg9 : memref<80x16xf32, #tpu.memory_space<vmem>>)
      %dma_wait3A_444 = arith.constant 0 : i32
      %dma_wait3A_445 = arith.constant 0 : i32
      %dma_wait3A_446 = tpu.memref_slice %arg5[%dma_wait3A_444, %dma_wait3A_445] : memref<10000x144xf32, #tpu.memory_space<hbm>> -> memref<80x144xf32, #tpu.memory_space<hbm>>
      %dma_wait3A_447 = arith.constant 0 : i32
      %dma_wait3A_448 = arith.constant 0 : i32
      %dma_wait3A_449 = tpu.memref_slice %arg5[%dma_wait3A_447, %dma_wait3A_448] : memref<10000x144xf32, #tpu.memory_space<hbm>> -> memref<80x144xf32, #tpu.memory_space<hbm>>
      tpu.wait_dma2 semaphore(%arg16 : memref<!tpu.dma_semaphore, #tpu.memory_space<semaphore_mem>>) src(%dma_wait3A_449 : memref<80x144xf32, #tpu.memory_space<hbm>>) dst(%arg10 : memref<80x144xf32, #tpu.memory_space<vmem>>)
      %dma_wait3A_450 = arith.constant 0 : i32
      %dma_wait3A_451 = arith.constant 0 : i32
      %dma_wait3A_452 = arith.constant 0 : i32
      %dma_wait3A_453 = arith.constant 0 : i32
      %dma_wait3A_454 = tpu.memref_slice %arg7[%dma_wait3A_451, %dma_wait3A_452, %dma_wait3A_453] : memref<4x2x80xi32, #tpu.memory_space<vmem>> -> memref<1x2x80xi32, #tpu.memory_space<vmem>>
      %dma_wait3A_455 = tpu.memref_squeeze %dma_wait3A_454 : memref<1x2x80xi32, #tpu.memory_space<vmem>> -> memref<2x80xi32, #tpu.memory_space<vmem>>
      %dma_wait3A_456 = arith.constant 0 : i32
      %dma_wait3A_457 = arith.constant 0 : i32
      %dma_wait3A_458 = tpu.memref_slice %arg2[%dma_wait3A_450, %dma_wait3A_456, %dma_wait3A_457] : memref<4008x2x80xi32, #tpu.memory_space<hbm>> -> memref<1x2x80xi32, #tpu.memory_space<hbm>>
      %dma_wait3A_459 = tpu.memref_squeeze %dma_wait3A_458 : memref<1x2x80xi32, #tpu.memory_space<hbm>> -> memref<2x80xi32, #tpu.memory_space<hbm>>
      %dma_wait3A_460 = arith.constant 0 : i32
      %dma_wait3A_461 = arith.constant 0 : i32
      %dma_wait3A_462 = tpu.memref_slice %arg7[%dma_wait3A_451, %dma_wait3A_460, %dma_wait3A_461] : memref<4x2x80xi32, #tpu.memory_space<vmem>> -> memref<1x2x80xi32, #tpu.memory_space<vmem>>
      %dma_wait3A_463 = tpu.memref_squeeze %dma_wait3A_462 : memref<1x2x80xi32, #tpu.memory_space<vmem>> -> memref<2x80xi32, #tpu.memory_space<vmem>>
      %dma_wait3A_464 = arith.constant 0 : i32
      %dma_wait3A_465 = arith.constant 0 : i32
      %dma_wait3A_466 = tpu.memref_slice %arg2[%dma_wait3A_450, %dma_wait3A_464, %dma_wait3A_465] : memref<4008x2x80xi32, #tpu.memory_space<hbm>> -> memref<1x2x80xi32, #tpu.memory_space<hbm>>
      %dma_wait3A_467 = tpu.memref_squeeze %dma_wait3A_466 : memref<1x2x80xi32, #tpu.memory_space<hbm>> -> memref<2x80xi32, #tpu.memory_space<hbm>>
      tpu.wait_dma2 semaphore(%arg12 : memref<!tpu.dma_semaphore, #tpu.memory_space<semaphore_mem>>) src(%dma_wait3A_467 : memref<2x80xi32, #tpu.memory_space<hbm>>) dst(%dma_wait3A_463 : memref<2x80xi32, #tpu.memory_space<vmem>>)
      %add3A_468 = arith.constant 2 : i32
      %add3A_469 = arith.addi %mul3A_293, %add3A_468 : i32
      %jit3A_470 = arith.constant 4 : i32
      %eq3A_471 = arith.constant 0 : i32
      %eq3A_472 = arith.cmpi eq, %jit3A_470, %eq3A_471 : i32
      %jit3A_473 = arith.constant 1 : i32
      %select_n3A_474 = arith.select %eq3A_472, %jit3A_473, %jit3A_470 : i32
      %rem3A_475 = arith.remsi %add3A_469, %select_n3A_474 : i32
      %ne3A_476 = arith.constant 0 : i32
      %ne3A_477 = arith.cmpi ne, %rem3A_475, %ne3A_476 : i32
      %lt3A_478 = arith.constant 0 : i32
      %lt3A_479 = arith.cmpi slt, %rem3A_475, %lt3A_478 : i32
      %lt3A_480 = arith.constant 0 : i32
      %lt3A_481 = arith.cmpi slt, %select_n3A_474, %lt3A_480 : i32
      %ne3A_482 = arith.xori %lt3A_479, %lt3A_481 : i1
      %and3A_483 = arith.andi %ne3A_482, %ne3A_477 : i1
      %add3A_484 = arith.addi %rem3A_475, %select_n3A_474 : i32
      %select_n3A_485 = arith.select %and3A_483, %add3A_484, %rem3A_475 : i32
      %jit3A_486 = arith.constant 4 : i32
      %eq3A_487 = arith.constant 0 : i32
      %eq3A_488 = arith.cmpi eq, %jit3A_486, %eq3A_487 : i32
      %jit3A_489 = arith.constant 1 : i32
      %select_n3A_490 = arith.select %eq3A_488, %jit3A_489, %jit3A_486 : i32
      %rem3A_491 = arith.remsi %add3A_469, %select_n3A_490 : i32
      %ne3A_492 = arith.constant 0 : i32
      %ne3A_493 = arith.cmpi ne, %rem3A_491, %ne3A_492 : i32
      %lt3A_494 = arith.constant 0 : i32
      %lt3A_495 = arith.cmpi slt, %rem3A_491, %lt3A_494 : i32
      %lt3A_496 = arith.constant 0 : i32
      %lt3A_497 = arith.cmpi slt, %select_n3A_490, %lt3A_496 : i32
      %ne3A_498 = arith.xori %lt3A_495, %lt3A_497 : i1
      %and3A_499 = arith.andi %ne3A_498, %ne3A_493 : i1
      %add3A_500 = arith.addi %rem3A_491, %select_n3A_490 : i32
      %select_n3A_501 = arith.select %and3A_499, %add3A_500, %rem3A_491 : i32
      %dma_start3A_502 = arith.constant 0 : i32
      %dma_start3A_503 = arith.constant 0 : i32
      %dma_start3A_504 = tpu.memref_slice %arg7[%select_n3A_485, %dma_start3A_502, %dma_start3A_503] : memref<4x2x80xi32, #tpu.memory_space<vmem>> -> memref<1x1x80xi32, #tpu.memory_space<vmem>>
      %dma_start3A_505 = tpu.memref_squeeze %dma_start3A_504 : memref<1x1x80xi32, #tpu.memory_space<vmem>> -> memref<80xi32, #tpu.memory_space<vmem>>
      %dma_start3A_506 = arith.constant 0 : i32
      %dma_start3A_507 = arith.constant 0 : i32
      %dma_start3A_508 = tpu.memref_slice %arg3[%dma_start3A_506, %dma_start3A_507] : memref<10000x144xf32, #tpu.memory_space<hbm>> -> memref<10000x144xf32, #tpu.memory_space<hbm>>
      tpu.enqueue_indirect_dma source(%dma_start3A_508 : memref<10000x144xf32, #tpu.memory_space<hbm>>) target(%arg10 : memref<80x144xf32, #tpu.memory_space<vmem>>) offsets(%dma_start3A_505 : memref<80xi32, #tpu.memory_space<vmem>>) semaphore(%arg14 : memref<!tpu.dma_semaphore, #tpu.memory_space<semaphore_mem>>)
      %dma_start3A_509 = arith.constant 1 : i32
      %dma_start3A_510 = arith.constant 0 : i32
      %dma_start3A_511 = tpu.memref_slice %arg7[%select_n3A_501, %dma_start3A_509, %dma_start3A_510] : memref<4x2x80xi32, #tpu.memory_space<vmem>> -> memref<1x1x80xi32, #tpu.memory_space<vmem>>
      %dma_start3A_512 = tpu.memref_squeeze %dma_start3A_511 : memref<1x1x80xi32, #tpu.memory_space<vmem>> -> memref<80xi32, #tpu.memory_space<vmem>>
      %dma_start3A_513 = arith.constant 0 : i32
      %dma_start3A_514 = arith.constant 0 : i32
      %dma_start3A_515 = tpu.memref_slice %arg4[%dma_start3A_513, %dma_start3A_514] : memref<10000x16xf32, #tpu.memory_space<hbm>> -> memref<10000x16xf32, #tpu.memory_space<hbm>>
      tpu.enqueue_indirect_dma source(%dma_start3A_515 : memref<10000x16xf32, #tpu.memory_space<hbm>>) target(%arg8 : memref<80x16xf32, #tpu.memory_space<vmem>>) offsets(%dma_start3A_512 : memref<80xi32, #tpu.memory_space<vmem>>) semaphore(%arg14 : memref<!tpu.dma_semaphore, #tpu.memory_space<semaphore_mem>>)
      %add3A_516 = arith.constant 3 : i32
      %add3A_517 = arith.addi %mul3A_293, %add3A_516 : i32
      %add3A_518 = arith.addi %mul3A_4, %add3A_517 : i32
      %jit3A_519 = arith.constant 4 : i32
      %eq3A_520 = arith.constant 0 : i32
      %eq3A_521 = arith.cmpi eq, %jit3A_519, %eq3A_520 : i32
      %jit3A_522 = arith.constant 1 : i32
      %select_n3A_523 = arith.select %eq3A_521, %jit3A_522, %jit3A_519 : i32
      %rem3A_524 = arith.remsi %add3A_517, %select_n3A_523 : i32
      %ne3A_525 = arith.constant 0 : i32
      %ne3A_526 = arith.cmpi ne, %rem3A_524, %ne3A_525 : i32
      %lt3A_527 = arith.constant 0 : i32
      %lt3A_528 = arith.cmpi slt, %rem3A_524, %lt3A_527 : i32
      %lt3A_529 = arith.constant 0 : i32
      %lt3A_530 = arith.cmpi slt, %select_n3A_523, %lt3A_529 : i32
      %ne3A_531 = arith.xori %lt3A_528, %lt3A_530 : i1
      %and3A_532 = arith.andi %ne3A_531, %ne3A_526 : i1
      %add3A_533 = arith.addi %rem3A_524, %select_n3A_523 : i32
      %select_n3A_534 = arith.select %and3A_532, %add3A_533, %rem3A_524 : i32
      %dma_start3A_535 = arith.constant 0 : i32
      %dma_start3A_536 = arith.constant 0 : i32
      %dma_start3A_537 = tpu.memref_slice %arg7[%select_n3A_534, %dma_start3A_535, %dma_start3A_536] : memref<4x2x80xi32, #tpu.memory_space<vmem>> -> memref<1x2x80xi32, #tpu.memory_space<vmem>>
      %dma_start3A_538 = tpu.memref_squeeze %dma_start3A_537 : memref<1x2x80xi32, #tpu.memory_space<vmem>> -> memref<2x80xi32, #tpu.memory_space<vmem>>
      %dma_start3A_539 = arith.constant 0 : i32
      %dma_start3A_540 = arith.constant 0 : i32
      %dma_start3A_541 = tpu.memref_slice %arg2[%add3A_518, %dma_start3A_539, %dma_start3A_540] : memref<4008x2x80xi32, #tpu.memory_space<hbm>> -> memref<1x2x80xi32, #tpu.memory_space<hbm>>
      %dma_start3A_542 = tpu.memref_squeeze %dma_start3A_541 : memref<1x2x80xi32, #tpu.memory_space<hbm>> -> memref<2x80xi32, #tpu.memory_space<hbm>>
      %dma_start3A_543 = arith.constant 0 : i32
      %dma_start3A_544 = arith.constant 0 : i32
      %dma_start3A_545 = tpu.memref_slice %arg7[%select_n3A_534, %dma_start3A_543, %dma_start3A_544] : memref<4x2x80xi32, #tpu.memory_space<vmem>> -> memref<1x2x80xi32, #tpu.memory_space<vmem>>
      %dma_start3A_546 = tpu.memref_squeeze %dma_start3A_545 : memref<1x2x80xi32, #tpu.memory_space<vmem>> -> memref<2x80xi32, #tpu.memory_space<vmem>>
      %dma_start3A_547 = arith.constant 0 : i32
      %dma_start3A_548 = arith.constant 0 : i32
      %dma_start3A_549 = tpu.memref_slice %arg2[%add3A_518, %dma_start3A_547, %dma_start3A_548] : memref<4008x2x80xi32, #tpu.memory_space<hbm>> -> memref<1x2x80xi32, #tpu.memory_space<hbm>>
      %dma_start3A_550 = tpu.memref_squeeze %dma_start3A_549 : memref<1x2x80xi32, #tpu.memory_space<hbm>> -> memref<2x80xi32, #tpu.memory_space<hbm>>
      tpu.enqueue_dma source(%dma_start3A_550 : memref<2x80xi32, #tpu.memory_space<hbm>>) target(%dma_start3A_546 : memref<2x80xi32, #tpu.memory_space<vmem>>) target_semaphore(%arg13 : memref<!tpu.dma_semaphore, #tpu.memory_space<semaphore_mem>>)
      %add3A_551 = arith.constant 1 : i32
      %add3A_552 = arith.addi %mul3A_293, %add3A_551 : i32
      %parallel_loop3A_553 = arith.constant 0 : i32
      %parallel_loop3A_554 = arith.constant 80 : i32
      %parallel_loop3A_555 = arith.constant 1 : i32
      scf.for %parallel_loop3A_579 = %parallel_loop3A_553 to %parallel_loop3A_554 step %parallel_loop3A_555  : i32 {
        %parallel_loop3A_580 = arith.index_cast %parallel_loop3A_579 : i32 to index
        %parallel_loop3A_581 = arith.constant 128 : index
        %parallel_loop3A_582 = tpu.vector_load %arg11[%parallel_loop3A_580, %parallel_loop3A_581] {strides = array<i32>} : memref<80x144xf32, #tpu.memory_space<vmem>>, vector<1x16xf32>,
        %parallel_loop3A_583 = vector.shape_cast %parallel_loop3A_582 : vector<1x16xf32> to vector<16xf32>
        %parallel_loop3A_584 = arith.index_cast %parallel_loop3A_579 : i32 to index
        %parallel_loop3A_585 = arith.constant 0 : index
        %parallel_loop3A_586 = tpu.vector_load %arg9[%parallel_loop3A_584, %parallel_loop3A_585] {strides = array<i32>} : memref<80x16xf32, #tpu.memory_space<vmem>>, vector<1x16xf32>,
        %parallel_loop3A_587 = vector.shape_cast %parallel_loop3A_586 : vector<1x16xf32> to vector<16xf32>
        %parallel_loop3A_588 = arith.addf %parallel_loop3A_583, %parallel_loop3A_587 : vector<16xf32>
        %parallel_loop3A_589 = arith.constant 0.000000e+00 : f32
        %parallel_loop3A_590 = vector.broadcast %parallel_loop3A_589 : f32 to vector<16xf32>
        %parallel_loop3A_591 = arith.cmpf ogt, %parallel_loop3A_588, %parallel_loop3A_590 : vector<16xf32>
        %parallel_loop3A_592 = arith.constant 2.000000e-01 : f32
        %parallel_loop3A_593 = vector.broadcast %parallel_loop3A_592 : f32 to vector<16xf32>
        %parallel_loop3A_594 = arith.mulf %parallel_loop3A_593, %parallel_loop3A_588 : vector<16xf32>
        %parallel_loop3A_595 = arith.select %parallel_loop3A_591, %parallel_loop3A_588, %parallel_loop3A_594 : vector<16xi1>, vector<16xf32>
        %parallel_loop3A_596 = math.exp %parallel_loop3A_595 : vector<16xf32>
        %parallel_loop3A_597 = arith.index_cast %parallel_loop3A_579 : i32 to index
        %parallel_loop3A_598 = arith.constant 0 : index
        %parallel_loop3A_599 = tpu.vector_load %arg11[%parallel_loop3A_597, %parallel_loop3A_598] {strides = array<i32>} : memref<80x144xf32, #tpu.memory_space<vmem>>, vector<1x16xf32>,
        %parallel_loop3A_600 = vector.shape_cast %parallel_loop3A_599 : vector<1x16xf32> to vector<16xf32>
        %parallel_loop3A_601 = vector.extract_strided_slice %parallel_loop3A_596 {offsets = [0], sizes = [1], strides = [1]} : vector<16xf32> to vector<1xf32>
        %parallel_loop3A_602 = vector.extract %parallel_loop3A_601[0] : f32 from vector<1xf32>
        %parallel_loop3A_603 = vector.broadcast %parallel_loop3A_602 : f32 to vector<16xf32>
        %parallel_loop3A_604 = arith.mulf %parallel_loop3A_600, %parallel_loop3A_603 : vector<16xf32>
        %parallel_loop3A_605 = arith.index_cast %parallel_loop3A_579 : i32 to index
        %parallel_loop3A_606 = arith.constant 0 : index
        %parallel_loop3A_607 = tpu.vector_load %arg11[%parallel_loop3A_605, %parallel_loop3A_606] {strides = array<i32>} : memref<80x144xf32, #tpu.memory_space<vmem>>, vector<1x16xf32>,
        %parallel_loop3A_608 = vector.shape_cast %parallel_loop3A_607 : vector<1x16xf32> to vector<16xf32>
        %parallel_loop3A_609 = vector.shape_cast %parallel_loop3A_604 : vector<16xf32> to vector<1x16xf32>
        tpu.vector_store %arg11[%parallel_loop3A_605, %parallel_loop3A_606], %parallel_loop3A_609 {strides = array<i32>} : memref<80x144xf32, #tpu.memory_space<vmem>>, vector<1x16xf32>,
        %parallel_loop3A_610 = arith.index_cast %parallel_loop3A_579 : i32 to index
        %parallel_loop3A_611 = arith.constant 16 : index
        %parallel_loop3A_612 = tpu.vector_load %arg11[%parallel_loop3A_610, %parallel_loop3A_611] {strides = array<i32>} : memref<80x144xf32, #tpu.memory_space<vmem>>, vector<1x16xf32>,
        %parallel_loop3A_613 = vector.shape_cast %parallel_loop3A_612 : vector<1x16xf32> to vector<16xf32>
        %parallel_loop3A_614 = vector.extract_strided_slice %parallel_loop3A_596 {offsets = [1], sizes = [1], strides = [1]} : vector<16xf32> to vector<1xf32>
        %parallel_loop3A_615 = vector.extract %parallel_loop3A_614[0] : f32 from vector<1xf32>
        %parallel_loop3A_616 = vector.broadcast %parallel_loop3A_615 : f32 to vector<16xf32>
        %parallel_loop3A_617 = arith.mulf %parallel_loop3A_613, %parallel_loop3A_616 : vector<16xf32>
        %parallel_loop3A_618 = arith.index_cast %parallel_loop3A_579 : i32 to index
        %parallel_loop3A_619 = arith.constant 16 : index
        %parallel_loop3A_620 = tpu.vector_load %arg11[%parallel_loop3A_618, %parallel_loop3A_619] {strides = array<i32>} : memref<80x144xf32, #tpu.memory_space<vmem>>, vector<1x16xf32>,
        %parallel_loop3A_621 = vector.shape_cast %parallel_loop3A_620 : vector<1x16xf32> to vector<16xf32>
        %parallel_loop3A_622 = vector.shape_cast %parallel_loop3A_617 : vector<16xf32> to vector<1x16xf32>
        tpu.vector_store %arg11[%parallel_loop3A_618, %parallel_loop3A_619], %parallel_loop3A_622 {strides = array<i32>} : memref<80x144xf32, #tpu.memory_space<vmem>>, vector<1x16xf32>,
        %parallel_loop3A_623 = arith.index_cast %parallel_loop3A_579 : i32 to index
        %parallel_loop3A_624 = arith.constant 32 : index
        %parallel_loop3A_625 = tpu.vector_load %arg11[%parallel_loop3A_623, %parallel_loop3A_624] {strides = array<i32>} : memref<80x144xf32, #tpu.memory_space<vmem>>, vector<1x16xf32>,
        %parallel_loop3A_626 = vector.shape_cast %parallel_loop3A_625 : vector<1x16xf32> to vector<16xf32>
        %parallel_loop3A_627 = vector.extract_strided_slice %parallel_loop3A_596 {offsets = [2], sizes = [1], strides = [1]} : vector<16xf32> to vector<1xf32>
        %parallel_loop3A_628 = vector.extract %parallel_loop3A_627[0] : f32 from vector<1xf32>
        %parallel_loop3A_629 = vector.broadcast %parallel_loop3A_628 : f32 to vector<16xf32>
        %parallel_loop3A_630 = arith.mulf %parallel_loop3A_626, %parallel_loop3A_629 : vector<16xf32>
        %parallel_loop3A_631 = arith.index_cast %parallel_loop3A_579 : i32 to index
        %parallel_loop3A_632 = arith.constant 32 : index
        %parallel_loop3A_633 = tpu.vector_load %arg11[%parallel_loop3A_631, %parallel_loop3A_632] {strides = array<i32>} : memref<80x144xf32, #tpu.memory_space<vmem>>, vector<1x16xf32>,
        %parallel_loop3A_634 = vector.shape_cast %parallel_loop3A_633 : vector<1x16xf32> to vector<16xf32>
        %parallel_loop3A_635 = vector.shape_cast %parallel_loop3A_630 : vector<16xf32> to vector<1x16xf32>
        tpu.vector_store %arg11[%parallel_loop3A_631, %parallel_loop3A_632], %parallel_loop3A_635 {strides = array<i32>} : memref<80x144xf32, #tpu.memory_space<vmem>>, vector<1x16xf32>,
        %parallel_loop3A_636 = arith.index_cast %parallel_loop3A_579 : i32 to index
        %parallel_loop3A_637 = arith.constant 48 : index
        %parallel_loop3A_638 = tpu.vector_load %arg11[%parallel_loop3A_636, %parallel_loop3A_637] {strides = array<i32>} : memref<80x144xf32, #tpu.memory_space<vmem>>, vector<1x16xf32>,
        %parallel_loop3A_639 = vector.shape_cast %parallel_loop3A_638 : vector<1x16xf32> to vector<16xf32>
        %parallel_loop3A_640 = vector.extract_strided_slice %parallel_loop3A_596 {offsets = [3], sizes = [1], strides = [1]} : vector<16xf32> to vector<1xf32>
        %parallel_loop3A_641 = vector.extract %parallel_loop3A_640[0] : f32 from vector<1xf32>
        %parallel_loop3A_642 = vector.broadcast %parallel_loop3A_641 : f32 to vector<16xf32>
        %parallel_loop3A_643 = arith.mulf %parallel_loop3A_639, %parallel_loop3A_642 : vector<16xf32>
        %parallel_loop3A_644 = arith.index_cast %parallel_loop3A_579 : i32 to index
        %parallel_loop3A_645 = arith.constant 48 : index
        %parallel_loop3A_646 = tpu.vector_load %arg11[%parallel_loop3A_644, %parallel_loop3A_645] {strides = array<i32>} : memref<80x144xf32, #tpu.memory_space<vmem>>, vector<1x16xf32>,
        %parallel_loop3A_647 = vector.shape_cast %parallel_loop3A_646 : vector<1x16xf32> to vector<16xf32>
        %parallel_loop3A_648 = vector.shape_cast %parallel_loop3A_643 : vector<16xf32> to vector<1x16xf32>
        tpu.vector_store %arg11[%parallel_loop3A_644, %parallel_loop3A_645], %parallel_loop3A_648 {strides = array<i32>} : memref<80x144xf32, #tpu.memory_space<vmem>>, vector<1x16xf32>,
        %parallel_loop3A_649 = arith.index_cast %parallel_loop3A_579 : i32 to index
        %parallel_loop3A_650 = arith.constant 64 : index
        %parallel_loop3A_651 = tpu.vector_load %arg11[%parallel_loop3A_649, %parallel_loop3A_650] {strides = array<i32>} : memref<80x144xf32, #tpu.memory_space<vmem>>, vector<1x16xf32>,
        %parallel_loop3A_652 = vector.shape_cast %parallel_loop3A_651 : vector<1x16xf32> to vector<16xf32>
        %parallel_loop3A_653 = vector.extract_strided_slice %parallel_loop3A_596 {offsets = [4], sizes = [1], strides = [1]} : vector<16xf32> to vector<1xf32>
        %parallel_loop3A_654 = vector.extract %parallel_loop3A_653[0] : f32 from vector<1xf32>
        %parallel_loop3A_655 = vector.broadcast %parallel_loop3A_654 : f32 to vector<16xf32>
        %parallel_loop3A_656 = arith.mulf %parallel_loop3A_652, %parallel_loop3A_655 : vector<16xf32>
        %parallel_loop3A_657 = arith.index_cast %parallel_loop3A_579 : i32 to index
        %parallel_loop3A_658 = arith.constant 64 : index
        %parallel_loop3A_659 = tpu.vector_load %arg11[%parallel_loop3A_657, %parallel_loop3A_658] {strides = array<i32>} : memref<80x144xf32, #tpu.memory_space<vmem>>, vector<1x16xf32>,
        %parallel_loop3A_660 = vector.shape_cast %parallel_loop3A_659 : vector<1x16xf32> to vector<16xf32>
        %parallel_loop3A_661 = vector.shape_cast %parallel_loop3A_656 : vector<16xf32> to vector<1x16xf32>
        tpu.vector_store %arg11[%parallel_loop3A_657, %parallel_loop3A_658], %parallel_loop3A_661 {strides = array<i32>} : memref<80x144xf32, #tpu.memory_space<vmem>>, vector<1x16xf32>,
        %parallel_loop3A_662 = arith.index_cast %parallel_loop3A_579 : i32 to index
        %parallel_loop3A_663 = arith.constant 80 : index
        %parallel_loop3A_664 = tpu.vector_load %arg11[%parallel_loop3A_662, %parallel_loop3A_663] {strides = array<i32>} : memref<80x144xf32, #tpu.memory_space<vmem>>, vector<1x16xf32>,
        %parallel_loop3A_665 = vector.shape_cast %parallel_loop3A_664 : vector<1x16xf32> to vector<16xf32>
        %parallel_loop3A_666 = vector.extract_strided_slice %parallel_loop3A_596 {offsets = [5], sizes = [1], strides = [1]} : vector<16xf32> to vector<1xf32>
        %parallel_loop3A_667 = vector.extract %parallel_loop3A_666[0] : f32 from vector<1xf32>
        %parallel_loop3A_668 = vector.broadcast %parallel_loop3A_667 : f32 to vector<16xf32>
        %parallel_loop3A_669 = arith.mulf %parallel_loop3A_665, %parallel_loop3A_668 : vector<16xf32>
        %parallel_loop3A_670 = arith.index_cast %parallel_loop3A_579 : i32 to index
        %parallel_loop3A_671 = arith.constant 80 : index
        %parallel_loop3A_672 = tpu.vector_load %arg11[%parallel_loop3A_670, %parallel_loop3A_671] {strides = array<i32>} : memref<80x144xf32, #tpu.memory_space<vmem>>, vector<1x16xf32>,
        %parallel_loop3A_673 = vector.shape_cast %parallel_loop3A_672 : vector<1x16xf32> to vector<16xf32>
        %parallel_loop3A_674 = vector.shape_cast %parallel_loop3A_669 : vector<16xf32> to vector<1x16xf32>
        tpu.vector_store %arg11[%parallel_loop3A_670, %parallel_loop3A_671], %parallel_loop3A_674 {strides = array<i32>} : memref<80x144xf32, #tpu.memory_space<vmem>>, vector<1x16xf32>,
        %parallel_loop3A_675 = arith.index_cast %parallel_loop3A_579 : i32 to index
        %parallel_loop3A_676 = arith.constant 96 : index
        %parallel_loop3A_677 = tpu.vector_load %arg11[%parallel_loop3A_675, %parallel_loop3A_676] {strides = array<i32>} : memref<80x144xf32, #tpu.memory_space<vmem>>, vector<1x16xf32>,
        %parallel_loop3A_678 = vector.shape_cast %parallel_loop3A_677 : vector<1x16xf32> to vector<16xf32>
        %parallel_loop3A_679 = vector.extract_strided_slice %parallel_loop3A_596 {offsets = [6], sizes = [1], strides = [1]} : vector<16xf32> to vector<1xf32>
        %parallel_loop3A_680 = vector.extract %parallel_loop3A_679[0] : f32 from vector<1xf32>
        %parallel_loop3A_681 = vector.broadcast %parallel_loop3A_680 : f32 to vector<16xf32>
        %parallel_loop3A_682 = arith.mulf %parallel_loop3A_678, %parallel_loop3A_681 : vector<16xf32>
        %parallel_loop3A_683 = arith.index_cast %parallel_loop3A_579 : i32 to index
        %parallel_loop3A_684 = arith.constant 96 : index
        %parallel_loop3A_685 = tpu.vector_load %arg11[%parallel_loop3A_683, %parallel_loop3A_684] {strides = array<i32>} : memref<80x144xf32, #tpu.memory_space<vmem>>, vector<1x16xf32>,
        %parallel_loop3A_686 = vector.shape_cast %parallel_loop3A_685 : vector<1x16xf32> to vector<16xf32>
        %parallel_loop3A_687 = vector.shape_cast %parallel_loop3A_682 : vector<16xf32> to vector<1x16xf32>
        tpu.vector_store %arg11[%parallel_loop3A_683, %parallel_loop3A_684], %parallel_loop3A_687 {strides = array<i32>} : memref<80x144xf32, #tpu.memory_space<vmem>>, vector<1x16xf32>,
        %parallel_loop3A_688 = arith.index_cast %parallel_loop3A_579 : i32 to index
        %parallel_loop3A_689 = arith.constant 112 : index
        %parallel_loop3A_690 = tpu.vector_load %arg11[%parallel_loop3A_688, %parallel_loop3A_689] {strides = array<i32>} : memref<80x144xf32, #tpu.memory_space<vmem>>, vector<1x16xf32>,
        %parallel_loop3A_691 = vector.shape_cast %parallel_loop3A_690 : vector<1x16xf32> to vector<16xf32>
        %parallel_loop3A_692 = vector.extract_strided_slice %parallel_loop3A_596 {offsets = [7], sizes = [1], strides = [1]} : vector<16xf32> to vector<1xf32>
        %parallel_loop3A_693 = vector.extract %parallel_loop3A_692[0] : f32 from vector<1xf32>
        %parallel_loop3A_694 = vector.broadcast %parallel_loop3A_693 : f32 to vector<16xf32>
        %parallel_loop3A_695 = arith.mulf %parallel_loop3A_691, %parallel_loop3A_694 : vector<16xf32>
        %parallel_loop3A_696 = arith.index_cast %parallel_loop3A_579 : i32 to index
        %parallel_loop3A_697 = arith.constant 112 : index
        %parallel_loop3A_698 = tpu.vector_load %arg11[%parallel_loop3A_696, %parallel_loop3A_697] {strides = array<i32>} : memref<80x144xf32, #tpu.memory_space<vmem>>, vector<1x16xf32>,
        %parallel_loop3A_699 = vector.shape_cast %parallel_loop3A_698 : vector<1x16xf32> to vector<16xf32>
        %parallel_loop3A_700 = vector.shape_cast %parallel_loop3A_695 : vector<16xf32> to vector<1x16xf32>
        tpu.vector_store %arg11[%parallel_loop3A_696, %parallel_loop3A_697], %parallel_loop3A_700 {strides = array<i32>} : memref<80x144xf32, #tpu.memory_space<vmem>>, vector<1x16xf32>,
        %parallel_loop3A_701 = arith.index_cast %parallel_loop3A_579 : i32 to index
        %parallel_loop3A_702 = arith.constant 128 : index
        %parallel_loop3A_703 = tpu.vector_load %arg11[%parallel_loop3A_701, %parallel_loop3A_702] {strides = array<i32>} : memref<80x144xf32, #tpu.memory_space<vmem>>, vector<1x16xf32>,
        %parallel_loop3A_704 = vector.shape_cast %parallel_loop3A_703 : vector<1x16xf32> to vector<16xf32>
        %parallel_loop3A_705 = vector.shape_cast %parallel_loop3A_596 : vector<16xf32> to vector<1x16xf32>
        tpu.vector_store %arg11[%parallel_loop3A_701, %parallel_loop3A_702], %parallel_loop3A_705 {strides = array<i32>} : memref<80x144xf32, #tpu.memory_space<vmem>>, vector<1x16xf32>,
      } {sc.loop_unroll_factor = 4 : i64, sc.parallel_access}
      %jit3A_556 = arith.constant 4 : i32
      %eq3A_557 = arith.constant 0 : i32
      %eq3A_558 = arith.cmpi eq, %jit3A_556, %eq3A_557 : i32
      %jit3A_559 = arith.constant 1 : i32
      %select_n3A_560 = arith.select %eq3A_558, %jit3A_559, %jit3A_556 : i32
      %rem3A_561 = arith.remsi %add3A_552, %select_n3A_560 : i32
      %ne3A_562 = arith.constant 0 : i32
      %ne3A_563 = arith.cmpi ne, %rem3A_561, %ne3A_562 : i32
      %lt3A_564 = arith.constant 0 : i32
      %lt3A_565 = arith.cmpi slt, %rem3A_561, %lt3A_564 : i32
      %lt3A_566 = arith.constant 0 : i32
      %lt3A_567 = arith.cmpi slt, %select_n3A_560, %lt3A_566 : i32
      %ne3A_568 = arith.xori %lt3A_565, %lt3A_567 : i1
      %and3A_569 = arith.andi %ne3A_568, %ne3A_563 : i1
      %add3A_570 = arith.addi %rem3A_561, %select_n3A_560 : i32
      %select_n3A_571 = arith.select %and3A_569, %add3A_570, %rem3A_561 : i32
      %dma_start3A_572 = arith.constant 1 : i32
      %dma_start3A_573 = arith.constant 0 : i32
      %dma_start3A_574 = tpu.memref_slice %arg7[%select_n3A_571, %dma_start3A_572, %dma_start3A_573] : memref<4x2x80xi32, #tpu.memory_space<vmem>> -> memref<1x1x80xi32, #tpu.memory_space<vmem>>
      %dma_start3A_575 = tpu.memref_squeeze %dma_start3A_574 : memref<1x1x80xi32, #tpu.memory_space<vmem>> -> memref<80xi32, #tpu.memory_space<vmem>>
      %dma_start3A_576 = arith.constant 0 : i32
      %dma_start3A_577 = arith.constant 0 : i32
      %dma_start3A_578 = tpu.memref_slice %arg18[%dma_start3A_576, %dma_start3A_577] : memref<10000x144xf32, #tpu.memory_space<vmem_shared>> -> memref<10000x144xf32, #tpu.memory_space<vmem_shared>>
      tpu.enqueue_indirect_dma source(%arg11 : memref<80x144xf32, #tpu.memory_space<vmem>>) target(%dma_start3A_578 : memref<10000x144xf32, #tpu.memory_space<vmem_shared>>) offsets(%dma_start3A_575 : memref<80xi32, #tpu.memory_space<vmem>>) semaphore(%arg17 : memref<!tpu.dma_semaphore, #tpu.memory_space<semaphore_mem>>) {add = true}
    }
    %scan3A_236 = arith.constant 61 : i32
    %dma_wait3A_237 = arith.constant 0 : i32
    %dma_wait3A_238 = arith.constant 0 : i32
    %dma_wait3A_239 = tpu.memref_slice %arg3[%dma_wait3A_237, %dma_wait3A_238] : memref<10000x144xf32, #tpu.memory_space<hbm>> -> memref<80x144xf32, #tpu.memory_space<hbm>>
    %dma_wait3A_240 = arith.constant 0 : i32
    %dma_wait3A_241 = arith.constant 0 : i32
    %dma_wait3A_242 = tpu.memref_slice %arg3[%dma_wait3A_240, %dma_wait3A_241] : memref<10000x144xf32, #tpu.memory_space<hbm>> -> memref<80x144xf32, #tpu.memory_space<hbm>>
    tpu.wait_dma2 semaphore(%arg14 : memref<!tpu.dma_semaphore, #tpu.memory_space<semaphore_mem>>) src(%dma_wait3A_242 : memref<80x144xf32, #tpu.memory_space<hbm>>) dst(%arg10 : memref<80x144xf32, #tpu.memory_space<vmem>>)
    %dma_wait3A_243 = arith.constant 0 : i32
    %dma_wait3A_244 = arith.constant 0 : i32
    %dma_wait3A_245 = tpu.memref_slice %arg4[%dma_wait3A_243, %dma_wait3A_244] : memref<10000x16xf32, #tpu.memory_space<hbm>> -> memref<80x16xf32, #tpu.memory_space<hbm>>
    %dma_wait3A_246 = arith.constant 0 : i32
    %dma_wait3A_247 = arith.constant 0 : i32
    %dma_wait3A_248 = tpu.memref_slice %arg4[%dma_wait3A_246, %dma_wait3A_247] : memref<10000x16xf32, #tpu.memory_space<hbm>> -> memref<80x16xf32, #tpu.memory_space<hbm>>
    tpu.wait_dma2 semaphore(%arg14 : memref<!tpu.dma_semaphore, #tpu.memory_space<semaphore_mem>>) src(%dma_wait3A_248 : memref<80x16xf32, #tpu.memory_space<hbm>>) dst(%arg8 : memref<80x16xf32, #tpu.memory_space<vmem>>)
    %dma_wait3A_249 = arith.constant 0 : i32
    %dma_wait3A_250 = arith.constant 0 : i32
    %dma_wait3A_251 = tpu.memref_slice %arg5[%dma_wait3A_249, %dma_wait3A_250] : memref<10000x144xf32, #tpu.memory_space<hbm>> -> memref<80x144xf32, #tpu.memory_space<hbm>>
    %dma_wait3A_252 = arith.constant 0 : i32
    %dma_wait3A_253 = arith.constant 0 : i32
    %dma_wait3A_254 = tpu.memref_slice %arg5[%dma_wait3A_252, %dma_wait3A_253] : memref<10000x144xf32, #tpu.memory_space<hbm>> -> memref<80x144xf32, #tpu.memory_space<hbm>>
    tpu.wait_dma2 semaphore(%arg17 : memref<!tpu.dma_semaphore, #tpu.memory_space<semaphore_mem>>) src(%dma_wait3A_254 : memref<80x144xf32, #tpu.memory_space<hbm>>) dst(%arg11 : memref<80x144xf32, #tpu.memory_space<vmem>>)
    %parallel_loop3A_255 = arith.constant 0 : i32
    %parallel_loop3A_256 = arith.constant 80 : i32
    %parallel_loop3A_257 = arith.constant 1 : i32
    scf.for %parallel_loop3A_291 = %parallel_loop3A_255 to %parallel_loop3A_256 step %parallel_loop3A_257  : i32 {
      %parallel_loop3A_292 = arith.index_cast %parallel_loop3A_291 : i32 to index
      %parallel_loop3A_293 = arith.constant 128 : index
      %parallel_loop3A_294 = tpu.vector_load %arg10[%parallel_loop3A_292, %parallel_loop3A_293] {strides = array<i32>} : memref<80x144xf32, #tpu.memory_space<vmem>>, vector<1x16xf32>,
      %parallel_loop3A_295 = vector.shape_cast %parallel_loop3A_294 : vector<1x16xf32> to vector<16xf32>
      %parallel_loop3A_296 = arith.index_cast %parallel_loop3A_291 : i32 to index
      %parallel_loop3A_297 = arith.constant 0 : index
      %parallel_loop3A_298 = tpu.vector_load %arg8[%parallel_loop3A_296, %parallel_loop3A_297] {strides = array<i32>} : memref<80x16xf32, #tpu.memory_space<vmem>>, vector<1x16xf32>,
      %parallel_loop3A_299 = vector.shape_cast %parallel_loop3A_298 : vector<1x16xf32> to vector<16xf32>
      %parallel_loop3A_300 = arith.addf %parallel_loop3A_295, %parallel_loop3A_299 : vector<16xf32>
      %parallel_loop3A_301 = arith.constant 0.000000e+00 : f32
      %parallel_loop3A_302 = vector.broadcast %parallel_loop3A_301 : f32 to vector<16xf32>
      %parallel_loop3A_303 = arith.cmpf ogt, %parallel_loop3A_300, %parallel_loop3A_302 : vector<16xf32>
      %parallel_loop3A_304 = arith.constant 2.000000e-01 : f32
      %parallel_loop3A_305 = vector.broadcast %parallel_loop3A_304 : f32 to vector<16xf32>
      %parallel_loop3A_306 = arith.mulf %parallel_loop3A_305, %parallel_loop3A_300 : vector<16xf32>
      %parallel_loop3A_307 = arith.select %parallel_loop3A_303, %parallel_loop3A_300, %parallel_loop3A_306 : vector<16xi1>, vector<16xf32>
      %parallel_loop3A_308 = math.exp %parallel_loop3A_307 : vector<16xf32>
      %parallel_loop3A_309 = arith.index_cast %parallel_loop3A_291 : i32 to index
      %parallel_loop3A_310 = arith.constant 0 : index
      %parallel_loop3A_311 = tpu.vector_load %arg10[%parallel_loop3A_309, %parallel_loop3A_310] {strides = array<i32>} : memref<80x144xf32, #tpu.memory_space<vmem>>, vector<1x16xf32>,
      %parallel_loop3A_312 = vector.shape_cast %parallel_loop3A_311 : vector<1x16xf32> to vector<16xf32>
      %parallel_loop3A_313 = vector.extract_strided_slice %parallel_loop3A_308 {offsets = [0], sizes = [1], strides = [1]} : vector<16xf32> to vector<1xf32>
      %parallel_loop3A_314 = vector.extract %parallel_loop3A_313[0] : f32 from vector<1xf32>
      %parallel_loop3A_315 = vector.broadcast %parallel_loop3A_314 : f32 to vector<16xf32>
      %parallel_loop3A_316 = arith.mulf %parallel_loop3A_312, %parallel_loop3A_315 : vector<16xf32>
      %parallel_loop3A_317 = arith.index_cast %parallel_loop3A_291 : i32 to index
      %parallel_loop3A_318 = arith.constant 0 : index
      %parallel_loop3A_319 = tpu.vector_load %arg10[%parallel_loop3A_317, %parallel_loop3A_318] {strides = array<i32>} : memref<80x144xf32, #tpu.memory_space<vmem>>, vector<1x16xf32>,
      %parallel_loop3A_320 = vector.shape_cast %parallel_loop3A_319 : vector<1x16xf32> to vector<16xf32>
      %parallel_loop3A_321 = vector.shape_cast %parallel_loop3A_316 : vector<16xf32> to vector<1x16xf32>
      tpu.vector_store %arg10[%parallel_loop3A_317, %parallel_loop3A_318], %parallel_loop3A_321 {strides = array<i32>} : memref<80x144xf32, #tpu.memory_space<vmem>>, vector<1x16xf32>,
      %parallel_loop3A_322 = arith.index_cast %parallel_loop3A_291 : i32 to index
      %parallel_loop3A_323 = arith.constant 16 : index
      %parallel_loop3A_324 = tpu.vector_load %arg10[%parallel_loop3A_322, %parallel_loop3A_323] {strides = array<i32>} : memref<80x144xf32, #tpu.memory_space<vmem>>, vector<1x16xf32>,
      %parallel_loop3A_325 = vector.shape_cast %parallel_loop3A_324 : vector<1x16xf32> to vector<16xf32>
      %parallel_loop3A_326 = vector.extract_strided_slice %parallel_loop3A_308 {offsets = [1], sizes = [1], strides = [1]} : vector<16xf32> to vector<1xf32>
      %parallel_loop3A_327 = vector.extract %parallel_loop3A_326[0] : f32 from vector<1xf32>
      %parallel_loop3A_328 = vector.broadcast %parallel_loop3A_327 : f32 to vector<16xf32>
      %parallel_loop3A_329 = arith.mulf %parallel_loop3A_325, %parallel_loop3A_328 : vector<16xf32>
      %parallel_loop3A_330 = arith.index_cast %parallel_loop3A_291 : i32 to index
      %parallel_loop3A_331 = arith.constant 16 : index
      %parallel_loop3A_332 = tpu.vector_load %arg10[%parallel_loop3A_330, %parallel_loop3A_331] {strides = array<i32>} : memref<80x144xf32, #tpu.memory_space<vmem>>, vector<1x16xf32>,
      %parallel_loop3A_333 = vector.shape_cast %parallel_loop3A_332 : vector<1x16xf32> to vector<16xf32>
      %parallel_loop3A_334 = vector.shape_cast %parallel_loop3A_329 : vector<16xf32> to vector<1x16xf32>
      tpu.vector_store %arg10[%parallel_loop3A_330, %parallel_loop3A_331], %parallel_loop3A_334 {strides = array<i32>} : memref<80x144xf32, #tpu.memory_space<vmem>>, vector<1x16xf32>,
      %parallel_loop3A_335 = arith.index_cast %parallel_loop3A_291 : i32 to index
      %parallel_loop3A_336 = arith.constant 32 : index
      %parallel_loop3A_337 = tpu.vector_load %arg10[%parallel_loop3A_335, %parallel_loop3A_336] {strides = array<i32>} : memref<80x144xf32, #tpu.memory_space<vmem>>, vector<1x16xf32>,
      %parallel_loop3A_338 = vector.shape_cast %parallel_loop3A_337 : vector<1x16xf32> to vector<16xf32>
      %parallel_loop3A_339 = vector.extract_strided_slice %parallel_loop3A_308 {offsets = [2], sizes = [1], strides = [1]} : vector<16xf32> to vector<1xf32>
      %parallel_loop3A_340 = vector.extract %parallel_loop3A_339[0] : f32 from vector<1xf32>
      %parallel_loop3A_341 = vector.broadcast %parallel_loop3A_340 : f32 to vector<16xf32>
      %parallel_loop3A_342 = arith.mulf %parallel_loop3A_338, %parallel_loop3A_341 : vector<16xf32>
      %parallel_loop3A_343 = arith.index_cast %parallel_loop3A_291 : i32 to index
      %parallel_loop3A_344 = arith.constant 32 : index
      %parallel_loop3A_345 = tpu.vector_load %arg10[%parallel_loop3A_343, %parallel_loop3A_344] {strides = array<i32>} : memref<80x144xf32, #tpu.memory_space<vmem>>, vector<1x16xf32>,
      %parallel_loop3A_346 = vector.shape_cast %parallel_loop3A_345 : vector<1x16xf32> to vector<16xf32>
      %parallel_loop3A_347 = vector.shape_cast %parallel_loop3A_342 : vector<16xf32> to vector<1x16xf32>
      tpu.vector_store %arg10[%parallel_loop3A_343, %parallel_loop3A_344], %parallel_loop3A_347 {strides = array<i32>} : memref<80x144xf32, #tpu.memory_space<vmem>>, vector<1x16xf32>,
      %parallel_loop3A_348 = arith.index_cast %parallel_loop3A_291 : i32 to index
      %parallel_loop3A_349 = arith.constant 48 : index
      %parallel_loop3A_350 = tpu.vector_load %arg10[%parallel_loop3A_348, %parallel_loop3A_349] {strides = array<i32>} : memref<80x144xf32, #tpu.memory_space<vmem>>, vector<1x16xf32>,
      %parallel_loop3A_351 = vector.shape_cast %parallel_loop3A_350 : vector<1x16xf32> to vector<16xf32>
      %parallel_loop3A_352 = vector.extract_strided_slice %parallel_loop3A_308 {offsets = [3], sizes = [1], strides = [1]} : vector<16xf32> to vector<1xf32>
      %parallel_loop3A_353 = vector.extract %parallel_loop3A_352[0] : f32 from vector<1xf32>
      %parallel_loop3A_354 = vector.broadcast %parallel_loop3A_353 : f32 to vector<16xf32>
      %parallel_loop3A_355 = arith.mulf %parallel_loop3A_351, %parallel_loop3A_354 : vector<16xf32>
      %parallel_loop3A_356 = arith.index_cast %parallel_loop3A_291 : i32 to index
      %parallel_loop3A_357 = arith.constant 48 : index
      %parallel_loop3A_358 = tpu.vector_load %arg10[%parallel_loop3A_356, %parallel_loop3A_357] {strides = array<i32>} : memref<80x144xf32, #tpu.memory_space<vmem>>, vector<1x16xf32>,
      %parallel_loop3A_359 = vector.shape_cast %parallel_loop3A_358 : vector<1x16xf32> to vector<16xf32>
      %parallel_loop3A_360 = vector.shape_cast %parallel_loop3A_355 : vector<16xf32> to vector<1x16xf32>
      tpu.vector_store %arg10[%parallel_loop3A_356, %parallel_loop3A_357], %parallel_loop3A_360 {strides = array<i32>} : memref<80x144xf32, #tpu.memory_space<vmem>>, vector<1x16xf32>,
      %parallel_loop3A_361 = arith.index_cast %parallel_loop3A_291 : i32 to index
      %parallel_loop3A_362 = arith.constant 64 : index
      %parallel_loop3A_363 = tpu.vector_load %arg10[%parallel_loop3A_361, %parallel_loop3A_362] {strides = array<i32>} : memref<80x144xf32, #tpu.memory_space<vmem>>, vector<1x16xf32>,
      %parallel_loop3A_364 = vector.shape_cast %parallel_loop3A_363 : vector<1x16xf32> to vector<16xf32>
      %parallel_loop3A_365 = vector.extract_strided_slice %parallel_loop3A_308 {offsets = [4], sizes = [1], strides = [1]} : vector<16xf32> to vector<1xf32>
      %parallel_loop3A_366 = vector.extract %parallel_loop3A_365[0] : f32 from vector<1xf32>
      %parallel_loop3A_367 = vector.broadcast %parallel_loop3A_366 : f32 to vector<16xf32>
      %parallel_loop3A_368 = arith.mulf %parallel_loop3A_364, %parallel_loop3A_367 : vector<16xf32>
      %parallel_loop3A_369 = arith.index_cast %parallel_loop3A_291 : i32 to index
      %parallel_loop3A_370 = arith.constant 64 : index
      %parallel_loop3A_371 = tpu.vector_load %arg10[%parallel_loop3A_369, %parallel_loop3A_370] {strides = array<i32>} : memref<80x144xf32, #tpu.memory_space<vmem>>, vector<1x16xf32>,
      %parallel_loop3A_372 = vector.shape_cast %parallel_loop3A_371 : vector<1x16xf32> to vector<16xf32>
      %parallel_loop3A_373 = vector.shape_cast %parallel_loop3A_368 : vector<16xf32> to vector<1x16xf32>
      tpu.vector_store %arg10[%parallel_loop3A_369, %parallel_loop3A_370], %parallel_loop3A_373 {strides = array<i32>} : memref<80x144xf32, #tpu.memory_space<vmem>>, vector<1x16xf32>,
      %parallel_loop3A_374 = arith.index_cast %parallel_loop3A_291 : i32 to index
      %parallel_loop3A_375 = arith.constant 80 : index
      %parallel_loop3A_376 = tpu.vector_load %arg10[%parallel_loop3A_374, %parallel_loop3A_375] {strides = array<i32>} : memref<80x144xf32, #tpu.memory_space<vmem>>, vector<1x16xf32>,
      %parallel_loop3A_377 = vector.shape_cast %parallel_loop3A_376 : vector<1x16xf32> to vector<16xf32>
      %parallel_loop3A_378 = vector.extract_strided_slice %parallel_loop3A_308 {offsets = [5], sizes = [1], strides = [1]} : vector<16xf32> to vector<1xf32>
      %parallel_loop3A_379 = vector.extract %parallel_loop3A_378[0] : f32 from vector<1xf32>
      %parallel_loop3A_380 = vector.broadcast %parallel_loop3A_379 : f32 to vector<16xf32>
      %parallel_loop3A_381 = arith.mulf %parallel_loop3A_377, %parallel_loop3A_380 : vector<16xf32>
      %parallel_loop3A_382 = arith.index_cast %parallel_loop3A_291 : i32 to index
      %parallel_loop3A_383 = arith.constant 80 : index
      %parallel_loop3A_384 = tpu.vector_load %arg10[%parallel_loop3A_382, %parallel_loop3A_383] {strides = array<i32>} : memref<80x144xf32, #tpu.memory_space<vmem>>, vector<1x16xf32>,
      %parallel_loop3A_385 = vector.shape_cast %parallel_loop3A_384 : vector<1x16xf32> to vector<16xf32>
      %parallel_loop3A_386 = vector.shape_cast %parallel_loop3A_381 : vector<16xf32> to vector<1x16xf32>
      tpu.vector_store %arg10[%parallel_loop3A_382, %parallel_loop3A_383], %parallel_loop3A_386 {strides = array<i32>} : memref<80x144xf32, #tpu.memory_space<vmem>>, vector<1x16xf32>,
      %parallel_loop3A_387 = arith.index_cast %parallel_loop3A_291 : i32 to index
      %parallel_loop3A_388 = arith.constant 96 : index
      %parallel_loop3A_389 = tpu.vector_load %arg10[%parallel_loop3A_387, %parallel_loop3A_388] {strides = array<i32>} : memref<80x144xf32, #tpu.memory_space<vmem>>, vector<1x16xf32>,
      %parallel_loop3A_390 = vector.shape_cast %parallel_loop3A_389 : vector<1x16xf32> to vector<16xf32>
      %parallel_loop3A_391 = vector.extract_strided_slice %parallel_loop3A_308 {offsets = [6], sizes = [1], strides = [1]} : vector<16xf32> to vector<1xf32>
      %parallel_loop3A_392 = vector.extract %parallel_loop3A_391[0] : f32 from vector<1xf32>
      %parallel_loop3A_393 = vector.broadcast %parallel_loop3A_392 : f32 to vector<16xf32>
      %parallel_loop3A_394 = arith.mulf %parallel_loop3A_390, %parallel_loop3A_393 : vector<16xf32>
      %parallel_loop3A_395 = arith.index_cast %parallel_loop3A_291 : i32 to index
      %parallel_loop3A_396 = arith.constant 96 : index
      %parallel_loop3A_397 = tpu.vector_load %arg10[%parallel_loop3A_395, %parallel_loop3A_396] {strides = array<i32>} : memref<80x144xf32, #tpu.memory_space<vmem>>, vector<1x16xf32>,
      %parallel_loop3A_398 = vector.shape_cast %parallel_loop3A_397 : vector<1x16xf32> to vector<16xf32>
      %parallel_loop3A_399 = vector.shape_cast %parallel_loop3A_394 : vector<16xf32> to vector<1x16xf32>
      tpu.vector_store %arg10[%parallel_loop3A_395, %parallel_loop3A_396], %parallel_loop3A_399 {strides = array<i32>} : memref<80x144xf32, #tpu.memory_space<vmem>>, vector<1x16xf32>,
      %parallel_loop3A_400 = arith.index_cast %parallel_loop3A_291 : i32 to index
      %parallel_loop3A_401 = arith.constant 112 : index
      %parallel_loop3A_402 = tpu.vector_load %arg10[%parallel_loop3A_400, %parallel_loop3A_401] {strides = array<i32>} : memref<80x144xf32, #tpu.memory_space<vmem>>, vector<1x16xf32>,
      %parallel_loop3A_403 = vector.shape_cast %parallel_loop3A_402 : vector<1x16xf32> to vector<16xf32>
      %parallel_loop3A_404 = vector.extract_strided_slice %parallel_loop3A_308 {offsets = [7], sizes = [1], strides = [1]} : vector<16xf32> to vector<1xf32>
      %parallel_loop3A_405 = vector.extract %parallel_loop3A_404[0] : f32 from vector<1xf32>
      %parallel_loop3A_406 = vector.broadcast %parallel_loop3A_405 : f32 to vector<16xf32>
      %parallel_loop3A_407 = arith.mulf %parallel_loop3A_403, %parallel_loop3A_406 : vector<16xf32>
      %parallel_loop3A_408 = arith.index_cast %parallel_loop3A_291 : i32 to index
      %parallel_loop3A_409 = arith.constant 112 : index
      %parallel_loop3A_410 = tpu.vector_load %arg10[%parallel_loop3A_408, %parallel_loop3A_409] {strides = array<i32>} : memref<80x144xf32, #tpu.memory_space<vmem>>, vector<1x16xf32>,
      %parallel_loop3A_411 = vector.shape_cast %parallel_loop3A_410 : vector<1x16xf32> to vector<16xf32>
      %parallel_loop3A_412 = vector.shape_cast %parallel_loop3A_407 : vector<16xf32> to vector<1x16xf32>
      tpu.vector_store %arg10[%parallel_loop3A_408, %parallel_loop3A_409], %parallel_loop3A_412 {strides = array<i32>} : memref<80x144xf32, #tpu.memory_space<vmem>>, vector<1x16xf32>,
      %parallel_loop3A_413 = arith.index_cast %parallel_loop3A_291 : i32 to index
      %parallel_loop3A_414 = arith.constant 128 : index
      %parallel_loop3A_415 = tpu.vector_load %arg10[%parallel_loop3A_413, %parallel_loop3A_414] {strides = array<i32>} : memref<80x144xf32, #tpu.memory_space<vmem>>, vector<1x16xf32>,
      %parallel_loop3A_416 = vector.shape_cast %parallel_loop3A_415 : vector<1x16xf32> to vector<16xf32>
      %parallel_loop3A_417 = vector.shape_cast %parallel_loop3A_308 : vector<16xf32> to vector<1x16xf32>
      tpu.vector_store %arg10[%parallel_loop3A_413, %parallel_loop3A_414], %parallel_loop3A_417 {strides = array<i32>} : memref<80x144xf32, #tpu.memory_space<vmem>>, vector<1x16xf32>,
    } {sc.loop_unroll_factor = 4 : i64, sc.parallel_access}
    %dma_start3A_258 = arith.constant 0 : i32
    %dma_start3A_259 = arith.constant 1 : i32
    %dma_start3A_260 = arith.constant 0 : i32
    %dma_start3A_261 = tpu.memref_slice %arg7[%dma_start3A_258, %dma_start3A_259, %dma_start3A_260] : memref<4x2x80xi32, #tpu.memory_space<vmem>> -> memref<1x1x80xi32, #tpu.memory_space<vmem>>
    %dma_start3A_262 = tpu.memref_squeeze %dma_start3A_261 : memref<1x1x80xi32, #tpu.memory_space<vmem>> -> memref<80xi32, #tpu.memory_space<vmem>>
    %dma_start3A_263 = arith.constant 0 : i32
    %dma_start3A_264 = arith.constant 0 : i32
    %dma_start3A_265 = tpu.memref_slice %arg18[%dma_start3A_263, %dma_start3A_264] : memref<10000x144xf32, #tpu.memory_space<vmem_shared>> -> memref<10000x144xf32, #tpu.memory_space<vmem_shared>>
    tpu.enqueue_indirect_dma source(%arg10 : memref<80x144xf32, #tpu.memory_space<vmem>>) target(%dma_start3A_265 : memref<10000x144xf32, #tpu.memory_space<vmem_shared>>) offsets(%dma_start3A_262 : memref<80xi32, #tpu.memory_space<vmem>>) semaphore(%arg16 : memref<!tpu.dma_semaphore, #tpu.memory_space<semaphore_mem>>) {add = true}
    %dma_wait3A_266 = arith.constant 0 : i32
    %dma_wait3A_267 = arith.constant 0 : i32
    %dma_wait3A_268 = arith.constant 0 : i32
    %dma_wait3A_269 = arith.constant 0 : i32
    %dma_wait3A_270 = tpu.memref_slice %arg7[%dma_wait3A_267, %dma_wait3A_268, %dma_wait3A_269] : memref<4x2x80xi32, #tpu.memory_space<vmem>> -> memref<1x2x80xi32, #tpu.memory_space<vmem>>
    %dma_wait3A_271 = tpu.memref_squeeze %dma_wait3A_270 : memref<1x2x80xi32, #tpu.memory_space<vmem>> -> memref<2x80xi32, #tpu.memory_space<vmem>>
    %dma_wait3A_272 = arith.constant 0 : i32
    %dma_wait3A_273 = arith.constant 0 : i32
    %dma_wait3A_274 = tpu.memref_slice %arg2[%dma_wait3A_266, %dma_wait3A_272, %dma_wait3A_273] : memref<4008x2x80xi32, #tpu.memory_space<hbm>> -> memref<1x2x80xi32, #tpu.memory_space<hbm>>
    %dma_wait3A_275 = tpu.memref_squeeze %dma_wait3A_274 : memref<1x2x80xi32, #tpu.memory_space<hbm>> -> memref<2x80xi32, #tpu.memory_space<hbm>>
    %dma_wait3A_276 = arith.constant 0 : i32
    %dma_wait3A_277 = arith.constant 0 : i32
    %dma_wait3A_278 = tpu.memref_slice %arg7[%dma_wait3A_267, %dma_wait3A_276, %dma_wait3A_277] : memref<4x2x80xi32, #tpu.memory_space<vmem>> -> memref<1x2x80xi32, #tpu.memory_space<vmem>>
    %dma_wait3A_279 = tpu.memref_squeeze %dma_wait3A_278 : memref<1x2x80xi32, #tpu.memory_space<vmem>> -> memref<2x80xi32, #tpu.memory_space<vmem>>
    %dma_wait3A_280 = arith.constant 0 : i32
    %dma_wait3A_281 = arith.constant 0 : i32
    %dma_wait3A_282 = tpu.memref_slice %arg2[%dma_wait3A_266, %dma_wait3A_280, %dma_wait3A_281] : memref<4008x2x80xi32, #tpu.memory_space<hbm>> -> memref<1x2x80xi32, #tpu.memory_space<hbm>>
    %dma_wait3A_283 = tpu.memref_squeeze %dma_wait3A_282 : memref<1x2x80xi32, #tpu.memory_space<hbm>> -> memref<2x80xi32, #tpu.memory_space<hbm>>
    tpu.wait_dma2 semaphore(%arg13 : memref<!tpu.dma_semaphore, #tpu.memory_space<semaphore_mem>>) src(%dma_wait3A_283 : memref<2x80xi32, #tpu.memory_space<hbm>>) dst(%dma_wait3A_279 : memref<2x80xi32, #tpu.memory_space<vmem>>)
    %dma_wait3A_284 = arith.constant 0 : i32
    %dma_wait3A_285 = arith.constant 0 : i32
    %dma_wait3A_286 = tpu.memref_slice %arg5[%dma_wait3A_284, %dma_wait3A_285] : memref<10000x144xf32, #tpu.memory_space<hbm>> -> memref<80x144xf32, #tpu.memory_space<hbm>>
    %dma_wait3A_287 = arith.constant 0 : i32
    %dma_wait3A_288 = arith.constant 0 : i32
    %dma_wait3A_289 = tpu.memref_slice %arg5[%dma_wait3A_287, %dma_wait3A_288] : memref<10000x144xf32, #tpu.memory_space<hbm>> -> memref<80x144xf32, #tpu.memory_space<hbm>>
    tpu.wait_dma2 semaphore(%arg16 : memref<!tpu.dma_semaphore, #tpu.memory_space<semaphore_mem>>) src(%dma_wait3A_289 : memref<80x144xf32, #tpu.memory_space<hbm>>) dst(%arg10 : memref<80x144xf32, #tpu.memory_space<vmem>>)
    %barrier3A_290 = arith.constant 0 : index
    tpu.barrier barrier_id(%barrier3A_290)
    "tpu.region"() ({
      %run_scoped3A = tpu.sem_alloc : memref<!tpu.dma_semaphore, #tpu.memory_space<semaphore_mem>>
      %dma_start3A_291 = arith.constant 0 : i32
      %dma_start3A_292 = tpu.memref_slice %arg6[%arg0, %mul3A_2, %dma_start3A_291] : memref<2x10000x144xf32, #tpu.memory_space<hbm>> -> memref<1x640x144xf32, #tpu.memory_space<hbm>>
      %dma_start3A_293 = tpu.memref_squeeze %dma_start3A_292 : memref<1x640x144xf32, #tpu.memory_space<hbm>> -> memref<640x144xf32, #tpu.memory_space<hbm>>
      %dma_start3A_294 = arith.constant 0 : i32
      %dma_start3A_295 = tpu.memref_slice %arg18[%mul3A_2, %dma_start3A_294] : memref<10000x144xf32, #tpu.memory_space<vmem_shared>> -> memref<640x144xf32, #tpu.memory_space<vmem_shared>>
      tpu.enqueue_dma source(%dma_start3A_295 : memref<640x144xf32, #tpu.memory_space<vmem_shared>>) target(%dma_start3A_293 : memref<640x144xf32, #tpu.memory_space<hbm>>) target_semaphore(%run_scoped3A : memref<!tpu.dma_semaphore, #tpu.memory_space<semaphore_mem>>)
      %dma_wait3A_296 = arith.constant 0 : i32
      %dma_wait3A_297 = tpu.memref_slice %arg6[%arg0, %mul3A_2, %dma_wait3A_296] : memref<2x10000x144xf32, #tpu.memory_space<hbm>> -> memref<1x640x144xf32, #tpu.memory_space<hbm>>
      %dma_wait3A_298 = tpu.memref_squeeze %dma_wait3A_297 : memref<1x640x144xf32, #tpu.memory_space<hbm>> -> memref<640x144xf32, #tpu.memory_space<hbm>>
      %dma_wait3A_299 = arith.constant 0 : i32
      %dma_wait3A_300 = tpu.memref_slice %arg18[%mul3A_2, %dma_wait3A_299] : memref<10000x144xf32, #tpu.memory_space<vmem_shared>> -> memref<640x144xf32, #tpu.memory_space<vmem_shared>>
      tpu.wait_dma2 semaphore(%run_scoped3A : memref<!tpu.dma_semaphore, #tpu.memory_space<semaphore_mem>>) src(%dma_wait3A_300 : memref<640x144xf32, #tpu.memory_space<vmem_shared>>) dst(%dma_wait3A_298 : memref<640x144xf32, #tpu.memory_space<hbm>>)
      tpu.yield
    }) : () -> ()
    return
  }
}

module attributes {stable_mosaic.version = 14 : i64} {
  func.func @_proj1_body(%arg0: i32, %arg1: memref<1000x128xf32, #tpu.memory_space<vmem>>, %arg2: memref<128x128xf32, #tpu.memory_space<vmem>>, %arg3: memref<128x16xf32, #tpu.memory_space<vmem>>, %arg4: memref<128x16xf32, #tpu.memory_space<vmem>>, %arg5: memref<1000x144xf32, #tpu.memory_space<vmem>>, %arg6: memref<1000x16xf32, #tpu.memory_space<vmem>>) attributes {dimension_semantics = [#tpu.dimension_semantics<arbitrary>], iteration_bounds = array<i64: 10>, scalar_prefetch = 0 : i64, scratch_operands = 0 : i64, tpu.core_type = #tpu.core_type<tc>, window_params = [{transform_indices = @transform_0, window_bounds = array<i64: 1000, 128>}, {pipeline_mode = #tpu.pipeline_mode<synchronous>, transform_indices = @transform_1, window_bounds = array<i64: 128, 128>}, {pipeline_mode = #tpu.pipeline_mode<synchronous>, transform_indices = @transform_2, window_bounds = array<i64: 128, 16>}, {pipeline_mode = #tpu.pipeline_mode<synchronous>, transform_indices = @transform_3, window_bounds = array<i64: 128, 16>}, {transform_indices = @transform_4, window_bounds = array<i64: 1000, 144>}, {transform_indices = @transform_5, window_bounds = array<i64: 1000, 16>}]} {
    %get3A = arith.constant 0 : index
    %get3A_0 = arith.constant 0 : index
    %get3A_1 = vector.load %arg1[%get3A, %get3A_0] : memref<1000x128xf32, #tpu.memory_space<vmem>>, vector<1000x128xf32>
    %get3A_2 = arith.constant 0 : index
    %get3A_3 = arith.constant 0 : index
    %get3A_4 = vector.load %arg2[%get3A_2, %get3A_3] : memref<128x128xf32, #tpu.memory_space<vmem>>, vector<128x128xf32>
    %dot_general3A = arith.constant dense<0.000000e+00> : vector<1000x128xf32>
    %dot_general3A_5 = tpu.matmul %get3A_1, %get3A_4, %dot_general3A {dimension_numbers = #tpu.dot_dimension_numbers<[1], [0], [0], [1], [0, 0, 1, 1], [], []>, transpose_lhs_hint = false} : vector<1000x128xf32>, vector<128x128xf32>, vector<1000x128xf32> -> vector<1000x128xf32>
    %get3A_6 = arith.constant 0 : index
    %get3A_7 = arith.constant 0 : index
    %get3A_8 = vector.load %arg3[%get3A_6, %get3A_7] : memref<128x16xf32, #tpu.memory_space<vmem>>, vector<128x16xf32>
    %dot_general3A_9 = arith.constant dense<0.000000e+00> : vector<1000x16xf32>
    %dot_general3A_10 = tpu.matmul %dot_general3A_5, %get3A_8, %dot_general3A_9 {dimension_numbers = #tpu.dot_dimension_numbers<[1], [0], [0], [1], [0, 0, 1, 1], [], []>, transpose_lhs_hint = false} : vector<1000x128xf32>, vector<128x16xf32>, vector<1000x16xf32> -> vector<1000x16xf32>
    %concatenate3A = tpu.concatenate %dot_general3A_5, %dot_general3A_10 in 1 : vector<1000x128xf32>, vector<1000x16xf32> -> vector<1000x144xf32>
    %swap3A = arith.constant 0 : index
    %swap3A_11 = arith.constant 0 : index
    %swap3A_12 = vector.load %arg5[%swap3A, %swap3A_11] : memref<1000x144xf32, #tpu.memory_space<vmem>>, vector<1000x144xf32>
    tpu.vector_store %arg5[%swap3A, %swap3A_11], %concatenate3A {strides = array<i32>} : memref<1000x144xf32, #tpu.memory_space<vmem>>, vector<1000x144xf32>,
    %get3A_13 = arith.constant 0 : index
    %get3A_14 = arith.constant 0 : index
    %get3A_15 = vector.load %arg4[%get3A_13, %get3A_14] : memref<128x16xf32, #tpu.memory_space<vmem>>, vector<128x16xf32>
    %dot_general3A_16 = arith.constant dense<0.000000e+00> : vector<1000x16xf32>
    %dot_general3A_17 = tpu.matmul %dot_general3A_5, %get3A_15, %dot_general3A_16 {dimension_numbers = #tpu.dot_dimension_numbers<[1], [0], [0], [1], [0, 0, 1, 1], [], []>, transpose_lhs_hint = false} : vector<1000x128xf32>, vector<128x16xf32>, vector<1000x16xf32> -> vector<1000x16xf32>
    %swap3A_18 = arith.constant 0 : index
    %swap3A_19 = arith.constant 0 : index
    %swap3A_20 = vector.load %arg6[%swap3A_18, %swap3A_19] : memref<1000x16xf32, #tpu.memory_space<vmem>>, vector<1000x16xf32>
    tpu.vector_store %arg6[%swap3A_18, %swap3A_19], %dot_general3A_17 {strides = array<i32>} : memref<1000x16xf32, #tpu.memory_space<vmem>>, vector<1000x16xf32>,
    return
  }
  func.func @transform_0(%arg0: i32) -> (i32, i32) {
    %c0_i32 = arith.constant 0 : i32
    %c0_i32_0 = arith.constant 0 : i32
    return %arg0, %c0_i32 : i32, i32
  }
  func.func @transform_1(%arg0: i32) -> (i32, i32) {
    %c0_i32 = arith.constant 0 : i32
    %c0_i32_0 = arith.constant 0 : i32
    %c0_i32_1 = arith.constant 0 : i32
    return %c0_i32, %c0_i32_0 : i32, i32
  }
  func.func @transform_2(%arg0: i32) -> (i32, i32) {
    %c0_i32 = arith.constant 0 : i32
    %c0_i32_0 = arith.constant 0 : i32
    %c0_i32_1 = arith.constant 0 : i32
    return %c0_i32, %c0_i32_0 : i32, i32
  }
  func.func @transform_3(%arg0: i32) -> (i32, i32) {
    %c0_i32 = arith.constant 0 : i32
    %c0_i32_0 = arith.constant 0 : i32
    %c0_i32_1 = arith.constant 0 : i32
    return %c0_i32, %c0_i32_0 : i32, i32
  }
  func.func @transform_4(%arg0: i32) -> (i32, i32) {
    %c0_i32 = arith.constant 0 : i32
    %c0_i32_0 = arith.constant 0 : i32
    return %arg0, %c0_i32 : i32, i32
  }
  func.func @transform_5(%arg0: i32) -> (i32, i32) {
    %c0_i32 = arith.constant 0 : i32
    %c0_i32_0 = arith.constant 0 : i32
    return %arg0, %c0_i32 : i32, i32
  }
}

module attributes {stable_mosaic.version = 14 : i64} {
  func.func @_mid_body(%arg0: i32, %arg1: memref<2x1000x144xf32, #tpu.memory_space<vmem>>, %arg2: memref<128x64xf32, #tpu.memory_space<vmem>>, %arg3: memref<64x16xf32, #tpu.memory_space<vmem>>, %arg4: memref<64x16xf32, #tpu.memory_space<vmem>>, %arg5: memref<16x128xf32, #tpu.memory_space<vmem>>, %arg6: memref<1000x144xf32, #tpu.memory_space<vmem>>, %arg7: memref<1000x16xf32, #tpu.memory_space<vmem>>) attributes {dimension_semantics = [#tpu.dimension_semantics<arbitrary>], iteration_bounds = array<i64: 10>, scalar_prefetch = 0 : i64, scratch_operands = 0 : i64, tpu.core_type = #tpu.core_type<tc>, window_params = [{transform_indices = @transform_0, window_bounds = array<i64: 2, 1000, 144>}, {pipeline_mode = #tpu.pipeline_mode<synchronous>, transform_indices = @transform_1, window_bounds = array<i64: 128, 64>}, {pipeline_mode = #tpu.pipeline_mode<synchronous>, transform_indices = @transform_2, window_bounds = array<i64: 64, 16>}, {pipeline_mode = #tpu.pipeline_mode<synchronous>, transform_indices = @transform_3, window_bounds = array<i64: 64, 16>}, {pipeline_mode = #tpu.pipeline_mode<synchronous>, transform_indices = @transform_4, window_bounds = array<i64: 16, 128>}, {transform_indices = @transform_5, window_bounds = array<i64: 1000, 144>}, {transform_indices = @transform_6, window_bounds = array<i64: 1000, 16>}]} {
    %get3A = arith.constant 0 : index
    %get3A_0 = arith.constant 0 : index
    %get3A_1 = arith.constant 0 : index
    %get3A_2 = vector.load %arg1[%get3A, %get3A_0, %get3A_1] : memref<2x1000x144xf32, #tpu.memory_space<vmem>>, vector<1x1000x128xf32>
    %get3A_3 = vector.shape_cast %get3A_2 : vector<1x1000x128xf32> to vector<1000x128xf32>
    %get3A_4 = arith.constant 1 : index
    %get3A_5 = arith.constant 0 : index
    %get3A_6 = arith.constant 0 : index
    %get3A_7 = vector.load %arg1[%get3A_4, %get3A_5, %get3A_6] : memref<2x1000x144xf32, #tpu.memory_space<vmem>>, vector<1x1000x128xf32>
    %get3A_8 = vector.shape_cast %get3A_7 : vector<1x1000x128xf32> to vector<1000x128xf32>
    %add3A = arith.addf %get3A_3, %get3A_8 : vector<1000x128xf32>
    %get3A_9 = arith.constant 0 : index
    %get3A_10 = arith.constant 0 : index
    %get3A_11 = arith.constant 128 : index
    %get3A_12 = vector.load %arg1[%get3A_9, %get3A_10, %get3A_11] : memref<2x1000x144xf32, #tpu.memory_space<vmem>>, vector<1x1000x16xf32>
    %get3A_13 = vector.shape_cast %get3A_12 : vector<1x1000x16xf32> to vector<1000x16xf32>
    %get3A_14 = arith.constant 1 : index
    %get3A_15 = arith.constant 0 : index
    %get3A_16 = arith.constant 128 : index
    %get3A_17 = vector.load %arg1[%get3A_14, %get3A_15, %get3A_16] : memref<2x1000x144xf32, #tpu.memory_space<vmem>>, vector<1x1000x16xf32>
    %get3A_18 = vector.shape_cast %get3A_17 : vector<1x1000x16xf32> to vector<1000x16xf32>
    %add3A_19 = arith.addf %get3A_13, %get3A_18 : vector<1000x16xf32>
    %add3A_20 = arith.constant 1.000000e-16 : f32
    %add3A_21 = vector.broadcast %add3A_20 : f32 to vector<1000x16xf32>
    %add3A_22 = arith.addf %add3A_19, %add3A_21 : vector<1000x16xf32>
    %div3A = arith.constant 1.000000e+00 : f32
    %div3A_23 = vector.broadcast %div3A : f32 to vector<1000x16xf32>
    %div3A_24 = arith.divf %div3A_23, %add3A_22 : vector<1000x16xf32>
    %get3A_25 = arith.constant 0 : index
    %get3A_26 = arith.constant 0 : index
    %get3A_27 = vector.load %arg5[%get3A_25, %get3A_26] : memref<16x128xf32, #tpu.memory_space<vmem>>, vector<16x128xf32>
    %dot_general3A = arith.constant dense<0.000000e+00> : vector<1000x128xf32>
    %dot_general3A_28 = tpu.matmul %div3A_24, %get3A_27, %dot_general3A {dimension_numbers = #tpu.dot_dimension_numbers<[1], [0], [0], [1], [0, 0, 1, 1], [], []>, transpose_lhs_hint = false} : vector<1000x16xf32>, vector<16x128xf32>, vector<1000x128xf32> -> vector<1000x128xf32>
    %mul3A = arith.mulf %add3A, %dot_general3A_28 : vector<1000x128xf32>
    %gt3A = arith.constant 0.000000e+00 : f32
    %gt3A_29 = vector.broadcast %gt3A : f32 to vector<1000x128xf32>
    %gt3A_30 = arith.cmpf ogt, %mul3A, %gt3A_29 : vector<1000x128xf32>
    %exp3A = math.exp %mul3A : vector<1000x128xf32>
    %sub3A = arith.constant 1.000000e+00 : f32
    %sub3A_31 = vector.broadcast %sub3A : f32 to vector<1000x128xf32>
    %sub3A_32 = arith.subf %exp3A, %sub3A_31 : vector<1000x128xf32>
    %select_n3A = arith.select %gt3A_30, %mul3A, %sub3A_32 : vector<1000x128xi1>, vector<1000x128xf32>
    %get3A_33 = arith.constant 0 : index
    %get3A_34 = arith.constant 0 : index
    %get3A_35 = vector.load %arg2[%get3A_33, %get3A_34] : memref<128x64xf32, #tpu.memory_space<vmem>>, vector<128x64xf32>
    %dot_general3A_36 = arith.constant dense<0.000000e+00> : vector<1000x64xf32>
    %dot_general3A_37 = tpu.matmul %select_n3A, %get3A_35, %dot_general3A_36 {dimension_numbers = #tpu.dot_dimension_numbers<[1], [0], [0], [1], [0, 0, 1, 1], [], []>, transpose_lhs_hint = false} : vector<1000x128xf32>, vector<128x64xf32>, vector<1000x64xf32> -> vector<1000x64xf32>
    %get3A_38 = arith.constant 0 : index
    %get3A_39 = arith.constant 0 : index
    %get3A_40 = vector.load %arg3[%get3A_38, %get3A_39] : memref<64x16xf32, #tpu.memory_space<vmem>>, vector<64x16xf32>
    %dot_general3A_41 = arith.constant dense<0.000000e+00> : vector<1000x16xf32>
    %dot_general3A_42 = tpu.matmul %dot_general3A_37, %get3A_40, %dot_general3A_41 {dimension_numbers = #tpu.dot_dimension_numbers<[1], [0], [0], [1], [0, 0, 1, 1], [], []>, transpose_lhs_hint = false} : vector<1000x64xf32>, vector<64x16xf32>, vector<1000x16xf32> -> vector<1000x16xf32>
    %broadcast_in_dim3A = arith.constant 0.000000e+00 : f32
    %broadcast_in_dim3A_43 = vector.broadcast %broadcast_in_dim3A : f32 to vector<1000x64xf32>
    %concatenate3A = tpu.concatenate %dot_general3A_37, %broadcast_in_dim3A_43, %dot_general3A_42 in 1 : vector<1000x64xf32>, vector<1000x64xf32>, vector<1000x16xf32> -> vector<1000x144xf32>
    %swap3A = arith.constant 0 : index
    %swap3A_44 = arith.constant 0 : index
    %swap3A_45 = vector.load %arg6[%swap3A, %swap3A_44] : memref<1000x144xf32, #tpu.memory_space<vmem>>, vector<1000x144xf32>
    tpu.vector_store %arg6[%swap3A, %swap3A_44], %concatenate3A {strides = array<i32>} : memref<1000x144xf32, #tpu.memory_space<vmem>>, vector<1000x144xf32>,
    %get3A_46 = arith.constant 0 : index
    %get3A_47 = arith.constant 0 : index
    %get3A_48 = vector.load %arg4[%get3A_46, %get3A_47] : memref<64x16xf32, #tpu.memory_space<vmem>>, vector<64x16xf32>
    %dot_general3A_49 = arith.constant dense<0.000000e+00> : vector<1000x16xf32>
    %dot_general3A_50 = tpu.matmul %dot_general3A_37, %get3A_48, %dot_general3A_49 {dimension_numbers = #tpu.dot_dimension_numbers<[1], [0], [0], [1], [0, 0, 1, 1], [], []>, transpose_lhs_hint = false} : vector<1000x64xf32>, vector<64x16xf32>, vector<1000x16xf32> -> vector<1000x16xf32>
    %swap3A_51 = arith.constant 0 : index
    %swap3A_52 = arith.constant 0 : index
    %swap3A_53 = vector.load %arg7[%swap3A_51, %swap3A_52] : memref<1000x16xf32, #tpu.memory_space<vmem>>, vector<1000x16xf32>
    tpu.vector_store %arg7[%swap3A_51, %swap3A_52], %dot_general3A_50 {strides = array<i32>} : memref<1000x16xf32, #tpu.memory_space<vmem>>, vector<1000x16xf32>,
    return
  }
  func.func @transform_0(%arg0: i32) -> (i32, i32, i32) {
    %c0_i32 = arith.constant 0 : i32
    %c0_i32_0 = arith.constant 0 : i32
    %c0_i32_1 = arith.constant 0 : i32
    return %c0_i32, %arg0, %c0_i32_0 : i32, i32, i32
  }
  func.func @transform_1(%arg0: i32) -> (i32, i32) {
    %c0_i32 = arith.constant 0 : i32
    %c0_i32_0 = arith.constant 0 : i32
    %c0_i32_1 = arith.constant 0 : i32
    return %c0_i32, %c0_i32_0 : i32, i32
  }
  func.func @transform_2(%arg0: i32) -> (i32, i32) {
    %c0_i32 = arith.constant 0 : i32
    %c0_i32_0 = arith.constant 0 : i32
    %c0_i32_1 = arith.constant 0 : i32
    return %c0_i32, %c0_i32_0 : i32, i32
  }
  func.func @transform_3(%arg0: i32) -> (i32, i32) {
    %c0_i32 = arith.constant 0 : i32
    %c0_i32_0 = arith.constant 0 : i32
    %c0_i32_1 = arith.constant 0 : i32
    return %c0_i32, %c0_i32_0 : i32, i32
  }
  func.func @transform_4(%arg0: i32) -> (i32, i32) {
    %c0_i32 = arith.constant 0 : i32
    %c0_i32_0 = arith.constant 0 : i32
    %c0_i32_1 = arith.constant 0 : i32
    return %c0_i32, %c0_i32_0 : i32, i32
  }
  func.func @transform_5(%arg0: i32) -> (i32, i32) {
    %c0_i32 = arith.constant 0 : i32
    %c0_i32_0 = arith.constant 0 : i32
    return %arg0, %c0_i32 : i32, i32
  }
  func.func @transform_6(%arg0: i32) -> (i32, i32) {
    %c0_i32 = arith.constant 0 : i32
    %c0_i32_0 = arith.constant 0 : i32
    return %arg0, %c0_i32 : i32, i32
  }
}

module attributes {stable_mosaic.version = 14 : i64} {
  func.func @_final_body(%arg0: i32, %arg1: memref<2x1000x144xf32, #tpu.memory_space<vmem>>, %arg2: memref<16x64xf32, #tpu.memory_space<vmem>>, %arg3: memref<1000x64xf32, #tpu.memory_space<vmem>>) attributes {dimension_semantics = [#tpu.dimension_semantics<arbitrary>], iteration_bounds = array<i64: 10>, scalar_prefetch = 0 : i64, scratch_operands = 0 : i64, tpu.core_type = #tpu.core_type<tc>, window_params = [{transform_indices = @transform_0, window_bounds = array<i64: 2, 1000, 144>}, {pipeline_mode = #tpu.pipeline_mode<synchronous>, transform_indices = @transform_1, window_bounds = array<i64: 16, 64>}, {transform_indices = @transform_2, window_bounds = array<i64: 1000, 64>}]} {
    %get3A = arith.constant 0 : index
    %get3A_0 = arith.constant 0 : index
    %get3A_1 = arith.constant 0 : index
    %get3A_2 = vector.load %arg1[%get3A, %get3A_0, %get3A_1] : memref<2x1000x144xf32, #tpu.memory_space<vmem>>, vector<1x1000x64xf32>
    %get3A_3 = vector.shape_cast %get3A_2 : vector<1x1000x64xf32> to vector<1000x64xf32>
    %get3A_4 = arith.constant 1 : index
    %get3A_5 = arith.constant 0 : index
    %get3A_6 = arith.constant 0 : index
    %get3A_7 = vector.load %arg1[%get3A_4, %get3A_5, %get3A_6] : memref<2x1000x144xf32, #tpu.memory_space<vmem>>, vector<1x1000x64xf32>
    %get3A_8 = vector.shape_cast %get3A_7 : vector<1x1000x64xf32> to vector<1000x64xf32>
    %add3A = arith.addf %get3A_3, %get3A_8 : vector<1000x64xf32>
    %get3A_9 = arith.constant 0 : index
    %get3A_10 = arith.constant 0 : index
    %get3A_11 = arith.constant 128 : index
    %get3A_12 = vector.load %arg1[%get3A_9, %get3A_10, %get3A_11] : memref<2x1000x144xf32, #tpu.memory_space<vmem>>, vector<1x1000x16xf32>
    %get3A_13 = vector.shape_cast %get3A_12 : vector<1x1000x16xf32> to vector<1000x16xf32>
    %get3A_14 = arith.constant 1 : index
    %get3A_15 = arith.constant 0 : index
    %get3A_16 = arith.constant 128 : index
    %get3A_17 = vector.load %arg1[%get3A_14, %get3A_15, %get3A_16] : memref<2x1000x144xf32, #tpu.memory_space<vmem>>, vector<1x1000x16xf32>
    %get3A_18 = vector.shape_cast %get3A_17 : vector<1x1000x16xf32> to vector<1000x16xf32>
    %add3A_19 = arith.addf %get3A_13, %get3A_18 : vector<1000x16xf32>
    %add3A_20 = arith.constant 1.000000e-16 : f32
    %add3A_21 = vector.broadcast %add3A_20 : f32 to vector<1000x16xf32>
    %add3A_22 = arith.addf %add3A_19, %add3A_21 : vector<1000x16xf32>
    %div3A = arith.constant 1.000000e+00 : f32
    %div3A_23 = vector.broadcast %div3A : f32 to vector<1000x16xf32>
    %div3A_24 = arith.divf %div3A_23, %add3A_22 : vector<1000x16xf32>
    %get3A_25 = arith.constant 0 : index
    %get3A_26 = arith.constant 0 : index
    %get3A_27 = vector.load %arg2[%get3A_25, %get3A_26] : memref<16x64xf32, #tpu.memory_space<vmem>>, vector<16x64xf32>
    %dot_general3A = arith.constant dense<0.000000e+00> : vector<1000x64xf32>
    %dot_general3A_28 = tpu.matmul %div3A_24, %get3A_27, %dot_general3A {dimension_numbers = #tpu.dot_dimension_numbers<[1], [0], [0], [1], [0, 0, 1, 1], [], []>, transpose_lhs_hint = false} : vector<1000x16xf32>, vector<16x64xf32>, vector<1000x64xf32> -> vector<1000x64xf32>
    %mul3A = arith.mulf %add3A, %dot_general3A_28 : vector<1000x64xf32>
    %reduce_max3A = arith.constant dense<0xFF800000> : vector<1000xf32>
    %reduce_max3A_29 = vector.multi_reduction <maximumf>, %mul3A, %reduce_max3A [1] : vector<1000x64xf32> to vector<1000xf32>
    %broadcast_in_dim3A = vector.shape_cast %reduce_max3A_29 : vector<1000xf32> to vector<1000x1xf32>
    %sub3A = vector.broadcast %broadcast_in_dim3A : vector<1000x1xf32> to vector<1000x64xf32>
    %sub3A_30 = arith.subf %mul3A, %sub3A : vector<1000x64xf32>
    %exp3A = math.exp %sub3A_30 : vector<1000x64xf32>
    %sub3A_31 = vector.broadcast %broadcast_in_dim3A : vector<1000x1xf32> to vector<1000x64xf32>
    %sub3A_32 = arith.subf %mul3A, %sub3A_31 : vector<1000x64xf32>
    %reduce_sum3A = arith.constant dense<0.000000e+00> : vector<1000xf32>
    %reduce_sum3A_33 = vector.multi_reduction <add>, %exp3A, %reduce_sum3A [1] : vector<1000x64xf32> to vector<1000xf32>
    %broadcast_in_dim3A_34 = vector.shape_cast %reduce_sum3A_33 : vector<1000xf32> to vector<1000x1xf32>
    %log3A = math.log %broadcast_in_dim3A_34 : vector<1000x1xf32>
    %sub3A_35 = vector.broadcast %log3A : vector<1000x1xf32> to vector<1000x64xf32>
    %sub3A_36 = arith.subf %sub3A_32, %sub3A_35 : vector<1000x64xf32>
    %swap3A = arith.constant 0 : index
    %swap3A_37 = arith.constant 0 : index
    %swap3A_38 = vector.load %arg3[%swap3A, %swap3A_37] : memref<1000x64xf32, #tpu.memory_space<vmem>>, vector<1000x64xf32>
    tpu.vector_store %arg3[%swap3A, %swap3A_37], %sub3A_36 {strides = array<i32>} : memref<1000x64xf32, #tpu.memory_space<vmem>>, vector<1000x64xf32>,
    return
  }
  func.func @transform_0(%arg0: i32) -> (i32, i32, i32) {
    %c0_i32 = arith.constant 0 : i32
    %c0_i32_0 = arith.constant 0 : i32
    %c0_i32_1 = arith.constant 0 : i32
    return %c0_i32, %arg0, %c0_i32_0 : i32, i32, i32
  }
  func.func @transform_1(%arg0: i32) -> (i32, i32) {
    %c0_i32 = arith.constant 0 : i32
    %c0_i32_0 = arith.constant 0 : i32
    %c0_i32_1 = arith.constant 0 : i32
    return %c0_i32, %c0_i32_0 : i32, i32
  }
  func.func @transform_2(%arg0: i32) -> (i32, i32) {
    %c0_i32 = arith.constant 0 : i32
    %c0_i32_0 = arith.constant 0 : i32
    return %arg0, %c0_i32 : i32, i32
  }
}

</mosaic_0001>

<sc_bundles>
// kernel: kernel.10.cloned.1.call-start
scs
__scs_entry_jumppad:
0x0: {  	(pc) =	sbr.rel $0x88, $3  }
0x1: {  	(tag) =	ssettag $0x0;
	lr =	simm.s32 $0x1  }
0x2: {  	[smem:$0x3F99] =	sst lr;
	_ =	strace $0xD0000000  }
0x3: {  	_ = 	snop  }
0x4: {  	_ = 	snop  }
0x5: {  	_ = 	snop  }
0x6: {  	_ = 	snop  }
0x7: {  	_ = 	snop  }
__scs_overlays_trampoline_lowered:
0x8: {  	[smem:$0x3FA8] =	sst s0  }
0x9: {  	[smem:$0x3FA9] =	sst s1  }
0xa: {  	[smem:$0x3FAA] =	sst s2  }
0xb: {  	[smem:$0x3FAB] =	sst s3  }
0xc: {  	[smem:$0x3FAC] =	sst s4  }
0xd: {  	[smem:$0x3FAD] =	sst s5  }
0xe: {  	[smem:$0x3FAE] =	sst s6  }
0xf: {  	[smem:$0x3FAF] =	sst s7  }
0x10: {  	[smem:$0x3FB0] =	sst s8  }
0x11: {  	[smem:$0x3FB1] =	sst s9;
	s0 =	simm.s32 @!p0 $0x0  }
0x12: {  	s1 =	sld [smem:$0x3F97];
	s0 =	simm.s32 @p0 $0x1  }
0x13: {  	[smem:$0x3FB2] =	sst s0;
	s0 =	simm.s32 @!p1 $0x0  }
0x14: {  	s2 =	sld [smem:$0x3F96];
	s0 =	simm.s32 @p1 $0x1  }
0x15: {  	[smem:$0x3FB3] =	sst s0;
	s0 =	simm.s32 @!p2 $0x0  }
0x16: {  	s3 =	sld [smem:$0x3FDB];
	s0 =	simm.s32 @p2 $0x1  }
0x17: {  	s4 =	simm.s32 $0x1BF5;
	[smem:$0x3FB5] =	sst s0  }
0x18: {  	s0 =	sld [smem:$0x3F98];
	_ =	swait.ge [sflag:s4], $0x0  }
0x19: {  	s7 =	sld [smem:$0x3F99]  }
0x1a: {  	s8 =	sadd.s32 $0xFFFFE003, lr  }
0x1b: {  	s9 =	sadd.s32 $0xFFFFFEF7, lr;
	s5 =	simm.s32 $0xFFFFFFFF;
	p2 =	slt.u32 s8, $0xFFFFF086  }
0x1c: {  	p1 =	slt.u32 s9, $0xF7A;
	s5 =	simm.s32 @!p2 $0x0  }
0x1d: {  	s5 =	simm.s32 @p1 $0x1;
	p0 =	seq.s32 s7, s2  }
0x1e: {  	s7 =	smul.u32 @!p0 $0xF7A, s2;
	p2 =	seq.s32 @!p0 s5, $0x0  }
0x1f: {  	s9 =	smul.u32 $0xF7A, s1;
	s8 =	simm.s32 @!p0 $0x1BF5;
	p2 =	por !p2, p0  }
0x20: {  	[sflag:s8] =	ssyncset.s32 @!p0 $0xFFFFF086;
	s6 =	sadd.s32 @!p0 s3, s7;
	s7 =	simm.s32 @!p0 $0x108  }
0x21: {  	s3 =	sadd.s32 s3, s9;
	s6 =	sadd.s32 @!p0 $0x88, s6;
	s7 =	simm.s32 @p2 $0x1082  }
0x22: {  	[simem:s7], [sflag:s8] =	dma.local @!p0 [hbm:s6], $0xF7A  }
0x23: {  	s9 =	sor.u32 $0xD0000000, s2;
	s6 =	simm.s32 $0x108;
	_ =	swait.ge @!p0 [sflag:s8], $0x0  }
0x24: {  	s3 =	sadd.s32 $0x88, s3;
	s6 =	simm.s32 @!p1 $0x1082;
	[sflag:s4] =	ssyncset.s32 $0xFFFFF086  }
0x25: {  	[simem:s6], [sflag:s4] =	dma.local [hbm:s3], $0xF7A  }
0x26: {  	[smem:$0x3F99] =	sst s1;
	(tag) =	ssettag s2;
	_ =	strace s9  }
0x27: {  	s1 =	sld [smem:$0x3FA9]  }
0x28: {  	s2 =	sld [smem:$0x3FAA]  }
0x29: {  	s4 =	sld [smem:$0x3FAC]  }
0x2a: {  	p0 =	seq.s32 s5, $0x0;
	s5 =	sld [smem:$0x3FAD]  }
0x2b: {  	s6 =	sld [smem:$0x3FAE]  }
0x2c: {  	s7 =	sld [smem:$0x3FAF]  }
0x2d: {  	s3 =	simm.s32 $0x108;
	s8 =	sld [smem:$0x3FB0]  }
0x2e: {  	s3 =	simm.s32 @!p0 $0x1082;
	s9 =	sld [smem:$0x3FB1]  }
0x2f: {  	lr =	sadd.s32 s0, s3;
	s0 =	sld [smem:$0x3FA8]  }
0x30: {  	s3 =	sld [smem:$0x3FAB]  }
0x31: {  	[smem:$0x3FB4] =	sst s10  }
0x32: {  	s10 =	sld [smem:$0x3FB2];
	_ =	sdelay $0x3  }
0x33: {  	p0 =	seq.s32 s10, $0x1;
	s10 =	sld [smem:$0x3FB4];
	_ =	sdelay $0x3  }
0x34: {  	[smem:$0x3FB4] =	sst s10  }
0x35: {  	s10 =	sld [smem:$0x3FB3];
	_ =	sdelay $0x3  }
0x36: {  	p1 =	seq.s32 s10, $0x1;
	s10 =	sld [smem:$0x3FB4];
	_ =	sdelay $0x3  }
0x37: {  	[smem:$0x3FB4] =	sst s10  }
0x38: {  	s10 =	sld [smem:$0x3FB5]  }
0x39: {  	_ = 	snop;
	(pc) =	sbr.ind lr, $3  }
0x3a: {  	_ = 	snop  }
0x3b: {  	_ = 	snop  }
0x3c: {  	p2 =	seq.s32 s10, $0x1;
	s10 =	sld [smem:$0x3FB4]  }
0x3d: {  	_ =	shalt  }
0x3e: {  	_ =	shalt  }
0x3f: {  	_ =	shalt  }
0x40: {  	_ =	shalt  }
0x41: {  	_ =	shalt  }
0x42: {  	_ =	shalt  }
0x43: {  	_ =	shalt  }
0x44: {  	_ =	shalt  }
0x45: {  	_ =	shalt  }
0x46: {  	_ =	shalt  }
0x47: {  	_ =	shalt  }
0x48: {  	_ =	shalt  }
0x49: {  	_ =	shalt  }
0x4a: {  	_ =	shalt  }
0x4b: {  	_ =	shalt  }
0x4c: {  	_ =	shalt  }
0x4d: {  	_ =	shalt  }
0x4e: {  	_ =	shalt  }
0x4f: {  	_ =	shalt  }
0x50: {  	_ =	shalt  }
0x51: {  	_ =	shalt  }
0x52: {  	_ =	shalt  }
0x53: {  	_ =	shalt  }
0x54: {  	_ =	shalt  }
0x55: {  	_ =	shalt  }
0x56: {  	_ =	shalt  }
0x57: {  	_ =	shalt  }
0x58: {  	_ =	shalt  }
0x59: {  	_ =	shalt  }
0x5a: {  	_ =	shalt  }
0x5b: {  	_ =	shalt  }
0x5c: {  	_ =	shalt  }
0x5d: {  	_ =	shalt  }
0x5e: {  	_ =	shalt  }
0x5f: {  	_ =	shalt  }
0x60: {  	_ =	shalt  }
0x61: {  	_ =	shalt  }
0x62: {  	_ =	shalt  }
0x63: {  	_ =	shalt  }
0x64: {  	_ =	shalt  }
0x65: {  	_ =	shalt  }
0x66: {  	_ =	shalt  }
0x67: {  	_ =	shalt  }
0x68: {  	_ =	shalt  }
0x69: {  	_ =	shalt  }
0x6a: {  	_ =	shalt  }
0x6b: {  	_ =	shalt  }
0x6c: {  	_ =	shalt  }
0x6d: {  	_ =	shalt  }
0x6e: {  	_ =	shalt  }
0x6f: {  	_ =	shalt  }
0x70: {  	_ =	shalt  }
0x71: {  	_ =	shalt  }
0x72: {  	_ =	shalt  }
0x73: {  	_ =	shalt  }
0x74: {  	_ =	shalt  }
0x75: {  	_ =	shalt  }
0x76: {  	_ =	shalt  }
0x77: {  	_ =	shalt  }
0x78: {  	_ =	shalt  }
0x79: {  	_ =	shalt  }
0x7a: {  	_ =	shalt  }
0x7b: {  	_ =	shalt  }
0x7c: {  	_ =	shalt  }
0x7d: {  	_ =	shalt  }
0x7e: {  	_ =	shalt  }
0x7f: {  	_ =	shalt  }
0x80: {  	_ =	shalt  }
0x81: {  	_ =	shalt  }
0x82: {  	_ =	shalt  }
0x83: {  	_ =	shalt  }
0x84: {  	_ =	shalt  }
0x85: {  	_ =	shalt  }
0x86: {  	_ =	shalt  }
0x87: {  	_ =	shalt  }
.Lfunc_end0:
.L_simem_size_0:
called_computation.1_lowered:
.L_overlay_start_0:
0x88: {  	s2 =	sld [smem:$0x3FD9]  }
0x89: {  	s3 =	sld [smem:$0x3FFE];
	_ =	sdelay $0x1  }
0x8a: {  	s1 =	srdreg.scid  }
0x8b: {  	s0 =	sand.u32 $0x1, s1  }
0x8c: {  	s17 =	sshll.u32 s0, $0xA;
	s2 =	sadd.s32 s3, s2  }
0x8d: {  	s2 =	sadd.s32 s2, s17  }
0x8e: {  	[smem:$0x3FC0] =	sst s2  }
0x8f: {  	_ = 	snop  }
0x90: {  	s2 =	sld [smem:$0x3FD0];
	(tm) =	ssettm $0x1  }
0x91: {  	s18 =	sld [smem:$0x3FFB];
	_ =	sdelay $0x3  }
0x92: {  	_ =	strace s18  }
0x93: {  	s3 =	sld [smem:$0x3FFC];
	_ =	sdelay $0x3  }
0x94: {  	_ =	strace s3  }
0x95: {  	s3 =	sld [smem:$0x3FFD];
	_ =	sdelay $0x3  }
0x96: {  	_ =	strace s3  }
0x97: {  	_ =	strace $0x8FFFFFFF  }
0x98: {  	s19 =	sld [smem:$0x3FDB];
	_ =	sdelay $0x1  }
0x99: {  	s4 =	simm.s32 $_scs_section_size  }
0x9a: {  	s5 =	simm.s32 $_size__tile_overlayer_lowered;
	s6 =	simm.s32 $_tile_overlayer_lowered  }
0x9b: {  	s22 =	simm.s32 $0x1BFF;
	s21 =	sshll.u32 s6, $0x1;
	s3 =	sadd.s32 s4, s19  }
0x9c: {  	s7 =	simm.s32 $0x0;
	s20 =	sshll.u32 s5, $0x1;
	s5 =	sadd.s32 s21, s3  }
0x9d: {  	[timem:s7], [sflag:s22] =	dma.local [hbm:s5], s20  }
0x9e: {  	_ =	swait.ge [sflag:s22], s20  }
0x9f: {  	s4 =	ssub.s32 $0x0, s20;
	[sflag:s22] =	ssyncset.done $0x0  }
0xa0: {  	[sflag:s22] =	ssyncadd.s32 s4;
	_ =	sdelay $0x1  }
0xa1: {  	s23 =	simm.s32 $0x1B8B  }
0xa2: {  	_ =	swait.ge [sflag:s23], $0x1  }
0xa3: {  	[sflag:s23] =	ssyncset.done $0x0  }
0xa4: {  	s25 =	simm.s32 $0x1B8E;
	s24 =	sld [smem:$0x3FFE];
	[sflag:s23] =	ssyncadd.s32 $0xFFFFFFFF  }
0xa5: {  	s26 =	simm.s32 $execute0_lowered;
	[smem:$0x3FD2] =	sst s25  }
0xa6: {  	s5 =	sshll.u32 s26, $0x1;
	_ =	strace $0x80000049;
	[dreg:$0x1] =	wrdreg $0xFFFFFFFF  }
0xa7: {  	s28 =	simm.s32 $_size_execute0_lowered;
	s3 =	sadd.s32 s3, s5;
	[dreg:$0x0] =	wrdreg $0x0  }
0xa8: {  	s5 =	sshll.u32 s28, $0x1;
	[dreg:$0x2] =	wrdreg s3  }
0xa9: {  	[dreg:$0x3] =	wrdreg s5  }
0xaa: {  	[dreg:$0x4] =	wrdreg $0xC0  }
0xab: {  	_ =	task [dreg:s7], $0x5FFFF  }
0xac: {  	[dreg:$0x1] =	wrdreg $0xFFFFFFFF  }
0xad: {  	[dreg:$0x0] =	wrdreg $0x60  }
0xae: {  	[dreg:$0x2] =	wrdreg s2  }
0xaf: {  	[dreg:$0x3] =	wrdreg s24  }
0xb0: {  	[dreg:$0x4] =	wrdreg $0x66800  }
0xb1: {  	[dreg:$0x5] =	wrdreg $0x9  }
0xb2: {  	_ =	task.clear_ibuf [dreg:s7], $0x6FFFF;
	_ =	strace $0x90000049  }
0xb3: {  	s29 =	simm.s32 $0x9;
	_ =	strace $0x8000004B  }
0xb4: {  	_ =	swait.ge [sflag:s29], $0x1  }
0xb5: {  	[sflag:s29] =	ssyncadd.s32 $0xFFFFFFFF  }
0xb6: {  	_ =	strace $0x9000004B  }
0xb7: {  	_ =	sfence  }
0xb8: {  	s30 =	sld [smem:$0x0];
	_ =	sdelay $0x2  }
0xb9: {  	s31 =	sshll.u32 s1, $0xD;
	s1 =	sshrl.u32 s1, $0x2  }
0xba: {  	s3 =	sand.u32 $0x4000, s31;
	s1 =	sadd.s32 s1, s30  }
0xbb: {  	s0 =	sor.u32 s3, s0;
	s1 =	sshll.u32 s1, $0x11  }
0xbc: {  	s0 =	sor.u32 s1, s0  }
0xbd: {  	s0 =	sadd.s32 $0x8F2B, s0  }
0xbe: {  	[sflag:s0] =	ssyncadd.remote.s32 $0x1  }
0xbf: {  	_ =	sfence.sel $0xFFFF  }
0xc0: {  	[dreg:$0x0] =	wrdreg $0xFFFFFFFF;
	(pc) =	sbr.abs _section_cstart, $3  }
0xc1: {  	[dreg:$0x1] =	wrdreg $0xFFFFFFFF  }
0xc2: {  	_ =	task.clear_ibuf [dreg:s7], $0x2FFFF;
	_ =	strace $0x9FFFFFFF  }
0xc3: {  	(tm) =	ssettm $0x7FFFFFFF  }
tec
execute0_lowered:
.L_overlay_start_1:
0x0: {  	(tag) =	ssettag $0x1  }
0x1: {  	s1 =	rddreg [dreg:$0x0]  }
0x2: {  	s0 =	rddreg [dreg:$0x1]  }
0x3: {  	s3 =	rddreg [dreg:$0x2]  }
0x4: {  	s4 =	simm.s32 $0x0;
	s13 =	stileid.u32;
	s2 =	srdreg.scid  }
0x5: {  	s17 =	simm.s32 $0x7;
	s19 =	simm.s32 $0x1;
	s20 =	simm.s32 $0x50  }
0x6: {  	s21 =	simm.s32 $0xC80;
	s22 =	simm.s32 $0x280;
	s14 =	simm.s32 $0xF0  }
0x7: {  	s29 =	simm.s32 $0x780;
	s31 =	simm.s32 $0x4;
	s30 =	simm.s32 $0x6  }
0x8: {  	[smem:$0x7FF] =	sst s4;
	s8 =	smul.u32 $0x15F00, s13;
	s2 =	sand.u32 $0x1, s2  }
0x9: {  	s5 =	sadd.s32 $0x1400, s0;
	s6 =	sadd.s32 $0x2D400, s0;
	s10 =	sshll.u32 s13, $0x1  }
0xa: {  	s24 =	sshll.u32 s13, $0x6;
	s13 =	simm.s32 $0x140;
	_ =	strace $0x8000004A  }
0xb: {  	s7 =	smul.u32 $0x15F900, s2;
	s10 =	sor.u32 s2, s10;
	s2 =	ssub.s32 $0x2, s2  }
0xc: {  	s9 =	sshrl.u32 s8, $0x3;
	s23 =	sshrl.u32 s2, $0x1;
	s12 =	smul.u32 $0x4E20, s10  }
0xd: {  	s9 =	sadd.s32 s9, s0;
	s7 =	sadd.s32 s8, s7;
	s2 =	ssub.s32 s2, s23  }
0xe: {  	s8 =	sadd.s32 s8, s3;
	s11 =	sshrl.u32 s7, $0x3;
	s7 =	smul.u32 $0x7D, s10  }
0xf: {  	s10 =	smul.u32 $0x9C4, s10;
	s9 =	sadd.s32 $0x32400, s9;
	s25 =	sshrl.u32 s12, $0x3  }
0x10: {  	s15 =	smax.u32 s2, $0x1;
	s16 =	sshrl.u32 s8, $0x3;
	s2 =	simm.s32 $0x0  }
0x11: {  	[dreg:$0x4] =	wrdreg s9;
	s26 =	sadd.s32 s1, s25;
	s10 =	sadd.s32 s1, s10  }
0x12: {  	s0 =	sadd.s32 s11, s0;
	s11 =	sadd.s32 $0x14, s26;
	[dreg:$0x5] =	wrdreg s10  }
0x13: {  	s9 =	sor.u32 $0x1C07, s24;
	s28 =	sadd.s32 $0x28, s26;
	[dreg:$0x6] =	wrdreg s11  }
0x14: {  	s24 =	simm.s32 $0x3;
	s0 =	sadd.s32 $0x5E400, s0;
	[dreg:$0x7] =	wrdreg s28  }
0x15: {  	s25 =	simm.s32 $0x2;
	s10 =	sadd.s32 $0x3C, s26;
	[dreg:$0x9] =	wrdreg s0  }
0x16: {  	s26 =	simm.s32 $0x3980;
	s0 =	simm.s32 $0x5;
	[dreg:$0x8] =	wrdreg s10  }
.LBB2_1:
0x17: {  	s8 =	rddreg [dreg:$0x4]  }
0x18: {  	[spmem:s16], [sflag:s9] =	dma.local [hbm:s8], $0x2D00  }
0x19: {  	_ =	swait.ge [sflag:s17], $0x2D00  }
0x1a: {  	[sflag:s17] =	ssyncset.done $0x0  }
0x1b: {  	[sflag:s17] =	ssyncadd.s32 $0xFFFFD300  }
0x1c: {  	[bflag:$0x0] =	sbarrier.arrive $0xFFFF  }
0x1d: {  	s11 =	rddreg [dreg:$0x5]  }
0x1e: {  	[tilespmem:s4], [sflag:$0x1] =	stream.linear.gather [hbm4b:s11+s4], $0xA0, $0x38;
	[tilespmem:$0x1C610] =	vst v63  }
0x1f: {  	s10 =	simm.s32 $0xA0;
	s12 =	rddreg [dreg:$0x6]  }
0x20: {  	[tilespmem:s10], [sflag:$0x2] =	stream.linear.gather [hbm4b:s12+s4], $0xA0, $0x38;
	[tilespmem:$0x1C610] =	vst v63  }
0x21: {  	_ =	swait.ge [sflag:s19], $0xA0  }
0x22: {  	[sflag:s19] =	ssyncset.done $0x0  }
0x23: {  	[sflag:s19] =	ssyncadd.s32 $0xFFFFFF60  }
0x24: {  	[tilespmem:s21], [sflag:$0x3] =	stream.indirect.gather [hbm4b:s5+s20], $0x90, s4, s20, $0xb8;
	[tilespmem:$0x1C610] =	vst v63  }
0x25: {  	_ = 	snop  }
0x26: {  	[tilespmem:s22], [sflag:$0x3] =	stream.indirect.gather [hbm4b:s6+s20], $0x10, s20, s20, $0xb8;
	[tilespmem:$0x1C610] =	vst v63  }
0x27: {  	s18 =	rddreg [dreg:$0x7]  }
0x28: {  	[tilespmem:s13], [sflag:$0x1] =	stream.linear.gather [hbm4b:s18+s4], $0xA0, $0x38;
	[tilespmem:$0x1C610] =	vst v63  }
0x29: {  	_ =	swait.ge [sflag:s24], $0x2D00  }
0x2a: {  	[sflag:s24] =	ssyncset.done $0x0  }
0x2b: {  	[sflag:s24] =	ssyncadd.s32 $0xFFFFD300  }
0x2c: {  	_ =	swait.ge [sflag:s24], $0x500  }
0x2d: {  	[sflag:s24] =	ssyncset.done $0x0  }
0x2e: {  	[sflag:s24] =	ssyncadd.s32 $0xFFFFFB00  }
0x2f: {  	_ =	swait.ge [sflag:s25], $0xA0  }
0x30: {  	[sflag:s25] =	ssyncset.done $0x0  }
0x31: {  	[sflag:s25] =	ssyncadd.s32 $0xFFFFFF60  }
0x32: {  	[tilespmem:s26], [sflag:$0x4] =	stream.indirect.gather [hbm4b:s5+s20], $0x90, s10, s20, $0xb8;
	[tilespmem:$0x1C610] =	vst v63  }
0x33: {  	_ = 	snop  }
0x34: {  	[tilespmem:s29], [sflag:$0x4] =	stream.indirect.gather [hbm4b:s6+s20], $0x10, s14, s20, $0xb8;
	[tilespmem:$0x1C610] =	vst v63  }
0x35: {  	s28 =	simm.s32 $0x1E0;
	s8 =	simm.s32 $0xDA0;
	s23 =	rddreg [dreg:$0x8]  }
0x36: {  	[tilespmem:s28], [sflag:$0x2] =	stream.linear.gather [hbm4b:s23+s4], $0xA0, $0x38;
	[tilespmem:$0x1C610] =	vst v63  }
0x37: {  	s10 =	simm.s32 $0x2A0;
	v0 =	vld [tilespmem:s8+$0x110]  }
0x38: {  	v1 =	vld [tilespmem:s10+$0x10]  }
0x39: {  	v3 =	vld [tilespmem:s8+$0xFFFFFFF0]  }
0x3a: {  	v4 =	vld [tilespmem:s10+$0xFFFFFFF0]  }
0x3b: {  	v5 =	vld [tilespmem:s8+$0x80]  }
0x3c: {  	v9 =	vld [tilespmem:s10+$0x0]  }
0x3d: {  	v2 =	vld [tilespmem:s10+$0xFFFFFFE0];
	v0 =	vadd.f32 v1, v0  }
0x3e: {  	v34 =	vld [tilespmem:s8+$0xFFFFFEE0]  }
0x3f: {  	v6 =	vld [tilespmem:s8+$0xFFFFFEF0];
	v3 =	vadd.f32 v4, v3;
	v8 =	vmul.f32 $2.000000030e-01, v0  }
0x40: {  	v7 =	vld [tilespmem:s8+$0xFFFFFF00];
	vm0 =	vgt.f32 v0, $0.0e+00  }
0x41: {  	v1 =	vld [tilespmem:s8+$0xFFFFFF60];
	v4 =	vadd.f32 v9, v5;
	v5 =	vmul.f32 $2.000000030e-01, v3;
	v0 =	vsel vm0, v0, v8  }
0x42: {  	v10 =	vld [tilespmem:s8+$0xFFFFFF30];
	vm14 =	vgt.f32 v3, $0.0e+00;
	v0 =	vmul.f32 $1.442695020e+00, v0  }
0x43: {  	v11 =	vld [tilespmem:s8+$0xFFFFFF40];
	v3 =	vsel vm14, v3, v5  }
0x44: {  	v12 =	vld [tilespmem:s8+$0xFFFFFF50];
	v3 =	vmul.f32 $1.442695020e+00, v3;
	(erf) = vpow2.f32 v0  }
0x45: {  	v13 =	vld [tilespmem:s8+$0xFFFFFF70]  }
0x46: {  	v14 =	vld [tilespmem:s8+$0xFFFFFF80];
	v1 =	vadd.f32 v2, v1;
	(erf) = vpow2.f32 v3  }
0x47: {  	v15 =	vld [tilespmem:s8+$0xFFFFFF90];
	v2 =	vmul.f32 $2.000000030e-01, v4  }
0x48: {  	v16 =	vld [tilespmem:s8+$0xFFFFFFA0];
	vm1 =	vgt.f32 v4, $0.0e+00;
	v0 =	vmul.f32 $2.000000030e-01, v1  }
0x49: {  	v18 =	vld [tilespmem:s8+$0xFFFFFFB0];
	vm15 =	vgt.f32 v1, $0.0e+00;
	v2 =	vsel vm1, v4, v2  }
0x4a: {  	v17 =	vld [tilespmem:s8+$0xFFFFFFC0];
	v0 =	vsel vm15, v1, v0;
	v1 =	vmul.f32 $1.442695020e+00, v2  }
0x4b: {  	v19 =	vld [tilespmem:s8+$0xFFFFFFD0];
	v0 =	vmul.f32 $1.442695020e+00, v0  }
0x4c: {  	v20 =	vld [tilespmem:s8+$0xFFFFFFE0];
	(erf) = vpow2.f32 v1  }
0x4d: {  	v24 =	vld [tilespmem:s8+$0x0];
	(erf) = vpow2.f32 v0;
	v35 =	vpop (erf)  }
0x4e: {  	v26 =	vld [tilespmem:s8+$0x10];
	v1 =	vbroadcast v35, $0x0;
	v5 =	vbroadcast v35, $0x7  }
0x4f: {  	v4 =	vld [tilespmem:s8+$0x100];
	v3 =	vbroadcast v35, $0x1;
	v0 =	vbroadcast v35, $0x2;
	v33 =	vpop (erf)  }
0x50: {  	v28 =	vld [tilespmem:s8+$0x20];
	v2 =	vbroadcast v35, $0x3;
	v41 =	vbroadcast v33, $0x0  }
0x51: {  	v30 =	vld [tilespmem:s8+$0x30];
	v39 =	vbroadcast v33, $0x1;
	v43 =	vbroadcast v33, $0x2  }
0x52: {  	v36 =	vld [tilespmem:s8+$0x40];
	v40 =	vbroadcast v33, $0x3;
	v53 =	vbroadcast v33, $0x4  }
0x53: {  	v32 =	vld [tilespmem:s8+$0x50];
	v50 =	vbroadcast v33, $0x5;
	v52 =	vbroadcast v33, $0x6  }
0x54: {  	v25 =	vld [tilespmem:s8+$0x60];
	v49 =	vbroadcast v33, $0x7;
	v21 =	vmul.f32 v4, v5  }
0x55: {  	v22 =	vld [tilespmem:s8+$0xA0];
	v5 =	vbroadcast v35, $0x4;
	v4 =	vbroadcast v35, $0x5;
	v37 =	vpop (erf)  }
0x56: {  	v23 =	vld [tilespmem:s8+$0xB0];
	[tilespmem:s8+$0x110] =	vst v35;
	v35 =	vbroadcast v35, $0x6;
	v51 =	vbroadcast v37, $0x0  }
0x57: {  	v27 =	vld [tilespmem:s8+$0xC0];
	v48 =	vbroadcast v37, $0x1;
	v47 =	vbroadcast v37, $0x2  }
0x58: {  	v31 =	vld [tilespmem:s8+$0x70];
	v45 =	vbroadcast v37, $0x3;
	v46 =	vbroadcast v37, $0x4  }
0x59: {  	v9 =	vld [tilespmem:s8+$0xFFFFFF20];
	v29 =	vpop (erf);
	v44 =	vbroadcast v37, $0x5;
	v42 =	vbroadcast v37, $0x6  }
0x5a: {  	v8 =	vld [tilespmem:s8+$0xFFFFFF10];
	v61 =	vbroadcast v29, $0x0;
	v57 =	vbroadcast v29, $0x1  }
0x5b: {  	[tilespmem:s8+$0xFFFFFFF0] =	vst v33;
	v33 =	vld [tilespmem:s8+$0xE0];
	v60 =	vbroadcast v29, $0x2;
	v56 =	vbroadcast v29, $0x3  }
0x5c: {  	[tilespmem:s8+$0x100] =	vst v21;
	v21 =	vld [tilespmem:s8+$0x90];
	v59 =	vbroadcast v29, $0x4;
	v55 =	vbroadcast v29, $0x5  }
0x5d: {  	v58 =	vbroadcast v29, $0x6;
	v54 =	vbroadcast v29, $0x7;
	[tilespmem:s8+$0xFFFFFF60] =	vst v29;
	v29 =	vld [tilespmem:s8+$0xD0]  }
0x5e: {  	s11 =	simm.s32 $0x0;
	s12 =	simm.s32 $0xFE0;
	v38 =	vbroadcast v37, $0x7;
	[tilespmem:s8+$0x80] =	vst v37;
	v37 =	vmul.f32 v61, v34;
	v34 =	vld [tilespmem:s8+$0xF0]  }
.LBB2_2:
0x5f: {  	v61 =	vld [tilespmem:s12+$0x110];
	v6 =	vmul.f32 v57, v6;
	v7 =	vmul.f32 v60, v7;
	s10 =	sadd.s32 $0x40, s10  }
0x60: {  	s11 =	sadd.s32 $0x4, s11;
	v8 =	vmul.f32 v8, v56;
	v9 =	vmul.f32 v9, v59;
	v57 =	vld [tilespmem:s10+$0x10];
	[tilespmem:s8+$0xFFFFFEE0] =	vst v37  }
0x61: {  	p0 =	slt.u32 s11, $0x4C;
	v56 =	vld [tilespmem:s10+$0xFFFFFFE0];
	[tilespmem:s8+$0xFFFFFEF0] =	vst v6;
	v6 =	vmul.f32 v10, v55;
	v10 =	vmul.f32 v11, v58  }
0x62: {  	v11 =	vld [tilespmem:s12+$0xFFFFFFF0];
	[tilespmem:s8+$0xFFFFFF00] =	vst v7;
	v7 =	vmul.f32 v12, v54;
	v12 =	vmul.f32 v41, v13  }
0x63: {  	v13 =	vld [tilespmem:s10+$0xFFFFFFF0];
	[tilespmem:s8+$0xFFFFFF10] =	vst v8;
	v8 =	vmul.f32 v39, v14;
	v14 =	vmul.f32 v43, v15  }
0x64: {  	v16 =	vmul.f32 v16, v40;
	v18 =	vmul.f32 v18, v53;
	v15 =	vld [tilespmem:s12+$0x80];
	[tilespmem:s8+$0xFFFFFF20] =	vst v9  }
0x65: {  	v17 =	vmul.f32 v17, v50;
	v19 =	vmul.f32 v19, v52;
	v9 =	vld [tilespmem:s10+$0x0];
	v39 =	vadd.f32 v57, v61;
	[tilespmem:s8+$0xFFFFFF30] =	vst v6  }
0x66: {  	v20 =	vmul.f32 v20, v49;
	v24 =	vmul.f32 v51, v24;
	v40 =	vld [tilespmem:s12+$0xFFFFFF60];
	[tilespmem:s8+$0xFFFFFF40] =	vst v10  }
0x67: {  	v26 =	vmul.f32 v48, v26;
	v37 =	vld [tilespmem:s12+$0xFFFFFEE0];
	v10 =	vmul.f32 $2.000000030e-01, v39;
	[tilespmem:s8+$0xFFFFFF50] =	vst v7  }
0x68: {  	v28 =	vmul.f32 v47, v28;
	vm0 =	vgt.f32 v39, $0.0e+00;
	v6 =	vld [tilespmem:s12+$0xFFFFFEF0];
	v13 =	vadd.f32 v13, v11;
	[tilespmem:s8+$0xFFFFFF70] =	vst v12  }
0x69: {  	v30 =	vmul.f32 v30, v45;
	v36 =	vmul.f32 v36, v46;
	v7 =	vld [tilespmem:s12+$0xFFFFFF00];
	v10 =	vsel vm0, v39, v10;
	[tilespmem:s8+$0xFFFFFF80] =	vst v8  }
0x6a: {  	v8 =	vld [tilespmem:s12+$0xFFFFFF10];
	v12 =	vmul.f32 $2.000000030e-01, v13;
	v15 =	vadd.f32 v9, v15;
	v11 =	vmul.f32 $1.442695020e+00, v10;
	[tilespmem:s8+$0xFFFFFF90] =	vst v14  }
0x6b: {  	v32 =	vmul.f32 v32, v44;
	vm0 =	vgt.f32 v13, $0.0e+00;
	v14 =	vadd.f32 v56, v40;
	v9 =	vld [tilespmem:s12+$0xFFFFFF20];
	[tilespmem:s8+$0xFFFFFFA0] =	vst v16  }
0x6c: {  	v10 =	vld [tilespmem:s12+$0xFFFFFF30];
	vm1 =	vgt.f32 v15, $0.0e+00;
	v16 =	vmul.f32 $2.000000030e-01, v15;
	(erf) = vpow2.f32 v11;
	[tilespmem:s8+$0xFFFFFFB0] =	vst v18  }
0x6d: {  	v13 =	vsel vm0, v13, v12;
	vm2 =	vgt.f32 v14, $0.0e+00;
	v18 =	vmul.f32 $2.000000030e-01, v14;
	v11 =	vld [tilespmem:s12+$0xFFFFFF40];
	[tilespmem:s8+$0xFFFFFFC0] =	vst v17  }
0x6e: {  	v25 =	vmul.f32 v25, v42;
	v17 =	vmul.f32 $1.442695020e+00, v13;
	v12 =	vld [tilespmem:s12+$0xFFFFFF50];
	v15 =	vsel vm1, v15, v16;
	[tilespmem:s8+$0xFFFFFFD0] =	vst v19  }
0x6f: {  	v31 =	vmul.f32 v31, v38;
	v14 =	vsel vm2, v14, v18;
	v13 =	vld [tilespmem:s12+$0xFFFFFF70];
	v16 =	vmul.f32 $1.442695020e+00, v15;
	[tilespmem:s8+$0xFFFFFFE0] =	vst v20  }
0x70: {  	v18 =	vmul.f32 $1.442695020e+00, v14;
	v14 =	vld [tilespmem:s12+$0xFFFFFF80];
	(erf) = vpow2.f32 v17;
	[tilespmem:s8+$0x0] =	vst v24  }
0x71: {  	v21 =	vmul.f32 v1, v21;
	v15 =	vld [tilespmem:s12+$0xFFFFFF90];
	(erf) = vpow2.f32 v16;
	[tilespmem:s8+$0x10] =	vst v26  }
0x72: {  	v22 =	vmul.f32 v3, v22;
	v16 =	vld [tilespmem:s12+$0xFFFFFFA0];
	(erf) = vpow2.f32 v18;
	[tilespmem:s8+$0x20] =	vst v28  }
0x73: {  	v23 =	vmul.f32 v0, v23;
	v27 =	vmul.f32 v27, v2;
	v26 =	vld [tilespmem:s12+$0x100];
	[tilespmem:s8+$0x30] =	vst v30  }
0x74: {  	v29 =	vmul.f32 v29, v5;
	v33 =	vmul.f32 v33, v4;
	v18 =	vld [tilespmem:s12+$0xFFFFFFB0];
	[tilespmem:s8+$0x40] =	vst v36  }
0x75: {  	v34 =	vmul.f32 v34, v35;
	v17 =	vld [tilespmem:s12+$0xFFFFFFC0];
	v61 =	vpop (erf);
	[tilespmem:s8+$0x50] =	vst v32  }
0x76: {  	v19 =	vld [tilespmem:s12+$0xFFFFFFD0];
	v1 =	vbroadcast v61, $0x0;
	v4 =	vbroadcast v61, $0x7;
	[tilespmem:s8+$0x60] =	vst v25  }
0x77: {  	v3 =	vbroadcast v61, $0x1;
	v0 =	vbroadcast v61, $0x2;
	v20 =	vld [tilespmem:s12+$0xFFFFFFE0];
	[tilespmem:s8+$0x70] =	vst v31  }
0x78: {  	v2 =	vbroadcast v61, $0x3;
	v24 =	vld [tilespmem:s12+$0x0];
	v25 =	vmul.f32 v26, v4;
	[tilespmem:s8+$0x90] =	vst v21  }
0x79: {  	v5 =	vbroadcast v61, $0x4;
	v4 =	vbroadcast v61, $0x5;
	v26 =	vld [tilespmem:s12+$0x10];
	v35 =	vpop (erf);
	[tilespmem:s8+$0xA0] =	vst v22  }
0x7a: {  	v41 =	vbroadcast v35, $0x0;
	v39 =	vbroadcast v35, $0x1;
	v28 =	vld [tilespmem:s12+$0x20];
	[tilespmem:s12+$0x100] =	vst v25;
	v38 =	vpop (erf)  }
0x7b: {  	v43 =	vbroadcast v35, $0x2;
	v40 =	vbroadcast v35, $0x3;
	v30 =	vld [tilespmem:s12+$0x30];
	v21 =	vpop (erf);
	[tilespmem:s8+$0xB0] =	vst v23  }
0x7c: {  	v62 =	vbroadcast v21, $0x0;
	v57 =	vbroadcast v21, $0x1;
	v36 =	vld [tilespmem:s12+$0x40];
	[tilespmem:s8+$0xC0] =	vst v27  }
0x7d: {  	v60 =	vbroadcast v21, $0x2;
	v56 =	vbroadcast v21, $0x3;
	v32 =	vld [tilespmem:s12+$0x50];
	[tilespmem:s8+$0xD0] =	vst v29  }
0x7e: {  	v59 =	vbroadcast v21, $0x4;
	v55 =	vbroadcast v21, $0x5;
	v25 =	vld [tilespmem:s12+$0x60];
	[tilespmem:s8+$0xE0] =	vst v33  }
0x7f: {  	v58 =	vbroadcast v21, $0x6;
	v54 =	vbroadcast v21, $0x7;
	v31 =	vld [tilespmem:s12+$0x70];
	[tilespmem:s8+$0xF0] =	vst v34;
	s8 =	smov.u32 s12  }
0x80: {  	v53 =	vbroadcast v35, $0x4;
	v50 =	vbroadcast v35, $0x5;
	[tilespmem:s12+$0xFFFFFF60] =	vst v21;
	v21 =	vld [tilespmem:s12+$0x90]  }
0x81: {  	v52 =	vbroadcast v35, $0x6;
	v49 =	vbroadcast v35, $0x7;
	[tilespmem:s12+$0xFFFFFFF0] =	vst v35;
	v22 =	vld [tilespmem:s12+$0xA0]  }
.Ltmp0:
0x82: {  	v51 =	vbroadcast v38, $0x0;
	v48 =	vbroadcast v38, $0x1;
	[tilespmem:s12+$0x80] =	vst v38;
	v23 =	vld [tilespmem:s12+$0xB0];
	(pc) =	sbr.rel @p0 .LBB2_2-.Ltmp0, $4  }
0x83: {  	v47 =	vbroadcast v38, $0x2;
	v45 =	vbroadcast v38, $0x3;
	v27 =	vld [tilespmem:s12+$0xC0];
	[tilespmem:s12+$0x110] =	vst v61  }
0x84: {  	v46 =	vbroadcast v38, $0x4;
	v44 =	vbroadcast v38, $0x5;
	v29 =	vld [tilespmem:s12+$0xD0]  }
0x85: {  	v42 =	vbroadcast v38, $0x6;
	v38 =	vbroadcast v38, $0x7;
	v33 =	vld [tilespmem:s12+$0xE0]  }
0x86: {  	v37 =	vmul.f32 v62, v37;
	v35 =	vbroadcast v61, $0x6;
	s12 =	sadd.s32 $0x240, s12;
	v34 =	vld [tilespmem:s8+$0xF0]  }
0x87: {  	v6 =	vmul.f32 v57, v6  }
0x88: {  	v7 =	vmul.f32 v60, v7;
	[tilespmem:s8+$0xFFFFFEE0] =	vst v37  }
0x89: {  	v8 =	vmul.f32 v8, v56;
	[tilespmem:s8+$0xFFFFFEF0] =	vst v6  }
0x8a: {  	v1 =	vmul.f32 v1, v21;
	[tilespmem:s8+$0xFFFFFF00] =	vst v7  }
0x8b: {  	v3 =	vmul.f32 v3, v22;
	[tilespmem:s8+$0xFFFFFF10] =	vst v8  }
0x8c: {  	v0 =	vmul.f32 v0, v23;
	[tilespmem:s8+$0x90] =	vst v1  }
0x8d: {  	v6 =	vmul.f32 v9, v59;
	[tilespmem:s8+$0xA0] =	vst v3  }
0x8e: {  	v7 =	vmul.f32 v10, v55;
	[tilespmem:s8+$0xB0] =	vst v0  }
0x8f: {  	v8 =	vmul.f32 v11, v58;
	[tilespmem:s8+$0xFFFFFF20] =	vst v6  }
0x90: {  	v1 =	vmul.f32 v27, v2;
	[tilespmem:s8+$0xFFFFFF30] =	vst v7  }
0x91: {  	v2 =	vmul.f32 v29, v5;
	[tilespmem:s8+$0xFFFFFF40] =	vst v8  }
0x92: {  	v0 =	vmul.f32 v33, v4;
	[tilespmem:s8+$0xC0] =	vst v1  }
0x93: {  	v6 =	vmul.f32 v12, v54;
	[tilespmem:s8+$0xD0] =	vst v2  }
0x94: {  	v7 =	vmul.f32 v41, v13;
	[tilespmem:s8+$0xE0] =	vst v0  }
0x95: {  	v8 =	vmul.f32 v39, v14;
	[tilespmem:s8+$0xFFFFFF50] =	vst v6  }
0x96: {  	v1 =	vmul.f32 v34, v35;
	[tilespmem:s8+$0xFFFFFF70] =	vst v7  }
0x97: {  	v6 =	vmul.f32 v43, v15;
	[tilespmem:s8+$0xFFFFFF80] =	vst v8  }
0x98: {  	v7 =	vmul.f32 v16, v40;
	[tilespmem:s8+$0xF0] =	vst v1  }
0x99: {  	v8 =	vmul.f32 v18, v53;
	[tilespmem:s8+$0xFFFFFF90] =	vst v6  }
0x9a: {  	v6 =	vmul.f32 v17, v50;
	[tilespmem:s8+$0xFFFFFFA0] =	vst v7  }
0x9b: {  	v7 =	vmul.f32 v19, v52;
	[tilespmem:s8+$0xFFFFFFB0] =	vst v8  }
0x9c: {  	v8 =	vmul.f32 v20, v49;
	[tilespmem:s8+$0xFFFFFFC0] =	vst v6  }
0x9d: {  	v6 =	vmul.f32 v51, v24;
	[tilespmem:s8+$0xFFFFFFD0] =	vst v7  }
0x9e: {  	v7 =	vmul.f32 v48, v26;
	[tilespmem:s8+$0xFFFFFFE0] =	vst v8  }
0x9f: {  	v8 =	vmul.f32 v47, v28;
	[tilespmem:s8+$0x0] =	vst v6  }
0xa0: {  	v6 =	vmul.f32 v30, v45;
	[tilespmem:s8+$0x10] =	vst v7  }
0xa1: {  	v7 =	vmul.f32 v36, v46;
	[tilespmem:s8+$0x20] =	vst v8  }
0xa2: {  	v8 =	vmul.f32 v32, v44;
	[tilespmem:s8+$0x30] =	vst v6  }
0xa3: {  	v6 =	vmul.f32 v25, v42;
	[tilespmem:s8+$0x40] =	vst v7  }
0xa4: {  	v7 =	vmul.f32 v31, v38;
	[tilespmem:s8+$0x50] =	vst v8  }
0xa5: {  	[tilespmem:s8+$0x60] =	vst v6  }
0xa6: {  	[tilespmem:s8+$0x70] =	vst v7  }
0xa7: {  	[spmem:s3] =	stream.indirect.scatter.add.f32 [tilespmem:s21], [sflag:$0x5], $0x90, s20, s20, $0xb8;
	[tilespmem:$0x1C610] =	vst v63  }
0xa8: {  	_ =	swait.ge [sflag:s31], $0x2D00  }
0xa9: {  	[sflag:s31] =	ssyncset.done $0x0  }
0xaa: {  	[sflag:s31] =	ssyncadd.s32 $0xFFFFD300  }
0xab: {  	_ =	swait.ge [sflag:s31], $0x500  }
0xac: {  	[sflag:s31] =	ssyncset.done $0x0  }
0xad: {  	[sflag:s31] =	ssyncadd.s32 $0xFFFFFB00  }
0xae: {  	_ =	swait.ge [sflag:s0], $0x2D00  }
0xaf: {  	[sflag:s0] =	ssyncset.done $0x0  }
0xb0: {  	[sflag:s0] =	ssyncadd.s32 $0xFFFFD300  }
0xb1: {  	_ =	swait.ge [sflag:s19], $0xA0  }
0xb2: {  	[sflag:s19] =	ssyncset.done $0x0  }
0xb3: {  	[sflag:s19] =	ssyncadd.s32 $0xFFFFFF60  }
0xb4: {  	[tilespmem:s21], [sflag:$0x3] =	stream.indirect.gather [hbm4b:s5+s20], $0x90, s13, s20, $0xb8;
	[tilespmem:$0x1C610] =	vst v63  }
0xb5: {  	s28 =	simm.s32 $0x190;
	s8 =	simm.s32 $0x3AA0  }
0xb6: {  	[tilespmem:s22], [sflag:$0x3] =	stream.indirect.gather [hbm4b:s6+s20], $0x10, s28, s20, $0xb8;
	[tilespmem:$0x1C610] =	vst v63  }
0xb7: {  	s10 =	simm.s32 $0x7A0;
	v0 =	vld [tilespmem:s8+$0x110]  }
0xb8: {  	v1 =	vld [tilespmem:s10+$0x10]  }
0xb9: {  	v3 =	vld [tilespmem:s8+$0xFFFFFFF0]  }
0xba: {  	v4 =	vld [tilespmem:s10+$0xFFFFFFF0]  }
0xbb: {  	v5 =	vld [tilespmem:s8+$0x80]  }
0xbc: {  	v9 =	vld [tilespmem:s10+$0x0]  }
0xbd: {  	v2 =	vld [tilespmem:s10+$0xFFFFFFE0];
	v0 =	vadd.f32 v1, v0  }
0xbe: {  	v34 =	vld [tilespmem:s8+$0xFFFFFEE0]  }
0xbf: {  	v6 =	vld [tilespmem:s8+$0xFFFFFEF0];
	v3 =	vadd.f32 v4, v3;
	v8 =	vmul.f32 $2.000000030e-01, v0  }
0xc0: {  	v7 =	vld [tilespmem:s8+$0xFFFFFF00];
	vm0 =	vgt.f32 v0, $0.0e+00  }
0xc1: {  	v1 =	vld [tilespmem:s8+$0xFFFFFF60];
	v4 =	vadd.f32 v9, v5;
	v5 =	vmul.f32 $2.000000030e-01, v3;
	v0 =	vsel vm0, v0, v8  }
0xc2: {  	v10 =	vld [tilespmem:s8+$0xFFFFFF30];
	vm14 =	vgt.f32 v3, $0.0e+00;
	v0 =	vmul.f32 $1.442695020e+00, v0  }
0xc3: {  	v11 =	vld [tilespmem:s8+$0xFFFFFF40];
	v3 =	vsel vm14, v3, v5  }
0xc4: {  	v12 =	vld [tilespmem:s8+$0xFFFFFF50];
	v3 =	vmul.f32 $1.442695020e+00, v3;
	(erf) = vpow2.f32 v0  }
0xc5: {  	v13 =	vld [tilespmem:s8+$0xFFFFFF70]  }
0xc6: {  	v14 =	vld [tilespmem:s8+$0xFFFFFF80];
	v1 =	vadd.f32 v2, v1;
	(erf) = vpow2.f32 v3  }
0xc7: {  	v15 =	vld [tilespmem:s8+$0xFFFFFF90];
	v2 =	vmul.f32 $2.000000030e-01, v4  }
0xc8: {  	v16 =	vld [tilespmem:s8+$0xFFFFFFA0];
	vm1 =	vgt.f32 v4, $0.0e+00;
	v0 =	vmul.f32 $2.000000030e-01, v1  }
0xc9: {  	v18 =	vld [tilespmem:s8+$0xFFFFFFB0];
	vm15 =	vgt.f32 v1, $0.0e+00;
	v2 =	vsel vm1, v4, v2  }
0xca: {  	v17 =	vld [tilespmem:s8+$0xFFFFFFC0];
	v0 =	vsel vm15, v1, v0;
	v1 =	vmul.f32 $1.442695020e+00, v2  }
0xcb: {  	v19 =	vld [tilespmem:s8+$0xFFFFFFD0];
	v0 =	vmul.f32 $1.442695020e+00, v0  }
0xcc: {  	v20 =	vld [tilespmem:s8+$0xFFFFFFE0];
	(erf) = vpow2.f32 v1  }
0xcd: {  	v24 =	vld [tilespmem:s8+$0x0];
	(erf) = vpow2.f32 v0;
	v35 =	vpop (erf)  }
0xce: {  	v26 =	vld [tilespmem:s8+$0x10];
	v1 =	vbroadcast v35, $0x0;
	v5 =	vbroadcast v35, $0x7  }
0xcf: {  	v4 =	vld [tilespmem:s8+$0x100];
	v3 =	vbroadcast v35, $0x1;
	v0 =	vbroadcast v35, $0x2;
	v33 =	vpop (erf)  }
0xd0: {  	v28 =	vld [tilespmem:s8+$0x20];
	v2 =	vbroadcast v35, $0x3;
	v41 =	vbroadcast v33, $0x0  }
0xd1: {  	v30 =	vld [tilespmem:s8+$0x30];
	v39 =	vbroadcast v33, $0x1;
	v43 =	vbroadcast v33, $0x2  }
0xd2: {  	v36 =	vld [tilespmem:s8+$0x40];
	v40 =	vbroadcast v33, $0x3;
	v53 =	vbroadcast v33, $0x4  }
0xd3: {  	v32 =	vld [tilespmem:s8+$0x50];
	v50 =	vbroadcast v33, $0x5;
	v52 =	vbroadcast v33, $0x6  }
0xd4: {  	v25 =	vld [tilespmem:s8+$0x60];
	v49 =	vbroadcast v33, $0x7;
	v21 =	vmul.f32 v4, v5  }
0xd5: {  	v22 =	vld [tilespmem:s8+$0xA0];
	v5 =	vbroadcast v35, $0x4;
	v4 =	vbroadcast v35, $0x5;
	v37 =	vpop (erf)  }
0xd6: {  	v23 =	vld [tilespmem:s8+$0xB0];
	[tilespmem:s8+$0x110] =	vst v35;
	v35 =	vbroadcast v35, $0x6;
	v51 =	vbroadcast v37, $0x0  }
0xd7: {  	v27 =	vld [tilespmem:s8+$0xC0];
	v48 =	vbroadcast v37, $0x1;
	v47 =	vbroadcast v37, $0x2  }
0xd8: {  	v31 =	vld [tilespmem:s8+$0x70];
	v45 =	vbroadcast v37, $0x3;
	v46 =	vbroadcast v37, $0x4  }
0xd9: {  	v9 =	vld [tilespmem:s8+$0xFFFFFF20];
	v29 =	vpop (erf);
	v44 =	vbroadcast v37, $0x5;
	v42 =	vbroadcast v37, $0x6  }
0xda: {  	v8 =	vld [tilespmem:s8+$0xFFFFFF10];
	v61 =	vbroadcast v29, $0x0;
	v57 =	vbroadcast v29, $0x1  }
0xdb: {  	[tilespmem:s8+$0xFFFFFFF0] =	vst v33;
	v33 =	vld [tilespmem:s8+$0xE0];
	v60 =	vbroadcast v29, $0x2;
	v56 =	vbroadcast v29, $0x3  }
0xdc: {  	[tilespmem:s8+$0x100] =	vst v21;
	v21 =	vld [tilespmem:s8+$0x90];
	v59 =	vbroadcast v29, $0x4;
	v55 =	vbroadcast v29, $0x5  }
0xdd: {  	v58 =	vbroadcast v29, $0x6;
	v54 =	vbroadcast v29, $0x7;
	[tilespmem:s8+$0xFFFFFF60] =	vst v29;
	v29 =	vld [tilespmem:s8+$0xD0]  }
0xde: {  	s11 =	simm.s32 $0x0;
	s12 =	simm.s32 $0x3CE0;
	v38 =	vbroadcast v37, $0x7;
	[tilespmem:s8+$0x80] =	vst v37;
	v37 =	vmul.f32 v61, v34;
	v34 =	vld [tilespmem:s8+$0xF0]  }
.LBB2_4:
0xdf: {  	v61 =	vld [tilespmem:s12+$0x110];
	v6 =	vmul.f32 v57, v6;
	v7 =	vmul.f32 v60, v7;
	s10 =	sadd.s32 $0x40, s10  }
0xe0: {  	s11 =	sadd.s32 $0x4, s11;
	v8 =	vmul.f32 v8, v56;
	v9 =	vmul.f32 v9, v59;
	v57 =	vld [tilespmem:s10+$0x10];
	[tilespmem:s8+$0xFFFFFEE0] =	vst v37  }
0xe1: {  	p0 =	slt.u32 s11, $0x4C;
	v56 =	vld [tilespmem:s10+$0xFFFFFFE0];
	[tilespmem:s8+$0xFFFFFEF0] =	vst v6;
	v6 =	vmul.f32 v10, v55;
	v10 =	vmul.f32 v11, v58  }
0xe2: {  	v11 =	vld [tilespmem:s12+$0xFFFFFFF0];
	[tilespmem:s8+$0xFFFFFF00] =	vst v7;
	v7 =	vmul.f32 v12, v54;
	v12 =	vmul.f32 v41, v13  }
0xe3: {  	v13 =	vld [tilespmem:s10+$0xFFFFFFF0];
	[tilespmem:s8+$0xFFFFFF10] =	vst v8;
	v8 =	vmul.f32 v39, v14;
	v14 =	vmul.f32 v43, v15  }
0xe4: {  	v16 =	vmul.f32 v16, v40;
	v18 =	vmul.f32 v18, v53;
	v15 =	vld [tilespmem:s12+$0x80];
	[tilespmem:s8+$0xFFFFFF20] =	vst v9  }
0xe5: {  	v17 =	vmul.f32 v17, v50;
	v19 =	vmul.f32 v19, v52;
	v9 =	vld [tilespmem:s10+$0x0];
	v39 =	vadd.f32 v57, v61;
	[tilespmem:s8+$0xFFFFFF30] =	vst v6  }
0xe6: {  	v20 =	vmul.f32 v20, v49;
	v24 =	vmul.f32 v51, v24;
	v40 =	vld [tilespmem:s12+$0xFFFFFF60];
	[tilespmem:s8+$0xFFFFFF40] =	vst v10  }
0xe7: {  	v26 =	vmul.f32 v48, v26;
	v37 =	vld [tilespmem:s12+$0xFFFFFEE0];
	v10 =	vmul.f32 $2.000000030e-01, v39;
	[tilespmem:s8+$0xFFFFFF50] =	vst v7  }
0xe8: {  	v28 =	vmul.f32 v47, v28;
	vm0 =	vgt.f32 v39, $0.0e+00;
	v6 =	vld [tilespmem:s12+$0xFFFFFEF0];
	v13 =	vadd.f32 v13, v11;
	[tilespmem:s8+$0xFFFFFF70] =	vst v12  }
0xe9: {  	v30 =	vmul.f32 v30, v45;
	v36 =	vmul.f32 v36, v46;
	v7 =	vld [tilespmem:s12+$0xFFFFFF00];
	v10 =	vsel vm0, v39, v10;
	[tilespmem:s8+$0xFFFFFF80] =	vst v8  }
0xea: {  	v8 =	vld [tilespmem:s12+$0xFFFFFF10];
	v12 =	vmul.f32 $2.000000030e-01, v13;
	v15 =	vadd.f32 v9, v15;
	v11 =	vmul.f32 $1.442695020e+00, v10;
	[tilespmem:s8+$0xFFFFFF90] =	vst v14  }
0xeb: {  	v32 =	vmul.f32 v32, v44;
	vm0 =	vgt.f32 v13, $0.0e+00;
	v14 =	vadd.f32 v56, v40;
	v9 =	vld [tilespmem:s12+$0xFFFFFF20];
	[tilespmem:s8+$0xFFFFFFA0] =	vst v16  }
0xec: {  	v10 =	vld [tilespmem:s12+$0xFFFFFF30];
	vm1 =	vgt.f32 v15, $0.0e+00;
	v16 =	vmul.f32 $2.000000030e-01, v15;
	(erf) = vpow2.f32 v11;
	[tilespmem:s8+$0xFFFFFFB0] =	vst v18  }
0xed: {  	v13 =	vsel vm0, v13, v12;
	vm2 =	vgt.f32 v14, $0.0e+00;
	v18 =	vmul.f32 $2.000000030e-01, v14;
	v11 =	vld [tilespmem:s12+$0xFFFFFF40];
	[tilespmem:s8+$0xFFFFFFC0] =	vst v17  }
0xee: {  	v25 =	vmul.f32 v25, v42;
	v17 =	vmul.f32 $1.442695020e+00, v13;
	v12 =	vld [tilespmem:s12+$0xFFFFFF50];
	v15 =	vsel vm1, v15, v16;
	[tilespmem:s8+$0xFFFFFFD0] =	vst v19  }
0xef: {  	v31 =	vmul.f32 v31, v38;
	v14 =	vsel vm2, v14, v18;
	v13 =	vld [tilespmem:s12+$0xFFFFFF70];
	v16 =	vmul.f32 $1.442695020e+00, v15;
	[tilespmem:s8+$0xFFFFFFE0] =	vst v20  }
0xf0: {  	v18 =	vmul.f32 $1.442695020e+00, v14;
	v14 =	vld [tilespmem:s12+$0xFFFFFF80];
	(erf) = vpow2.f32 v17;
	[tilespmem:s8+$0x0] =	vst v24  }
0xf1: {  	v21 =	vmul.f32 v1, v21;
	v15 =	vld [tilespmem:s12+$0xFFFFFF90];
	(erf) = vpow2.f32 v16;
	[tilespmem:s8+$0x10] =	vst v26  }
0xf2: {  	v22 =	vmul.f32 v3, v22;
	v16 =	vld [tilespmem:s12+$0xFFFFFFA0];
	(erf) = vpow2.f32 v18;
	[tilespmem:s8+$0x20] =	vst v28  }
0xf3: {  	v23 =	vmul.f32 v0, v23;
	v27 =	vmul.f32 v27, v2;
	v26 =	vld [tilespmem:s12+$0x100];
	[tilespmem:s8+$0x30] =	vst v30  }
0xf4: {  	v29 =	vmul.f32 v29, v5;
	v33 =	vmul.f32 v33, v4;
	v18 =	vld [tilespmem:s12+$0xFFFFFFB0];
	[tilespmem:s8+$0x40] =	vst v36  }
0xf5: {  	v34 =	vmul.f32 v34, v35;
	v17 =	vld [tilespmem:s12+$0xFFFFFFC0];
	v61 =	vpop (erf);
	[tilespmem:s8+$0x50] =	vst v32  }
0xf6: {  	v19 =	vld [tilespmem:s12+$0xFFFFFFD0];
	v1 =	vbroadcast v61, $0x0;
	v4 =	vbroadcast v61, $0x7;
	[tilespmem:s8+$0x60] =	vst v25  }
0xf7: {  	v3 =	vbroadcast v61, $0x1;
	v0 =	vbroadcast v61, $0x2;
	v20 =	vld [tilespmem:s12+$0xFFFFFFE0];
	[tilespmem:s8+$0x70] =	vst v31  }
0xf8: {  	v2 =	vbroadcast v61, $0x3;
	v24 =	vld [tilespmem:s12+$0x0];
	v25 =	vmul.f32 v26, v4;
	[tilespmem:s8+$0x90] =	vst v21  }
0xf9: {  	v5 =	vbroadcast v61, $0x4;
	v4 =	vbroadcast v61, $0x5;
	v26 =	vld [tilespmem:s12+$0x10];
	v35 =	vpop (erf);
	[tilespmem:s8+$0xA0] =	vst v22  }
0xfa: {  	v41 =	vbroadcast v35, $0x0;
	v39 =	vbroadcast v35, $0x1;
	v28 =	vld [tilespmem:s12+$0x20];
	[tilespmem:s12+$0x100] =	vst v25;
	v38 =	vpop (erf)  }
0xfb: {  	v43 =	vbroadcast v35, $0x2;
	v40 =	vbroadcast v35, $0x3;
	v30 =	vld [tilespmem:s12+$0x30];
	v21 =	vpop (erf);
	[tilespmem:s8+$0xB0] =	vst v23  }
0xfc: {  	v62 =	vbroadcast v21, $0x0;
	v57 =	vbroadcast v21, $0x1;
	v36 =	vld [tilespmem:s12+$0x40];
	[tilespmem:s8+$0xC0] =	vst v27  }
0xfd: {  	v60 =	vbroadcast v21, $0x2;
	v56 =	vbroadcast v21, $0x3;
	v32 =	vld [tilespmem:s12+$0x50];
	[tilespmem:s8+$0xD0] =	vst v29  }
0xfe: {  	v59 =	vbroadcast v21, $0x4;
	v55 =	vbroadcast v21, $0x5;
	v25 =	vld [tilespmem:s12+$0x60];
	[tilespmem:s8+$0xE0] =	vst v33  }
0xff: {  	v58 =	vbroadcast v21, $0x6;
	v54 =	vbroadcast v21, $0x7;
	v31 =	vld [tilespmem:s12+$0x70];
	[tilespmem:s8+$0xF0] =	vst v34;
	s8 =	smov.u32 s12  }
0x100: {  	v53 =	vbroadcast v35, $0x4;
	v50 =	vbroadcast v35, $0x5;
	[tilespmem:s12+$0xFFFFFF60] =	vst v21;
	v21 =	vld [tilespmem:s12+$0x90]  }
0x101: {  	v52 =	vbroadcast v35, $0x6;
	v49 =	vbroadcast v35, $0x7;
	[tilespmem:s12+$0xFFFFFFF0] =	vst v35;
	v22 =	vld [tilespmem:s12+$0xA0]  }
.Ltmp1:
0x102: {  	v51 =	vbroadcast v38, $0x0;
	v48 =	vbroadcast v38, $0x1;
	[tilespmem:s12+$0x80] =	vst v38;
	v23 =	vld [tilespmem:s12+$0xB0];
	(pc) =	sbr.rel @p0 .LBB2_4-.Ltmp1, $4  }
0x103: {  	v47 =	vbroadcast v38, $0x2;
	v45 =	vbroadcast v38, $0x3;
	v27 =	vld [tilespmem:s12+$0xC0];
	[tilespmem:s12+$0x110] =	vst v61  }
0x104: {  	v46 =	vbroadcast v38, $0x4;
	v44 =	vbroadcast v38, $0x5;
	v29 =	vld [tilespmem:s12+$0xD0]  }
0x105: {  	v42 =	vbroadcast v38, $0x6;
	v38 =	vbroadcast v38, $0x7;
	v33 =	vld [tilespmem:s12+$0xE0]  }
0x106: {  	v37 =	vmul.f32 v62, v37;
	v35 =	vbroadcast v61, $0x6;
	s12 =	sadd.s32 $0x240, s12;
	v34 =	vld [tilespmem:s8+$0xF0]  }
0x107: {  	v6 =	vmul.f32 v57, v6  }
0x108: {  	v7 =	vmul.f32 v60, v7;
	[tilespmem:s8+$0xFFFFFEE0] =	vst v37  }
0x109: {  	v8 =	vmul.f32 v8, v56;
	[tilespmem:s8+$0xFFFFFEF0] =	vst v6  }
0x10a: {  	v61 =	vmul.f32 v9, v59;
	[tilespmem:s8+$0xFFFFFF00] =	vst v7  }
0x10b: {  	v62 =	vmul.f32 v10, v55;
	[tilespmem:s8+$0xFFFFFF10] =	vst v8  }
0x10c: {  	v63 =	vmul.f32 v11, v58;
	[tilespmem:s8+$0xFFFFFF20] =	vst v61  }
0x10d: {  	v12 =	vmul.f32 v12, v54;
	[tilespmem:s8+$0xFFFFFF30] =	vst v62  }
0x10e: {  	v13 =	vmul.f32 v41, v13;
	[tilespmem:s8+$0xFFFFFF40] =	vst v63  }
0x10f: {  	v14 =	vmul.f32 v39, v14;
	[tilespmem:s8+$0xFFFFFF50] =	vst v12  }
0x110: {  	v39 =	vmul.f32 v16, v40;
	[tilespmem:s8+$0xFFFFFF70] =	vst v13  }
0x111: {  	v40 =	vmul.f32 v18, v53;
	[tilespmem:s8+$0xFFFFFF80] =	vst v14  }
0x112: {  	v41 =	vmul.f32 v17, v50;
	[tilespmem:s8+$0xFFFFFFA0] =	vst v39  }
0x113: {  	v50 =	vmul.f32 v20, v49;
	[tilespmem:s8+$0xFFFFFFB0] =	vst v40  }
0x114: {  	v53 =	vmul.f32 v48, v26;
	[tilespmem:s8+$0xFFFFFFC0] =	vst v41  }
0x115: {  	v54 =	vmul.f32 v47, v28;
	[tilespmem:s8+$0xFFFFFFE0] =	vst v50  }
0x116: {  	v55 =	vmul.f32 v30, v45;
	[tilespmem:s8+$0x10] =	vst v53  }
0x117: {  	v56 =	vmul.f32 v36, v46;
	[tilespmem:s8+$0x20] =	vst v54  }
0x118: {  	v57 =	vmul.f32 v32, v44;
	[tilespmem:s8+$0x30] =	vst v55  }
0x119: {  	v58 =	vmul.f32 v25, v42;
	[tilespmem:s8+$0x40] =	vst v56  }
0x11a: {  	v59 =	vmul.f32 v31, v38;
	[tilespmem:s8+$0x50] =	vst v57  }
0x11b: {  	v1 =	vmul.f32 v1, v21;
	[tilespmem:s8+$0x60] =	vst v58  }
0x11c: {  	v3 =	vmul.f32 v3, v22;
	[tilespmem:s8+$0x70] =	vst v59  }
0x11d: {  	v0 =	vmul.f32 v0, v23;
	[tilespmem:s8+$0x90] =	vst v1  }
0x11e: {  	v37 =	vmul.f32 v43, v15;
	[tilespmem:s8+$0xA0] =	vst v3  }
0x11f: {  	v43 =	vmul.f32 v19, v52;
	[tilespmem:s8+$0xB0] =	vst v0  }
0x120: {  	v52 =	vmul.f32 v51, v24;
	[tilespmem:s8+$0xFFFFFF90] =	vst v37  }
0x121: {  	v60 =	vmul.f32 v27, v2;
	[tilespmem:s8+$0xFFFFFFD0] =	vst v43  }
0x122: {  	v61 =	vmul.f32 v29, v5;
	[tilespmem:s8+$0x0] =	vst v52  }
0x123: {  	v62 =	vmul.f32 v33, v4;
	[tilespmem:s8+$0xC0] =	vst v60  }
0x124: {  	v63 =	vmul.f32 v34, v35;
	[tilespmem:s8+$0xD0] =	vst v61  }
0x125: {  	[tilespmem:s8+$0xE0] =	vst v62  }
0x126: {  	s18 =	simm.s32 $0x1;
	[tilespmem:s8+$0xF0] =	vst v63  }
0x127: {  	[spmem:s3] =	stream.indirect.scatter.add.f32 [tilespmem:s26], [sflag:$0x6], $0x90, s14, s20, $0xb8;
	[tilespmem:$0x1C610] =	vst v63  }
.LBB2_6:
0x128: {  	_ =	swait.ge [sflag:s24], $0x2D00  }
0x129: {  	[sflag:s24] =	ssyncset.done $0x0  }
0x12a: {  	[sflag:s24] =	ssyncadd.s32 $0xFFFFD300  }
0x12b: {  	_ =	swait.ge [sflag:s24], $0x500  }
0x12c: {  	[sflag:s24] =	ssyncset.done $0x0  }
0x12d: {  	[sflag:s24] =	ssyncadd.s32 $0xFFFFFB00  }
0x12e: {  	s28 =	sshll.u32 s18, $0x1;
	_ =	swait.ge [sflag:s30], $0x2D00  }
0x12f: {  	s8 =	sand.u32 $0x2, s28;
	[sflag:s30] =	ssyncset.done $0x0  }
0x130: {  	s8 =	smul.u32 $0x280, s8;
	[sflag:s30] =	ssyncadd.s32 $0xFFFFD300  }
0x131: {  	_ =	swait.ge [sflag:s25], $0xA0  }
0x132: {  	s13 =	sadd.s32 $0x2, s28;
	s10 =	sshrl.u32 s8, $0x2;
	[sflag:s25] =	ssyncset.done $0x0  }
0x133: {  	s11 =	sand.u32 $0x2, s13;
	s8 =	sadd.s32 $0xA0, s10;
	[sflag:s25] =	ssyncadd.s32 $0xFFFFFF60  }
0x134: {  	[tilespmem:s26], [sflag:$0x4] =	stream.indirect.gather [hbm4b:s5+s20], $0x90, s8, s20, $0xb8;
	[tilespmem:$0x1C610] =	vst v63  }
0x135: {  	s11 =	smul.u32 $0x280, s11;
	s8 =	sadd.s32 s7, s13  }
0x136: {  	s23 =	sadd.s32 $0xF0, s10;
	s12 =	smul.u32 $0x14, s8  }
0x137: {  	[tilespmem:s29], [sflag:$0x4] =	stream.indirect.gather [hbm4b:s6+s20], $0x10, s23, s20, $0xb8;
	[tilespmem:$0x1C610] =	vst v63  }
0x138: {  	s8 =	sshrl.u32 s11, $0x2;
	s11 =	simm.s32 $0xDA0;
	s14 =	sadd.s32 s1, s12  }
0x139: {  	[tilespmem:s8], [sflag:$0x1] =	stream.linear.gather [hbm4b:s14+s4], $0xA0, $0x38;
	[tilespmem:$0x1C610] =	vst v63  }
0x13a: {  	s12 =	simm.s32 $0x2A0;
	v0 =	vld [tilespmem:s11+$0x110]  }
0x13b: {  	v1 =	vld [tilespmem:s12+$0x10]  }
0x13c: {  	v3 =	vld [tilespmem:s11+$0xFFFFFFF0]  }
0x13d: {  	v4 =	vld [tilespmem:s12+$0xFFFFFFF0]  }
0x13e: {  	v5 =	vld [tilespmem:s11+$0x80]  }
0x13f: {  	v9 =	vld [tilespmem:s12+$0x0]  }
0x140: {  	v2 =	vld [tilespmem:s12+$0xFFFFFFE0];
	v0 =	vadd.f32 v1, v0  }
0x141: {  	v34 =	vld [tilespmem:s11+$0xFFFFFEE0]  }
0x142: {  	v6 =	vld [tilespmem:s11+$0xFFFFFEF0];
	v3 =	vadd.f32 v4, v3;
	v8 =	vmul.f32 $2.000000030e-01, v0  }
0x143: {  	v7 =	vld [tilespmem:s11+$0xFFFFFF00];
	vm0 =	vgt.f32 v0, $0.0e+00  }
0x144: {  	v1 =	vld [tilespmem:s11+$0xFFFFFF60];
	v4 =	vadd.f32 v9, v5;
	v5 =	vmul.f32 $2.000000030e-01, v3;
	v0 =	vsel vm0, v0, v8  }
0x145: {  	v10 =	vld [tilespmem:s11+$0xFFFFFF30];
	vm14 =	vgt.f32 v3, $0.0e+00;
	v0 =	vmul.f32 $1.442695020e+00, v0  }
0x146: {  	v11 =	vld [tilespmem:s11+$0xFFFFFF40];
	v3 =	vsel vm14, v3, v5  }
0x147: {  	v12 =	vld [tilespmem:s11+$0xFFFFFF50];
	v3 =	vmul.f32 $1.442695020e+00, v3;
	(erf) = vpow2.f32 v0  }
0x148: {  	v13 =	vld [tilespmem:s11+$0xFFFFFF70]  }
0x149: {  	v14 =	vld [tilespmem:s11+$0xFFFFFF80];
	v1 =	vadd.f32 v2, v1;
	(erf) = vpow2.f32 v3  }
0x14a: {  	v15 =	vld [tilespmem:s11+$0xFFFFFF90];
	v2 =	vmul.f32 $2.000000030e-01, v4  }
0x14b: {  	v16 =	vld [tilespmem:s11+$0xFFFFFFA0];
	vm1 =	vgt.f32 v4, $0.0e+00;
	v0 =	vmul.f32 $2.000000030e-01, v1  }
0x14c: {  	v18 =	vld [tilespmem:s11+$0xFFFFFFB0];
	vm15 =	vgt.f32 v1, $0.0e+00;
	v2 =	vsel vm1, v4, v2  }
0x14d: {  	v17 =	vld [tilespmem:s11+$0xFFFFFFC0];
	v0 =	vsel vm15, v1, v0;
	v1 =	vmul.f32 $1.442695020e+00, v2  }
0x14e: {  	v19 =	vld [tilespmem:s11+$0xFFFFFFD0];
	v0 =	vmul.f32 $1.442695020e+00, v0  }
0x14f: {  	v20 =	vld [tilespmem:s11+$0xFFFFFFE0];
	(erf) = vpow2.f32 v1  }
0x150: {  	v24 =	vld [tilespmem:s11+$0x0];
	(erf) = vpow2.f32 v0;
	v35 =	vpop (erf)  }
0x151: {  	v26 =	vld [tilespmem:s11+$0x10];
	v1 =	vbroadcast v35, $0x0;
	v5 =	vbroadcast v35, $0x7  }
0x152: {  	v4 =	vld [tilespmem:s11+$0x100];
	v3 =	vbroadcast v35, $0x1;
	v0 =	vbroadcast v35, $0x2;
	v33 =	vpop (erf)  }
0x153: {  	v28 =	vld [tilespmem:s11+$0x20];
	v2 =	vbroadcast v35, $0x3;
	v41 =	vbroadcast v33, $0x0  }
0x154: {  	v30 =	vld [tilespmem:s11+$0x30];
	v39 =	vbroadcast v33, $0x1;
	v43 =	vbroadcast v33, $0x2  }
0x155: {  	v36 =	vld [tilespmem:s11+$0x40];
	v40 =	vbroadcast v33, $0x3;
	v53 =	vbroadcast v33, $0x4  }
0x156: {  	v32 =	vld [tilespmem:s11+$0x50];
	v50 =	vbroadcast v33, $0x5;
	v52 =	vbroadcast v33, $0x6  }
0x157: {  	v25 =	vld [tilespmem:s11+$0x60];
	v49 =	vbroadcast v33, $0x7;
	v21 =	vmul.f32 v4, v5  }
0x158: {  	v22 =	vld [tilespmem:s11+$0xA0];
	v5 =	vbroadcast v35, $0x4;
	v4 =	vbroadcast v35, $0x5;
	v37 =	vpop (erf)  }
0x159: {  	v23 =	vld [tilespmem:s11+$0xB0];
	[tilespmem:s11+$0x110] =	vst v35;
	v35 =	vbroadcast v35, $0x6;
	v51 =	vbroadcast v37, $0x0  }
0x15a: {  	v27 =	vld [tilespmem:s11+$0xC0];
	v48 =	vbroadcast v37, $0x1;
	v47 =	vbroadcast v37, $0x2  }
0x15b: {  	v31 =	vld [tilespmem:s11+$0x70];
	v45 =	vbroadcast v37, $0x3;
	v46 =	vbroadcast v37, $0x4  }
0x15c: {  	v9 =	vld [tilespmem:s11+$0xFFFFFF20];
	v29 =	vpop (erf);
	v44 =	vbroadcast v37, $0x5;
	v42 =	vbroadcast v37, $0x6  }
0x15d: {  	v8 =	vld [tilespmem:s11+$0xFFFFFF10];
	v61 =	vbroadcast v29, $0x0;
	v57 =	vbroadcast v29, $0x1  }
0x15e: {  	[tilespmem:s11+$0xFFFFFFF0] =	vst v33;
	v33 =	vld [tilespmem:s11+$0xE0];
	v60 =	vbroadcast v29, $0x2;
	v56 =	vbroadcast v29, $0x3  }
0x15f: {  	[tilespmem:s11+$0x100] =	vst v21;
	v21 =	vld [tilespmem:s11+$0x90];
	v59 =	vbroadcast v29, $0x4;
	v55 =	vbroadcast v29, $0x5  }
0x160: {  	v58 =	vbroadcast v29, $0x6;
	v54 =	vbroadcast v29, $0x7;
	[tilespmem:s11+$0xFFFFFF60] =	vst v29;
	v29 =	vld [tilespmem:s11+$0xD0]  }
0x161: {  	s13 =	simm.s32 $0x0;
	s14 =	simm.s32 $0xFE0;
	v38 =	vbroadcast v37, $0x7;
	[tilespmem:s11+$0x80] =	vst v37;
	v37 =	vmul.f32 v61, v34;
	v34 =	vld [tilespmem:s11+$0xF0]  }
.LBB2_7:
0x162: {  	v61 =	vld [tilespmem:s14+$0x110];
	v6 =	vmul.f32 v57, v6;
	v7 =	vmul.f32 v60, v7;
	s12 =	sadd.s32 $0x40, s12  }
0x163: {  	s13 =	sadd.s32 $0x4, s13;
	v8 =	vmul.f32 v8, v56;
	v9 =	vmul.f32 v9, v59;
	v57 =	vld [tilespmem:s12+$0x10];
	[tilespmem:s11+$0xFFFFFEE0] =	vst v37  }
0x164: {  	p0 =	slt.u32 s13, $0x4C;
	v56 =	vld [tilespmem:s12+$0xFFFFFFE0];
	[tilespmem:s11+$0xFFFFFEF0] =	vst v6;
	v6 =	vmul.f32 v10, v55;
	v10 =	vmul.f32 v11, v58  }
0x165: {  	v11 =	vld [tilespmem:s14+$0xFFFFFFF0];
	[tilespmem:s11+$0xFFFFFF00] =	vst v7;
	v7 =	vmul.f32 v12, v54;
	v12 =	vmul.f32 v41, v13  }
0x166: {  	v13 =	vld [tilespmem:s12+$0xFFFFFFF0];
	[tilespmem:s11+$0xFFFFFF10] =	vst v8;
	v8 =	vmul.f32 v39, v14;
	v14 =	vmul.f32 v43, v15  }
0x167: {  	v16 =	vmul.f32 v16, v40;
	v18 =	vmul.f32 v18, v53;
	v15 =	vld [tilespmem:s14+$0x80];
	[tilespmem:s11+$0xFFFFFF20] =	vst v9  }
0x168: {  	v17 =	vmul.f32 v17, v50;
	v19 =	vmul.f32 v19, v52;
	v9 =	vld [tilespmem:s12+$0x0];
	v39 =	vadd.f32 v57, v61;
	[tilespmem:s11+$0xFFFFFF30] =	vst v6  }
0x169: {  	v20 =	vmul.f32 v20, v49;
	v24 =	vmul.f32 v51, v24;
	v40 =	vld [tilespmem:s14+$0xFFFFFF60];
	[tilespmem:s11+$0xFFFFFF40] =	vst v10  }
0x16a: {  	v26 =	vmul.f32 v48, v26;
	v37 =	vld [tilespmem:s14+$0xFFFFFEE0];
	v10 =	vmul.f32 $2.000000030e-01, v39;
	[tilespmem:s11+$0xFFFFFF50] =	vst v7  }
0x16b: {  	v28 =	vmul.f32 v47, v28;
	vm0 =	vgt.f32 v39, $0.0e+00;
	v6 =	vld [tilespmem:s14+$0xFFFFFEF0];
	v13 =	vadd.f32 v13, v11;
	[tilespmem:s11+$0xFFFFFF70] =	vst v12  }
0x16c: {  	v30 =	vmul.f32 v30, v45;
	v36 =	vmul.f32 v36, v46;
	v7 =	vld [tilespmem:s14+$0xFFFFFF00];
	v10 =	vsel vm0, v39, v10;
	[tilespmem:s11+$0xFFFFFF80] =	vst v8  }
0x16d: {  	v8 =	vld [tilespmem:s14+$0xFFFFFF10];
	v12 =	vmul.f32 $2.000000030e-01, v13;
	v15 =	vadd.f32 v9, v15;
	v11 =	vmul.f32 $1.442695020e+00, v10;
	[tilespmem:s11+$0xFFFFFF90] =	vst v14  }
0x16e: {  	v32 =	vmul.f32 v32, v44;
	vm0 =	vgt.f32 v13, $0.0e+00;
	v14 =	vadd.f32 v56, v40;
	v9 =	vld [tilespmem:s14+$0xFFFFFF20];
	[tilespmem:s11+$0xFFFFFFA0] =	vst v16  }
0x16f: {  	v10 =	vld [tilespmem:s14+$0xFFFFFF30];
	vm1 =	vgt.f32 v15, $0.0e+00;
	v16 =	vmul.f32 $2.000000030e-01, v15;
	(erf) = vpow2.f32 v11;
	[tilespmem:s11+$0xFFFFFFB0] =	vst v18  }
0x170: {  	v13 =	vsel vm0, v13, v12;
	vm2 =	vgt.f32 v14, $0.0e+00;
	v18 =	vmul.f32 $2.000000030e-01, v14;
	v11 =	vld [tilespmem:s14+$0xFFFFFF40];
	[tilespmem:s11+$0xFFFFFFC0] =	vst v17  }
0x171: {  	v25 =	vmul.f32 v25, v42;
	v17 =	vmul.f32 $1.442695020e+00, v13;
	v12 =	vld [tilespmem:s14+$0xFFFFFF50];
	v15 =	vsel vm1, v15, v16;
	[tilespmem:s11+$0xFFFFFFD0] =	vst v19  }
0x172: {  	v31 =	vmul.f32 v31, v38;
	v14 =	vsel vm2, v14, v18;
	v13 =	vld [tilespmem:s14+$0xFFFFFF70];
	v16 =	vmul.f32 $1.442695020e+00, v15;
	[tilespmem:s11+$0xFFFFFFE0] =	vst v20  }
0x173: {  	v18 =	vmul.f32 $1.442695020e+00, v14;
	v14 =	vld [tilespmem:s14+$0xFFFFFF80];
	(erf) = vpow2.f32 v17;
	[tilespmem:s11+$0x0] =	vst v24  }
0x174: {  	v21 =	vmul.f32 v1, v21;
	v15 =	vld [tilespmem:s14+$0xFFFFFF90];
	(erf) = vpow2.f32 v16;
	[tilespmem:s11+$0x10] =	vst v26  }
0x175: {  	v22 =	vmul.f32 v3, v22;
	v16 =	vld [tilespmem:s14+$0xFFFFFFA0];
	(erf) = vpow2.f32 v18;
	[tilespmem:s11+$0x20] =	vst v28  }
0x176: {  	v23 =	vmul.f32 v0, v23;
	v27 =	vmul.f32 v27, v2;
	v26 =	vld [tilespmem:s14+$0x100];
	[tilespmem:s11+$0x30] =	vst v30  }
0x177: {  	v29 =	vmul.f32 v29, v5;
	v33 =	vmul.f32 v33, v4;
	v18 =	vld [tilespmem:s14+$0xFFFFFFB0];
	[tilespmem:s11+$0x40] =	vst v36  }
0x178: {  	v34 =	vmul.f32 v34, v35;
	v17 =	vld [tilespmem:s14+$0xFFFFFFC0];
	v61 =	vpop (erf);
	[tilespmem:s11+$0x50] =	vst v32  }
0x179: {  	v19 =	vld [tilespmem:s14+$0xFFFFFFD0];
	v1 =	vbroadcast v61, $0x0;
	v4 =	vbroadcast v61, $0x7;
	[tilespmem:s11+$0x60] =	vst v25  }
0x17a: {  	v3 =	vbroadcast v61, $0x1;
	v0 =	vbroadcast v61, $0x2;
	v20 =	vld [tilespmem:s14+$0xFFFFFFE0];
	[tilespmem:s11+$0x70] =	vst v31  }
0x17b: {  	v2 =	vbroadcast v61, $0x3;
	v24 =	vld [tilespmem:s14+$0x0];
	v25 =	vmul.f32 v26, v4;
	[tilespmem:s11+$0x90] =	vst v21  }
0x17c: {  	v5 =	vbroadcast v61, $0x4;
	v4 =	vbroadcast v61, $0x5;
	v26 =	vld [tilespmem:s14+$0x10];
	v35 =	vpop (erf);
	[tilespmem:s11+$0xA0] =	vst v22  }
0x17d: {  	v41 =	vbroadcast v35, $0x0;
	v39 =	vbroadcast v35, $0x1;
	v28 =	vld [tilespmem:s14+$0x20];
	[tilespmem:s14+$0x100] =	vst v25;
	v38 =	vpop (erf)  }
0x17e: {  	v43 =	vbroadcast v35, $0x2;
	v40 =	vbroadcast v35, $0x3;
	v30 =	vld [tilespmem:s14+$0x30];
	v21 =	vpop (erf);
	[tilespmem:s11+$0xB0] =	vst v23  }
0x17f: {  	v62 =	vbroadcast v21, $0x0;
	v57 =	vbroadcast v21, $0x1;
	v36 =	vld [tilespmem:s14+$0x40];
	[tilespmem:s11+$0xC0] =	vst v27  }
0x180: {  	v60 =	vbroadcast v21, $0x2;
	v56 =	vbroadcast v21, $0x3;
	v32 =	vld [tilespmem:s14+$0x50];
	[tilespmem:s11+$0xD0] =	vst v29  }
0x181: {  	v59 =	vbroadcast v21, $0x4;
	v55 =	vbroadcast v21, $0x5;
	v25 =	vld [tilespmem:s14+$0x60];
	[tilespmem:s11+$0xE0] =	vst v33  }
0x182: {  	v58 =	vbroadcast v21, $0x6;
	v54 =	vbroadcast v21, $0x7;
	v31 =	vld [tilespmem:s14+$0x70];
	[tilespmem:s11+$0xF0] =	vst v34;
	s11 =	smov.u32 s14  }
0x183: {  	v53 =	vbroadcast v35, $0x4;
	v50 =	vbroadcast v35, $0x5;
	[tilespmem:s14+$0xFFFFFF60] =	vst v21;
	v21 =	vld [tilespmem:s14+$0x90]  }
0x184: {  	v52 =	vbroadcast v35, $0x6;
	v49 =	vbroadcast v35, $0x7;
	[tilespmem:s14+$0xFFFFFFF0] =	vst v35;
	v22 =	vld [tilespmem:s14+$0xA0]  }
.Ltmp2:
0x185: {  	v51 =	vbroadcast v38, $0x0;
	v48 =	vbroadcast v38, $0x1;
	[tilespmem:s14+$0x80] =	vst v38;
	v23 =	vld [tilespmem:s14+$0xB0];
	(pc) =	sbr.rel @p0 .LBB2_7-.Ltmp2, $4  }
0x186: {  	v47 =	vbroadcast v38, $0x2;
	v45 =	vbroadcast v38, $0x3;
	v27 =	vld [tilespmem:s14+$0xC0];
	[tilespmem:s14+$0x110] =	vst v61  }
0x187: {  	v46 =	vbroadcast v38, $0x4;
	v44 =	vbroadcast v38, $0x5;
	v29 =	vld [tilespmem:s14+$0xD0]  }
0x188: {  	v42 =	vbroadcast v38, $0x6;
	v38 =	vbroadcast v38, $0x7;
	v33 =	vld [tilespmem:s14+$0xE0]  }
0x189: {  	v37 =	vmul.f32 v62, v37;
	v35 =	vbroadcast v61, $0x6;
	s14 =	sadd.s32 $0x240, s14;
	v34 =	vld [tilespmem:s11+$0xF0]  }
0x18a: {  	v6 =	vmul.f32 v57, v6  }
0x18b: {  	v7 =	vmul.f32 v60, v7;
	[tilespmem:s11+$0xFFFFFEE0] =	vst v37  }
0x18c: {  	v8 =	vmul.f32 v8, v56;
	[tilespmem:s11+$0xFFFFFEF0] =	vst v6  }
0x18d: {  	v1 =	vmul.f32 v1, v21;
	[tilespmem:s11+$0xFFFFFF00] =	vst v7  }
0x18e: {  	v3 =	vmul.f32 v3, v22;
	[tilespmem:s11+$0xFFFFFF10] =	vst v8  }
0x18f: {  	v0 =	vmul.f32 v0, v23;
	[tilespmem:s11+$0x90] =	vst v1  }
0x190: {  	v6 =	vmul.f32 v9, v59;
	[tilespmem:s11+$0xA0] =	vst v3  }
0x191: {  	v7 =	vmul.f32 v10, v55;
	[tilespmem:s11+$0xB0] =	vst v0  }
0x192: {  	v8 =	vmul.f32 v11, v58;
	[tilespmem:s11+$0xFFFFFF20] =	vst v6  }
0x193: {  	v1 =	vmul.f32 v27, v2;
	[tilespmem:s11+$0xFFFFFF30] =	vst v7  }
0x194: {  	v2 =	vmul.f32 v29, v5;
	[tilespmem:s11+$0xFFFFFF40] =	vst v8  }
0x195: {  	v0 =	vmul.f32 v33, v4;
	[tilespmem:s11+$0xC0] =	vst v1  }
0x196: {  	v6 =	vmul.f32 v12, v54;
	[tilespmem:s11+$0xD0] =	vst v2  }
0x197: {  	v7 =	vmul.f32 v41, v13;
	[tilespmem:s11+$0xE0] =	vst v0  }
0x198: {  	v8 =	vmul.f32 v39, v14;
	[tilespmem:s11+$0xFFFFFF50] =	vst v6  }
0x199: {  	v1 =	vmul.f32 v34, v35;
	[tilespmem:s11+$0xFFFFFF70] =	vst v7  }
0x19a: {  	v6 =	vmul.f32 v43, v15;
	[tilespmem:s11+$0xFFFFFF80] =	vst v8  }
0x19b: {  	v7 =	vmul.f32 v16, v40;
	[tilespmem:s11+$0xF0] =	vst v1  }
0x19c: {  	v8 =	vmul.f32 v18, v53;
	[tilespmem:s11+$0xFFFFFF90] =	vst v6  }
0x19d: {  	v6 =	vmul.f32 v17, v50;
	[tilespmem:s11+$0xFFFFFFA0] =	vst v7  }
0x19e: {  	v7 =	vmul.f32 v19, v52;
	[tilespmem:s11+$0xFFFFFFB0] =	vst v8  }
0x19f: {  	v8 =	vmul.f32 v20, v49;
	[tilespmem:s11+$0xFFFFFFC0] =	vst v6  }
0x1a0: {  	v6 =	vmul.f32 v51, v24;
	[tilespmem:s11+$0xFFFFFFD0] =	vst v7  }
0x1a1: {  	v7 =	vmul.f32 v48, v26;
	[tilespmem:s11+$0xFFFFFFE0] =	vst v8  }
0x1a2: {  	v8 =	vmul.f32 v47, v28;
	[tilespmem:s11+$0x0] =	vst v6  }
0x1a3: {  	v6 =	vmul.f32 v30, v45;
	[tilespmem:s11+$0x10] =	vst v7  }
0x1a4: {  	v7 =	vmul.f32 v36, v46;
	[tilespmem:s11+$0x20] =	vst v8  }
0x1a5: {  	v8 =	vmul.f32 v32, v44;
	[tilespmem:s11+$0x30] =	vst v6  }
0x1a6: {  	v6 =	vmul.f32 v25, v42;
	[tilespmem:s11+$0x40] =	vst v7  }
0x1a7: {  	v7 =	vmul.f32 v31, v38;
	[tilespmem:s11+$0x50] =	vst v8  }
0x1a8: {  	[tilespmem:s11+$0x60] =	vst v6  }
0x1a9: {  	s10 =	sadd.s32 $0x50, s10;
	[tilespmem:s11+$0x70] =	vst v7  }
0x1aa: {  	[spmem:s3] =	stream.indirect.scatter.add.f32 [tilespmem:s21], [sflag:$0x5], $0x90, s10, s20, $0xb8;
	[tilespmem:$0x1C610] =	vst v63  }
0x1ab: {  	_ =	swait.ge [sflag:s31], $0x2D00  }
0x1ac: {  	[sflag:s31] =	ssyncset.done $0x0  }
0x1ad: {  	[sflag:s31] =	ssyncadd.s32 $0xFFFFD300  }
0x1ae: {  	_ =	swait.ge [sflag:s31], $0x500  }
0x1af: {  	[sflag:s31] =	ssyncset.done $0x0  }
0x1b0: {  	[sflag:s31] =	ssyncadd.s32 $0xFFFFFB00  }
0x1b1: {  	_ =	swait.ge [sflag:s0], $0x2D00  }
0x1b2: {  	[sflag:s0] =	ssyncset.done $0x0  }
0x1b3: {  	[sflag:s0] =	ssyncadd.s32 $0xFFFFD300  }
0x1b4: {  	s12 =	sadd.s32 $0x3, s28;
	_ =	swait.ge [sflag:s19], $0xA0  }
0x1b5: {  	s13 =	sand.u32 $0x3, s12;
	[sflag:s19] =	ssyncset.done $0x0  }
0x1b6: {  	s11 =	smul.u32 $0x280, s13;
	s10 =	sadd.s32 s7, s12;
	[sflag:s19] =	ssyncadd.s32 $0xFFFFFF60  }
0x1b7: {  	[tilespmem:s21], [sflag:$0x3] =	stream.indirect.gather [hbm4b:s5+s20], $0x90, s8, s20, $0xb8;
	[tilespmem:$0x1C610] =	vst v63  }
0x1b8: {  	s14 =	sadd.s32 $0x50, s8;
	s10 =	smul.u32 $0x14, s10  }
0x1b9: {  	[tilespmem:s22], [sflag:$0x3] =	stream.indirect.gather [hbm4b:s6+s20], $0x10, s14, s20, $0xb8;
	[tilespmem:$0x1C610] =	vst v63  }
0x1ba: {  	s28 =	sshrl.u32 s11, $0x2;
	s10 =	sadd.s32 s1, s10;
	s8 =	simm.s32 $0x3AA0  }
0x1bb: {  	[tilespmem:s28], [sflag:$0x2] =	stream.linear.gather [hbm4b:s10+s4], $0xA0, $0x38;
	[tilespmem:$0x1C610] =	vst v63  }
0x1bc: {  	s10 =	simm.s32 $0x7A0;
	v0 =	vld [tilespmem:s8+$0x110]  }
0x1bd: {  	v1 =	vld [tilespmem:s10+$0x10]  }
0x1be: {  	v3 =	vld [tilespmem:s8+$0xFFFFFFF0]  }
0x1bf: {  	v4 =	vld [tilespmem:s10+$0xFFFFFFF0]  }
0x1c0: {  	v5 =	vld [tilespmem:s8+$0x80]  }
0x1c1: {  	v9 =	vld [tilespmem:s10+$0x0]  }
0x1c2: {  	v2 =	vld [tilespmem:s10+$0xFFFFFFE0];
	v0 =	vadd.f32 v1, v0  }
0x1c3: {  	v34 =	vld [tilespmem:s8+$0xFFFFFEE0]  }
0x1c4: {  	v6 =	vld [tilespmem:s8+$0xFFFFFEF0];
	v3 =	vadd.f32 v4, v3;
	v8 =	vmul.f32 $2.000000030e-01, v0  }
0x1c5: {  	v7 =	vld [tilespmem:s8+$0xFFFFFF00];
	vm0 =	vgt.f32 v0, $0.0e+00  }
0x1c6: {  	v1 =	vld [tilespmem:s8+$0xFFFFFF60];
	v4 =	vadd.f32 v9, v5;
	v5 =	vmul.f32 $2.000000030e-01, v3;
	v0 =	vsel vm0, v0, v8  }
0x1c7: {  	v10 =	vld [tilespmem:s8+$0xFFFFFF30];
	vm14 =	vgt.f32 v3, $0.0e+00;
	v0 =	vmul.f32 $1.442695020e+00, v0  }
0x1c8: {  	v11 =	vld [tilespmem:s8+$0xFFFFFF40];
	v3 =	vsel vm14, v3, v5  }
0x1c9: {  	v12 =	vld [tilespmem:s8+$0xFFFFFF50];
	v3 =	vmul.f32 $1.442695020e+00, v3;
	(erf) = vpow2.f32 v0  }
0x1ca: {  	v13 =	vld [tilespmem:s8+$0xFFFFFF70]  }
0x1cb: {  	v14 =	vld [tilespmem:s8+$0xFFFFFF80];
	v1 =	vadd.f32 v2, v1;
	(erf) = vpow2.f32 v3  }
0x1cc: {  	v15 =	vld [tilespmem:s8+$0xFFFFFF90];
	v2 =	vmul.f32 $2.000000030e-01, v4  }
0x1cd: {  	v16 =	vld [tilespmem:s8+$0xFFFFFFA0];
	vm1 =	vgt.f32 v4, $0.0e+00;
	v0 =	vmul.f32 $2.000000030e-01, v1  }
0x1ce: {  	v18 =	vld [tilespmem:s8+$0xFFFFFFB0];
	vm15 =	vgt.f32 v1, $0.0e+00;
	v2 =	vsel vm1, v4, v2  }
0x1cf: {  	v17 =	vld [tilespmem:s8+$0xFFFFFFC0];
	v0 =	vsel vm15, v1, v0;
	v1 =	vmul.f32 $1.442695020e+00, v2  }
0x1d0: {  	v19 =	vld [tilespmem:s8+$0xFFFFFFD0];
	v0 =	vmul.f32 $1.442695020e+00, v0  }
0x1d1: {  	v20 =	vld [tilespmem:s8+$0xFFFFFFE0];
	(erf) = vpow2.f32 v1  }
0x1d2: {  	v24 =	vld [tilespmem:s8+$0x0];
	(erf) = vpow2.f32 v0;
	v35 =	vpop (erf)  }
0x1d3: {  	v26 =	vld [tilespmem:s8+$0x10];
	v1 =	vbroadcast v35, $0x0;
	v5 =	vbroadcast v35, $0x7  }
0x1d4: {  	v4 =	vld [tilespmem:s8+$0x100];
	v3 =	vbroadcast v35, $0x1;
	v0 =	vbroadcast v35, $0x2;
	v33 =	vpop (erf)  }
0x1d5: {  	v28 =	vld [tilespmem:s8+$0x20];
	v2 =	vbroadcast v35, $0x3;
	v41 =	vbroadcast v33, $0x0  }
0x1d6: {  	v30 =	vld [tilespmem:s8+$0x30];
	v39 =	vbroadcast v33, $0x1;
	v43 =	vbroadcast v33, $0x2  }
0x1d7: {  	v36 =	vld [tilespmem:s8+$0x40];
	v40 =	vbroadcast v33, $0x3;
	v53 =	vbroadcast v33, $0x4  }
0x1d8: {  	v32 =	vld [tilespmem:s8+$0x50];
	v50 =	vbroadcast v33, $0x5;
	v52 =	vbroadcast v33, $0x6  }
0x1d9: {  	v25 =	vld [tilespmem:s8+$0x60];
	v49 =	vbroadcast v33, $0x7;
	v21 =	vmul.f32 v4, v5  }
0x1da: {  	v22 =	vld [tilespmem:s8+$0xA0];
	v5 =	vbroadcast v35, $0x4;
	v4 =	vbroadcast v35, $0x5;
	v37 =	vpop (erf)  }
0x1db: {  	v23 =	vld [tilespmem:s8+$0xB0];
	[tilespmem:s8+$0x110] =	vst v35;
	v35 =	vbroadcast v35, $0x6;
	v51 =	vbroadcast v37, $0x0  }
0x1dc: {  	v27 =	vld [tilespmem:s8+$0xC0];
	v48 =	vbroadcast v37, $0x1;
	v47 =	vbroadcast v37, $0x2  }
0x1dd: {  	v31 =	vld [tilespmem:s8+$0x70];
	v45 =	vbroadcast v37, $0x3;
	v46 =	vbroadcast v37, $0x4  }
0x1de: {  	v9 =	vld [tilespmem:s8+$0xFFFFFF20];
	v29 =	vpop (erf);
	v44 =	vbroadcast v37, $0x5;
	v42 =	vbroadcast v37, $0x6  }
0x1df: {  	v8 =	vld [tilespmem:s8+$0xFFFFFF10];
	v61 =	vbroadcast v29, $0x0;
	v57 =	vbroadcast v29, $0x1  }
0x1e0: {  	[tilespmem:s8+$0xFFFFFFF0] =	vst v33;
	v33 =	vld [tilespmem:s8+$0xE0];
	v60 =	vbroadcast v29, $0x2;
	v56 =	vbroadcast v29, $0x3  }
0x1e1: {  	[tilespmem:s8+$0x100] =	vst v21;
	v21 =	vld [tilespmem:s8+$0x90];
	v59 =	vbroadcast v29, $0x4;
	v55 =	vbroadcast v29, $0x5  }
0x1e2: {  	v58 =	vbroadcast v29, $0x6;
	v54 =	vbroadcast v29, $0x7;
	[tilespmem:s8+$0xFFFFFF60] =	vst v29;
	v29 =	vld [tilespmem:s8+$0xD0]  }
0x1e3: {  	s12 =	simm.s32 $0x3CE0;
	s11 =	simm.s32 $0x0;
	v38 =	vbroadcast v37, $0x7;
	[tilespmem:s8+$0x80] =	vst v37;
	v37 =	vmul.f32 v61, v34;
	v34 =	vld [tilespmem:s8+$0xF0]  }
.LBB2_9:
0x1e4: {  	v61 =	vld [tilespmem:s12+$0x110];
	v6 =	vmul.f32 v57, v6;
	v7 =	vmul.f32 v60, v7;
	s10 =	sadd.s32 $0x40, s10  }
0x1e5: {  	s11 =	sadd.s32 $0x4, s11;
	v8 =	vmul.f32 v8, v56;
	v9 =	vmul.f32 v9, v59;
	v57 =	vld [tilespmem:s10+$0x10];
	[tilespmem:s8+$0xFFFFFEE0] =	vst v37  }
0x1e6: {  	p0 =	slt.u32 s11, $0x4C;
	v56 =	vld [tilespmem:s10+$0xFFFFFFE0];
	[tilespmem:s8+$0xFFFFFEF0] =	vst v6;
	v6 =	vmul.f32 v10, v55;
	v10 =	vmul.f32 v11, v58  }
0x1e7: {  	v11 =	vld [tilespmem:s12+$0xFFFFFFF0];
	[tilespmem:s8+$0xFFFFFF00] =	vst v7;
	v7 =	vmul.f32 v12, v54;
	v12 =	vmul.f32 v41, v13  }
0x1e8: {  	v13 =	vld [tilespmem:s10+$0xFFFFFFF0];
	[tilespmem:s8+$0xFFFFFF10] =	vst v8;
	v8 =	vmul.f32 v39, v14;
	v14 =	vmul.f32 v43, v15  }
0x1e9: {  	v16 =	vmul.f32 v16, v40;
	v18 =	vmul.f32 v18, v53;
	v15 =	vld [tilespmem:s12+$0x80];
	[tilespmem:s8+$0xFFFFFF20] =	vst v9  }
0x1ea: {  	v17 =	vmul.f32 v17, v50;
	v19 =	vmul.f32 v19, v52;
	v9 =	vld [tilespmem:s10+$0x0];
	v39 =	vadd.f32 v57, v61;
	[tilespmem:s8+$0xFFFFFF30] =	vst v6  }
0x1eb: {  	v20 =	vmul.f32 v20, v49;
	v24 =	vmul.f32 v51, v24;
	v40 =	vld [tilespmem:s12+$0xFFFFFF60];
	[tilespmem:s8+$0xFFFFFF40] =	vst v10  }
0x1ec: {  	v26 =	vmul.f32 v48, v26;
	v37 =	vld [tilespmem:s12+$0xFFFFFEE0];
	v10 =	vmul.f32 $2.000000030e-01, v39;
	[tilespmem:s8+$0xFFFFFF50] =	vst v7  }
0x1ed: {  	v28 =	vmul.f32 v47, v28;
	vm0 =	vgt.f32 v39, $0.0e+00;
	v6 =	vld [tilespmem:s12+$0xFFFFFEF0];
	v13 =	vadd.f32 v13, v11;
	[tilespmem:s8+$0xFFFFFF70] =	vst v12  }
0x1ee: {  	v30 =	vmul.f32 v30, v45;
	v36 =	vmul.f32 v36, v46;
	v7 =	vld [tilespmem:s12+$0xFFFFFF00];
	v10 =	vsel vm0, v39, v10;
	[tilespmem:s8+$0xFFFFFF80] =	vst v8  }
0x1ef: {  	v8 =	vld [tilespmem:s12+$0xFFFFFF10];
	v12 =	vmul.f32 $2.000000030e-01, v13;
	v15 =	vadd.f32 v9, v15;
	v11 =	vmul.f32 $1.442695020e+00, v10;
	[tilespmem:s8+$0xFFFFFF90] =	vst v14  }
0x1f0: {  	v32 =	vmul.f32 v32, v44;
	vm0 =	vgt.f32 v13, $0.0e+00;
	v14 =	vadd.f32 v56, v40;
	v9 =	vld [tilespmem:s12+$0xFFFFFF20];
	[tilespmem:s8+$0xFFFFFFA0] =	vst v16  }
0x1f1: {  	v10 =	vld [tilespmem:s12+$0xFFFFFF30];
	vm1 =	vgt.f32 v15, $0.0e+00;
	v16 =	vmul.f32 $2.000000030e-01, v15;
	(erf) = vpow2.f32 v11;
	[tilespmem:s8+$0xFFFFFFB0] =	vst v18  }
0x1f2: {  	v13 =	vsel vm0, v13, v12;
	vm2 =	vgt.f32 v14, $0.0e+00;
	v18 =	vmul.f32 $2.000000030e-01, v14;
	v11 =	vld [tilespmem:s12+$0xFFFFFF40];
	[tilespmem:s8+$0xFFFFFFC0] =	vst v17  }
0x1f3: {  	v25 =	vmul.f32 v25, v42;
	v17 =	vmul.f32 $1.442695020e+00, v13;
	v12 =	vld [tilespmem:s12+$0xFFFFFF50];
	v15 =	vsel vm1, v15, v16;
	[tilespmem:s8+$0xFFFFFFD0] =	vst v19  }
0x1f4: {  	v31 =	vmul.f32 v31, v38;
	v14 =	vsel vm2, v14, v18;
	v13 =	vld [tilespmem:s12+$0xFFFFFF70];
	v16 =	vmul.f32 $1.442695020e+00, v15;
	[tilespmem:s8+$0xFFFFFFE0] =	vst v20  }
0x1f5: {  	v18 =	vmul.f32 $1.442695020e+00, v14;
	v14 =	vld [tilespmem:s12+$0xFFFFFF80];
	(erf) = vpow2.f32 v17;
	[tilespmem:s8+$0x0] =	vst v24  }
0x1f6: {  	v21 =	vmul.f32 v1, v21;
	v15 =	vld [tilespmem:s12+$0xFFFFFF90];
	(erf) = vpow2.f32 v16;
	[tilespmem:s8+$0x10] =	vst v26  }
0x1f7: {  	v22 =	vmul.f32 v3, v22;
	v16 =	vld [tilespmem:s12+$0xFFFFFFA0];
	(erf) = vpow2.f32 v18;
	[tilespmem:s8+$0x20] =	vst v28  }
0x1f8: {  	v23 =	vmul.f32 v0, v23;
	v27 =	vmul.f32 v27, v2;
	v26 =	vld [tilespmem:s12+$0x100];
	[tilespmem:s8+$0x30] =	vst v30  }
0x1f9: {  	v29 =	vmul.f32 v29, v5;
	v33 =	vmul.f32 v33, v4;
	v18 =	vld [tilespmem:s12+$0xFFFFFFB0];
	[tilespmem:s8+$0x40] =	vst v36  }
0x1fa: {  	v34 =	vmul.f32 v34, v35;
	v17 =	vld [tilespmem:s12+$0xFFFFFFC0];
	v61 =	vpop (erf);
	[tilespmem:s8+$0x50] =	vst v32  }
0x1fb: {  	v19 =	vld [tilespmem:s12+$0xFFFFFFD0];
	v1 =	vbroadcast v61, $0x0;
	v4 =	vbroadcast v61, $0x7;
	[tilespmem:s8+$0x60] =	vst v25  }
0x1fc: {  	v3 =	vbroadcast v61, $0x1;
	v0 =	vbroadcast v61, $0x2;
	v20 =	vld [tilespmem:s12+$0xFFFFFFE0];
	[tilespmem:s8+$0x70] =	vst v31  }
0x1fd: {  	v2 =	vbroadcast v61, $0x3;
	v24 =	vld [tilespmem:s12+$0x0];
	v25 =	vmul.f32 v26, v4;
	[tilespmem:s8+$0x90] =	vst v21  }
0x1fe: {  	v5 =	vbroadcast v61, $0x4;
	v4 =	vbroadcast v61, $0x5;
	v26 =	vld [tilespmem:s12+$0x10];
	v35 =	vpop (erf);
	[tilespmem:s8+$0xA0] =	vst v22  }
0x1ff: {  	v41 =	vbroadcast v35, $0x0;
	v39 =	vbroadcast v35, $0x1;
	v28 =	vld [tilespmem:s12+$0x20];
	[tilespmem:s12+$0x100] =	vst v25;
	v38 =	vpop (erf)  }
0x200: {  	v43 =	vbroadcast v35, $0x2;
	v40 =	vbroadcast v35, $0x3;
	v30 =	vld [tilespmem:s12+$0x30];
	v21 =	vpop (erf);
	[tilespmem:s8+$0xB0] =	vst v23  }
0x201: {  	v62 =	vbroadcast v21, $0x0;
	v57 =	vbroadcast v21, $0x1;
	v36 =	vld [tilespmem:s12+$0x40];
	[tilespmem:s8+$0xC0] =	vst v27  }
0x202: {  	v60 =	vbroadcast v21, $0x2;
	v56 =	vbroadcast v21, $0x3;
	v32 =	vld [tilespmem:s12+$0x50];
	[tilespmem:s8+$0xD0] =	vst v29  }
0x203: {  	v59 =	vbroadcast v21, $0x4;
	v55 =	vbroadcast v21, $0x5;
	v25 =	vld [tilespmem:s12+$0x60];
	[tilespmem:s8+$0xE0] =	vst v33  }
0x204: {  	v58 =	vbroadcast v21, $0x6;
	v54 =	vbroadcast v21, $0x7;
	v31 =	vld [tilespmem:s12+$0x70];
	[tilespmem:s8+$0xF0] =	vst v34;
	s8 =	smov.u32 s12  }
0x205: {  	v53 =	vbroadcast v35, $0x4;
	v50 =	vbroadcast v35, $0x5;
	[tilespmem:s12+$0xFFFFFF60] =	vst v21;
	v21 =	vld [tilespmem:s12+$0x90]  }
0x206: {  	v52 =	vbroadcast v35, $0x6;
	v49 =	vbroadcast v35, $0x7;
	[tilespmem:s12+$0xFFFFFFF0] =	vst v35;
	v22 =	vld [tilespmem:s12+$0xA0]  }
.Ltmp3:
0x207: {  	v51 =	vbroadcast v38, $0x0;
	v48 =	vbroadcast v38, $0x1;
	[tilespmem:s12+$0x80] =	vst v38;
	v23 =	vld [tilespmem:s12+$0xB0];
	(pc) =	sbr.rel @p0 .LBB2_9-.Ltmp3, $4  }
0x208: {  	v47 =	vbroadcast v38, $0x2;
	v45 =	vbroadcast v38, $0x3;
	v27 =	vld [tilespmem:s12+$0xC0];
	[tilespmem:s12+$0x110] =	vst v61  }
0x209: {  	v46 =	vbroadcast v38, $0x4;
	v44 =	vbroadcast v38, $0x5;
	v29 =	vld [tilespmem:s12+$0xD0]  }
0x20a: {  	v42 =	vbroadcast v38, $0x6;
	v38 =	vbroadcast v38, $0x7;
	v33 =	vld [tilespmem:s12+$0xE0]  }
0x20b: {  	v37 =	vmul.f32 v62, v37;
	v35 =	vbroadcast v61, $0x6;
	s12 =	sadd.s32 $0x240, s12;
	v34 =	vld [tilespmem:s8+$0xF0]  }
0x20c: {  	v6 =	vmul.f32 v57, v6  }
0x20d: {  	v7 =	vmul.f32 v60, v7;
	[tilespmem:s8+$0xFFFFFEE0] =	vst v37  }
0x20e: {  	v8 =	vmul.f32 v8, v56;
	[tilespmem:s8+$0xFFFFFEF0] =	vst v6  }
0x20f: {  	v61 =	vmul.f32 v9, v59;
	[tilespmem:s8+$0xFFFFFF00] =	vst v7  }
0x210: {  	v62 =	vmul.f32 v10, v55;
	[tilespmem:s8+$0xFFFFFF10] =	vst v8  }
0x211: {  	v63 =	vmul.f32 v11, v58;
	[tilespmem:s8+$0xFFFFFF20] =	vst v61  }
0x212: {  	v12 =	vmul.f32 v12, v54;
	[tilespmem:s8+$0xFFFFFF30] =	vst v62  }
0x213: {  	v13 =	vmul.f32 v41, v13;
	[tilespmem:s8+$0xFFFFFF40] =	vst v63  }
0x214: {  	v14 =	vmul.f32 v39, v14;
	[tilespmem:s8+$0xFFFFFF50] =	vst v12  }
0x215: {  	v39 =	vmul.f32 v16, v40;
	[tilespmem:s8+$0xFFFFFF70] =	vst v13  }
0x216: {  	v40 =	vmul.f32 v18, v53;
	[tilespmem:s8+$0xFFFFFF80] =	vst v14  }
0x217: {  	v41 =	vmul.f32 v17, v50;
	[tilespmem:s8+$0xFFFFFFA0] =	vst v39  }
0x218: {  	v50 =	vmul.f32 v20, v49;
	[tilespmem:s8+$0xFFFFFFB0] =	vst v40  }
0x219: {  	v53 =	vmul.f32 v48, v26;
	[tilespmem:s8+$0xFFFFFFC0] =	vst v41  }
0x21a: {  	v54 =	vmul.f32 v47, v28;
	[tilespmem:s8+$0xFFFFFFE0] =	vst v50  }
0x21b: {  	v55 =	vmul.f32 v30, v45;
	[tilespmem:s8+$0x10] =	vst v53  }
0x21c: {  	v56 =	vmul.f32 v36, v46;
	[tilespmem:s8+$0x20] =	vst v54  }
0x21d: {  	v57 =	vmul.f32 v32, v44;
	[tilespmem:s8+$0x30] =	vst v55  }
0x21e: {  	v58 =	vmul.f32 v25, v42;
	[tilespmem:s8+$0x40] =	vst v56  }
0x21f: {  	v59 =	vmul.f32 v31, v38;
	[tilespmem:s8+$0x50] =	vst v57  }
0x220: {  	v1 =	vmul.f32 v1, v21;
	[tilespmem:s8+$0x60] =	vst v58  }
0x221: {  	v3 =	vmul.f32 v3, v22;
	[tilespmem:s8+$0x70] =	vst v59  }
0x222: {  	v0 =	vmul.f32 v0, v23;
	[tilespmem:s8+$0x90] =	vst v1  }
0x223: {  	v37 =	vmul.f32 v43, v15;
	[tilespmem:s8+$0xA0] =	vst v3  }
0x224: {  	v43 =	vmul.f32 v19, v52;
	[tilespmem:s8+$0xB0] =	vst v0  }
0x225: {  	v52 =	vmul.f32 v51, v24;
	[tilespmem:s8+$0xFFFFFF90] =	vst v37  }
0x226: {  	s18 =	sadd.s32 $0x1, s18;
	v60 =	vmul.f32 v27, v2;
	[tilespmem:s8+$0xFFFFFFD0] =	vst v43  }
0x227: {  	p0 =	sne.s32 s18, $0x3E;
	v61 =	vmul.f32 v29, v5;
	[tilespmem:s8+$0x0] =	vst v52  }
.Ltmp4:
0x228: {  	v62 =	vmul.f32 v33, v4;
	[tilespmem:s8+$0xC0] =	vst v60;
	(pc) =	sbr.rel @p0 .LBB2_6-.Ltmp4, $4  }
0x229: {  	v63 =	vmul.f32 v34, v35;
	[tilespmem:s8+$0xD0] =	vst v61  }
0x22a: {  	[tilespmem:s8+$0xE0] =	vst v62  }
0x22b: {  	[tilespmem:s8+$0xF0] =	vst v63  }
0x22c: {  	[spmem:s3] =	stream.indirect.scatter.add.f32 [tilespmem:s26], [sflag:$0x6], $0x90, s23, s20, $0xb8;
	[tilespmem:$0x1C610] =	vst v63  }
0x22d: {  	_ =	swait.ge [sflag:s24], $0x2D00  }
0x22e: {  	[sflag:s24] =	ssyncset.done $0x0  }
0x22f: {  	[sflag:s24] =	ssyncadd.s32 $0xFFFFD300  }
0x230: {  	_ =	swait.ge [sflag:s24], $0x500  }
0x231: {  	[sflag:s24] =	ssyncset.done $0x0  }
0x232: {  	[sflag:s24] =	ssyncadd.s32 $0xFFFFFB00  }
0x233: {  	_ =	swait.ge [sflag:s30], $0x2D00  }
0x234: {  	[sflag:s30] =	ssyncset.done $0x0  }
0x235: {  	s8 =	simm.s32 $0xDA0;
	[sflag:s30] =	ssyncadd.s32 $0xFFFFD300  }
0x236: {  	s10 =	simm.s32 $0x2A0;
	v0 =	vld [tilespmem:s8+$0x110]  }
0x237: {  	v1 =	vld [tilespmem:s10+$0x10]  }
0x238: {  	v3 =	vld [tilespmem:s8+$0xFFFFFFF0]  }
0x239: {  	v4 =	vld [tilespmem:s10+$0xFFFFFFF0]  }
0x23a: {  	v5 =	vld [tilespmem:s8+$0x80]  }
0x23b: {  	v9 =	vld [tilespmem:s10+$0x0]  }
0x23c: {  	v2 =	vld [tilespmem:s10+$0xFFFFFFE0];
	v0 =	vadd.f32 v1, v0  }
0x23d: {  	v34 =	vld [tilespmem:s8+$0xFFFFFEE0]  }
0x23e: {  	v6 =	vld [tilespmem:s8+$0xFFFFFEF0];
	v3 =	vadd.f32 v4, v3;
	v8 =	vmul.f32 $2.000000030e-01, v0  }
0x23f: {  	v7 =	vld [tilespmem:s8+$0xFFFFFF00];
	vm0 =	vgt.f32 v0, $0.0e+00  }
0x240: {  	v1 =	vld [tilespmem:s8+$0xFFFFFF60];
	v4 =	vadd.f32 v9, v5;
	v5 =	vmul.f32 $2.000000030e-01, v3;
	v0 =	vsel vm0, v0, v8  }
0x241: {  	v10 =	vld [tilespmem:s8+$0xFFFFFF30];
	vm14 =	vgt.f32 v3, $0.0e+00;
	v0 =	vmul.f32 $1.442695020e+00, v0  }
0x242: {  	v11 =	vld [tilespmem:s8+$0xFFFFFF40];
	v3 =	vsel vm14, v3, v5  }
0x243: {  	v12 =	vld [tilespmem:s8+$0xFFFFFF50];
	v3 =	vmul.f32 $1.442695020e+00, v3;
	(erf) = vpow2.f32 v0  }
0x244: {  	v13 =	vld [tilespmem:s8+$0xFFFFFF70]  }
0x245: {  	v14 =	vld [tilespmem:s8+$0xFFFFFF80];
	v1 =	vadd.f32 v2, v1;
	(erf) = vpow2.f32 v3  }
0x246: {  	v15 =	vld [tilespmem:s8+$0xFFFFFF90];
	v2 =	vmul.f32 $2.000000030e-01, v4  }
0x247: {  	v16 =	vld [tilespmem:s8+$0xFFFFFFA0];
	vm1 =	vgt.f32 v4, $0.0e+00;
	v0 =	vmul.f32 $2.000000030e-01, v1  }
0x248: {  	v18 =	vld [tilespmem:s8+$0xFFFFFFB0];
	vm15 =	vgt.f32 v1, $0.0e+00;
	v2 =	vsel vm1, v4, v2  }
0x249: {  	v17 =	vld [tilespmem:s8+$0xFFFFFFC0];
	v0 =	vsel vm15, v1, v0;
	v1 =	vmul.f32 $1.442695020e+00, v2  }
0x24a: {  	v19 =	vld [tilespmem:s8+$0xFFFFFFD0];
	v0 =	vmul.f32 $1.442695020e+00, v0  }
0x24b: {  	v20 =	vld [tilespmem:s8+$0xFFFFFFE0];
	(erf) = vpow2.f32 v1  }
0x24c: {  	v24 =	vld [tilespmem:s8+$0x0];
	(erf) = vpow2.f32 v0;
	v35 =	vpop (erf)  }
0x24d: {  	v26 =	vld [tilespmem:s8+$0x10];
	v1 =	vbroadcast v35, $0x0;
	v5 =	vbroadcast v35, $0x7  }
0x24e: {  	v4 =	vld [tilespmem:s8+$0x100];
	v3 =	vbroadcast v35, $0x1;
	v0 =	vbroadcast v35, $0x2;
	v33 =	vpop (erf)  }
0x24f: {  	v28 =	vld [tilespmem:s8+$0x20];
	v2 =	vbroadcast v35, $0x3;
	v41 =	vbroadcast v33, $0x0  }
0x250: {  	v30 =	vld [tilespmem:s8+$0x30];
	v39 =	vbroadcast v33, $0x1;
	v43 =	vbroadcast v33, $0x2  }
0x251: {  	v36 =	vld [tilespmem:s8+$0x40];
	v40 =	vbroadcast v33, $0x3;
	v53 =	vbroadcast v33, $0x4  }
0x252: {  	v32 =	vld [tilespmem:s8+$0x50];
	v50 =	vbroadcast v33, $0x5;
	v52 =	vbroadcast v33, $0x6  }
0x253: {  	v25 =	vld [tilespmem:s8+$0x60];
	v49 =	vbroadcast v33, $0x7;
	v21 =	vmul.f32 v4, v5  }
0x254: {  	v22 =	vld [tilespmem:s8+$0xA0];
	v5 =	vbroadcast v35, $0x4;
	v4 =	vbroadcast v35, $0x5;
	v37 =	vpop (erf)  }
0x255: {  	v23 =	vld [tilespmem:s8+$0xB0];
	[tilespmem:s8+$0x110] =	vst v35;
	v35 =	vbroadcast v35, $0x6;
	v51 =	vbroadcast v37, $0x0  }
0x256: {  	v27 =	vld [tilespmem:s8+$0xC0];
	v48 =	vbroadcast v37, $0x1;
	v47 =	vbroadcast v37, $0x2  }
0x257: {  	v31 =	vld [tilespmem:s8+$0x70];
	v45 =	vbroadcast v37, $0x3;
	v46 =	vbroadcast v37, $0x4  }
0x258: {  	v9 =	vld [tilespmem:s8+$0xFFFFFF20];
	v29 =	vpop (erf);
	v44 =	vbroadcast v37, $0x5;
	v42 =	vbroadcast v37, $0x6  }
0x259: {  	v8 =	vld [tilespmem:s8+$0xFFFFFF10];
	v61 =	vbroadcast v29, $0x0;
	v57 =	vbroadcast v29, $0x1  }
0x25a: {  	[tilespmem:s8+$0xFFFFFFF0] =	vst v33;
	v33 =	vld [tilespmem:s8+$0xE0];
	v60 =	vbroadcast v29, $0x2;
	v56 =	vbroadcast v29, $0x3  }
0x25b: {  	[tilespmem:s8+$0x100] =	vst v21;
	v21 =	vld [tilespmem:s8+$0x90];
	v59 =	vbroadcast v29, $0x4;
	v55 =	vbroadcast v29, $0x5  }
0x25c: {  	v58 =	vbroadcast v29, $0x6;
	v54 =	vbroadcast v29, $0x7;
	[tilespmem:s8+$0xFFFFFF60] =	vst v29;
	v29 =	vld [tilespmem:s8+$0xD0]  }
0x25d: {  	s11 =	simm.s32 $0x0;
	s12 =	simm.s32 $0xFE0;
	v38 =	vbroadcast v37, $0x7;
	[tilespmem:s8+$0x80] =	vst v37;
	v37 =	vmul.f32 v61, v34;
	v34 =	vld [tilespmem:s8+$0xF0]  }
.LBB2_12:
0x25e: {  	v61 =	vld [tilespmem:s12+$0x110];
	v6 =	vmul.f32 v57, v6;
	v7 =	vmul.f32 v60, v7;
	s10 =	sadd.s32 $0x40, s10  }
0x25f: {  	s11 =	sadd.s32 $0x4, s11;
	v8 =	vmul.f32 v8, v56;
	v9 =	vmul.f32 v9, v59;
	v57 =	vld [tilespmem:s10+$0x10];
	[tilespmem:s8+$0xFFFFFEE0] =	vst v37  }
0x260: {  	p0 =	slt.u32 s11, $0x4C;
	v56 =	vld [tilespmem:s10+$0xFFFFFFE0];
	[tilespmem:s8+$0xFFFFFEF0] =	vst v6;
	v6 =	vmul.f32 v10, v55;
	v10 =	vmul.f32 v11, v58  }
0x261: {  	v11 =	vld [tilespmem:s12+$0xFFFFFFF0];
	[tilespmem:s8+$0xFFFFFF00] =	vst v7;
	v7 =	vmul.f32 v12, v54;
	v12 =	vmul.f32 v41, v13  }
0x262: {  	v13 =	vld [tilespmem:s10+$0xFFFFFFF0];
	[tilespmem:s8+$0xFFFFFF10] =	vst v8;
	v8 =	vmul.f32 v39, v14;
	v14 =	vmul.f32 v43, v15  }
0x263: {  	v16 =	vmul.f32 v16, v40;
	v18 =	vmul.f32 v18, v53;
	v15 =	vld [tilespmem:s12+$0x80];
	[tilespmem:s8+$0xFFFFFF20] =	vst v9  }
0x264: {  	v17 =	vmul.f32 v17, v50;
	v19 =	vmul.f32 v19, v52;
	v9 =	vld [tilespmem:s10+$0x0];
	v39 =	vadd.f32 v57, v61;
	[tilespmem:s8+$0xFFFFFF30] =	vst v6  }
0x265: {  	v20 =	vmul.f32 v20, v49;
	v24 =	vmul.f32 v51, v24;
	v40 =	vld [tilespmem:s12+$0xFFFFFF60];
	[tilespmem:s8+$0xFFFFFF40] =	vst v10  }
0x266: {  	v26 =	vmul.f32 v48, v26;
	v37 =	vld [tilespmem:s12+$0xFFFFFEE0];
	v10 =	vmul.f32 $2.000000030e-01, v39;
	[tilespmem:s8+$0xFFFFFF50] =	vst v7  }
0x267: {  	v28 =	vmul.f32 v47, v28;
	vm0 =	vgt.f32 v39, $0.0e+00;
	v6 =	vld [tilespmem:s12+$0xFFFFFEF0];
	v13 =	vadd.f32 v13, v11;
	[tilespmem:s8+$0xFFFFFF70] =	vst v12  }
0x268: {  	v30 =	vmul.f32 v30, v45;
	v36 =	vmul.f32 v36, v46;
	v7 =	vld [tilespmem:s12+$0xFFFFFF00];
	v10 =	vsel vm0, v39, v10;
	[tilespmem:s8+$0xFFFFFF80] =	vst v8  }
0x269: {  	v8 =	vld [tilespmem:s12+$0xFFFFFF10];
	v12 =	vmul.f32 $2.000000030e-01, v13;
	v15 =	vadd.f32 v9, v15;
	v11 =	vmul.f32 $1.442695020e+00, v10;
	[tilespmem:s8+$0xFFFFFF90] =	vst v14  }
0x26a: {  	v32 =	vmul.f32 v32, v44;
	vm0 =	vgt.f32 v13, $0.0e+00;
	v14 =	vadd.f32 v56, v40;
	v9 =	vld [tilespmem:s12+$0xFFFFFF20];
	[tilespmem:s8+$0xFFFFFFA0] =	vst v16  }
0x26b: {  	v10 =	vld [tilespmem:s12+$0xFFFFFF30];
	vm1 =	vgt.f32 v15, $0.0e+00;
	v16 =	vmul.f32 $2.000000030e-01, v15;
	(erf) = vpow2.f32 v11;
	[tilespmem:s8+$0xFFFFFFB0] =	vst v18  }
0x26c: {  	v13 =	vsel vm0, v13, v12;
	vm2 =	vgt.f32 v14, $0.0e+00;
	v18 =	vmul.f32 $2.000000030e-01, v14;
	v11 =	vld [tilespmem:s12+$0xFFFFFF40];
	[tilespmem:s8+$0xFFFFFFC0] =	vst v17  }
0x26d: {  	v25 =	vmul.f32 v25, v42;
	v17 =	vmul.f32 $1.442695020e+00, v13;
	v12 =	vld [tilespmem:s12+$0xFFFFFF50];
	v15 =	vsel vm1, v15, v16;
	[tilespmem:s8+$0xFFFFFFD0] =	vst v19  }
0x26e: {  	v31 =	vmul.f32 v31, v38;
	v14 =	vsel vm2, v14, v18;
	v13 =	vld [tilespmem:s12+$0xFFFFFF70];
	v16 =	vmul.f32 $1.442695020e+00, v15;
	[tilespmem:s8+$0xFFFFFFE0] =	vst v20  }
0x26f: {  	v18 =	vmul.f32 $1.442695020e+00, v14;
	v14 =	vld [tilespmem:s12+$0xFFFFFF80];
	(erf) = vpow2.f32 v17;
	[tilespmem:s8+$0x0] =	vst v24  }
0x270: {  	v21 =	vmul.f32 v1, v21;
	v15 =	vld [tilespmem:s12+$0xFFFFFF90];
	(erf) = vpow2.f32 v16;
	[tilespmem:s8+$0x10] =	vst v26  }
0x271: {  	v22 =	vmul.f32 v3, v22;
	v16 =	vld [tilespmem:s12+$0xFFFFFFA0];
	(erf) = vpow2.f32 v18;
	[tilespmem:s8+$0x20] =	vst v28  }
0x272: {  	v23 =	vmul.f32 v0, v23;
	v27 =	vmul.f32 v27, v2;
	v26 =	vld [tilespmem:s12+$0x100];
	[tilespmem:s8+$0x30] =	vst v30  }
0x273: {  	v29 =	vmul.f32 v29, v5;
	v33 =	vmul.f32 v33, v4;
	v18 =	vld [tilespmem:s12+$0xFFFFFFB0];
	[tilespmem:s8+$0x40] =	vst v36  }
0x274: {  	v34 =	vmul.f32 v34, v35;
	v17 =	vld [tilespmem:s12+$0xFFFFFFC0];
	v61 =	vpop (erf);
	[tilespmem:s8+$0x50] =	vst v32  }
0x275: {  	v19 =	vld [tilespmem:s12+$0xFFFFFFD0];
	v1 =	vbroadcast v61, $0x0;
	v4 =	vbroadcast v61, $0x7;
	[tilespmem:s8+$0x60] =	vst v25  }
0x276: {  	v3 =	vbroadcast v61, $0x1;
	v0 =	vbroadcast v61, $0x2;
	v20 =	vld [tilespmem:s12+$0xFFFFFFE0];
	[tilespmem:s8+$0x70] =	vst v31  }
0x277: {  	v2 =	vbroadcast v61, $0x3;
	v24 =	vld [tilespmem:s12+$0x0];
	v25 =	vmul.f32 v26, v4;
	[tilespmem:s8+$0x90] =	vst v21  }
0x278: {  	v5 =	vbroadcast v61, $0x4;
	v4 =	vbroadcast v61, $0x5;
	v26 =	vld [tilespmem:s12+$0x10];
	v35 =	vpop (erf);
	[tilespmem:s8+$0xA0] =	vst v22  }
0x279: {  	v41 =	vbroadcast v35, $0x0;
	v39 =	vbroadcast v35, $0x1;
	v28 =	vld [tilespmem:s12+$0x20];
	[tilespmem:s12+$0x100] =	vst v25;
	v38 =	vpop (erf)  }
0x27a: {  	v43 =	vbroadcast v35, $0x2;
	v40 =	vbroadcast v35, $0x3;
	v30 =	vld [tilespmem:s12+$0x30];
	v21 =	vpop (erf);
	[tilespmem:s8+$0xB0] =	vst v23  }
0x27b: {  	v62 =	vbroadcast v21, $0x0;
	v57 =	vbroadcast v21, $0x1;
	v36 =	vld [tilespmem:s12+$0x40];
	[tilespmem:s8+$0xC0] =	vst v27  }
0x27c: {  	v60 =	vbroadcast v21, $0x2;
	v56 =	vbroadcast v21, $0x3;
	v32 =	vld [tilespmem:s12+$0x50];
	[tilespmem:s8+$0xD0] =	vst v29  }
0x27d: {  	v59 =	vbroadcast v21, $0x4;
	v55 =	vbroadcast v21, $0x5;
	v25 =	vld [tilespmem:s12+$0x60];
	[tilespmem:s8+$0xE0] =	vst v33  }
0x27e: {  	v58 =	vbroadcast v21, $0x6;
	v54 =	vbroadcast v21, $0x7;
	v31 =	vld [tilespmem:s12+$0x70];
	[tilespmem:s8+$0xF0] =	vst v34;
	s8 =	smov.u32 s12  }
0x27f: {  	v53 =	vbroadcast v35, $0x4;
	v50 =	vbroadcast v35, $0x5;
	[tilespmem:s12+$0xFFFFFF60] =	vst v21;
	v21 =	vld [tilespmem:s12+$0x90]  }
0x280: {  	v52 =	vbroadcast v35, $0x6;
	v49 =	vbroadcast v35, $0x7;
	[tilespmem:s12+$0xFFFFFFF0] =	vst v35;
	v22 =	vld [tilespmem:s12+$0xA0]  }
.Ltmp5:
0x281: {  	v51 =	vbroadcast v38, $0x0;
	v48 =	vbroadcast v38, $0x1;
	[tilespmem:s12+$0x80] =	vst v38;
	v23 =	vld [tilespmem:s12+$0xB0];
	(pc) =	sbr.rel @p0 .LBB2_12-.Ltmp5, $4  }
0x282: {  	v47 =	vbroadcast v38, $0x2;
	v45 =	vbroadcast v38, $0x3;
	v27 =	vld [tilespmem:s12+$0xC0];
	[tilespmem:s12+$0x110] =	vst v61  }
0x283: {  	v46 =	vbroadcast v38, $0x4;
	v44 =	vbroadcast v38, $0x5;
	v29 =	vld [tilespmem:s12+$0xD0]  }
0x284: {  	v42 =	vbroadcast v38, $0x6;
	v38 =	vbroadcast v38, $0x7;
	v33 =	vld [tilespmem:s12+$0xE0]  }
0x285: {  	v37 =	vmul.f32 v62, v37;
	v35 =	vbroadcast v61, $0x6;
	s12 =	sadd.s32 $0x240, s12;
	v34 =	vld [tilespmem:s8+$0xF0]  }
0x286: {  	v6 =	vmul.f32 v57, v6  }
0x287: {  	v7 =	vmul.f32 v60, v7;
	[tilespmem:s8+$0xFFFFFEE0] =	vst v37  }
0x288: {  	v8 =	vmul.f32 v8, v56;
	[tilespmem:s8+$0xFFFFFEF0] =	vst v6  }
0x289: {  	v61 =	vmul.f32 v9, v59;
	[tilespmem:s8+$0xFFFFFF00] =	vst v7  }
0x28a: {  	v62 =	vmul.f32 v10, v55;
	[tilespmem:s8+$0xFFFFFF10] =	vst v8  }
0x28b: {  	v63 =	vmul.f32 v11, v58;
	[tilespmem:s8+$0xFFFFFF20] =	vst v61  }
0x28c: {  	v12 =	vmul.f32 v12, v54;
	[tilespmem:s8+$0xFFFFFF30] =	vst v62  }
0x28d: {  	v13 =	vmul.f32 v41, v13;
	[tilespmem:s8+$0xFFFFFF40] =	vst v63  }
0x28e: {  	v14 =	vmul.f32 v39, v14;
	[tilespmem:s8+$0xFFFFFF50] =	vst v12  }
0x28f: {  	v39 =	vmul.f32 v16, v40;
	[tilespmem:s8+$0xFFFFFF70] =	vst v13  }
0x290: {  	v40 =	vmul.f32 v18, v53;
	[tilespmem:s8+$0xFFFFFF80] =	vst v14  }
0x291: {  	v41 =	vmul.f32 v17, v50;
	[tilespmem:s8+$0xFFFFFFA0] =	vst v39  }
0x292: {  	v50 =	vmul.f32 v20, v49;
	[tilespmem:s8+$0xFFFFFFB0] =	vst v40  }
0x293: {  	v53 =	vmul.f32 v48, v26;
	[tilespmem:s8+$0xFFFFFFC0] =	vst v41  }
0x294: {  	v54 =	vmul.f32 v47, v28;
	[tilespmem:s8+$0xFFFFFFE0] =	vst v50  }
0x295: {  	v55 =	vmul.f32 v30, v45;
	[tilespmem:s8+$0x10] =	vst v53  }
0x296: {  	v56 =	vmul.f32 v36, v46;
	[tilespmem:s8+$0x20] =	vst v54  }
0x297: {  	v57 =	vmul.f32 v32, v44;
	[tilespmem:s8+$0x30] =	vst v55  }
0x298: {  	v58 =	vmul.f32 v25, v42;
	[tilespmem:s8+$0x40] =	vst v56  }
0x299: {  	v59 =	vmul.f32 v31, v38;
	[tilespmem:s8+$0x50] =	vst v57  }
0x29a: {  	v1 =	vmul.f32 v1, v21;
	[tilespmem:s8+$0x60] =	vst v58  }
0x29b: {  	v3 =	vmul.f32 v3, v22;
	[tilespmem:s8+$0x70] =	vst v59  }
0x29c: {  	v0 =	vmul.f32 v0, v23;
	[tilespmem:s8+$0x90] =	vst v1  }
0x29d: {  	v37 =	vmul.f32 v43, v15;
	[tilespmem:s8+$0xA0] =	vst v3  }
0x29e: {  	v43 =	vmul.f32 v19, v52;
	[tilespmem:s8+$0xB0] =	vst v0  }
0x29f: {  	v52 =	vmul.f32 v51, v24;
	[tilespmem:s8+$0xFFFFFF90] =	vst v37  }
0x2a0: {  	v60 =	vmul.f32 v27, v2;
	[tilespmem:s8+$0xFFFFFFD0] =	vst v43  }
0x2a1: {  	v61 =	vmul.f32 v29, v5;
	[tilespmem:s8+$0x0] =	vst v52  }
0x2a2: {  	v62 =	vmul.f32 v33, v4;
	[tilespmem:s8+$0xC0] =	vst v60  }
0x2a3: {  	v63 =	vmul.f32 v34, v35;
	[tilespmem:s8+$0xD0] =	vst v61  }
0x2a4: {  	[tilespmem:s8+$0xE0] =	vst v62  }
0x2a5: {  	[tilespmem:s8+$0xF0] =	vst v63  }
0x2a6: {  	[spmem:s3] =	stream.indirect.scatter.add.f32 [tilespmem:s21], [sflag:$0x5], $0x90, s20, s20, $0xb8;
	[tilespmem:$0x1C610] =	vst v63  }
0x2a7: {  	_ =	swait.ge [sflag:s25], $0xA0  }
0x2a8: {  	[sflag:s25] =	ssyncset.done $0x0  }
0x2a9: {  	[sflag:s25] =	ssyncadd.s32 $0xFFFFFF60  }
0x2aa: {  	_ =	swait.ge [sflag:s0], $0x2D00  }
0x2ab: {  	[sflag:s0] =	ssyncset.done $0x0  }
0x2ac: {  	s2 =	sadd.s32 $0x1, s2;
	[sflag:s0] =	ssyncadd.s32 $0xFFFFD300  }
0x2ad: {  	p0 =	sne.s32 s2, s15;
	[bflag:$0x0] =	sbarrier.arrive $0xFFFF  }
.Ltmp6:
0x2ae: {  	s28 =	rddreg [dreg:$0x9];
	(pc) =	sbr.rel @p0 .LBB2_1-.Ltmp6, $4  }
0x2af: {  	[hbm:s28], [sflag:s9] =	dma.local [spmem:s16], $0x2D00  }
0x2b0: {  	_ =	swait.ge [sflag:s17], $0x2D00  }
0x2b1: {  	[sflag:s17] =	ssyncset.done $0x0  }
0x2b2: {  	s13 =	simm.s32 $0x140;
	s14 =	simm.s32 $0xF0;
	[sflag:s17] =	ssyncadd.s32 $0xFFFFD300  }
0x2b3: {  	_ =	sfence.sel $0x180000  }
0x2b4: {  	[bflag:$0x0] =	sbarrier.arrive $0xFFFF  }
0x2b5: {  	_ =	strace $0x9000004A  }
0x2b6: {  	s0 =	stileid.u32;
	[bflag:$0x2] =	sbarrier.arrive $0xFFFF  }
0x2b7: {  	p0 =	sne.s32 s0, $0x0;
	s0 =	rddreg [dreg:$0x3]  }
0x2b8: {  	s0 =	sadd.s32 @!p0 $0x100000, s0  }
0x2b9: {  	[sflag:s0] =	ssyncadd.tile.s32 @!p0 $0x1;
	_ =	shalt  }
.Lfunc_end2:
_tile_overlayer_lowered:
.L_overlay_start_2:
0x2ba: {  	(tag) =	ssettag $0x2  }
0x2bb: {  	s0 =	rddreg [dreg:$0x0];
	s2 =	stileid.u32  }
0x2bc: {  	s1 =	rddreg [dreg:$0x1];
	p0 =	sne.s32 s2, $0x0  }
0x2bd: {  	s3 =	rddreg [dreg:$0x2];
	[bflag:$0x3] =	sbarrier.arrive $0xFFFF;
	s2 =	simm.s32 @!p0 $0x1C07  }
0x2be: {  	[timem:s3], [sflag:s2] =	dma.local @!p0 [hbm:s0], s1  }
0x2bf: {  	s0 =	simm.s32 @!p0 $0x7  }
0x2c0: {  	_ =	swait.ge @!p0 [sflag:s0], s1  }
0x2c1: {  	s1 =	ssub.s32 @!p0 $0x0, s1;
	[sflag:s0] =	ssyncset.done @!p0 $0x0  }
0x2c2: {  	[sflag:s0] =	ssyncadd.s32 @!p0 s1  }
0x2c3: {  	[bflag:$0x3] =	sbarrier.arrive $0xFFFF  }
0x2c4: {  	_ =	shalt  }

// kernel: kernel.7.cloned.1.call-start
scs
__scs_entry_jumppad:
0x0: {  	(pc) =	sbr.rel $0x88, $3  }
0x1: {  	(tag) =	ssettag $0x0;
	lr =	simm.s32 $0x1  }
0x2: {  	[smem:$0x3F99] =	sst lr;
	_ =	strace $0xD0000000  }
0x3: {  	_ = 	snop  }
0x4: {  	_ = 	snop  }
0x5: {  	_ = 	snop  }
0x6: {  	_ = 	snop  }
0x7: {  	_ = 	snop  }
__scs_overlays_trampoline_lowered:
0x8: {  	[smem:$0x3FA8] =	sst s0  }
0x9: {  	[smem:$0x3FA9] =	sst s1  }
0xa: {  	[smem:$0x3FAA] =	sst s2  }
0xb: {  	[smem:$0x3FAB] =	sst s3  }
0xc: {  	[smem:$0x3FAC] =	sst s4  }
0xd: {  	[smem:$0x3FAD] =	sst s5  }
0xe: {  	[smem:$0x3FAE] =	sst s6  }
0xf: {  	[smem:$0x3FAF] =	sst s7  }
0x10: {  	[smem:$0x3FB0] =	sst s8  }
0x11: {  	[smem:$0x3FB1] =	sst s9;
	s0 =	simm.s32 @!p0 $0x0  }
0x12: {  	s1 =	sld [smem:$0x3F97];
	s0 =	simm.s32 @p0 $0x1  }
0x13: {  	[smem:$0x3FB2] =	sst s0;
	s0 =	simm.s32 @!p1 $0x0  }
0x14: {  	s2 =	sld [smem:$0x3F96];
	s0 =	simm.s32 @p1 $0x1  }
0x15: {  	[smem:$0x3FB3] =	sst s0;
	s0 =	simm.s32 @!p2 $0x0  }
0x16: {  	s3 =	sld [smem:$0x3FDB];
	s0 =	simm.s32 @p2 $0x1  }
0x17: {  	s4 =	simm.s32 $0x1BF5;
	[smem:$0x3FB5] =	sst s0  }
0x18: {  	s0 =	sld [smem:$0x3F98];
	_ =	swait.ge [sflag:s4], $0x0  }
0x19: {  	s7 =	sld [smem:$0x3F99]  }
0x1a: {  	s8 =	sadd.s32 $0xFFFFE003, lr  }
0x1b: {  	s9 =	sadd.s32 $0xFFFFFEF7, lr;
	s5 =	simm.s32 $0xFFFFFFFF;
	p2 =	slt.u32 s8, $0xFFFFF086  }
0x1c: {  	p1 =	slt.u32 s9, $0xF7A;
	s5 =	simm.s32 @!p2 $0x0  }
0x1d: {  	s5 =	simm.s32 @p1 $0x1;
	p0 =	seq.s32 s7, s2  }
0x1e: {  	s7 =	smul.u32 @!p0 $0xF7A, s2;
	p2 =	seq.s32 @!p0 s5, $0x0  }
0x1f: {  	s9 =	smul.u32 $0xF7A, s1;
	s8 =	simm.s32 @!p0 $0x1BF5;
	p2 =	por !p2, p0  }
0x20: {  	[sflag:s8] =	ssyncset.s32 @!p0 $0xFFFFF086;
	s6 =	sadd.s32 @!p0 s3, s7;
	s7 =	simm.s32 @!p0 $0x108  }
0x21: {  	s3 =	sadd.s32 s3, s9;
	s6 =	sadd.s32 @!p0 $0x88, s6;
	s7 =	simm.s32 @p2 $0x1082  }
0x22: {  	[simem:s7], [sflag:s8] =	dma.local @!p0 [hbm:s6], $0xF7A  }
0x23: {  	s9 =	sor.u32 $0xD0000000, s2;
	s6 =	simm.s32 $0x108;
	_ =	swait.ge @!p0 [sflag:s8], $0x0  }
0x24: {  	s3 =	sadd.s32 $0x88, s3;
	s6 =	simm.s32 @!p1 $0x1082;
	[sflag:s4] =	ssyncset.s32 $0xFFFFF086  }
0x25: {  	[simem:s6], [sflag:s4] =	dma.local [hbm:s3], $0xF7A  }
0x26: {  	[smem:$0x3F99] =	sst s1;
	(tag) =	ssettag s2;
	_ =	strace s9  }
0x27: {  	s1 =	sld [smem:$0x3FA9]  }
0x28: {  	s2 =	sld [smem:$0x3FAA]  }
0x29: {  	s4 =	sld [smem:$0x3FAC]  }
0x2a: {  	p0 =	seq.s32 s5, $0x0;
	s5 =	sld [smem:$0x3FAD]  }
0x2b: {  	s6 =	sld [smem:$0x3FAE]  }
0x2c: {  	s7 =	sld [smem:$0x3FAF]  }
0x2d: {  	s3 =	simm.s32 $0x108;
	s8 =	sld [smem:$0x3FB0]  }
0x2e: {  	s3 =	simm.s32 @!p0 $0x1082;
	s9 =	sld [smem:$0x3FB1]  }
0x2f: {  	lr =	sadd.s32 s0, s3;
	s0 =	sld [smem:$0x3FA8]  }
0x30: {  	s3 =	sld [smem:$0x3FAB]  }
0x31: {  	[smem:$0x3FB4] =	sst s10  }
0x32: {  	s10 =	sld [smem:$0x3FB2];
	_ =	sdelay $0x3  }
0x33: {  	p0 =	seq.s32 s10, $0x1;
	s10 =	sld [smem:$0x3FB4];
	_ =	sdelay $0x3  }
0x34: {  	[smem:$0x3FB4] =	sst s10  }
0x35: {  	s10 =	sld [smem:$0x3FB3];
	_ =	sdelay $0x3  }
0x36: {  	p1 =	seq.s32 s10, $0x1;
	s10 =	sld [smem:$0x3FB4];
	_ =	sdelay $0x3  }
0x37: {  	[smem:$0x3FB4] =	sst s10  }
0x38: {  	s10 =	sld [smem:$0x3FB5]  }
0x39: {  	_ = 	snop;
	(pc) =	sbr.ind lr, $3  }
0x3a: {  	_ = 	snop  }
0x3b: {  	_ = 	snop  }
0x3c: {  	p2 =	seq.s32 s10, $0x1;
	s10 =	sld [smem:$0x3FB4]  }
0x3d: {  	_ =	shalt  }
0x3e: {  	_ =	shalt  }
0x3f: {  	_ =	shalt  }
0x40: {  	_ =	shalt  }
0x41: {  	_ =	shalt  }
0x42: {  	_ =	shalt  }
0x43: {  	_ =	shalt  }
0x44: {  	_ =	shalt  }
0x45: {  	_ =	shalt  }
0x46: {  	_ =	shalt  }
0x47: {  	_ =	shalt  }
0x48: {  	_ =	shalt  }
0x49: {  	_ =	shalt  }
0x4a: {  	_ =	shalt  }
0x4b: {  	_ =	shalt  }
0x4c: {  	_ =	shalt  }
0x4d: {  	_ =	shalt  }
0x4e: {  	_ =	shalt  }
0x4f: {  	_ =	shalt  }
0x50: {  	_ =	shalt  }
0x51: {  	_ =	shalt  }
0x52: {  	_ =	shalt  }
0x53: {  	_ =	shalt  }
0x54: {  	_ =	shalt  }
0x55: {  	_ =	shalt  }
0x56: {  	_ =	shalt  }
0x57: {  	_ =	shalt  }
0x58: {  	_ =	shalt  }
0x59: {  	_ =	shalt  }
0x5a: {  	_ =	shalt  }
0x5b: {  	_ =	shalt  }
0x5c: {  	_ =	shalt  }
0x5d: {  	_ =	shalt  }
0x5e: {  	_ =	shalt  }
0x5f: {  	_ =	shalt  }
0x60: {  	_ =	shalt  }
0x61: {  	_ =	shalt  }
0x62: {  	_ =	shalt  }
0x63: {  	_ =	shalt  }
0x64: {  	_ =	shalt  }
0x65: {  	_ =	shalt  }
0x66: {  	_ =	shalt  }
0x67: {  	_ =	shalt  }
0x68: {  	_ =	shalt  }
0x69: {  	_ =	shalt  }
0x6a: {  	_ =	shalt  }
0x6b: {  	_ =	shalt  }
0x6c: {  	_ =	shalt  }
0x6d: {  	_ =	shalt  }
0x6e: {  	_ =	shalt  }
0x6f: {  	_ =	shalt  }
0x70: {  	_ =	shalt  }
0x71: {  	_ =	shalt  }
0x72: {  	_ =	shalt  }
0x73: {  	_ =	shalt  }
0x74: {  	_ =	shalt  }
0x75: {  	_ =	shalt  }
0x76: {  	_ =	shalt  }
0x77: {  	_ =	shalt  }
0x78: {  	_ =	shalt  }
0x79: {  	_ =	shalt  }
0x7a: {  	_ =	shalt  }
0x7b: {  	_ =	shalt  }
0x7c: {  	_ =	shalt  }
0x7d: {  	_ =	shalt  }
0x7e: {  	_ =	shalt  }
0x7f: {  	_ =	shalt  }
0x80: {  	_ =	shalt  }
0x81: {  	_ =	shalt  }
0x82: {  	_ =	shalt  }
0x83: {  	_ =	shalt  }
0x84: {  	_ =	shalt  }
0x85: {  	_ =	shalt  }
0x86: {  	_ =	shalt  }
0x87: {  	_ =	shalt  }
.Lfunc_end0:
.L_simem_size_0:
called_computation_lowered:
.L_overlay_start_0:
0x88: {  	s2 =	sld [smem:$0x3FD9]  }
0x89: {  	s3 =	sld [smem:$0x3FFE];
	_ =	sdelay $0x1  }
0x8a: {  	s1 =	srdreg.scid  }
0x8b: {  	s0 =	sand.u32 $0x1, s1  }
0x8c: {  	s17 =	sshll.u32 s0, $0xA;
	s2 =	sadd.s32 s3, s2  }
0x8d: {  	s2 =	sadd.s32 s2, s17  }
0x8e: {  	[smem:$0x3FC0] =	sst s2  }
0x8f: {  	_ = 	snop  }
0x90: {  	s2 =	sld [smem:$0x3FD0];
	(tm) =	ssettm $0x1  }
0x91: {  	s18 =	sld [smem:$0x3FFB];
	_ =	sdelay $0x3  }
0x92: {  	_ =	strace s18  }
0x93: {  	s3 =	sld [smem:$0x3FFC];
	_ =	sdelay $0x3  }
0x94: {  	_ =	strace s3  }
0x95: {  	s3 =	sld [smem:$0x3FFD];
	_ =	sdelay $0x3  }
0x96: {  	_ =	strace s3  }
0x97: {  	_ =	strace $0x8FFFFFFF  }
0x98: {  	s19 =	sld [smem:$0x3FDB];
	_ =	sdelay $0x1  }
0x99: {  	s4 =	simm.s32 $_scs_section_size  }
0x9a: {  	s5 =	simm.s32 $_size__tile_overlayer_lowered;
	s6 =	simm.s32 $_tile_overlayer_lowered  }
0x9b: {  	s22 =	simm.s32 $0x1BFF;
	s21 =	sshll.u32 s6, $0x1;
	s3 =	sadd.s32 s4, s19  }
0x9c: {  	s7 =	simm.s32 $0x0;
	s20 =	sshll.u32 s5, $0x1;
	s5 =	sadd.s32 s21, s3  }
0x9d: {  	[timem:s7], [sflag:s22] =	dma.local [hbm:s5], s20  }
0x9e: {  	_ =	swait.ge [sflag:s22], s20  }
0x9f: {  	s4 =	ssub.s32 $0x0, s20;
	[sflag:s22] =	ssyncset.done $0x0  }
0xa0: {  	[sflag:s22] =	ssyncadd.s32 s4;
	_ =	sdelay $0x1  }
0xa1: {  	s23 =	simm.s32 $0x1B8B  }
0xa2: {  	_ =	swait.ge [sflag:s23], $0x1  }
0xa3: {  	[sflag:s23] =	ssyncset.done $0x0  }
0xa4: {  	s25 =	simm.s32 $0x1B8E;
	s24 =	sld [smem:$0x3FFE];
	[sflag:s23] =	ssyncadd.s32 $0xFFFFFFFF  }
0xa5: {  	s26 =	simm.s32 $execute0_lowered;
	[smem:$0x3FD2] =	sst s25  }
0xa6: {  	s5 =	sshll.u32 s26, $0x1;
	_ =	strace $0x80000046;
	[dreg:$0x1] =	wrdreg $0xFFFFFFFF  }
0xa7: {  	s28 =	simm.s32 $_size_execute0_lowered;
	s3 =	sadd.s32 s3, s5;
	[dreg:$0x0] =	wrdreg $0x0  }
0xa8: {  	s5 =	sshll.u32 s28, $0x1;
	[dreg:$0x2] =	wrdreg s3  }
0xa9: {  	[dreg:$0x3] =	wrdreg s5  }
0xaa: {  	[dreg:$0x4] =	wrdreg $0xC0  }
0xab: {  	_ =	task [dreg:s7], $0x5FFFF  }
0xac: {  	[dreg:$0x1] =	wrdreg $0xFFFFFFFF  }
0xad: {  	[dreg:$0x0] =	wrdreg $0x60  }
0xae: {  	[dreg:$0x2] =	wrdreg s2  }
0xaf: {  	[dreg:$0x3] =	wrdreg s24  }
0xb0: {  	[dreg:$0x4] =	wrdreg $0x66800  }
0xb1: {  	[dreg:$0x5] =	wrdreg $0x9  }
0xb2: {  	_ =	task.clear_ibuf [dreg:s7], $0x6FFFF;
	_ =	strace $0x90000046  }
0xb3: {  	s29 =	simm.s32 $0x9;
	_ =	strace $0x80000048  }
0xb4: {  	_ =	swait.ge [sflag:s29], $0x1  }
0xb5: {  	[sflag:s29] =	ssyncadd.s32 $0xFFFFFFFF  }
0xb6: {  	_ =	strace $0x90000048  }
0xb7: {  	_ =	sfence  }
0xb8: {  	s30 =	sld [smem:$0x0];
	_ =	sdelay $0x2  }
0xb9: {  	s31 =	sshll.u32 s1, $0xD;
	s1 =	sshrl.u32 s1, $0x2  }
0xba: {  	s3 =	sand.u32 $0x4000, s31;
	s1 =	sadd.s32 s1, s30  }
0xbb: {  	s0 =	sor.u32 s3, s0;
	s1 =	sshll.u32 s1, $0x11  }
0xbc: {  	s0 =	sor.u32 s1, s0  }
0xbd: {  	s0 =	sadd.s32 $0x8F2B, s0  }
0xbe: {  	[sflag:s0] =	ssyncadd.remote.s32 $0x1  }
0xbf: {  	_ =	sfence.sel $0xFFFF  }
0xc0: {  	[dreg:$0x0] =	wrdreg $0xFFFFFFFF;
	(pc) =	sbr.abs _section_cstart, $3  }
0xc1: {  	[dreg:$0x1] =	wrdreg $0xFFFFFFFF  }
0xc2: {  	_ =	task.clear_ibuf [dreg:s7], $0x2FFFF;
	_ =	strace $0x9FFFFFFF  }
0xc3: {  	(tm) =	ssettm $0x7FFFFFFF  }
tec
execute0_lowered:
.L_overlay_start_1:
0x0: {  	(tag) =	ssettag $0x1  }
0x1: {  	s1 =	rddreg [dreg:$0x0]  }
0x2: {  	s0 =	rddreg [dreg:$0x1]  }
0x3: {  	s3 =	rddreg [dreg:$0x2]  }
0x4: {  	s4 =	simm.s32 $0x0;
	s13 =	stileid.u32;
	s2 =	srdreg.scid  }
0x5: {  	s17 =	simm.s32 $0x7;
	s19 =	simm.s32 $0x1;
	s20 =	simm.s32 $0x50  }
0x6: {  	s21 =	simm.s32 $0xC80;
	s22 =	simm.s32 $0x280;
	s14 =	simm.s32 $0xF0  }
0x7: {  	s29 =	simm.s32 $0x780;
	s31 =	simm.s32 $0x4;
	s30 =	simm.s32 $0x6  }
0x8: {  	[smem:$0x7FF] =	sst s4;
	s8 =	smul.u32 $0x15F00, s13;
	s2 =	sand.u32 $0x1, s2  }
0x9: {  	s5 =	sadd.s32 $0x1400, s0;
	s6 =	sadd.s32 $0x2D400, s0;
	s10 =	sshll.u32 s13, $0x1  }
0xa: {  	s24 =	sshll.u32 s13, $0x6;
	s13 =	simm.s32 $0x140;
	_ =	strace $0x80000047  }
0xb: {  	s7 =	smul.u32 $0x15F900, s2;
	s10 =	sor.u32 s2, s10;
	s2 =	ssub.s32 $0x2, s2  }
0xc: {  	s9 =	sshrl.u32 s8, $0x3;
	s23 =	sshrl.u32 s2, $0x1;
	s12 =	smul.u32 $0x4E20, s10  }
0xd: {  	s9 =	sadd.s32 s9, s0;
	s7 =	sadd.s32 s8, s7;
	s2 =	ssub.s32 s2, s23  }
0xe: {  	s8 =	sadd.s32 s8, s3;
	s11 =	sshrl.u32 s7, $0x3;
	s7 =	smul.u32 $0x7D, s10  }
0xf: {  	s10 =	smul.u32 $0x9C4, s10;
	s9 =	sadd.s32 $0x32400, s9;
	s25 =	sshrl.u32 s12, $0x3  }
0x10: {  	s15 =	smax.u32 s2, $0x1;
	s16 =	sshrl.u32 s8, $0x3;
	s2 =	simm.s32 $0x0  }
0x11: {  	[dreg:$0x4] =	wrdreg s9;
	s26 =	sadd.s32 s1, s25;
	s10 =	sadd.s32 s1, s10  }
0x12: {  	s0 =	sadd.s32 s11, s0;
	s11 =	sadd.s32 $0x14, s26;
	[dreg:$0x5] =	wrdreg s10  }
0x13: {  	s9 =	sor.u32 $0x1C07, s24;
	s28 =	sadd.s32 $0x28, s26;
	[dreg:$0x6] =	wrdreg s11  }
0x14: {  	s24 =	simm.s32 $0x3;
	s0 =	sadd.s32 $0x5E400, s0;
	[dreg:$0x7] =	wrdreg s28  }
0x15: {  	s25 =	simm.s32 $0x2;
	s10 =	sadd.s32 $0x3C, s26;
	[dreg:$0x9] =	wrdreg s0  }
0x16: {  	s26 =	simm.s32 $0x3980;
	s0 =	simm.s32 $0x5;
	[dreg:$0x8] =	wrdreg s10  }
.LBB2_1:
0x17: {  	s8 =	rddreg [dreg:$0x4]  }
0x18: {  	[spmem:s16], [sflag:s9] =	dma.local [hbm:s8], $0x2D00  }
0x19: {  	_ =	swait.ge [sflag:s17], $0x2D00  }
0x1a: {  	[sflag:s17] =	ssyncset.done $0x0  }
0x1b: {  	[sflag:s17] =	ssyncadd.s32 $0xFFFFD300  }
0x1c: {  	[bflag:$0x0] =	sbarrier.arrive $0xFFFF  }
0x1d: {  	s11 =	rddreg [dreg:$0x5]  }
0x1e: {  	[tilespmem:s4], [sflag:$0x1] =	stream.linear.gather [hbm4b:s11+s4], $0xA0, $0x38;
	[tilespmem:$0x1C610] =	vst v63  }
0x1f: {  	s10 =	simm.s32 $0xA0;
	s12 =	rddreg [dreg:$0x6]  }
0x20: {  	[tilespmem:s10], [sflag:$0x2] =	stream.linear.gather [hbm4b:s12+s4], $0xA0, $0x38;
	[tilespmem:$0x1C610] =	vst v63  }
0x21: {  	_ =	swait.ge [sflag:s19], $0xA0  }
0x22: {  	[sflag:s19] =	ssyncset.done $0x0  }
0x23: {  	[sflag:s19] =	ssyncadd.s32 $0xFFFFFF60  }
0x24: {  	[tilespmem:s21], [sflag:$0x3] =	stream.indirect.gather [hbm4b:s5+s20], $0x90, s4, s20, $0xb8;
	[tilespmem:$0x1C610] =	vst v63  }
0x25: {  	_ = 	snop  }
0x26: {  	[tilespmem:s22], [sflag:$0x3] =	stream.indirect.gather [hbm4b:s6+s20], $0x10, s20, s20, $0xb8;
	[tilespmem:$0x1C610] =	vst v63  }
0x27: {  	s18 =	rddreg [dreg:$0x7]  }
0x28: {  	[tilespmem:s13], [sflag:$0x1] =	stream.linear.gather [hbm4b:s18+s4], $0xA0, $0x38;
	[tilespmem:$0x1C610] =	vst v63  }
0x29: {  	_ =	swait.ge [sflag:s24], $0x2D00  }
0x2a: {  	[sflag:s24] =	ssyncset.done $0x0  }
0x2b: {  	[sflag:s24] =	ssyncadd.s32 $0xFFFFD300  }
0x2c: {  	_ =	swait.ge [sflag:s24], $0x500  }
0x2d: {  	[sflag:s24] =	ssyncset.done $0x0  }
0x2e: {  	[sflag:s24] =	ssyncadd.s32 $0xFFFFFB00  }
0x2f: {  	_ =	swait.ge [sflag:s25], $0xA0  }
0x30: {  	[sflag:s25] =	ssyncset.done $0x0  }
0x31: {  	[sflag:s25] =	ssyncadd.s32 $0xFFFFFF60  }
0x32: {  	[tilespmem:s26], [sflag:$0x4] =	stream.indirect.gather [hbm4b:s5+s20], $0x90, s10, s20, $0xb8;
	[tilespmem:$0x1C610] =	vst v63  }
0x33: {  	_ = 	snop  }
0x34: {  	[tilespmem:s29], [sflag:$0x4] =	stream.indirect.gather [hbm4b:s6+s20], $0x10, s14, s20, $0xb8;
	[tilespmem:$0x1C610] =	vst v63  }
0x35: {  	s28 =	simm.s32 $0x1E0;
	s8 =	simm.s32 $0xDA0;
	s23 =	rddreg [dreg:$0x8]  }
0x36: {  	[tilespmem:s28], [sflag:$0x2] =	stream.linear.gather [hbm4b:s23+s4], $0xA0, $0x38;
	[tilespmem:$0x1C610] =	vst v63  }
0x37: {  	s10 =	simm.s32 $0x2A0;
	v0 =	vld [tilespmem:s8+$0x110]  }
0x38: {  	v1 =	vld [tilespmem:s10+$0x10]  }
0x39: {  	v3 =	vld [tilespmem:s8+$0xFFFFFFF0]  }
0x3a: {  	v4 =	vld [tilespmem:s10+$0xFFFFFFF0]  }
0x3b: {  	v5 =	vld [tilespmem:s8+$0x80]  }
0x3c: {  	v9 =	vld [tilespmem:s10+$0x0]  }
0x3d: {  	v2 =	vld [tilespmem:s10+$0xFFFFFFE0];
	v0 =	vadd.f32 v1, v0  }
0x3e: {  	v34 =	vld [tilespmem:s8+$0xFFFFFEE0]  }
0x3f: {  	v6 =	vld [tilespmem:s8+$0xFFFFFEF0];
	v3 =	vadd.f32 v4, v3;
	v8 =	vmul.f32 $2.000000030e-01, v0  }
0x40: {  	v7 =	vld [tilespmem:s8+$0xFFFFFF00];
	vm0 =	vgt.f32 v0, $0.0e+00  }
0x41: {  	v1 =	vld [tilespmem:s8+$0xFFFFFF60];
	v4 =	vadd.f32 v9, v5;
	v5 =	vmul.f32 $2.000000030e-01, v3;
	v0 =	vsel vm0, v0, v8  }
0x42: {  	v10 =	vld [tilespmem:s8+$0xFFFFFF30];
	vm14 =	vgt.f32 v3, $0.0e+00;
	v0 =	vmul.f32 $1.442695020e+00, v0  }
0x43: {  	v11 =	vld [tilespmem:s8+$0xFFFFFF40];
	v3 =	vsel vm14, v3, v5  }
0x44: {  	v12 =	vld [tilespmem:s8+$0xFFFFFF50];
	v3 =	vmul.f32 $1.442695020e+00, v3;
	(erf) = vpow2.f32 v0  }
0x45: {  	v13 =	vld [tilespmem:s8+$0xFFFFFF70]  }
0x46: {  	v14 =	vld [tilespmem:s8+$0xFFFFFF80];
	v1 =	vadd.f32 v2, v1;
	(erf) = vpow2.f32 v3  }
0x47: {  	v15 =	vld [tilespmem:s8+$0xFFFFFF90];
	v2 =	vmul.f32 $2.000000030e-01, v4  }
0x48: {  	v16 =	vld [tilespmem:s8+$0xFFFFFFA0];
	vm1 =	vgt.f32 v4, $0.0e+00;
	v0 =	vmul.f32 $2.000000030e-01, v1  }
0x49: {  	v18 =	vld [tilespmem:s8+$0xFFFFFFB0];
	vm15 =	vgt.f32 v1, $0.0e+00;
	v2 =	vsel vm1, v4, v2  }
0x4a: {  	v17 =	vld [tilespmem:s8+$0xFFFFFFC0];
	v0 =	vsel vm15, v1, v0;
	v1 =	vmul.f32 $1.442695020e+00, v2  }
0x4b: {  	v19 =	vld [tilespmem:s8+$0xFFFFFFD0];
	v0 =	vmul.f32 $1.442695020e+00, v0  }
0x4c: {  	v20 =	vld [tilespmem:s8+$0xFFFFFFE0];
	(erf) = vpow2.f32 v1  }
0x4d: {  	v24 =	vld [tilespmem:s8+$0x0];
	(erf) = vpow2.f32 v0;
	v35 =	vpop (erf)  }
0x4e: {  	v26 =	vld [tilespmem:s8+$0x10];
	v1 =	vbroadcast v35, $0x0;
	v5 =	vbroadcast v35, $0x7  }
0x4f: {  	v4 =	vld [tilespmem:s8+$0x100];
	v3 =	vbroadcast v35, $0x1;
	v0 =	vbroadcast v35, $0x2;
	v33 =	vpop (erf)  }
0x50: {  	v28 =	vld [tilespmem:s8+$0x20];
	v2 =	vbroadcast v35, $0x3;
	v41 =	vbroadcast v33, $0x0  }
0x51: {  	v30 =	vld [tilespmem:s8+$0x30];
	v39 =	vbroadcast v33, $0x1;
	v43 =	vbroadcast v33, $0x2  }
0x52: {  	v36 =	vld [tilespmem:s8+$0x40];
	v40 =	vbroadcast v33, $0x3;
	v53 =	vbroadcast v33, $0x4  }
0x53: {  	v32 =	vld [tilespmem:s8+$0x50];
	v50 =	vbroadcast v33, $0x5;
	v52 =	vbroadcast v33, $0x6  }
0x54: {  	v25 =	vld [tilespmem:s8+$0x60];
	v49 =	vbroadcast v33, $0x7;
	v21 =	vmul.f32 v4, v5  }
0x55: {  	v22 =	vld [tilespmem:s8+$0xA0];
	v5 =	vbroadcast v35, $0x4;
	v4 =	vbroadcast v35, $0x5;
	v37 =	vpop (erf)  }
0x56: {  	v23 =	vld [tilespmem:s8+$0xB0];
	[tilespmem:s8+$0x110] =	vst v35;
	v35 =	vbroadcast v35, $0x6;
	v51 =	vbroadcast v37, $0x0  }
0x57: {  	v27 =	vld [tilespmem:s8+$0xC0];
	v48 =	vbroadcast v37, $0x1;
	v47 =	vbroadcast v37, $0x2  }
0x58: {  	v31 =	vld [tilespmem:s8+$0x70];
	v45 =	vbroadcast v37, $0x3;
	v46 =	vbroadcast v37, $0x4  }
0x59: {  	v9 =	vld [tilespmem:s8+$0xFFFFFF20];
	v29 =	vpop (erf);
	v44 =	vbroadcast v37, $0x5;
	v42 =	vbroadcast v37, $0x6  }
0x5a: {  	v8 =	vld [tilespmem:s8+$0xFFFFFF10];
	v61 =	vbroadcast v29, $0x0;
	v57 =	vbroadcast v29, $0x1  }
0x5b: {  	[tilespmem:s8+$0xFFFFFFF0] =	vst v33;
	v33 =	vld [tilespmem:s8+$0xE0];
	v60 =	vbroadcast v29, $0x2;
	v56 =	vbroadcast v29, $0x3  }
0x5c: {  	[tilespmem:s8+$0x100] =	vst v21;
	v21 =	vld [tilespmem:s8+$0x90];
	v59 =	vbroadcast v29, $0x4;
	v55 =	vbroadcast v29, $0x5  }
0x5d: {  	v58 =	vbroadcast v29, $0x6;
	v54 =	vbroadcast v29, $0x7;
	[tilespmem:s8+$0xFFFFFF60] =	vst v29;
	v29 =	vld [tilespmem:s8+$0xD0]  }
0x5e: {  	s11 =	simm.s32 $0x0;
	s12 =	simm.s32 $0xFE0;
	v38 =	vbroadcast v37, $0x7;
	[tilespmem:s8+$0x80] =	vst v37;
	v37 =	vmul.f32 v61, v34;
	v34 =	vld [tilespmem:s8+$0xF0]  }
.LBB2_2:
0x5f: {  	v61 =	vld [tilespmem:s12+$0x110];
	v6 =	vmul.f32 v57, v6;
	v7 =	vmul.f32 v60, v7;
	s10 =	sadd.s32 $0x40, s10  }
0x60: {  	s11 =	sadd.s32 $0x4, s11;
	v8 =	vmul.f32 v8, v56;
	v9 =	vmul.f32 v9, v59;
	v57 =	vld [tilespmem:s10+$0x10];
	[tilespmem:s8+$0xFFFFFEE0] =	vst v37  }
0x61: {  	p0 =	slt.u32 s11, $0x4C;
	v56 =	vld [tilespmem:s10+$0xFFFFFFE0];
	[tilespmem:s8+$0xFFFFFEF0] =	vst v6;
	v6 =	vmul.f32 v10, v55;
	v10 =	vmul.f32 v11, v58  }
0x62: {  	v11 =	vld [tilespmem:s12+$0xFFFFFFF0];
	[tilespmem:s8+$0xFFFFFF00] =	vst v7;
	v7 =	vmul.f32 v12, v54;
	v12 =	vmul.f32 v41, v13  }
0x63: {  	v13 =	vld [tilespmem:s10+$0xFFFFFFF0];
	[tilespmem:s8+$0xFFFFFF10] =	vst v8;
	v8 =	vmul.f32 v39, v14;
	v14 =	vmul.f32 v43, v15  }
0x64: {  	v16 =	vmul.f32 v16, v40;
	v18 =	vmul.f32 v18, v53;
	v15 =	vld [tilespmem:s12+$0x80];
	[tilespmem:s8+$0xFFFFFF20] =	vst v9  }
0x65: {  	v17 =	vmul.f32 v17, v50;
	v19 =	vmul.f32 v19, v52;
	v9 =	vld [tilespmem:s10+$0x0];
	v39 =	vadd.f32 v57, v61;
	[tilespmem:s8+$0xFFFFFF30] =	vst v6  }
0x66: {  	v20 =	vmul.f32 v20, v49;
	v24 =	vmul.f32 v51, v24;
	v40 =	vld [tilespmem:s12+$0xFFFFFF60];
	[tilespmem:s8+$0xFFFFFF40] =	vst v10  }
0x67: {  	v26 =	vmul.f32 v48, v26;
	v37 =	vld [tilespmem:s12+$0xFFFFFEE0];
	v10 =	vmul.f32 $2.000000030e-01, v39;
	[tilespmem:s8+$0xFFFFFF50] =	vst v7  }
0x68: {  	v28 =	vmul.f32 v47, v28;
	vm0 =	vgt.f32 v39, $0.0e+00;
	v6 =	vld [tilespmem:s12+$0xFFFFFEF0];
	v13 =	vadd.f32 v13, v11;
	[tilespmem:s8+$0xFFFFFF70] =	vst v12  }
0x69: {  	v30 =	vmul.f32 v30, v45;
	v36 =	vmul.f32 v36, v46;
	v7 =	vld [tilespmem:s12+$0xFFFFFF00];
	v10 =	vsel vm0, v39, v10;
	[tilespmem:s8+$0xFFFFFF80] =	vst v8  }
0x6a: {  	v8 =	vld [tilespmem:s12+$0xFFFFFF10];
	v12 =	vmul.f32 $2.000000030e-01, v13;
	v15 =	vadd.f32 v9, v15;
	v11 =	vmul.f32 $1.442695020e+00, v10;
	[tilespmem:s8+$0xFFFFFF90] =	vst v14  }
0x6b: {  	v32 =	vmul.f32 v32, v44;
	vm0 =	vgt.f32 v13, $0.0e+00;
	v14 =	vadd.f32 v56, v40;
	v9 =	vld [tilespmem:s12+$0xFFFFFF20];
	[tilespmem:s8+$0xFFFFFFA0] =	vst v16  }
0x6c: {  	v10 =	vld [tilespmem:s12+$0xFFFFFF30];
	vm1 =	vgt.f32 v15, $0.0e+00;
	v16 =	vmul.f32 $2.000000030e-01, v15;
	(erf) = vpow2.f32 v11;
	[tilespmem:s8+$0xFFFFFFB0] =	vst v18  }
0x6d: {  	v13 =	vsel vm0, v13, v12;
	vm2 =	vgt.f32 v14, $0.0e+00;
	v18 =	vmul.f32 $2.000000030e-01, v14;
	v11 =	vld [tilespmem:s12+$0xFFFFFF40];
	[tilespmem:s8+$0xFFFFFFC0] =	vst v17  }
0x6e: {  	v25 =	vmul.f32 v25, v42;
	v17 =	vmul.f32 $1.442695020e+00, v13;
	v12 =	vld [tilespmem:s12+$0xFFFFFF50];
	v15 =	vsel vm1, v15, v16;
	[tilespmem:s8+$0xFFFFFFD0] =	vst v19  }
0x6f: {  	v31 =	vmul.f32 v31, v38;
	v14 =	vsel vm2, v14, v18;
	v13 =	vld [tilespmem:s12+$0xFFFFFF70];
	v16 =	vmul.f32 $1.442695020e+00, v15;
	[tilespmem:s8+$0xFFFFFFE0] =	vst v20  }
0x70: {  	v18 =	vmul.f32 $1.442695020e+00, v14;
	v14 =	vld [tilespmem:s12+$0xFFFFFF80];
	(erf) = vpow2.f32 v17;
	[tilespmem:s8+$0x0] =	vst v24  }
0x71: {  	v21 =	vmul.f32 v1, v21;
	v15 =	vld [tilespmem:s12+$0xFFFFFF90];
	(erf) = vpow2.f32 v16;
	[tilespmem:s8+$0x10] =	vst v26  }
0x72: {  	v22 =	vmul.f32 v3, v22;
	v16 =	vld [tilespmem:s12+$0xFFFFFFA0];
	(erf) = vpow2.f32 v18;
	[tilespmem:s8+$0x20] =	vst v28  }
0x73: {  	v23 =	vmul.f32 v0, v23;
	v27 =	vmul.f32 v27, v2;
	v26 =	vld [tilespmem:s12+$0x100];
	[tilespmem:s8+$0x30] =	vst v30  }
0x74: {  	v29 =	vmul.f32 v29, v5;
	v33 =	vmul.f32 v33, v4;
	v18 =	vld [tilespmem:s12+$0xFFFFFFB0];
	[tilespmem:s8+$0x40] =	vst v36  }
0x75: {  	v34 =	vmul.f32 v34, v35;
	v17 =	vld [tilespmem:s12+$0xFFFFFFC0];
	v61 =	vpop (erf);
	[tilespmem:s8+$0x50] =	vst v32  }
0x76: {  	v19 =	vld [tilespmem:s12+$0xFFFFFFD0];
	v1 =	vbroadcast v61, $0x0;
	v4 =	vbroadcast v61, $0x7;
	[tilespmem:s8+$0x60] =	vst v25  }
0x77: {  	v3 =	vbroadcast v61, $0x1;
	v0 =	vbroadcast v61, $0x2;
	v20 =	vld [tilespmem:s12+$0xFFFFFFE0];
	[tilespmem:s8+$0x70] =	vst v31  }
0x78: {  	v2 =	vbroadcast v61, $0x3;
	v24 =	vld [tilespmem:s12+$0x0];
	v25 =	vmul.f32 v26, v4;
	[tilespmem:s8+$0x90] =	vst v21  }
0x79: {  	v5 =	vbroadcast v61, $0x4;
	v4 =	vbroadcast v61, $0x5;
	v26 =	vld [tilespmem:s12+$0x10];
	v35 =	vpop (erf);
	[tilespmem:s8+$0xA0] =	vst v22  }
0x7a: {  	v41 =	vbroadcast v35, $0x0;
	v39 =	vbroadcast v35, $0x1;
	v28 =	vld [tilespmem:s12+$0x20];
	[tilespmem:s12+$0x100] =	vst v25;
	v38 =	vpop (erf)  }
0x7b: {  	v43 =	vbroadcast v35, $0x2;
	v40 =	vbroadcast v35, $0x3;
	v30 =	vld [tilespmem:s12+$0x30];
	v21 =	vpop (erf);
	[tilespmem:s8+$0xB0] =	vst v23  }
0x7c: {  	v62 =	vbroadcast v21, $0x0;
	v57 =	vbroadcast v21, $0x1;
	v36 =	vld [tilespmem:s12+$0x40];
	[tilespmem:s8+$0xC0] =	vst v27  }
0x7d: {  	v60 =	vbroadcast v21, $0x2;
	v56 =	vbroadcast v21, $0x3;
	v32 =	vld [tilespmem:s12+$0x50];
	[tilespmem:s8+$0xD0] =	vst v29  }
0x7e: {  	v59 =	vbroadcast v21, $0x4;
	v55 =	vbroadcast v21, $0x5;
	v25 =	vld [tilespmem:s12+$0x60];
	[tilespmem:s8+$0xE0] =	vst v33  }
0x7f: {  	v58 =	vbroadcast v21, $0x6;
	v54 =	vbroadcast v21, $0x7;
	v31 =	vld [tilespmem:s12+$0x70];
	[tilespmem:s8+$0xF0] =	vst v34;
	s8 =	smov.u32 s12  }
0x80: {  	v53 =	vbroadcast v35, $0x4;
	v50 =	vbroadcast v35, $0x5;
	[tilespmem:s12+$0xFFFFFF60] =	vst v21;
	v21 =	vld [tilespmem:s12+$0x90]  }
0x81: {  	v52 =	vbroadcast v35, $0x6;
	v49 =	vbroadcast v35, $0x7;
	[tilespmem:s12+$0xFFFFFFF0] =	vst v35;
	v22 =	vld [tilespmem:s12+$0xA0]  }
.Ltmp0:
0x82: {  	v51 =	vbroadcast v38, $0x0;
	v48 =	vbroadcast v38, $0x1;
	[tilespmem:s12+$0x80] =	vst v38;
	v23 =	vld [tilespmem:s12+$0xB0];
	(pc) =	sbr.rel @p0 .LBB2_2-.Ltmp0, $4  }
0x83: {  	v47 =	vbroadcast v38, $0x2;
	v45 =	vbroadcast v38, $0x3;
	v27 =	vld [tilespmem:s12+$0xC0];
	[tilespmem:s12+$0x110] =	vst v61  }
0x84: {  	v46 =	vbroadcast v38, $0x4;
	v44 =	vbroadcast v38, $0x5;
	v29 =	vld [tilespmem:s12+$0xD0]  }
0x85: {  	v42 =	vbroadcast v38, $0x6;
	v38 =	vbroadcast v38, $0x7;
	v33 =	vld [tilespmem:s12+$0xE0]  }
0x86: {  	v37 =	vmul.f32 v62, v37;
	v35 =	vbroadcast v61, $0x6;
	s12 =	sadd.s32 $0x240, s12;
	v34 =	vld [tilespmem:s8+$0xF0]  }
0x87: {  	v6 =	vmul.f32 v57, v6  }
0x88: {  	v7 =	vmul.f32 v60, v7;
	[tilespmem:s8+$0xFFFFFEE0] =	vst v37  }
0x89: {  	v8 =	vmul.f32 v8, v56;
	[tilespmem:s8+$0xFFFFFEF0] =	vst v6  }
0x8a: {  	v1 =	vmul.f32 v1, v21;
	[tilespmem:s8+$0xFFFFFF00] =	vst v7  }
0x8b: {  	v3 =	vmul.f32 v3, v22;
	[tilespmem:s8+$0xFFFFFF10] =	vst v8  }
0x8c: {  	v0 =	vmul.f32 v0, v23;
	[tilespmem:s8+$0x90] =	vst v1  }
0x8d: {  	v6 =	vmul.f32 v9, v59;
	[tilespmem:s8+$0xA0] =	vst v3  }
0x8e: {  	v7 =	vmul.f32 v10, v55;
	[tilespmem:s8+$0xB0] =	vst v0  }
0x8f: {  	v8 =	vmul.f32 v11, v58;
	[tilespmem:s8+$0xFFFFFF20] =	vst v6  }
0x90: {  	v1 =	vmul.f32 v27, v2;
	[tilespmem:s8+$0xFFFFFF30] =	vst v7  }
0x91: {  	v2 =	vmul.f32 v29, v5;
	[tilespmem:s8+$0xFFFFFF40] =	vst v8  }
0x92: {  	v0 =	vmul.f32 v33, v4;
	[tilespmem:s8+$0xC0] =	vst v1  }
0x93: {  	v6 =	vmul.f32 v12, v54;
	[tilespmem:s8+$0xD0] =	vst v2  }
0x94: {  	v7 =	vmul.f32 v41, v13;
	[tilespmem:s8+$0xE0] =	vst v0  }
0x95: {  	v8 =	vmul.f32 v39, v14;
	[tilespmem:s8+$0xFFFFFF50] =	vst v6  }
0x96: {  	v1 =	vmul.f32 v34, v35;
	[tilespmem:s8+$0xFFFFFF70] =	vst v7  }
0x97: {  	v6 =	vmul.f32 v43, v15;
	[tilespmem:s8+$0xFFFFFF80] =	vst v8  }
0x98: {  	v7 =	vmul.f32 v16, v40;
	[tilespmem:s8+$0xF0] =	vst v1  }
0x99: {  	v8 =	vmul.f32 v18, v53;
	[tilespmem:s8+$0xFFFFFF90] =	vst v6  }
0x9a: {  	v6 =	vmul.f32 v17, v50;
	[tilespmem:s8+$0xFFFFFFA0] =	vst v7  }
0x9b: {  	v7 =	vmul.f32 v19, v52;
	[tilespmem:s8+$0xFFFFFFB0] =	vst v8  }
0x9c: {  	v8 =	vmul.f32 v20, v49;
	[tilespmem:s8+$0xFFFFFFC0] =	vst v6  }
0x9d: {  	v6 =	vmul.f32 v51, v24;
	[tilespmem:s8+$0xFFFFFFD0] =	vst v7  }
0x9e: {  	v7 =	vmul.f32 v48, v26;
	[tilespmem:s8+$0xFFFFFFE0] =	vst v8  }
0x9f: {  	v8 =	vmul.f32 v47, v28;
	[tilespmem:s8+$0x0] =	vst v6  }
0xa0: {  	v6 =	vmul.f32 v30, v45;
	[tilespmem:s8+$0x10] =	vst v7  }
0xa1: {  	v7 =	vmul.f32 v36, v46;
	[tilespmem:s8+$0x20] =	vst v8  }
0xa2: {  	v8 =	vmul.f32 v32, v44;
	[tilespmem:s8+$0x30] =	vst v6  }
0xa3: {  	v6 =	vmul.f32 v25, v42;
	[tilespmem:s8+$0x40] =	vst v7  }
0xa4: {  	v7 =	vmul.f32 v31, v38;
	[tilespmem:s8+$0x50] =	vst v8  }
0xa5: {  	[tilespmem:s8+$0x60] =	vst v6  }
0xa6: {  	[tilespmem:s8+$0x70] =	vst v7  }
0xa7: {  	[spmem:s3] =	stream.indirect.scatter.add.f32 [tilespmem:s21], [sflag:$0x5], $0x90, s20, s20, $0xb8;
	[tilespmem:$0x1C610] =	vst v63  }
0xa8: {  	_ =	swait.ge [sflag:s31], $0x2D00  }
0xa9: {  	[sflag:s31] =	ssyncset.done $0x0  }
0xaa: {  	[sflag:s31] =	ssyncadd.s32 $0xFFFFD300  }
0xab: {  	_ =	swait.ge [sflag:s31], $0x500  }
0xac: {  	[sflag:s31] =	ssyncset.done $0x0  }
0xad: {  	[sflag:s31] =	ssyncadd.s32 $0xFFFFFB00  }
0xae: {  	_ =	swait.ge [sflag:s0], $0x2D00  }
0xaf: {  	[sflag:s0] =	ssyncset.done $0x0  }
0xb0: {  	[sflag:s0] =	ssyncadd.s32 $0xFFFFD300  }
0xb1: {  	_ =	swait.ge [sflag:s19], $0xA0  }
0xb2: {  	[sflag:s19] =	ssyncset.done $0x0  }
0xb3: {  	[sflag:s19] =	ssyncadd.s32 $0xFFFFFF60  }
0xb4: {  	[tilespmem:s21], [sflag:$0x3] =	stream.indirect.gather [hbm4b:s5+s20], $0x90, s13, s20, $0xb8;
	[tilespmem:$0x1C610] =	vst v63  }
0xb5: {  	s28 =	simm.s32 $0x190;
	s8 =	simm.s32 $0x3AA0  }
0xb6: {  	[tilespmem:s22], [sflag:$0x3] =	stream.indirect.gather [hbm4b:s6+s20], $0x10, s28, s20, $0xb8;
	[tilespmem:$0x1C610] =	vst v63  }
0xb7: {  	s10 =	simm.s32 $0x7A0;
	v0 =	vld [tilespmem:s8+$0x110]  }
0xb8: {  	v1 =	vld [tilespmem:s10+$0x10]  }
0xb9: {  	v3 =	vld [tilespmem:s8+$0xFFFFFFF0]  }
0xba: {  	v4 =	vld [tilespmem:s10+$0xFFFFFFF0]  }
0xbb: {  	v5 =	vld [tilespmem:s8+$0x80]  }
0xbc: {  	v9 =	vld [tilespmem:s10+$0x0]  }
0xbd: {  	v2 =	vld [tilespmem:s10+$0xFFFFFFE0];
	v0 =	vadd.f32 v1, v0  }
0xbe: {  	v34 =	vld [tilespmem:s8+$0xFFFFFEE0]  }
0xbf: {  	v6 =	vld [tilespmem:s8+$0xFFFFFEF0];
	v3 =	vadd.f32 v4, v3;
	v8 =	vmul.f32 $2.000000030e-01, v0  }
0xc0: {  	v7 =	vld [tilespmem:s8+$0xFFFFFF00];
	vm0 =	vgt.f32 v0, $0.0e+00  }
0xc1: {  	v1 =	vld [tilespmem:s8+$0xFFFFFF60];
	v4 =	vadd.f32 v9, v5;
	v5 =	vmul.f32 $2.000000030e-01, v3;
	v0 =	vsel vm0, v0, v8  }
0xc2: {  	v10 =	vld [tilespmem:s8+$0xFFFFFF30];
	vm14 =	vgt.f32 v3, $0.0e+00;
	v0 =	vmul.f32 $1.442695020e+00, v0  }
0xc3: {  	v11 =	vld [tilespmem:s8+$0xFFFFFF40];
	v3 =	vsel vm14, v3, v5  }
0xc4: {  	v12 =	vld [tilespmem:s8+$0xFFFFFF50];
	v3 =	vmul.f32 $1.442695020e+00, v3;
	(erf) = vpow2.f32 v0  }
0xc5: {  	v13 =	vld [tilespmem:s8+$0xFFFFFF70]  }
0xc6: {  	v14 =	vld [tilespmem:s8+$0xFFFFFF80];
	v1 =	vadd.f32 v2, v1;
	(erf) = vpow2.f32 v3  }
0xc7: {  	v15 =	vld [tilespmem:s8+$0xFFFFFF90];
	v2 =	vmul.f32 $2.000000030e-01, v4  }
0xc8: {  	v16 =	vld [tilespmem:s8+$0xFFFFFFA0];
	vm1 =	vgt.f32 v4, $0.0e+00;
	v0 =	vmul.f32 $2.000000030e-01, v1  }
0xc9: {  	v18 =	vld [tilespmem:s8+$0xFFFFFFB0];
	vm15 =	vgt.f32 v1, $0.0e+00;
	v2 =	vsel vm1, v4, v2  }
0xca: {  	v17 =	vld [tilespmem:s8+$0xFFFFFFC0];
	v0 =	vsel vm15, v1, v0;
	v1 =	vmul.f32 $1.442695020e+00, v2  }
0xcb: {  	v19 =	vld [tilespmem:s8+$0xFFFFFFD0];
	v0 =	vmul.f32 $1.442695020e+00, v0  }
0xcc: {  	v20 =	vld [tilespmem:s8+$0xFFFFFFE0];
	(erf) = vpow2.f32 v1  }
0xcd: {  	v24 =	vld [tilespmem:s8+$0x0];
	(erf) = vpow2.f32 v0;
	v35 =	vpop (erf)  }
0xce: {  	v26 =	vld [tilespmem:s8+$0x10];
	v1 =	vbroadcast v35, $0x0;
	v5 =	vbroadcast v35, $0x7  }
0xcf: {  	v4 =	vld [tilespmem:s8+$0x100];
	v3 =	vbroadcast v35, $0x1;
	v0 =	vbroadcast v35, $0x2;
	v33 =	vpop (erf)  }
0xd0: {  	v28 =	vld [tilespmem:s8+$0x20];
	v2 =	vbroadcast v35, $0x3;
	v41 =	vbroadcast v33, $0x0  }
0xd1: {  	v30 =	vld [tilespmem:s8+$0x30];
	v39 =	vbroadcast v33, $0x1;
	v43 =	vbroadcast v33, $0x2  }
0xd2: {  	v36 =	vld [tilespmem:s8+$0x40];
	v40 =	vbroadcast v33, $0x3;
	v53 =	vbroadcast v33, $0x4  }
0xd3: {  	v32 =	vld [tilespmem:s8+$0x50];
	v50 =	vbroadcast v33, $0x5;
	v52 =	vbroadcast v33, $0x6  }
0xd4: {  	v25 =	vld [tilespmem:s8+$0x60];
	v49 =	vbroadcast v33, $0x7;
	v21 =	vmul.f32 v4, v5  }
0xd5: {  	v22 =	vld [tilespmem:s8+$0xA0];
	v5 =	vbroadcast v35, $0x4;
	v4 =	vbroadcast v35, $0x5;
	v37 =	vpop (erf)  }
0xd6: {  	v23 =	vld [tilespmem:s8+$0xB0];
	[tilespmem:s8+$0x110] =	vst v35;
	v35 =	vbroadcast v35, $0x6;
	v51 =	vbroadcast v37, $0x0  }
0xd7: {  	v27 =	vld [tilespmem:s8+$0xC0];
	v48 =	vbroadcast v37, $0x1;
	v47 =	vbroadcast v37, $0x2  }
0xd8: {  	v31 =	vld [tilespmem:s8+$0x70];
	v45 =	vbroadcast v37, $0x3;
	v46 =	vbroadcast v37, $0x4  }
0xd9: {  	v9 =	vld [tilespmem:s8+$0xFFFFFF20];
	v29 =	vpop (erf);
	v44 =	vbroadcast v37, $0x5;
	v42 =	vbroadcast v37, $0x6  }
0xda: {  	v8 =	vld [tilespmem:s8+$0xFFFFFF10];
	v61 =	vbroadcast v29, $0x0;
	v57 =	vbroadcast v29, $0x1  }
0xdb: {  	[tilespmem:s8+$0xFFFFFFF0] =	vst v33;
	v33 =	vld [tilespmem:s8+$0xE0];
	v60 =	vbroadcast v29, $0x2;
	v56 =	vbroadcast v29, $0x3  }
0xdc: {  	[tilespmem:s8+$0x100] =	vst v21;
	v21 =	vld [tilespmem:s8+$0x90];
	v59 =	vbroadcast v29, $0x4;
	v55 =	vbroadcast v29, $0x5  }
0xdd: {  	v58 =	vbroadcast v29, $0x6;
	v54 =	vbroadcast v29, $0x7;
	[tilespmem:s8+$0xFFFFFF60] =	vst v29;
	v29 =	vld [tilespmem:s8+$0xD0]  }
0xde: {  	s11 =	simm.s32 $0x0;
	s12 =	simm.s32 $0x3CE0;
	v38 =	vbroadcast v37, $0x7;
	[tilespmem:s8+$0x80] =	vst v37;
	v37 =	vmul.f32 v61, v34;
	v34 =	vld [tilespmem:s8+$0xF0]  }
.LBB2_4:
0xdf: {  	v61 =	vld [tilespmem:s12+$0x110];
	v6 =	vmul.f32 v57, v6;
	v7 =	vmul.f32 v60, v7;
	s10 =	sadd.s32 $0x40, s10  }
0xe0: {  	s11 =	sadd.s32 $0x4, s11;
	v8 =	vmul.f32 v8, v56;
	v9 =	vmul.f32 v9, v59;
	v57 =	vld [tilespmem:s10+$0x10];
	[tilespmem:s8+$0xFFFFFEE0] =	vst v37  }
0xe1: {  	p0 =	slt.u32 s11, $0x4C;
	v56 =	vld [tilespmem:s10+$0xFFFFFFE0];
	[tilespmem:s8+$0xFFFFFEF0] =	vst v6;
	v6 =	vmul.f32 v10, v55;
	v10 =	vmul.f32 v11, v58  }
0xe2: {  	v11 =	vld [tilespmem:s12+$0xFFFFFFF0];
	[tilespmem:s8+$0xFFFFFF00] =	vst v7;
	v7 =	vmul.f32 v12, v54;
	v12 =	vmul.f32 v41, v13  }
0xe3: {  	v13 =	vld [tilespmem:s10+$0xFFFFFFF0];
	[tilespmem:s8+$0xFFFFFF10] =	vst v8;
	v8 =	vmul.f32 v39, v14;
	v14 =	vmul.f32 v43, v15  }
0xe4: {  	v16 =	vmul.f32 v16, v40;
	v18 =	vmul.f32 v18, v53;
	v15 =	vld [tilespmem:s12+$0x80];
	[tilespmem:s8+$0xFFFFFF20] =	vst v9  }
0xe5: {  	v17 =	vmul.f32 v17, v50;
	v19 =	vmul.f32 v19, v52;
	v9 =	vld [tilespmem:s10+$0x0];
	v39 =	vadd.f32 v57, v61;
	[tilespmem:s8+$0xFFFFFF30] =	vst v6  }
0xe6: {  	v20 =	vmul.f32 v20, v49;
	v24 =	vmul.f32 v51, v24;
	v40 =	vld [tilespmem:s12+$0xFFFFFF60];
	[tilespmem:s8+$0xFFFFFF40] =	vst v10  }
0xe7: {  	v26 =	vmul.f32 v48, v26;
	v37 =	vld [tilespmem:s12+$0xFFFFFEE0];
	v10 =	vmul.f32 $2.000000030e-01, v39;
	[tilespmem:s8+$0xFFFFFF50] =	vst v7  }
0xe8: {  	v28 =	vmul.f32 v47, v28;
	vm0 =	vgt.f32 v39, $0.0e+00;
	v6 =	vld [tilespmem:s12+$0xFFFFFEF0];
	v13 =	vadd.f32 v13, v11;
	[tilespmem:s8+$0xFFFFFF70] =	vst v12  }
0xe9: {  	v30 =	vmul.f32 v30, v45;
	v36 =	vmul.f32 v36, v46;
	v7 =	vld [tilespmem:s12+$0xFFFFFF00];
	v10 =	vsel vm0, v39, v10;
	[tilespmem:s8+$0xFFFFFF80] =	vst v8  }
0xea: {  	v8 =	vld [tilespmem:s12+$0xFFFFFF10];
	v12 =	vmul.f32 $2.000000030e-01, v13;
	v15 =	vadd.f32 v9, v15;
	v11 =	vmul.f32 $1.442695020e+00, v10;
	[tilespmem:s8+$0xFFFFFF90] =	vst v14  }
0xeb: {  	v32 =	vmul.f32 v32, v44;
	vm0 =	vgt.f32 v13, $0.0e+00;
	v14 =	vadd.f32 v56, v40;
	v9 =	vld [tilespmem:s12+$0xFFFFFF20];
	[tilespmem:s8+$0xFFFFFFA0] =	vst v16  }
0xec: {  	v10 =	vld [tilespmem:s12+$0xFFFFFF30];
	vm1 =	vgt.f32 v15, $0.0e+00;
	v16 =	vmul.f32 $2.000000030e-01, v15;
	(erf) = vpow2.f32 v11;
	[tilespmem:s8+$0xFFFFFFB0] =	vst v18  }
0xed: {  	v13 =	vsel vm0, v13, v12;
	vm2 =	vgt.f32 v14, $0.0e+00;
	v18 =	vmul.f32 $2.000000030e-01, v14;
	v11 =	vld [tilespmem:s12+$0xFFFFFF40];
	[tilespmem:s8+$0xFFFFFFC0] =	vst v17  }
0xee: {  	v25 =	vmul.f32 v25, v42;
	v17 =	vmul.f32 $1.442695020e+00, v13;
	v12 =	vld [tilespmem:s12+$0xFFFFFF50];
	v15 =	vsel vm1, v15, v16;
	[tilespmem:s8+$0xFFFFFFD0] =	vst v19  }
0xef: {  	v31 =	vmul.f32 v31, v38;
	v14 =	vsel vm2, v14, v18;
	v13 =	vld [tilespmem:s12+$0xFFFFFF70];
	v16 =	vmul.f32 $1.442695020e+00, v15;
	[tilespmem:s8+$0xFFFFFFE0] =	vst v20  }
0xf0: {  	v18 =	vmul.f32 $1.442695020e+00, v14;
	v14 =	vld [tilespmem:s12+$0xFFFFFF80];
	(erf) = vpow2.f32 v17;
	[tilespmem:s8+$0x0] =	vst v24  }
0xf1: {  	v21 =	vmul.f32 v1, v21;
	v15 =	vld [tilespmem:s12+$0xFFFFFF90];
	(erf) = vpow2.f32 v16;
	[tilespmem:s8+$0x10] =	vst v26  }
0xf2: {  	v22 =	vmul.f32 v3, v22;
	v16 =	vld [tilespmem:s12+$0xFFFFFFA0];
	(erf) = vpow2.f32 v18;
	[tilespmem:s8+$0x20] =	vst v28  }
0xf3: {  	v23 =	vmul.f32 v0, v23;
	v27 =	vmul.f32 v27, v2;
	v26 =	vld [tilespmem:s12+$0x100];
	[tilespmem:s8+$0x30] =	vst v30  }
0xf4: {  	v29 =	vmul.f32 v29, v5;
	v33 =	vmul.f32 v33, v4;
	v18 =	vld [tilespmem:s12+$0xFFFFFFB0];
	[tilespmem:s8+$0x40] =	vst v36  }
0xf5: {  	v34 =	vmul.f32 v34, v35;
	v17 =	vld [tilespmem:s12+$0xFFFFFFC0];
	v61 =	vpop (erf);
	[tilespmem:s8+$0x50] =	vst v32  }
0xf6: {  	v19 =	vld [tilespmem:s12+$0xFFFFFFD0];
	v1 =	vbroadcast v61, $0x0;
	v4 =	vbroadcast v61, $0x7;
	[tilespmem:s8+$0x60] =	vst v25  }
0xf7: {  	v3 =	vbroadcast v61, $0x1;
	v0 =	vbroadcast v61, $0x2;
	v20 =	vld [tilespmem:s12+$0xFFFFFFE0];
	[tilespmem:s8+$0x70] =	vst v31  }
0xf8: {  	v2 =	vbroadcast v61, $0x3;
	v24 =	vld [tilespmem:s12+$0x0];
	v25 =	vmul.f32 v26, v4;
	[tilespmem:s8+$0x90] =	vst v21  }
0xf9: {  	v5 =	vbroadcast v61, $0x4;
	v4 =	vbroadcast v61, $0x5;
	v26 =	vld [tilespmem:s12+$0x10];
	v35 =	vpop (erf);
	[tilespmem:s8+$0xA0] =	vst v22  }
0xfa: {  	v41 =	vbroadcast v35, $0x0;
	v39 =	vbroadcast v35, $0x1;
	v28 =	vld [tilespmem:s12+$0x20];
	[tilespmem:s12+$0x100] =	vst v25;
	v38 =	vpop (erf)  }
0xfb: {  	v43 =	vbroadcast v35, $0x2;
	v40 =	vbroadcast v35, $0x3;
	v30 =	vld [tilespmem:s12+$0x30];
	v21 =	vpop (erf);
	[tilespmem:s8+$0xB0] =	vst v23  }
0xfc: {  	v62 =	vbroadcast v21, $0x0;
	v57 =	vbroadcast v21, $0x1;
	v36 =	vld [tilespmem:s12+$0x40];
	[tilespmem:s8+$0xC0] =	vst v27  }
0xfd: {  	v60 =	vbroadcast v21, $0x2;
	v56 =	vbroadcast v21, $0x3;
	v32 =	vld [tilespmem:s12+$0x50];
	[tilespmem:s8+$0xD0] =	vst v29  }
0xfe: {  	v59 =	vbroadcast v21, $0x4;
	v55 =	vbroadcast v21, $0x5;
	v25 =	vld [tilespmem:s12+$0x60];
	[tilespmem:s8+$0xE0] =	vst v33  }
0xff: {  	v58 =	vbroadcast v21, $0x6;
	v54 =	vbroadcast v21, $0x7;
	v31 =	vld [tilespmem:s12+$0x70];
	[tilespmem:s8+$0xF0] =	vst v34;
	s8 =	smov.u32 s12  }
0x100: {  	v53 =	vbroadcast v35, $0x4;
	v50 =	vbroadcast v35, $0x5;
	[tilespmem:s12+$0xFFFFFF60] =	vst v21;
	v21 =	vld [tilespmem:s12+$0x90]  }
0x101: {  	v52 =	vbroadcast v35, $0x6;
	v49 =	vbroadcast v35, $0x7;
	[tilespmem:s12+$0xFFFFFFF0] =	vst v35;
	v22 =	vld [tilespmem:s12+$0xA0]  }
.Ltmp1:
0x102: {  	v51 =	vbroadcast v38, $0x0;
	v48 =	vbroadcast v38, $0x1;
	[tilespmem:s12+$0x80] =	vst v38;
	v23 =	vld [tilespmem:s12+$0xB0];
	(pc) =	sbr.rel @p0 .LBB2_4-.Ltmp1, $4  }
0x103: {  	v47 =	vbroadcast v38, $0x2;
	v45 =	vbroadcast v38, $0x3;
	v27 =	vld [tilespmem:s12+$0xC0];
	[tilespmem:s12+$0x110] =	vst v61  }
0x104: {  	v46 =	vbroadcast v38, $0x4;
	v44 =	vbroadcast v38, $0x5;
	v29 =	vld [tilespmem:s12+$0xD0]  }
0x105: {  	v42 =	vbroadcast v38, $0x6;
	v38 =	vbroadcast v38, $0x7;
	v33 =	vld [tilespmem:s12+$0xE0]  }
0x106: {  	v37 =	vmul.f32 v62, v37;
	v35 =	vbroadcast v61, $0x6;
	s12 =	sadd.s32 $0x240, s12;
	v34 =	vld [tilespmem:s8+$0xF0]  }
0x107: {  	v6 =	vmul.f32 v57, v6  }
0x108: {  	v7 =	vmul.f32 v60, v7;
	[tilespmem:s8+$0xFFFFFEE0] =	vst v37  }
0x109: {  	v8 =	vmul.f32 v8, v56;
	[tilespmem:s8+$0xFFFFFEF0] =	vst v6  }
0x10a: {  	v61 =	vmul.f32 v9, v59;
	[tilespmem:s8+$0xFFFFFF00] =	vst v7  }
0x10b: {  	v62 =	vmul.f32 v10, v55;
	[tilespmem:s8+$0xFFFFFF10] =	vst v8  }
0x10c: {  	v63 =	vmul.f32 v11, v58;
	[tilespmem:s8+$0xFFFFFF20] =	vst v61  }
0x10d: {  	v12 =	vmul.f32 v12, v54;
	[tilespmem:s8+$0xFFFFFF30] =	vst v62  }
0x10e: {  	v13 =	vmul.f32 v41, v13;
	[tilespmem:s8+$0xFFFFFF40] =	vst v63  }
0x10f: {  	v14 =	vmul.f32 v39, v14;
	[tilespmem:s8+$0xFFFFFF50] =	vst v12  }
0x110: {  	v39 =	vmul.f32 v16, v40;
	[tilespmem:s8+$0xFFFFFF70] =	vst v13  }
0x111: {  	v40 =	vmul.f32 v18, v53;
	[tilespmem:s8+$0xFFFFFF80] =	vst v14  }
0x112: {  	v41 =	vmul.f32 v17, v50;
	[tilespmem:s8+$0xFFFFFFA0] =	vst v39  }
0x113: {  	v50 =	vmul.f32 v20, v49;
	[tilespmem:s8+$0xFFFFFFB0] =	vst v40  }
0x114: {  	v53 =	vmul.f32 v48, v26;
	[tilespmem:s8+$0xFFFFFFC0] =	vst v41  }
0x115: {  	v54 =	vmul.f32 v47, v28;
	[tilespmem:s8+$0xFFFFFFE0] =	vst v50  }
0x116: {  	v55 =	vmul.f32 v30, v45;
	[tilespmem:s8+$0x10] =	vst v53  }
0x117: {  	v56 =	vmul.f32 v36, v46;
	[tilespmem:s8+$0x20] =	vst v54  }
0x118: {  	v57 =	vmul.f32 v32, v44;
	[tilespmem:s8+$0x30] =	vst v55  }
0x119: {  	v58 =	vmul.f32 v25, v42;
	[tilespmem:s8+$0x40] =	vst v56  }
0x11a: {  	v59 =	vmul.f32 v31, v38;
	[tilespmem:s8+$0x50] =	vst v57  }
0x11b: {  	v1 =	vmul.f32 v1, v21;
	[tilespmem:s8+$0x60] =	vst v58  }
0x11c: {  	v3 =	vmul.f32 v3, v22;
	[tilespmem:s8+$0x70] =	vst v59  }
0x11d: {  	v0 =	vmul.f32 v0, v23;
	[tilespmem:s8+$0x90] =	vst v1  }
0x11e: {  	v37 =	vmul.f32 v43, v15;
	[tilespmem:s8+$0xA0] =	vst v3  }
0x11f: {  	v43 =	vmul.f32 v19, v52;
	[tilespmem:s8+$0xB0] =	vst v0  }
0x120: {  	v52 =	vmul.f32 v51, v24;
	[tilespmem:s8+$0xFFFFFF90] =	vst v37  }
0x121: {  	v60 =	vmul.f32 v27, v2;
	[tilespmem:s8+$0xFFFFFFD0] =	vst v43  }
0x122: {  	v61 =	vmul.f32 v29, v5;
	[tilespmem:s8+$0x0] =	vst v52  }
0x123: {  	v62 =	vmul.f32 v33, v4;
	[tilespmem:s8+$0xC0] =	vst v60  }
0x124: {  	v63 =	vmul.f32 v34, v35;
	[tilespmem:s8+$0xD0] =	vst v61  }
0x125: {  	[tilespmem:s8+$0xE0] =	vst v62  }
0x126: {  	s18 =	simm.s32 $0x1;
	[tilespmem:s8+$0xF0] =	vst v63  }
0x127: {  	[spmem:s3] =	stream.indirect.scatter.add.f32 [tilespmem:s26], [sflag:$0x6], $0x90, s14, s20, $0xb8;
	[tilespmem:$0x1C610] =	vst v63  }
.LBB2_6:
0x128: {  	_ =	swait.ge [sflag:s24], $0x2D00  }
0x129: {  	[sflag:s24] =	ssyncset.done $0x0  }
0x12a: {  	[sflag:s24] =	ssyncadd.s32 $0xFFFFD300  }
0x12b: {  	_ =	swait.ge [sflag:s24], $0x500  }
0x12c: {  	[sflag:s24] =	ssyncset.done $0x0  }
0x12d: {  	[sflag:s24] =	ssyncadd.s32 $0xFFFFFB00  }
0x12e: {  	s28 =	sshll.u32 s18, $0x1;
	_ =	swait.ge [sflag:s30], $0x2D00  }
0x12f: {  	s8 =	sand.u32 $0x2, s28;
	[sflag:s30] =	ssyncset.done $0x0  }
0x130: {  	s8 =	smul.u32 $0x280, s8;
	[sflag:s30] =	ssyncadd.s32 $0xFFFFD300  }
0x131: {  	_ =	swait.ge [sflag:s25], $0xA0  }
0x132: {  	s13 =	sadd.s32 $0x2, s28;
	s10 =	sshrl.u32 s8, $0x2;
	[sflag:s25] =	ssyncset.done $0x0  }
0x133: {  	s11 =	sand.u32 $0x2, s13;
	s8 =	sadd.s32 $0xA0, s10;
	[sflag:s25] =	ssyncadd.s32 $0xFFFFFF60  }
0x134: {  	[tilespmem:s26], [sflag:$0x4] =	stream.indirect.gather [hbm4b:s5+s20], $0x90, s8, s20, $0xb8;
	[tilespmem:$0x1C610] =	vst v63  }
0x135: {  	s11 =	smul.u32 $0x280, s11;
	s8 =	sadd.s32 s7, s13  }
0x136: {  	s23 =	sadd.s32 $0xF0, s10;
	s12 =	smul.u32 $0x14, s8  }
0x137: {  	[tilespmem:s29], [sflag:$0x4] =	stream.indirect.gather [hbm4b:s6+s20], $0x10, s23, s20, $0xb8;
	[tilespmem:$0x1C610] =	vst v63  }
0x138: {  	s8 =	sshrl.u32 s11, $0x2;
	s11 =	simm.s32 $0xDA0;
	s14 =	sadd.s32 s1, s12  }
0x139: {  	[tilespmem:s8], [sflag:$0x1] =	stream.linear.gather [hbm4b:s14+s4], $0xA0, $0x38;
	[tilespmem:$0x1C610] =	vst v63  }
0x13a: {  	s12 =	simm.s32 $0x2A0;
	v0 =	vld [tilespmem:s11+$0x110]  }
0x13b: {  	v1 =	vld [tilespmem:s12+$0x10]  }
0x13c: {  	v3 =	vld [tilespmem:s11+$0xFFFFFFF0]  }
0x13d: {  	v4 =	vld [tilespmem:s12+$0xFFFFFFF0]  }
0x13e: {  	v5 =	vld [tilespmem:s11+$0x80]  }
0x13f: {  	v9 =	vld [tilespmem:s12+$0x0]  }
0x140: {  	v2 =	vld [tilespmem:s12+$0xFFFFFFE0];
	v0 =	vadd.f32 v1, v0  }
0x141: {  	v34 =	vld [tilespmem:s11+$0xFFFFFEE0]  }
0x142: {  	v6 =	vld [tilespmem:s11+$0xFFFFFEF0];
	v3 =	vadd.f32 v4, v3;
	v8 =	vmul.f32 $2.000000030e-01, v0  }
0x143: {  	v7 =	vld [tilespmem:s11+$0xFFFFFF00];
	vm0 =	vgt.f32 v0, $0.0e+00  }
0x144: {  	v1 =	vld [tilespmem:s11+$0xFFFFFF60];
	v4 =	vadd.f32 v9, v5;
	v5 =	vmul.f32 $2.000000030e-01, v3;
	v0 =	vsel vm0, v0, v8  }
0x145: {  	v10 =	vld [tilespmem:s11+$0xFFFFFF30];
	vm14 =	vgt.f32 v3, $0.0e+00;
	v0 =	vmul.f32 $1.442695020e+00, v0  }
0x146: {  	v11 =	vld [tilespmem:s11+$0xFFFFFF40];
	v3 =	vsel vm14, v3, v5  }
0x147: {  	v12 =	vld [tilespmem:s11+$0xFFFFFF50];
	v3 =	vmul.f32 $1.442695020e+00, v3;
	(erf) = vpow2.f32 v0  }
0x148: {  	v13 =	vld [tilespmem:s11+$0xFFFFFF70]  }
0x149: {  	v14 =	vld [tilespmem:s11+$0xFFFFFF80];
	v1 =	vadd.f32 v2, v1;
	(erf) = vpow2.f32 v3  }
0x14a: {  	v15 =	vld [tilespmem:s11+$0xFFFFFF90];
	v2 =	vmul.f32 $2.000000030e-01, v4  }
0x14b: {  	v16 =	vld [tilespmem:s11+$0xFFFFFFA0];
	vm1 =	vgt.f32 v4, $0.0e+00;
	v0 =	vmul.f32 $2.000000030e-01, v1  }
0x14c: {  	v18 =	vld [tilespmem:s11+$0xFFFFFFB0];
	vm15 =	vgt.f32 v1, $0.0e+00;
	v2 =	vsel vm1, v4, v2  }
0x14d: {  	v17 =	vld [tilespmem:s11+$0xFFFFFFC0];
	v0 =	vsel vm15, v1, v0;
	v1 =	vmul.f32 $1.442695020e+00, v2  }
0x14e: {  	v19 =	vld [tilespmem:s11+$0xFFFFFFD0];
	v0 =	vmul.f32 $1.442695020e+00, v0  }
0x14f: {  	v20 =	vld [tilespmem:s11+$0xFFFFFFE0];
	(erf) = vpow2.f32 v1  }
0x150: {  	v24 =	vld [tilespmem:s11+$0x0];
	(erf) = vpow2.f32 v0;
	v35 =	vpop (erf)  }
0x151: {  	v26 =	vld [tilespmem:s11+$0x10];
	v1 =	vbroadcast v35, $0x0;
	v5 =	vbroadcast v35, $0x7  }
0x152: {  	v4 =	vld [tilespmem:s11+$0x100];
	v3 =	vbroadcast v35, $0x1;
	v0 =	vbroadcast v35, $0x2;
	v33 =	vpop (erf)  }
0x153: {  	v28 =	vld [tilespmem:s11+$0x20];
	v2 =	vbroadcast v35, $0x3;
	v41 =	vbroadcast v33, $0x0  }
0x154: {  	v30 =	vld [tilespmem:s11+$0x30];
	v39 =	vbroadcast v33, $0x1;
	v43 =	vbroadcast v33, $0x2  }
0x155: {  	v36 =	vld [tilespmem:s11+$0x40];
	v40 =	vbroadcast v33, $0x3;
	v53 =	vbroadcast v33, $0x4  }
0x156: {  	v32 =	vld [tilespmem:s11+$0x50];
	v50 =	vbroadcast v33, $0x5;
	v52 =	vbroadcast v33, $0x6  }
0x157: {  	v25 =	vld [tilespmem:s11+$0x60];
	v49 =	vbroadcast v33, $0x7;
	v21 =	vmul.f32 v4, v5  }
0x158: {  	v22 =	vld [tilespmem:s11+$0xA0];
	v5 =	vbroadcast v35, $0x4;
	v4 =	vbroadcast v35, $0x5;
	v37 =	vpop (erf)  }
0x159: {  	v23 =	vld [tilespmem:s11+$0xB0];
	[tilespmem:s11+$0x110] =	vst v35;
	v35 =	vbroadcast v35, $0x6;
	v51 =	vbroadcast v37, $0x0  }
0x15a: {  	v27 =	vld [tilespmem:s11+$0xC0];
	v48 =	vbroadcast v37, $0x1;
	v47 =	vbroadcast v37, $0x2  }
0x15b: {  	v31 =	vld [tilespmem:s11+$0x70];
	v45 =	vbroadcast v37, $0x3;
	v46 =	vbroadcast v37, $0x4  }
0x15c: {  	v9 =	vld [tilespmem:s11+$0xFFFFFF20];
	v29 =	vpop (erf);
	v44 =	vbroadcast v37, $0x5;
	v42 =	vbroadcast v37, $0x6  }
0x15d: {  	v8 =	vld [tilespmem:s11+$0xFFFFFF10];
	v61 =	vbroadcast v29, $0x0;
	v57 =	vbroadcast v29, $0x1  }
0x15e: {  	[tilespmem:s11+$0xFFFFFFF0] =	vst v33;
	v33 =	vld [tilespmem:s11+$0xE0];
	v60 =	vbroadcast v29, $0x2;
	v56 =	vbroadcast v29, $0x3  }
0x15f: {  	[tilespmem:s11+$0x100] =	vst v21;
	v21 =	vld [tilespmem:s11+$0x90];
	v59 =	vbroadcast v29, $0x4;
	v55 =	vbroadcast v29, $0x5  }
0x160: {  	v58 =	vbroadcast v29, $0x6;
	v54 =	vbroadcast v29, $0x7;
	[tilespmem:s11+$0xFFFFFF60] =	vst v29;
	v29 =	vld [tilespmem:s11+$0xD0]  }
0x161: {  	s13 =	simm.s32 $0x0;
	s14 =	simm.s32 $0xFE0;
	v38 =	vbroadcast v37, $0x7;
	[tilespmem:s11+$0x80] =	vst v37;
	v37 =	vmul.f32 v61, v34;
	v34 =	vld [tilespmem:s11+$0xF0]  }
.LBB2_7:
0x162: {  	v61 =	vld [tilespmem:s14+$0x110];
	v6 =	vmul.f32 v57, v6;
	v7 =	vmul.f32 v60, v7;
	s12 =	sadd.s32 $0x40, s12  }
0x163: {  	s13 =	sadd.s32 $0x4, s13;
	v8 =	vmul.f32 v8, v56;
	v9 =	vmul.f32 v9, v59;
	v57 =	vld [tilespmem:s12+$0x10];
	[tilespmem:s11+$0xFFFFFEE0] =	vst v37  }
0x164: {  	p0 =	slt.u32 s13, $0x4C;
	v56 =	vld [tilespmem:s12+$0xFFFFFFE0];
	[tilespmem:s11+$0xFFFFFEF0] =	vst v6;
	v6 =	vmul.f32 v10, v55;
	v10 =	vmul.f32 v11, v58  }
0x165: {  	v11 =	vld [tilespmem:s14+$0xFFFFFFF0];
	[tilespmem:s11+$0xFFFFFF00] =	vst v7;
	v7 =	vmul.f32 v12, v54;
	v12 =	vmul.f32 v41, v13  }
0x166: {  	v13 =	vld [tilespmem:s12+$0xFFFFFFF0];
	[tilespmem:s11+$0xFFFFFF10] =	vst v8;
	v8 =	vmul.f32 v39, v14;
	v14 =	vmul.f32 v43, v15  }
0x167: {  	v16 =	vmul.f32 v16, v40;
	v18 =	vmul.f32 v18, v53;
	v15 =	vld [tilespmem:s14+$0x80];
	[tilespmem:s11+$0xFFFFFF20] =	vst v9  }
0x168: {  	v17 =	vmul.f32 v17, v50;
	v19 =	vmul.f32 v19, v52;
	v9 =	vld [tilespmem:s12+$0x0];
	v39 =	vadd.f32 v57, v61;
	[tilespmem:s11+$0xFFFFFF30] =	vst v6  }
0x169: {  	v20 =	vmul.f32 v20, v49;
	v24 =	vmul.f32 v51, v24;
	v40 =	vld [tilespmem:s14+$0xFFFFFF60];
	[tilespmem:s11+$0xFFFFFF40] =	vst v10  }
0x16a: {  	v26 =	vmul.f32 v48, v26;
	v37 =	vld [tilespmem:s14+$0xFFFFFEE0];
	v10 =	vmul.f32 $2.000000030e-01, v39;
	[tilespmem:s11+$0xFFFFFF50] =	vst v7  }
0x16b: {  	v28 =	vmul.f32 v47, v28;
	vm0 =	vgt.f32 v39, $0.0e+00;
	v6 =	vld [tilespmem:s14+$0xFFFFFEF0];
	v13 =	vadd.f32 v13, v11;
	[tilespmem:s11+$0xFFFFFF70] =	vst v12  }
0x16c: {  	v30 =	vmul.f32 v30, v45;
	v36 =	vmul.f32 v36, v46;
	v7 =	vld [tilespmem:s14+$0xFFFFFF00];
	v10 =	vsel vm0, v39, v10;
	[tilespmem:s11+$0xFFFFFF80] =	vst v8  }
0x16d: {  	v8 =	vld [tilespmem:s14+$0xFFFFFF10];
	v12 =	vmul.f32 $2.000000030e-01, v13;
	v15 =	vadd.f32 v9, v15;
	v11 =	vmul.f32 $1.442695020e+00, v10;
	[tilespmem:s11+$0xFFFFFF90] =	vst v14  }
0x16e: {  	v32 =	vmul.f32 v32, v44;
	vm0 =	vgt.f32 v13, $0.0e+00;
	v14 =	vadd.f32 v56, v40;
	v9 =	vld [tilespmem:s14+$0xFFFFFF20];
	[tilespmem:s11+$0xFFFFFFA0] =	vst v16  }
0x16f: {  	v10 =	vld [tilespmem:s14+$0xFFFFFF30];
	vm1 =	vgt.f32 v15, $0.0e+00;
	v16 =	vmul.f32 $2.000000030e-01, v15;
	(erf) = vpow2.f32 v11;
	[tilespmem:s11+$0xFFFFFFB0] =	vst v18  }
0x170: {  	v13 =	vsel vm0, v13, v12;
	vm2 =	vgt.f32 v14, $0.0e+00;
	v18 =	vmul.f32 $2.000000030e-01, v14;
	v11 =	vld [tilespmem:s14+$0xFFFFFF40];
	[tilespmem:s11+$0xFFFFFFC0] =	vst v17  }
0x171: {  	v25 =	vmul.f32 v25, v42;
	v17 =	vmul.f32 $1.442695020e+00, v13;
	v12 =	vld [tilespmem:s14+$0xFFFFFF50];
	v15 =	vsel vm1, v15, v16;
	[tilespmem:s11+$0xFFFFFFD0] =	vst v19  }
0x172: {  	v31 =	vmul.f32 v31, v38;
	v14 =	vsel vm2, v14, v18;
	v13 =	vld [tilespmem:s14+$0xFFFFFF70];
	v16 =	vmul.f32 $1.442695020e+00, v15;
	[tilespmem:s11+$0xFFFFFFE0] =	vst v20  }
0x173: {  	v18 =	vmul.f32 $1.442695020e+00, v14;
	v14 =	vld [tilespmem:s14+$0xFFFFFF80];
	(erf) = vpow2.f32 v17;
	[tilespmem:s11+$0x0] =	vst v24  }
0x174: {  	v21 =	vmul.f32 v1, v21;
	v15 =	vld [tilespmem:s14+$0xFFFFFF90];
	(erf) = vpow2.f32 v16;
	[tilespmem:s11+$0x10] =	vst v26  }
0x175: {  	v22 =	vmul.f32 v3, v22;
	v16 =	vld [tilespmem:s14+$0xFFFFFFA0];
	(erf) = vpow2.f32 v18;
	[tilespmem:s11+$0x20] =	vst v28  }
0x176: {  	v23 =	vmul.f32 v0, v23;
	v27 =	vmul.f32 v27, v2;
	v26 =	vld [tilespmem:s14+$0x100];
	[tilespmem:s11+$0x30] =	vst v30  }
0x177: {  	v29 =	vmul.f32 v29, v5;
	v33 =	vmul.f32 v33, v4;
	v18 =	vld [tilespmem:s14+$0xFFFFFFB0];
	[tilespmem:s11+$0x40] =	vst v36  }
0x178: {  	v34 =	vmul.f32 v34, v35;
	v17 =	vld [tilespmem:s14+$0xFFFFFFC0];
	v61 =	vpop (erf);
	[tilespmem:s11+$0x50] =	vst v32  }
0x179: {  	v19 =	vld [tilespmem:s14+$0xFFFFFFD0];
	v1 =	vbroadcast v61, $0x0;
	v4 =	vbroadcast v61, $0x7;
	[tilespmem:s11+$0x60] =	vst v25  }
0x17a: {  	v3 =	vbroadcast v61, $0x1;
	v0 =	vbroadcast v61, $0x2;
	v20 =	vld [tilespmem:s14+$0xFFFFFFE0];
	[tilespmem:s11+$0x70] =	vst v31  }
0x17b: {  	v2 =	vbroadcast v61, $0x3;
	v24 =	vld [tilespmem:s14+$0x0];
	v25 =	vmul.f32 v26, v4;
	[tilespmem:s11+$0x90] =	vst v21  }
0x17c: {  	v5 =	vbroadcast v61, $0x4;
	v4 =	vbroadcast v61, $0x5;
	v26 =	vld [tilespmem:s14+$0x10];
	v35 =	vpop (erf);
	[tilespmem:s11+$0xA0] =	vst v22  }
0x17d: {  	v41 =	vbroadcast v35, $0x0;
	v39 =	vbroadcast v35, $0x1;
	v28 =	vld [tilespmem:s14+$0x20];
	[tilespmem:s14+$0x100] =	vst v25;
	v38 =	vpop (erf)  }
0x17e: {  	v43 =	vbroadcast v35, $0x2;
	v40 =	vbroadcast v35, $0x3;
	v30 =	vld [tilespmem:s14+$0x30];
	v21 =	vpop (erf);
	[tilespmem:s11+$0xB0] =	vst v23  }
0x17f: {  	v62 =	vbroadcast v21, $0x0;
	v57 =	vbroadcast v21, $0x1;
	v36 =	vld [tilespmem:s14+$0x40];
	[tilespmem:s11+$0xC0] =	vst v27  }
0x180: {  	v60 =	vbroadcast v21, $0x2;
	v56 =	vbroadcast v21, $0x3;
	v32 =	vld [tilespmem:s14+$0x50];
	[tilespmem:s11+$0xD0] =	vst v29  }
0x181: {  	v59 =	vbroadcast v21, $0x4;
	v55 =	vbroadcast v21, $0x5;
	v25 =	vld [tilespmem:s14+$0x60];
	[tilespmem:s11+$0xE0] =	vst v33  }
0x182: {  	v58 =	vbroadcast v21, $0x6;
	v54 =	vbroadcast v21, $0x7;
	v31 =	vld [tilespmem:s14+$0x70];
	[tilespmem:s11+$0xF0] =	vst v34;
	s11 =	smov.u32 s14  }
0x183: {  	v53 =	vbroadcast v35, $0x4;
	v50 =	vbroadcast v35, $0x5;
	[tilespmem:s14+$0xFFFFFF60] =	vst v21;
	v21 =	vld [tilespmem:s14+$0x90]  }
0x184: {  	v52 =	vbroadcast v35, $0x6;
	v49 =	vbroadcast v35, $0x7;
	[tilespmem:s14+$0xFFFFFFF0] =	vst v35;
	v22 =	vld [tilespmem:s14+$0xA0]  }
.Ltmp2:
0x185: {  	v51 =	vbroadcast v38, $0x0;
	v48 =	vbroadcast v38, $0x1;
	[tilespmem:s14+$0x80] =	vst v38;
	v23 =	vld [tilespmem:s14+$0xB0];
	(pc) =	sbr.rel @p0 .LBB2_7-.Ltmp2, $4  }
0x186: {  	v47 =	vbroadcast v38, $0x2;
	v45 =	vbroadcast v38, $0x3;
	v27 =	vld [tilespmem:s14+$0xC0];
	[tilespmem:s14+$0x110] =	vst v61  }
0x187: {  	v46 =	vbroadcast v38, $0x4;
	v44 =	vbroadcast v38, $0x5;
	v29 =	vld [tilespmem:s14+$0xD0]  }
0x188: {  	v42 =	vbroadcast v38, $0x6;
	v38 =	vbroadcast v38, $0x7;
	v33 =	vld [tilespmem:s14+$0xE0]  }
0x189: {  	v37 =	vmul.f32 v62, v37;
	v35 =	vbroadcast v61, $0x6;
	s14 =	sadd.s32 $0x240, s14;
	v34 =	vld [tilespmem:s11+$0xF0]  }
0x18a: {  	v6 =	vmul.f32 v57, v6  }
0x18b: {  	v7 =	vmul.f32 v60, v7;
	[tilespmem:s11+$0xFFFFFEE0] =	vst v37  }
0x18c: {  	v8 =	vmul.f32 v8, v56;
	[tilespmem:s11+$0xFFFFFEF0] =	vst v6  }
0x18d: {  	v1 =	vmul.f32 v1, v21;
	[tilespmem:s11+$0xFFFFFF00] =	vst v7  }
0x18e: {  	v3 =	vmul.f32 v3, v22;
	[tilespmem:s11+$0xFFFFFF10] =	vst v8  }
0x18f: {  	v0 =	vmul.f32 v0, v23;
	[tilespmem:s11+$0x90] =	vst v1  }
0x190: {  	v6 =	vmul.f32 v9, v59;
	[tilespmem:s11+$0xA0] =	vst v3  }
0x191: {  	v7 =	vmul.f32 v10, v55;
	[tilespmem:s11+$0xB0] =	vst v0  }
0x192: {  	v8 =	vmul.f32 v11, v58;
	[tilespmem:s11+$0xFFFFFF20] =	vst v6  }
0x193: {  	v1 =	vmul.f32 v27, v2;
	[tilespmem:s11+$0xFFFFFF30] =	vst v7  }
0x194: {  	v2 =	vmul.f32 v29, v5;
	[tilespmem:s11+$0xFFFFFF40] =	vst v8  }
0x195: {  	v0 =	vmul.f32 v33, v4;
	[tilespmem:s11+$0xC0] =	vst v1  }
0x196: {  	v6 =	vmul.f32 v12, v54;
	[tilespmem:s11+$0xD0] =	vst v2  }
0x197: {  	v7 =	vmul.f32 v41, v13;
	[tilespmem:s11+$0xE0] =	vst v0  }
0x198: {  	v8 =	vmul.f32 v39, v14;
	[tilespmem:s11+$0xFFFFFF50] =	vst v6  }
0x199: {  	v1 =	vmul.f32 v34, v35;
	[tilespmem:s11+$0xFFFFFF70] =	vst v7  }
0x19a: {  	v6 =	vmul.f32 v43, v15;
	[tilespmem:s11+$0xFFFFFF80] =	vst v8  }
0x19b: {  	v7 =	vmul.f32 v16, v40;
	[tilespmem:s11+$0xF0] =	vst v1  }
0x19c: {  	v8 =	vmul.f32 v18, v53;
	[tilespmem:s11+$0xFFFFFF90] =	vst v6  }
0x19d: {  	v6 =	vmul.f32 v17, v50;
	[tilespmem:s11+$0xFFFFFFA0] =	vst v7  }
0x19e: {  	v7 =	vmul.f32 v19, v52;
	[tilespmem:s11+$0xFFFFFFB0] =	vst v8  }
0x19f: {  	v8 =	vmul.f32 v20, v49;
	[tilespmem:s11+$0xFFFFFFC0] =	vst v6  }
0x1a0: {  	v6 =	vmul.f32 v51, v24;
	[tilespmem:s11+$0xFFFFFFD0] =	vst v7  }
0x1a1: {  	v7 =	vmul.f32 v48, v26;
	[tilespmem:s11+$0xFFFFFFE0] =	vst v8  }
0x1a2: {  	v8 =	vmul.f32 v47, v28;
	[tilespmem:s11+$0x0] =	vst v6  }
0x1a3: {  	v6 =	vmul.f32 v30, v45;
	[tilespmem:s11+$0x10] =	vst v7  }
0x1a4: {  	v7 =	vmul.f32 v36, v46;
	[tilespmem:s11+$0x20] =	vst v8  }
0x1a5: {  	v8 =	vmul.f32 v32, v44;
	[tilespmem:s11+$0x30] =	vst v6  }
0x1a6: {  	v6 =	vmul.f32 v25, v42;
	[tilespmem:s11+$0x40] =	vst v7  }
0x1a7: {  	v7 =	vmul.f32 v31, v38;
	[tilespmem:s11+$0x50] =	vst v8  }
0x1a8: {  	[tilespmem:s11+$0x60] =	vst v6  }
0x1a9: {  	s10 =	sadd.s32 $0x50, s10;
	[tilespmem:s11+$0x70] =	vst v7  }
0x1aa: {  	[spmem:s3] =	stream.indirect.scatter.add.f32 [tilespmem:s21], [sflag:$0x5], $0x90, s10, s20, $0xb8;
	[tilespmem:$0x1C610] =	vst v63  }
0x1ab: {  	_ =	swait.ge [sflag:s31], $0x2D00  }
0x1ac: {  	[sflag:s31] =	ssyncset.done $0x0  }
0x1ad: {  	[sflag:s31] =	ssyncadd.s32 $0xFFFFD300  }
0x1ae: {  	_ =	swait.ge [sflag:s31], $0x500  }
0x1af: {  	[sflag:s31] =	ssyncset.done $0x0  }
0x1b0: {  	[sflag:s31] =	ssyncadd.s32 $0xFFFFFB00  }
0x1b1: {  	_ =	swait.ge [sflag:s0], $0x2D00  }
0x1b2: {  	[sflag:s0] =	ssyncset.done $0x0  }
0x1b3: {  	[sflag:s0] =	ssyncadd.s32 $0xFFFFD300  }
0x1b4: {  	s12 =	sadd.s32 $0x3, s28;
	_ =	swait.ge [sflag:s19], $0xA0  }
0x1b5: {  	s13 =	sand.u32 $0x3, s12;
	[sflag:s19] =	ssyncset.done $0x0  }
0x1b6: {  	s11 =	smul.u32 $0x280, s13;
	s10 =	sadd.s32 s7, s12;
	[sflag:s19] =	ssyncadd.s32 $0xFFFFFF60  }
0x1b7: {  	[tilespmem:s21], [sflag:$0x3] =	stream.indirect.gather [hbm4b:s5+s20], $0x90, s8, s20, $0xb8;
	[tilespmem:$0x1C610] =	vst v63  }
0x1b8: {  	s14 =	sadd.s32 $0x50, s8;
	s10 =	smul.u32 $0x14, s10  }
0x1b9: {  	[tilespmem:s22], [sflag:$0x3] =	stream.indirect.gather [hbm4b:s6+s20], $0x10, s14, s20, $0xb8;
	[tilespmem:$0x1C610] =	vst v63  }
0x1ba: {  	s28 =	sshrl.u32 s11, $0x2;
	s10 =	sadd.s32 s1, s10;
	s8 =	simm.s32 $0x3AA0  }
0x1bb: {  	[tilespmem:s28], [sflag:$0x2] =	stream.linear.gather [hbm4b:s10+s4], $0xA0, $0x38;
	[tilespmem:$0x1C610] =	vst v63  }
0x1bc: {  	s10 =	simm.s32 $0x7A0;
	v0 =	vld [tilespmem:s8+$0x110]  }
0x1bd: {  	v1 =	vld [tilespmem:s10+$0x10]  }
0x1be: {  	v3 =	vld [tilespmem:s8+$0xFFFFFFF0]  }
0x1bf: {  	v4 =	vld [tilespmem:s10+$0xFFFFFFF0]  }
0x1c0: {  	v5 =	vld [tilespmem:s8+$0x80]  }
0x1c1: {  	v9 =	vld [tilespmem:s10+$0x0]  }
0x1c2: {  	v2 =	vld [tilespmem:s10+$0xFFFFFFE0];
	v0 =	vadd.f32 v1, v0  }
0x1c3: {  	v34 =	vld [tilespmem:s8+$0xFFFFFEE0]  }
0x1c4: {  	v6 =	vld [tilespmem:s8+$0xFFFFFEF0];
	v3 =	vadd.f32 v4, v3;
	v8 =	vmul.f32 $2.000000030e-01, v0  }
0x1c5: {  	v7 =	vld [tilespmem:s8+$0xFFFFFF00];
	vm0 =	vgt.f32 v0, $0.0e+00  }
0x1c6: {  	v1 =	vld [tilespmem:s8+$0xFFFFFF60];
	v4 =	vadd.f32 v9, v5;
	v5 =	vmul.f32 $2.000000030e-01, v3;
	v0 =	vsel vm0, v0, v8  }
0x1c7: {  	v10 =	vld [tilespmem:s8+$0xFFFFFF30];
	vm14 =	vgt.f32 v3, $0.0e+00;
	v0 =	vmul.f32 $1.442695020e+00, v0  }
0x1c8: {  	v11 =	vld [tilespmem:s8+$0xFFFFFF40];
	v3 =	vsel vm14, v3, v5  }
0x1c9: {  	v12 =	vld [tilespmem:s8+$0xFFFFFF50];
	v3 =	vmul.f32 $1.442695020e+00, v3;
	(erf) = vpow2.f32 v0  }
0x1ca: {  	v13 =	vld [tilespmem:s8+$0xFFFFFF70]  }
0x1cb: {  	v14 =	vld [tilespmem:s8+$0xFFFFFF80];
	v1 =	vadd.f32 v2, v1;
	(erf) = vpow2.f32 v3  }
0x1cc: {  	v15 =	vld [tilespmem:s8+$0xFFFFFF90];
	v2 =	vmul.f32 $2.000000030e-01, v4  }
0x1cd: {  	v16 =	vld [tilespmem:s8+$0xFFFFFFA0];
	vm1 =	vgt.f32 v4, $0.0e+00;
	v0 =	vmul.f32 $2.000000030e-01, v1  }
0x1ce: {  	v18 =	vld [tilespmem:s8+$0xFFFFFFB0];
	vm15 =	vgt.f32 v1, $0.0e+00;
	v2 =	vsel vm1, v4, v2  }
0x1cf: {  	v17 =	vld [tilespmem:s8+$0xFFFFFFC0];
	v0 =	vsel vm15, v1, v0;
	v1 =	vmul.f32 $1.442695020e+00, v2  }
0x1d0: {  	v19 =	vld [tilespmem:s8+$0xFFFFFFD0];
	v0 =	vmul.f32 $1.442695020e+00, v0  }
0x1d1: {  	v20 =	vld [tilespmem:s8+$0xFFFFFFE0];
	(erf) = vpow2.f32 v1  }
0x1d2: {  	v24 =	vld [tilespmem:s8+$0x0];
	(erf) = vpow2.f32 v0;
	v35 =	vpop (erf)  }
0x1d3: {  	v26 =	vld [tilespmem:s8+$0x10];
	v1 =	vbroadcast v35, $0x0;
	v5 =	vbroadcast v35, $0x7  }
0x1d4: {  	v4 =	vld [tilespmem:s8+$0x100];
	v3 =	vbroadcast v35, $0x1;
	v0 =	vbroadcast v35, $0x2;
	v33 =	vpop (erf)  }
0x1d5: {  	v28 =	vld [tilespmem:s8+$0x20];
	v2 =	vbroadcast v35, $0x3;
	v41 =	vbroadcast v33, $0x0  }
0x1d6: {  	v30 =	vld [tilespmem:s8+$0x30];
	v39 =	vbroadcast v33, $0x1;
	v43 =	vbroadcast v33, $0x2  }
0x1d7: {  	v36 =	vld [tilespmem:s8+$0x40];
	v40 =	vbroadcast v33, $0x3;
	v53 =	vbroadcast v33, $0x4  }
0x1d8: {  	v32 =	vld [tilespmem:s8+$0x50];
	v50 =	vbroadcast v33, $0x5;
	v52 =	vbroadcast v33, $0x6  }
0x1d9: {  	v25 =	vld [tilespmem:s8+$0x60];
	v49 =	vbroadcast v33, $0x7;
	v21 =	vmul.f32 v4, v5  }
0x1da: {  	v22 =	vld [tilespmem:s8+$0xA0];
	v5 =	vbroadcast v35, $0x4;
	v4 =	vbroadcast v35, $0x5;
	v37 =	vpop (erf)  }
0x1db: {  	v23 =	vld [tilespmem:s8+$0xB0];
	[tilespmem:s8+$0x110] =	vst v35;
	v35 =	vbroadcast v35, $0x6;
	v51 =	vbroadcast v37, $0x0  }
0x1dc: {  	v27 =	vld [tilespmem:s8+$0xC0];
	v48 =	vbroadcast v37, $0x1;
	v47 =	vbroadcast v37, $0x2  }
0x1dd: {  	v31 =	vld [tilespmem:s8+$0x70];
	v45 =	vbroadcast v37, $0x3;
	v46 =	vbroadcast v37, $0x4  }
0x1de: {  	v9 =	vld [tilespmem:s8+$0xFFFFFF20];
	v29 =	vpop (erf);
	v44 =	vbroadcast v37, $0x5;
	v42 =	vbroadcast v37, $0x6  }
0x1df: {  	v8 =	vld [tilespmem:s8+$0xFFFFFF10];
	v61 =	vbroadcast v29, $0x0;
	v57 =	vbroadcast v29, $0x1  }
0x1e0: {  	[tilespmem:s8+$0xFFFFFFF0] =	vst v33;
	v33 =	vld [tilespmem:s8+$0xE0];
	v60 =	vbroadcast v29, $0x2;
	v56 =	vbroadcast v29, $0x3  }
0x1e1: {  	[tilespmem:s8+$0x100] =	vst v21;
	v21 =	vld [tilespmem:s8+$0x90];
	v59 =	vbroadcast v29, $0x4;
	v55 =	vbroadcast v29, $0x5  }
0x1e2: {  	v58 =	vbroadcast v29, $0x6;
	v54 =	vbroadcast v29, $0x7;
	[tilespmem:s8+$0xFFFFFF60] =	vst v29;
	v29 =	vld [tilespmem:s8+$0xD0]  }
0x1e3: {  	s12 =	simm.s32 $0x3CE0;
	s11 =	simm.s32 $0x0;
	v38 =	vbroadcast v37, $0x7;
	[tilespmem:s8+$0x80] =	vst v37;
	v37 =	vmul.f32 v61, v34;
	v34 =	vld [tilespmem:s8+$0xF0]  }
.LBB2_9:
0x1e4: {  	v61 =	vld [tilespmem:s12+$0x110];
	v6 =	vmul.f32 v57, v6;
	v7 =	vmul.f32 v60, v7;
	s10 =	sadd.s32 $0x40, s10  }
0x1e5: {  	s11 =	sadd.s32 $0x4, s11;
	v8 =	vmul.f32 v8, v56;
	v9 =	vmul.f32 v9, v59;
	v57 =	vld [tilespmem:s10+$0x10];
	[tilespmem:s8+$0xFFFFFEE0] =	vst v37  }
0x1e6: {  	p0 =	slt.u32 s11, $0x4C;
	v56 =	vld [tilespmem:s10+$0xFFFFFFE0];
	[tilespmem:s8+$0xFFFFFEF0] =	vst v6;
	v6 =	vmul.f32 v10, v55;
	v10 =	vmul.f32 v11, v58  }
0x1e7: {  	v11 =	vld [tilespmem:s12+$0xFFFFFFF0];
	[tilespmem:s8+$0xFFFFFF00] =	vst v7;
	v7 =	vmul.f32 v12, v54;
	v12 =	vmul.f32 v41, v13  }
0x1e8: {  	v13 =	vld [tilespmem:s10+$0xFFFFFFF0];
	[tilespmem:s8+$0xFFFFFF10] =	vst v8;
	v8 =	vmul.f32 v39, v14;
	v14 =	vmul.f32 v43, v15  }
0x1e9: {  	v16 =	vmul.f32 v16, v40;
	v18 =	vmul.f32 v18, v53;
	v15 =	vld [tilespmem:s12+$0x80];
	[tilespmem:s8+$0xFFFFFF20] =	vst v9  }
0x1ea: {  	v17 =	vmul.f32 v17, v50;
	v19 =	vmul.f32 v19, v52;
	v9 =	vld [tilespmem:s10+$0x0];
	v39 =	vadd.f32 v57, v61;
	[tilespmem:s8+$0xFFFFFF30] =	vst v6  }
0x1eb: {  	v20 =	vmul.f32 v20, v49;
	v24 =	vmul.f32 v51, v24;
	v40 =	vld [tilespmem:s12+$0xFFFFFF60];
	[tilespmem:s8+$0xFFFFFF40] =	vst v10  }
0x1ec: {  	v26 =	vmul.f32 v48, v26;
	v37 =	vld [tilespmem:s12+$0xFFFFFEE0];
	v10 =	vmul.f32 $2.000000030e-01, v39;
	[tilespmem:s8+$0xFFFFFF50] =	vst v7  }
0x1ed: {  	v28 =	vmul.f32 v47, v28;
	vm0 =	vgt.f32 v39, $0.0e+00;
	v6 =	vld [tilespmem:s12+$0xFFFFFEF0];
	v13 =	vadd.f32 v13, v11;
	[tilespmem:s8+$0xFFFFFF70] =	vst v12  }
0x1ee: {  	v30 =	vmul.f32 v30, v45;
	v36 =	vmul.f32 v36, v46;
	v7 =	vld [tilespmem:s12+$0xFFFFFF00];
	v10 =	vsel vm0, v39, v10;
	[tilespmem:s8+$0xFFFFFF80] =	vst v8  }
0x1ef: {  	v8 =	vld [tilespmem:s12+$0xFFFFFF10];
	v12 =	vmul.f32 $2.000000030e-01, v13;
	v15 =	vadd.f32 v9, v15;
	v11 =	vmul.f32 $1.442695020e+00, v10;
	[tilespmem:s8+$0xFFFFFF90] =	vst v14  }
0x1f0: {  	v32 =	vmul.f32 v32, v44;
	vm0 =	vgt.f32 v13, $0.0e+00;
	v14 =	vadd.f32 v56, v40;
	v9 =	vld [tilespmem:s12+$0xFFFFFF20];
	[tilespmem:s8+$0xFFFFFFA0] =	vst v16  }
0x1f1: {  	v10 =	vld [tilespmem:s12+$0xFFFFFF30];
	vm1 =	vgt.f32 v15, $0.0e+00;
	v16 =	vmul.f32 $2.000000030e-01, v15;
	(erf) = vpow2.f32 v11;
	[tilespmem:s8+$0xFFFFFFB0] =	vst v18  }
0x1f2: {  	v13 =	vsel vm0, v13, v12;
	vm2 =	vgt.f32 v14, $0.0e+00;
	v18 =	vmul.f32 $2.000000030e-01, v14;
	v11 =	vld [tilespmem:s12+$0xFFFFFF40];
	[tilespmem:s8+$0xFFFFFFC0] =	vst v17  }
0x1f3: {  	v25 =	vmul.f32 v25, v42;
	v17 =	vmul.f32 $1.442695020e+00, v13;
	v12 =	vld [tilespmem:s12+$0xFFFFFF50];
	v15 =	vsel vm1, v15, v16;
	[tilespmem:s8+$0xFFFFFFD0] =	vst v19  }
0x1f4: {  	v31 =	vmul.f32 v31, v38;
	v14 =	vsel vm2, v14, v18;
	v13 =	vld [tilespmem:s12+$0xFFFFFF70];
	v16 =	vmul.f32 $1.442695020e+00, v15;
	[tilespmem:s8+$0xFFFFFFE0] =	vst v20  }
0x1f5: {  	v18 =	vmul.f32 $1.442695020e+00, v14;
	v14 =	vld [tilespmem:s12+$0xFFFFFF80];
	(erf) = vpow2.f32 v17;
	[tilespmem:s8+$0x0] =	vst v24  }
0x1f6: {  	v21 =	vmul.f32 v1, v21;
	v15 =	vld [tilespmem:s12+$0xFFFFFF90];
	(erf) = vpow2.f32 v16;
	[tilespmem:s8+$0x10] =	vst v26  }
0x1f7: {  	v22 =	vmul.f32 v3, v22;
	v16 =	vld [tilespmem:s12+$0xFFFFFFA0];
	(erf) = vpow2.f32 v18;
	[tilespmem:s8+$0x20] =	vst v28  }
0x1f8: {  	v23 =	vmul.f32 v0, v23;
	v27 =	vmul.f32 v27, v2;
	v26 =	vld [tilespmem:s12+$0x100];
	[tilespmem:s8+$0x30] =	vst v30  }
0x1f9: {  	v29 =	vmul.f32 v29, v5;
	v33 =	vmul.f32 v33, v4;
	v18 =	vld [tilespmem:s12+$0xFFFFFFB0];
	[tilespmem:s8+$0x40] =	vst v36  }
0x1fa: {  	v34 =	vmul.f32 v34, v35;
	v17 =	vld [tilespmem:s12+$0xFFFFFFC0];
	v61 =	vpop (erf);
	[tilespmem:s8+$0x50] =	vst v32  }
0x1fb: {  	v19 =	vld [tilespmem:s12+$0xFFFFFFD0];
	v1 =	vbroadcast v61, $0x0;
	v4 =	vbroadcast v61, $0x7;
	[tilespmem:s8+$0x60] =	vst v25  }
0x1fc: {  	v3 =	vbroadcast v61, $0x1;
	v0 =	vbroadcast v61, $0x2;
	v20 =	vld [tilespmem:s12+$0xFFFFFFE0];
	[tilespmem:s8+$0x70] =	vst v31  }
0x1fd: {  	v2 =	vbroadcast v61, $0x3;
	v24 =	vld [tilespmem:s12+$0x0];
	v25 =	vmul.f32 v26, v4;
	[tilespmem:s8+$0x90] =	vst v21  }
0x1fe: {  	v5 =	vbroadcast v61, $0x4;
	v4 =	vbroadcast v61, $0x5;
	v26 =	vld [tilespmem:s12+$0x10];
	v35 =	vpop (erf);
	[tilespmem:s8+$0xA0] =	vst v22  }
0x1ff: {  	v41 =	vbroadcast v35, $0x0;
	v39 =	vbroadcast v35, $0x1;
	v28 =	vld [tilespmem:s12+$0x20];
	[tilespmem:s12+$0x100] =	vst v25;
	v38 =	vpop (erf)  }
0x200: {  	v43 =	vbroadcast v35, $0x2;
	v40 =	vbroadcast v35, $0x3;
	v30 =	vld [tilespmem:s12+$0x30];
	v21 =	vpop (erf);
	[tilespmem:s8+$0xB0] =	vst v23  }
0x201: {  	v62 =	vbroadcast v21, $0x0;
	v57 =	vbroadcast v21, $0x1;
	v36 =	vld [tilespmem:s12+$0x40];
	[tilespmem:s8+$0xC0] =	vst v27  }
0x202: {  	v60 =	vbroadcast v21, $0x2;
	v56 =	vbroadcast v21, $0x3;
	v32 =	vld [tilespmem:s12+$0x50];
	[tilespmem:s8+$0xD0] =	vst v29  }
0x203: {  	v59 =	vbroadcast v21, $0x4;
	v55 =	vbroadcast v21, $0x5;
	v25 =	vld [tilespmem:s12+$0x60];
	[tilespmem:s8+$0xE0] =	vst v33  }
0x204: {  	v58 =	vbroadcast v21, $0x6;
	v54 =	vbroadcast v21, $0x7;
	v31 =	vld [tilespmem:s12+$0x70];
	[tilespmem:s8+$0xF0] =	vst v34;
	s8 =	smov.u32 s12  }
0x205: {  	v53 =	vbroadcast v35, $0x4;
	v50 =	vbroadcast v35, $0x5;
	[tilespmem:s12+$0xFFFFFF60] =	vst v21;
	v21 =	vld [tilespmem:s12+$0x90]  }
0x206: {  	v52 =	vbroadcast v35, $0x6;
	v49 =	vbroadcast v35, $0x7;
	[tilespmem:s12+$0xFFFFFFF0] =	vst v35;
	v22 =	vld [tilespmem:s12+$0xA0]  }
.Ltmp3:
0x207: {  	v51 =	vbroadcast v38, $0x0;
	v48 =	vbroadcast v38, $0x1;
	[tilespmem:s12+$0x80] =	vst v38;
	v23 =	vld [tilespmem:s12+$0xB0];
	(pc) =	sbr.rel @p0 .LBB2_9-.Ltmp3, $4  }
0x208: {  	v47 =	vbroadcast v38, $0x2;
	v45 =	vbroadcast v38, $0x3;
	v27 =	vld [tilespmem:s12+$0xC0];
	[tilespmem:s12+$0x110] =	vst v61  }
0x209: {  	v46 =	vbroadcast v38, $0x4;
	v44 =	vbroadcast v38, $0x5;
	v29 =	vld [tilespmem:s12+$0xD0]  }
0x20a: {  	v42 =	vbroadcast v38, $0x6;
	v38 =	vbroadcast v38, $0x7;
	v33 =	vld [tilespmem:s12+$0xE0]  }
0x20b: {  	v37 =	vmul.f32 v62, v37;
	v35 =	vbroadcast v61, $0x6;
	s12 =	sadd.s32 $0x240, s12;
	v34 =	vld [tilespmem:s8+$0xF0]  }
0x20c: {  	v6 =	vmul.f32 v57, v6  }
0x20d: {  	v7 =	vmul.f32 v60, v7;
	[tilespmem:s8+$0xFFFFFEE0] =	vst v37  }
0x20e: {  	v8 =	vmul.f32 v8, v56;
	[tilespmem:s8+$0xFFFFFEF0] =	vst v6  }
0x20f: {  	v61 =	vmul.f32 v9, v59;
	[tilespmem:s8+$0xFFFFFF00] =	vst v7  }
0x210: {  	v62 =	vmul.f32 v10, v55;
	[tilespmem:s8+$0xFFFFFF10] =	vst v8  }
0x211: {  	v63 =	vmul.f32 v11, v58;
	[tilespmem:s8+$0xFFFFFF20] =	vst v61  }
0x212: {  	v12 =	vmul.f32 v12, v54;
	[tilespmem:s8+$0xFFFFFF30] =	vst v62  }
0x213: {  	v13 =	vmul.f32 v41, v13;
	[tilespmem:s8+$0xFFFFFF40] =	vst v63  }
0x214: {  	v14 =	vmul.f32 v39, v14;
	[tilespmem:s8+$0xFFFFFF50] =	vst v12  }
0x215: {  	v39 =	vmul.f32 v16, v40;
	[tilespmem:s8+$0xFFFFFF70] =	vst v13  }
0x216: {  	v40 =	vmul.f32 v18, v53;
	[tilespmem:s8+$0xFFFFFF80] =	vst v14  }
0x217: {  	v41 =	vmul.f32 v17, v50;
	[tilespmem:s8+$0xFFFFFFA0] =	vst v39  }
0x218: {  	v50 =	vmul.f32 v20, v49;
	[tilespmem:s8+$0xFFFFFFB0] =	vst v40  }
0x219: {  	v53 =	vmul.f32 v48, v26;
	[tilespmem:s8+$0xFFFFFFC0] =	vst v41  }
0x21a: {  	v54 =	vmul.f32 v47, v28;
	[tilespmem:s8+$0xFFFFFFE0] =	vst v50  }
0x21b: {  	v55 =	vmul.f32 v30, v45;
	[tilespmem:s8+$0x10] =	vst v53  }
0x21c: {  	v56 =	vmul.f32 v36, v46;
	[tilespmem:s8+$0x20] =	vst v54  }
0x21d: {  	v57 =	vmul.f32 v32, v44;
	[tilespmem:s8+$0x30] =	vst v55  }
0x21e: {  	v58 =	vmul.f32 v25, v42;
	[tilespmem:s8+$0x40] =	vst v56  }
0x21f: {  	v59 =	vmul.f32 v31, v38;
	[tilespmem:s8+$0x50] =	vst v57  }
0x220: {  	v1 =	vmul.f32 v1, v21;
	[tilespmem:s8+$0x60] =	vst v58  }
0x221: {  	v3 =	vmul.f32 v3, v22;
	[tilespmem:s8+$0x70] =	vst v59  }
0x222: {  	v0 =	vmul.f32 v0, v23;
	[tilespmem:s8+$0x90] =	vst v1  }
0x223: {  	v37 =	vmul.f32 v43, v15;
	[tilespmem:s8+$0xA0] =	vst v3  }
0x224: {  	v43 =	vmul.f32 v19, v52;
	[tilespmem:s8+$0xB0] =	vst v0  }
0x225: {  	v52 =	vmul.f32 v51, v24;
	[tilespmem:s8+$0xFFFFFF90] =	vst v37  }
0x226: {  	s18 =	sadd.s32 $0x1, s18;
	v60 =	vmul.f32 v27, v2;
	[tilespmem:s8+$0xFFFFFFD0] =	vst v43  }
0x227: {  	p0 =	sne.s32 s18, $0x3E;
	v61 =	vmul.f32 v29, v5;
	[tilespmem:s8+$0x0] =	vst v52  }
.Ltmp4:
0x228: {  	v62 =	vmul.f32 v33, v4;
	[tilespmem:s8+$0xC0] =	vst v60;
	(pc) =	sbr.rel @p0 .LBB2_6-.Ltmp4, $4  }
0x229: {  	v63 =	vmul.f32 v34, v35;
	[tilespmem:s8+$0xD0] =	vst v61  }
0x22a: {  	[tilespmem:s8+$0xE0] =	vst v62  }
0x22b: {  	[tilespmem:s8+$0xF0] =	vst v63  }
0x22c: {  	[spmem:s3] =	stream.indirect.scatter.add.f32 [tilespmem:s26], [sflag:$0x6], $0x90, s23, s20, $0xb8;
	[tilespmem:$0x1C610] =	vst v63  }
0x22d: {  	_ =	swait.ge [sflag:s24], $0x2D00  }
0x22e: {  	[sflag:s24] =	ssyncset.done $0x0  }
0x22f: {  	[sflag:s24] =	ssyncadd.s32 $0xFFFFD300  }
0x230: {  	_ =	swait.ge [sflag:s24], $0x500  }
0x231: {  	[sflag:s24] =	ssyncset.done $0x0  }
0x232: {  	[sflag:s24] =	ssyncadd.s32 $0xFFFFFB00  }
0x233: {  	_ =	swait.ge [sflag:s30], $0x2D00  }
0x234: {  	[sflag:s30] =	ssyncset.done $0x0  }
0x235: {  	s8 =	simm.s32 $0xDA0;
	[sflag:s30] =	ssyncadd.s32 $0xFFFFD300  }
0x236: {  	s10 =	simm.s32 $0x2A0;
	v0 =	vld [tilespmem:s8+$0x110]  }
0x237: {  	v1 =	vld [tilespmem:s10+$0x10]  }
0x238: {  	v3 =	vld [tilespmem:s8+$0xFFFFFFF0]  }
0x239: {  	v4 =	vld [tilespmem:s10+$0xFFFFFFF0]  }
0x23a: {  	v5 =	vld [tilespmem:s8+$0x80]  }
0x23b: {  	v9 =	vld [tilespmem:s10+$0x0]  }
0x23c: {  	v2 =	vld [tilespmem:s10+$0xFFFFFFE0];
	v0 =	vadd.f32 v1, v0  }
0x23d: {  	v34 =	vld [tilespmem:s8+$0xFFFFFEE0]  }
0x23e: {  	v6 =	vld [tilespmem:s8+$0xFFFFFEF0];
	v3 =	vadd.f32 v4, v3;
	v8 =	vmul.f32 $2.000000030e-01, v0  }
0x23f: {  	v7 =	vld [tilespmem:s8+$0xFFFFFF00];
	vm0 =	vgt.f32 v0, $0.0e+00  }
0x240: {  	v1 =	vld [tilespmem:s8+$0xFFFFFF60];
	v4 =	vadd.f32 v9, v5;
	v5 =	vmul.f32 $2.000000030e-01, v3;
	v0 =	vsel vm0, v0, v8  }
0x241: {  	v10 =	vld [tilespmem:s8+$0xFFFFFF30];
	vm14 =	vgt.f32 v3, $0.0e+00;
	v0 =	vmul.f32 $1.442695020e+00, v0  }
0x242: {  	v11 =	vld [tilespmem:s8+$0xFFFFFF40];
	v3 =	vsel vm14, v3, v5  }
0x243: {  	v12 =	vld [tilespmem:s8+$0xFFFFFF50];
	v3 =	vmul.f32 $1.442695020e+00, v3;
	(erf) = vpow2.f32 v0  }
0x244: {  	v13 =	vld [tilespmem:s8+$0xFFFFFF70]  }
0x245: {  	v14 =	vld [tilespmem:s8+$0xFFFFFF80];
	v1 =	vadd.f32 v2, v1;
	(erf) = vpow2.f32 v3  }
0x246: {  	v15 =	vld [tilespmem:s8+$0xFFFFFF90];
	v2 =	vmul.f32 $2.000000030e-01, v4  }
0x247: {  	v16 =	vld [tilespmem:s8+$0xFFFFFFA0];
	vm1 =	vgt.f32 v4, $0.0e+00;
	v0 =	vmul.f32 $2.000000030e-01, v1  }
0x248: {  	v18 =	vld [tilespmem:s8+$0xFFFFFFB0];
	vm15 =	vgt.f32 v1, $0.0e+00;
	v2 =	vsel vm1, v4, v2  }
0x249: {  	v17 =	vld [tilespmem:s8+$0xFFFFFFC0];
	v0 =	vsel vm15, v1, v0;
	v1 =	vmul.f32 $1.442695020e+00, v2  }
0x24a: {  	v19 =	vld [tilespmem:s8+$0xFFFFFFD0];
	v0 =	vmul.f32 $1.442695020e+00, v0  }
0x24b: {  	v20 =	vld [tilespmem:s8+$0xFFFFFFE0];
	(erf) = vpow2.f32 v1  }
0x24c: {  	v24 =	vld [tilespmem:s8+$0x0];
	(erf) = vpow2.f32 v0;
	v35 =	vpop (erf)  }
0x24d: {  	v26 =	vld [tilespmem:s8+$0x10];
	v1 =	vbroadcast v35, $0x0;
	v5 =	vbroadcast v35, $0x7  }
0x24e: {  	v4 =	vld [tilespmem:s8+$0x100];
	v3 =	vbroadcast v35, $0x1;
	v0 =	vbroadcast v35, $0x2;
	v33 =	vpop (erf)  }
0x24f: {  	v28 =	vld [tilespmem:s8+$0x20];
	v2 =	vbroadcast v35, $0x3;
	v41 =	vbroadcast v33, $0x0  }
0x250: {  	v30 =	vld [tilespmem:s8+$0x30];
	v39 =	vbroadcast v33, $0x1;
	v43 =	vbroadcast v33, $0x2  }
0x251: {  	v36 =	vld [tilespmem:s8+$0x40];
	v40 =	vbroadcast v33, $0x3;
	v53 =	vbroadcast v33, $0x4  }
0x252: {  	v32 =	vld [tilespmem:s8+$0x50];
	v50 =	vbroadcast v33, $0x5;
	v52 =	vbroadcast v33, $0x6  }
0x253: {  	v25 =	vld [tilespmem:s8+$0x60];
	v49 =	vbroadcast v33, $0x7;
	v21 =	vmul.f32 v4, v5  }
0x254: {  	v22 =	vld [tilespmem:s8+$0xA0];
	v5 =	vbroadcast v35, $0x4;
	v4 =	vbroadcast v35, $0x5;
	v37 =	vpop (erf)  }
0x255: {  	v23 =	vld [tilespmem:s8+$0xB0];
	[tilespmem:s8+$0x110] =	vst v35;
	v35 =	vbroadcast v35, $0x6;
	v51 =	vbroadcast v37, $0x0  }
0x256: {  	v27 =	vld [tilespmem:s8+$0xC0];
	v48 =	vbroadcast v37, $0x1;
	v47 =	vbroadcast v37, $0x2  }
0x257: {  	v31 =	vld [tilespmem:s8+$0x70];
	v45 =	vbroadcast v37, $0x3;
	v46 =	vbroadcast v37, $0x4  }
0x258: {  	v9 =	vld [tilespmem:s8+$0xFFFFFF20];
	v29 =	vpop (erf);
	v44 =	vbroadcast v37, $0x5;
	v42 =	vbroadcast v37, $0x6  }
0x259: {  	v8 =	vld [tilespmem:s8+$0xFFFFFF10];
	v61 =	vbroadcast v29, $0x0;
	v57 =	vbroadcast v29, $0x1  }
0x25a: {  	[tilespmem:s8+$0xFFFFFFF0] =	vst v33;
	v33 =	vld [tilespmem:s8+$0xE0];
	v60 =	vbroadcast v29, $0x2;
	v56 =	vbroadcast v29, $0x3  }
0x25b: {  	[tilespmem:s8+$0x100] =	vst v21;
	v21 =	vld [tilespmem:s8+$0x90];
	v59 =	vbroadcast v29, $0x4;
	v55 =	vbroadcast v29, $0x5  }
0x25c: {  	v58 =	vbroadcast v29, $0x6;
	v54 =	vbroadcast v29, $0x7;
	[tilespmem:s8+$0xFFFFFF60] =	vst v29;
	v29 =	vld [tilespmem:s8+$0xD0]  }
0x25d: {  	s11 =	simm.s32 $0x0;
	s12 =	simm.s32 $0xFE0;
	v38 =	vbroadcast v37, $0x7;
	[tilespmem:s8+$0x80] =	vst v37;
	v37 =	vmul.f32 v61, v34;
	v34 =	vld [tilespmem:s8+$0xF0]  }
.LBB2_12:
0x25e: {  	v61 =	vld [tilespmem:s12+$0x110];
	v6 =	vmul.f32 v57, v6;
	v7 =	vmul.f32 v60, v7;
	s10 =	sadd.s32 $0x40, s10  }
0x25f: {  	s11 =	sadd.s32 $0x4, s11;
	v8 =	vmul.f32 v8, v56;
	v9 =	vmul.f32 v9, v59;
	v57 =	vld [tilespmem:s10+$0x10];
	[tilespmem:s8+$0xFFFFFEE0] =	vst v37  }
0x260: {  	p0 =	slt.u32 s11, $0x4C;
	v56 =	vld [tilespmem:s10+$0xFFFFFFE0];
	[tilespmem:s8+$0xFFFFFEF0] =	vst v6;
	v6 =	vmul.f32 v10, v55;
	v10 =	vmul.f32 v11, v58  }
0x261: {  	v11 =	vld [tilespmem:s12+$0xFFFFFFF0];
	[tilespmem:s8+$0xFFFFFF00] =	vst v7;
	v7 =	vmul.f32 v12, v54;
	v12 =	vmul.f32 v41, v13  }
0x262: {  	v13 =	vld [tilespmem:s10+$0xFFFFFFF0];
	[tilespmem:s8+$0xFFFFFF10] =	vst v8;
	v8 =	vmul.f32 v39, v14;
	v14 =	vmul.f32 v43, v15  }
0x263: {  	v16 =	vmul.f32 v16, v40;
	v18 =	vmul.f32 v18, v53;
	v15 =	vld [tilespmem:s12+$0x80];
	[tilespmem:s8+$0xFFFFFF20] =	vst v9  }
0x264: {  	v17 =	vmul.f32 v17, v50;
	v19 =	vmul.f32 v19, v52;
	v9 =	vld [tilespmem:s10+$0x0];
	v39 =	vadd.f32 v57, v61;
	[tilespmem:s8+$0xFFFFFF30] =	vst v6  }
0x265: {  	v20 =	vmul.f32 v20, v49;
	v24 =	vmul.f32 v51, v24;
	v40 =	vld [tilespmem:s12+$0xFFFFFF60];
	[tilespmem:s8+$0xFFFFFF40] =	vst v10  }
0x266: {  	v26 =	vmul.f32 v48, v26;
	v37 =	vld [tilespmem:s12+$0xFFFFFEE0];
	v10 =	vmul.f32 $2.000000030e-01, v39;
	[tilespmem:s8+$0xFFFFFF50] =	vst v7  }
0x267: {  	v28 =	vmul.f32 v47, v28;
	vm0 =	vgt.f32 v39, $0.0e+00;
	v6 =	vld [tilespmem:s12+$0xFFFFFEF0];
	v13 =	vadd.f32 v13, v11;
	[tilespmem:s8+$0xFFFFFF70] =	vst v12  }
0x268: {  	v30 =	vmul.f32 v30, v45;
	v36 =	vmul.f32 v36, v46;
	v7 =	vld [tilespmem:s12+$0xFFFFFF00];
	v10 =	vsel vm0, v39, v10;
	[tilespmem:s8+$0xFFFFFF80] =	vst v8  }
0x269: {  	v8 =	vld [tilespmem:s12+$0xFFFFFF10];
	v12 =	vmul.f32 $2.000000030e-01, v13;
	v15 =	vadd.f32 v9, v15;
	v11 =	vmul.f32 $1.442695020e+00, v10;
	[tilespmem:s8+$0xFFFFFF90] =	vst v14  }
0x26a: {  	v32 =	vmul.f32 v32, v44;
	vm0 =	vgt.f32 v13, $0.0e+00;
	v14 =	vadd.f32 v56, v40;
	v9 =	vld [tilespmem:s12+$0xFFFFFF20];
	[tilespmem:s8+$0xFFFFFFA0] =	vst v16  }
0x26b: {  	v10 =	vld [tilespmem:s12+$0xFFFFFF30];
	vm1 =	vgt.f32 v15, $0.0e+00;
	v16 =	vmul.f32 $2.000000030e-01, v15;
	(erf) = vpow2.f32 v11;
	[tilespmem:s8+$0xFFFFFFB0] =	vst v18  }
0x26c: {  	v13 =	vsel vm0, v13, v12;
	vm2 =	vgt.f32 v14, $0.0e+00;
	v18 =	vmul.f32 $2.000000030e-01, v14;
	v11 =	vld [tilespmem:s12+$0xFFFFFF40];
	[tilespmem:s8+$0xFFFFFFC0] =	vst v17  }
0x26d: {  	v25 =	vmul.f32 v25, v42;
	v17 =	vmul.f32 $1.442695020e+00, v13;
	v12 =	vld [tilespmem:s12+$0xFFFFFF50];
	v15 =	vsel vm1, v15, v16;
	[tilespmem:s8+$0xFFFFFFD0] =	vst v19  }
0x26e: {  	v31 =	vmul.f32 v31, v38;
	v14 =	vsel vm2, v14, v18;
	v13 =	vld [tilespmem:s12+$0xFFFFFF70];
	v16 =	vmul.f32 $1.442695020e+00, v15;
	[tilespmem:s8+$0xFFFFFFE0] =	vst v20  }
0x26f: {  	v18 =	vmul.f32 $1.442695020e+00, v14;
	v14 =	vld [tilespmem:s12+$0xFFFFFF80];
	(erf) = vpow2.f32 v17;
	[tilespmem:s8+$0x0] =	vst v24  }
0x270: {  	v21 =	vmul.f32 v1, v21;
	v15 =	vld [tilespmem:s12+$0xFFFFFF90];
	(erf) = vpow2.f32 v16;
	[tilespmem:s8+$0x10] =	vst v26  }
0x271: {  	v22 =	vmul.f32 v3, v22;
	v16 =	vld [tilespmem:s12+$0xFFFFFFA0];
	(erf) = vpow2.f32 v18;
	[tilespmem:s8+$0x20] =	vst v28  }
0x272: {  	v23 =	vmul.f32 v0, v23;
	v27 =	vmul.f32 v27, v2;
	v26 =	vld [tilespmem:s12+$0x100];
	[tilespmem:s8+$0x30] =	vst v30  }
0x273: {  	v29 =	vmul.f32 v29, v5;
	v33 =	vmul.f32 v33, v4;
	v18 =	vld [tilespmem:s12+$0xFFFFFFB0];
	[tilespmem:s8+$0x40] =	vst v36  }
0x274: {  	v34 =	vmul.f32 v34, v35;
	v17 =	vld [tilespmem:s12+$0xFFFFFFC0];
	v61 =	vpop (erf);
	[tilespmem:s8+$0x50] =	vst v32  }
0x275: {  	v19 =	vld [tilespmem:s12+$0xFFFFFFD0];
	v1 =	vbroadcast v61, $0x0;
	v4 =	vbroadcast v61, $0x7;
	[tilespmem:s8+$0x60] =	vst v25  }
0x276: {  	v3 =	vbroadcast v61, $0x1;
	v0 =	vbroadcast v61, $0x2;
	v20 =	vld [tilespmem:s12+$0xFFFFFFE0];
	[tilespmem:s8+$0x70] =	vst v31  }
0x277: {  	v2 =	vbroadcast v61, $0x3;
	v24 =	vld [tilespmem:s12+$0x0];
	v25 =	vmul.f32 v26, v4;
	[tilespmem:s8+$0x90] =	vst v21  }
0x278: {  	v5 =	vbroadcast v61, $0x4;
	v4 =	vbroadcast v61, $0x5;
	v26 =	vld [tilespmem:s12+$0x10];
	v35 =	vpop (erf);
	[tilespmem:s8+$0xA0] =	vst v22  }
0x279: {  	v41 =	vbroadcast v35, $0x0;
	v39 =	vbroadcast v35, $0x1;
	v28 =	vld [tilespmem:s12+$0x20];
	[tilespmem:s12+$0x100] =	vst v25;
	v38 =	vpop (erf)  }
0x27a: {  	v43 =	vbroadcast v35, $0x2;
	v40 =	vbroadcast v35, $0x3;
	v30 =	vld [tilespmem:s12+$0x30];
	v21 =	vpop (erf);
	[tilespmem:s8+$0xB0] =	vst v23  }
0x27b: {  	v62 =	vbroadcast v21, $0x0;
	v57 =	vbroadcast v21, $0x1;
	v36 =	vld [tilespmem:s12+$0x40];
	[tilespmem:s8+$0xC0] =	vst v27  }
0x27c: {  	v60 =	vbroadcast v21, $0x2;
	v56 =	vbroadcast v21, $0x3;
	v32 =	vld [tilespmem:s12+$0x50];
	[tilespmem:s8+$0xD0] =	vst v29  }
0x27d: {  	v59 =	vbroadcast v21, $0x4;
	v55 =	vbroadcast v21, $0x5;
	v25 =	vld [tilespmem:s12+$0x60];
	[tilespmem:s8+$0xE0] =	vst v33  }
0x27e: {  	v58 =	vbroadcast v21, $0x6;
	v54 =	vbroadcast v21, $0x7;
	v31 =	vld [tilespmem:s12+$0x70];
	[tilespmem:s8+$0xF0] =	vst v34;
	s8 =	smov.u32 s12  }
0x27f: {  	v53 =	vbroadcast v35, $0x4;
	v50 =	vbroadcast v35, $0x5;
	[tilespmem:s12+$0xFFFFFF60] =	vst v21;
	v21 =	vld [tilespmem:s12+$0x90]  }
0x280: {  	v52 =	vbroadcast v35, $0x6;
	v49 =	vbroadcast v35, $0x7;
	[tilespmem:s12+$0xFFFFFFF0] =	vst v35;
	v22 =	vld [tilespmem:s12+$0xA0]  }
.Ltmp5:
0x281: {  	v51 =	vbroadcast v38, $0x0;
	v48 =	vbroadcast v38, $0x1;
	[tilespmem:s12+$0x80] =	vst v38;
	v23 =	vld [tilespmem:s12+$0xB0];
	(pc) =	sbr.rel @p0 .LBB2_12-.Ltmp5, $4  }
0x282: {  	v47 =	vbroadcast v38, $0x2;
	v45 =	vbroadcast v38, $0x3;
	v27 =	vld [tilespmem:s12+$0xC0];
	[tilespmem:s12+$0x110] =	vst v61  }
0x283: {  	v46 =	vbroadcast v38, $0x4;
	v44 =	vbroadcast v38, $0x5;
	v29 =	vld [tilespmem:s12+$0xD0]  }
0x284: {  	v42 =	vbroadcast v38, $0x6;
	v38 =	vbroadcast v38, $0x7;
	v33 =	vld [tilespmem:s12+$0xE0]  }
0x285: {  	v37 =	vmul.f32 v62, v37;
	v35 =	vbroadcast v61, $0x6;
	s12 =	sadd.s32 $0x240, s12;
	v34 =	vld [tilespmem:s8+$0xF0]  }
0x286: {  	v6 =	vmul.f32 v57, v6  }
0x287: {  	v7 =	vmul.f32 v60, v7;
	[tilespmem:s8+$0xFFFFFEE0] =	vst v37  }
0x288: {  	v8 =	vmul.f32 v8, v56;
	[tilespmem:s8+$0xFFFFFEF0] =	vst v6  }
0x289: {  	v61 =	vmul.f32 v9, v59;
	[tilespmem:s8+$0xFFFFFF00] =	vst v7  }
0x28a: {  	v62 =	vmul.f32 v10, v55;
	[tilespmem:s8+$0xFFFFFF10] =	vst v8  }
0x28b: {  	v63 =	vmul.f32 v11, v58;
	[tilespmem:s8+$0xFFFFFF20] =	vst v61  }
0x28c: {  	v12 =	vmul.f32 v12, v54;
	[tilespmem:s8+$0xFFFFFF30] =	vst v62  }
0x28d: {  	v13 =	vmul.f32 v41, v13;
	[tilespmem:s8+$0xFFFFFF40] =	vst v63  }
0x28e: {  	v14 =	vmul.f32 v39, v14;
	[tilespmem:s8+$0xFFFFFF50] =	vst v12  }
0x28f: {  	v39 =	vmul.f32 v16, v40;
	[tilespmem:s8+$0xFFFFFF70] =	vst v13  }
0x290: {  	v40 =	vmul.f32 v18, v53;
	[tilespmem:s8+$0xFFFFFF80] =	vst v14  }
0x291: {  	v41 =	vmul.f32 v17, v50;
	[tilespmem:s8+$0xFFFFFFA0] =	vst v39  }
0x292: {  	v50 =	vmul.f32 v20, v49;
	[tilespmem:s8+$0xFFFFFFB0] =	vst v40  }
0x293: {  	v53 =	vmul.f32 v48, v26;
	[tilespmem:s8+$0xFFFFFFC0] =	vst v41  }
0x294: {  	v54 =	vmul.f32 v47, v28;
	[tilespmem:s8+$0xFFFFFFE0] =	vst v50  }
0x295: {  	v55 =	vmul.f32 v30, v45;
	[tilespmem:s8+$0x10] =	vst v53  }
0x296: {  	v56 =	vmul.f32 v36, v46;
	[tilespmem:s8+$0x20] =	vst v54  }
0x297: {  	v57 =	vmul.f32 v32, v44;
	[tilespmem:s8+$0x30] =	vst v55  }
0x298: {  	v58 =	vmul.f32 v25, v42;
	[tilespmem:s8+$0x40] =	vst v56  }
0x299: {  	v59 =	vmul.f32 v31, v38;
	[tilespmem:s8+$0x50] =	vst v57  }
0x29a: {  	v1 =	vmul.f32 v1, v21;
	[tilespmem:s8+$0x60] =	vst v58  }
0x29b: {  	v3 =	vmul.f32 v3, v22;
	[tilespmem:s8+$0x70] =	vst v59  }
0x29c: {  	v0 =	vmul.f32 v0, v23;
	[tilespmem:s8+$0x90] =	vst v1  }
0x29d: {  	v37 =	vmul.f32 v43, v15;
	[tilespmem:s8+$0xA0] =	vst v3  }
0x29e: {  	v43 =	vmul.f32 v19, v52;
	[tilespmem:s8+$0xB0] =	vst v0  }
0x29f: {  	v52 =	vmul.f32 v51, v24;
	[tilespmem:s8+$0xFFFFFF90] =	vst v37  }
0x2a0: {  	v60 =	vmul.f32 v27, v2;
	[tilespmem:s8+$0xFFFFFFD0] =	vst v43  }
0x2a1: {  	v61 =	vmul.f32 v29, v5;
	[tilespmem:s8+$0x0] =	vst v52  }
0x2a2: {  	v62 =	vmul.f32 v33, v4;
	[tilespmem:s8+$0xC0] =	vst v60  }
0x2a3: {  	v63 =	vmul.f32 v34, v35;
	[tilespmem:s8+$0xD0] =	vst v61  }
0x2a4: {  	[tilespmem:s8+$0xE0] =	vst v62  }
0x2a5: {  	[tilespmem:s8+$0xF0] =	vst v63  }
0x2a6: {  	[spmem:s3] =	stream.indirect.scatter.add.f32 [tilespmem:s21], [sflag:$0x5], $0x90, s20, s20, $0xb8;
	[tilespmem:$0x1C610] =	vst v63  }
0x2a7: {  	_ =	swait.ge [sflag:s25], $0xA0  }
0x2a8: {  	[sflag:s25] =	ssyncset.done $0x0  }
0x2a9: {  	[sflag:s25] =	ssyncadd.s32 $0xFFFFFF60  }
0x2aa: {  	_ =	swait.ge [sflag:s0], $0x2D00  }
0x2ab: {  	[sflag:s0] =	ssyncset.done $0x0  }
0x2ac: {  	s2 =	sadd.s32 $0x1, s2;
	[sflag:s0] =	ssyncadd.s32 $0xFFFFD300  }
0x2ad: {  	p0 =	sne.s32 s2, s15;
	[bflag:$0x0] =	sbarrier.arrive $0xFFFF  }
.Ltmp6:
0x2ae: {  	s28 =	rddreg [dreg:$0x9];
	(pc) =	sbr.rel @p0 .LBB2_1-.Ltmp6, $4  }
0x2af: {  	[hbm:s28], [sflag:s9] =	dma.local [spmem:s16], $0x2D00  }
0x2b0: {  	_ =	swait.ge [sflag:s17], $0x2D00  }
0x2b1: {  	[sflag:s17] =	ssyncset.done $0x0  }
0x2b2: {  	s13 =	simm.s32 $0x140;
	s14 =	simm.s32 $0xF0;
	[sflag:s17] =	ssyncadd.s32 $0xFFFFD300  }
0x2b3: {  	_ =	sfence.sel $0x180000  }
0x2b4: {  	[bflag:$0x0] =	sbarrier.arrive $0xFFFF  }
0x2b5: {  	_ =	strace $0x90000047  }
0x2b6: {  	s0 =	stileid.u32;
	[bflag:$0x2] =	sbarrier.arrive $0xFFFF  }
0x2b7: {  	p0 =	sne.s32 s0, $0x0;
	s0 =	rddreg [dreg:$0x3]  }
0x2b8: {  	s0 =	sadd.s32 @!p0 $0x100000, s0  }
0x2b9: {  	[sflag:s0] =	ssyncadd.tile.s32 @!p0 $0x1;
	_ =	shalt  }
.Lfunc_end2:
_tile_overlayer_lowered:
.L_overlay_start_2:
0x2ba: {  	(tag) =	ssettag $0x2  }
0x2bb: {  	s0 =	rddreg [dreg:$0x0];
	s2 =	stileid.u32  }
0x2bc: {  	s1 =	rddreg [dreg:$0x1];
	p0 =	sne.s32 s2, $0x0  }
0x2bd: {  	s3 =	rddreg [dreg:$0x2];
	[bflag:$0x3] =	sbarrier.arrive $0xFFFF;
	s2 =	simm.s32 @!p0 $0x1C07  }
0x2be: {  	[timem:s3], [sflag:s2] =	dma.local @!p0 [hbm:s0], s1  }
0x2bf: {  	s0 =	simm.s32 @!p0 $0x7  }
0x2c0: {  	_ =	swait.ge @!p0 [sflag:s0], s1  }
0x2c1: {  	s1 =	ssub.s32 @!p0 $0x0, s1;
	[sflag:s0] =	ssyncset.done @!p0 $0x0  }
0x2c2: {  	[sflag:s0] =	ssyncadd.s32 @!p0 s1  }
0x2c3: {  	[bflag:$0x3] =	sbarrier.arrive $0xFFFF  }
0x2c4: {  	_ =	shalt  }

</sc_bundles>
